<compile_context>
chip_gen: v7x
topology: tpu7x:2x2x1
jax: 0.10.2.dev20260603
libtpu: 0.0.44.dev20260713+nightly
codegen_flags: <defaults>
</compile_context>

<pallas_src>
import functools

import jax
import jax.numpy as jnp
from jax import lax
from jax.experimental import pallas as pl
from jax.experimental.pallas import tpu as pltpu
from jax.experimental.pallas import tpu_sc as plsc

N = 10000
E = 320000
D = 128
T = 4
STEPS = 3

NC = 2
NS = 16
DH = D // NC
EPT = E // NS
KCH = 80
NCH = EPT // KCH
NB = 5
NP = 12800
NZ = 10240
RPT = NZ // NS
ZR = 160

BN = 400
GRID_N = N // BN
NPB = NP // BN



@functools.partial(
    pl.kernel,
    mesh=plsc.VectorSubcoreMesh(core_axis_name="c", subcore_axis_name="s"),
    compiler_params=pltpu.CompilerParams(use_tc_tiling_on_sc=False),
    out_type=jax.ShapeDtypeStruct((NC, NP, DH), jnp.float32),
    scratch_types=[
        pltpu.VMEM((NCH, KCH), jnp.int32),
        pltpu.VMEM((NCH, KCH), jnp.int32),
        pltpu.VMEM((NB, KCH, DH), jnp.float32),
        pltpu.VMEM((ZR, DH), jnp.float32),
        pltpu.VMEM_SHARED((NP, DH), jnp.float32),
    ] + [pltpu.SemaphoreType.DMA] * NB,
)
def _seg_sum(gidx_hbm, didx_hbm, table_hbm, out_hbm,
             gi_v, di_v, rows_v, zer_v, acc_sh, *gsem):
    cid = lax.axis_index("c")
    sid = lax.axis_index("s")

    pltpu.sync_copy(gidx_hbm.at[sid], gi_v)
    pltpu.sync_copy(didx_hbm.at[sid], di_v)

    table = table_hbm.at[cid]

    def start_gather(c, b):
        pltpu.async_copy(table.at[gi_v.at[c]], rows_v.at[b], gsem[b])

    def wait_gather(c, b):
        pltpu.make_async_copy(table.at[gi_v.at[c]], rows_v.at[b],
                              gsem[b]).wait()

    for b in range(NB - 1):
        start_gather(b, b)

    def zrow(r, carry):
        for cc in range(DH // 16):
            zer_v[r, pl.ds(cc * 16, 16)] = jnp.zeros((16,), jnp.float32)
        return carry
    lax.fori_loop(0, ZR, zrow, 0)
    for z in range(RPT // ZR):
        pltpu.sync_copy(zer_v, acc_sh.at[pl.ds(sid * RPT + z * ZR, ZR)])
    plsc.subcore_barrier()


    def body(i, carry):
        c0 = i * NB
        for b in range(NB):
            c = c0 + b
            nxt = c + NB - 1

            @pl.when(nxt < NCH)
            def _():
                start_gather(nxt, (b + NB - 1) % NB)
            wait_gather(c, b)
            pltpu.sync_copy(rows_v.at[b], acc_sh.at[di_v.at[c]], add=True)
        return carry
    lax.fori_loop(0, NCH // NB, body, 0)

    plsc.subcore_barrier()
    pltpu.sync_copy(acc_sh.at[pl.ds(sid * RPT, RPT)],
                    out_hbm.at[cid, pl.ds(sid * RPT, RPT)])



def _etype_linear(h, wl_ref, bl_ref, whA_ref, whB_ref):
    for t in range(T):
        res = lax.dot_general(
            h, wl_ref[t], (((1,), (1,)), ((), ())),
            preferred_element_type=jnp.float32) + bl_ref[t]
        whA_ref[t] = res[:, :DH]
        whB_ref[t] = res[:, DH:]


def _gru_math(p0, p1, h, wih, whh, bih, bhh):
    a = jnp.concatenate((p0, p1), axis=1)
    gi = lax.dot_general(a, wih, (((1,), (1,)), ((), ())),
                         preferred_element_type=jnp.float32) + bih
    gh = lax.dot_general(h, whh, (((1,), (1,)), ((), ())),
                         preferred_element_type=jnp.float32) + bhh
    r = jax.nn.sigmoid(gi[:, :D] + gh[:, :D])
    z = jax.nn.sigmoid(gi[:, D:2 * D] + gh[:, D:2 * D])
    n = jnp.tanh(gi[:, 2 * D:] + r * gh[:, 2 * D:])
    return (1.0 - z) * n + z * h


_WSPEC = lambda *shape: pl.BlockSpec(shape, lambda i: (0,) * len(shape))



def _wh0_body(h_ref, wl_ref, bl_ref, out_ref):
    _etype_linear(h_ref[...], wl_ref, bl_ref, out_ref.at[0], out_ref.at[1])


def _wh0(h, W_lin, blin3):
    return pl.pallas_call(
        _wh0_body,
        grid=(GRID_N,),
        in_specs=[
            pl.BlockSpec((BN, D), lambda i: (i, 0)),
            _WSPEC(T, D, D),
            _WSPEC(T, 1, D),
        ],
        out_specs=pl.BlockSpec((2, T, BN, DH), lambda i: (0, 0, i, 0)),
        out_shape=jax.ShapeDtypeStruct((2, T, N, DH), jnp.float32),
    )(h, W_lin, blin3)



def _gru_wh_body(p0_ref, p1_ref, h_ref, wih_ref, whh_ref, bih_ref, bhh_ref,
                 wl_ref, bl_ref, hn_ref, wh_ref):
    hn = _gru_math(p0_ref[...], p1_ref[...], h_ref[...], wih_ref[...],
                   whh_ref[...], bih_ref[...], bhh_ref[...])
    hn_ref[...] = hn
    _etype_linear(hn, wl_ref, bl_ref, wh_ref.at[0], wh_ref.at[1])


def _gru_wh(parts2, h, W_ih, W_hh, bih2, bhh2, W_lin, blin3):
    return pl.pallas_call(
        _gru_wh_body,
        grid=(GRID_N,),
        in_specs=[
            pl.BlockSpec((BN, DH), lambda i: (i, 0)),
            pl.BlockSpec((BN, DH), lambda i: (NPB + i, 0)),
            pl.BlockSpec((BN, D), lambda i: (i, 0)),
            _WSPEC(3 * D, D),
            _WSPEC(3 * D, D),
            _WSPEC(1, 3 * D),
            _WSPEC(1, 3 * D),
            _WSPEC(T, D, D),
            _WSPEC(T, 1, D),
        ],
        out_specs=[
            pl.BlockSpec((BN, D), lambda i: (i, 0)),
            pl.BlockSpec((2, T, BN, DH), lambda i: (0, 0, i, 0)),
        ],
        out_shape=[
            jax.ShapeDtypeStruct((N, D), jnp.float32),
            jax.ShapeDtypeStruct((2, T, N, DH), jnp.float32),
        ],
    )(parts2, parts2, h, W_ih, W_hh, bih2, bhh2, W_lin, blin3)



def _gru_out_body(p0_ref, p1_ref, h_ref, f_ref, wih_ref, whh_ref, bih_ref,
                  bhh_ref, wiA_ref, wiB_ref, bi_ref, wj_ref, bj_ref, out_ref):
    hn = _gru_math(p0_ref[...], p1_ref[...], h_ref[...], wih_ref[...],
                   whh_ref[...], bih_ref[...], bhh_ref[...])
    f = f_ref[...]
    g = (lax.dot_general(hn, wiA_ref[...], (((1,), (1,)), ((), ())),
                         preferred_element_type=jnp.float32)
         + lax.dot_general(f, wiB_ref[...], (((1,), (1,)), ((), ())),
                           preferred_element_type=jnp.float32)
         + bi_ref[...])
    gate = jax.nn.sigmoid(g)
    proj = lax.dot_general(hn, wj_ref[...], (((1,), (1,)), ((), ())),
                           preferred_element_type=jnp.float32) + bj_ref[...]
    out_ref[...] = gate * proj


def _gru_out(parts2, h, features, W_ih, W_hh, bih2, bhh2, wiA, wiB, bi2,
             W_j, bj2):
    return pl.pallas_call(
        _gru_out_body,
        grid=(GRID_N,),
        in_specs=[
            pl.BlockSpec((BN, DH), lambda i: (i, 0)),
            pl.BlockSpec((BN, DH), lambda i: (NPB + i, 0)),
            pl.BlockSpec((BN, D), lambda i: (i, 0)),
            pl.BlockSpec((BN, D), lambda i: (i, 0)),
            _WSPEC(3 * D, D),
            _WSPEC(3 * D, D),
            _WSPEC(1, 3 * D),
            _WSPEC(1, 3 * D),
            _WSPEC(D, D),
            _WSPEC(D, D),
            _WSPEC(1, D),
            _WSPEC(D, D),
            _WSPEC(1, D),
        ],
        out_specs=pl.BlockSpec((BN, D), lambda i: (i, 0)),
        out_shape=jax.ShapeDtypeStruct((N, D), jnp.float32),
    )(parts2, parts2, h, features, W_ih, W_hh, bih2, bhh2, wiA, wiB, bi2,
      W_j, bj2)



def kernel(features, edge_index, etypes, W_lin, b_lin, W_ih, W_hh, b_ih,
           b_hh, W_i, b_i, W_j, b_j):
    src = edge_index[0].astype(jnp.int32)
    dst = edge_index[1].astype(jnp.int32)
    et = etypes.astype(jnp.int32)
    gidx = (et * N + src).reshape(NS, NCH, KCH)
    dst3 = dst.reshape(NS, NCH, KCH)

    blin3 = b_lin.reshape(T, 1, D)
    bih2 = b_ih.reshape(1, 3 * D)
    bhh2 = b_hh.reshape(1, 3 * D)
    wiA = W_i[:, :D]
    wiB = W_i[:, D:]
    bi2 = b_i.reshape(1, D)
    bj2 = b_j.reshape(1, D)

    h = features
    wh = _wh0(h, W_lin, blin3)
    for s in range(STEPS):
        parts = _seg_sum(gidx, dst3, wh.reshape(NC, T * N, DH))
        parts2 = parts.reshape(NC * NP, DH)
        if s < STEPS - 1:
            h, wh = _gru_wh(parts2, h, W_ih, W_hh, bih2, bhh2,
                            W_lin, blin3)
        else:
            return _gru_out(parts2, h, features, W_ih, W_hh, bih2, bhh2,
                            wiA, wiB, bi2, W_j, bj2)

# --- scband reference (transcript-rebuilt; emitter-appended) ---
"""Pipeline reference for scband-staged-ggnn-26912265076896 (READ-ONLY COPY).

The authoritative reference and input builder live on the scoring server;
editing this copy changes nothing except your own understanding.
"""

import jax, jax.numpy as jnp
import numpy as np

N = 10000
E = 320000
D = 128
T = 4
STEPS = 3

def setup_inputs(seed: int = 0):
    key = jax.random.key(seed)
    ks = jax.random.split(key, 14)
    s = 1.0 / np.sqrt(D)
    si = 1.0 / np.sqrt(2 * D)
    inp = {}
    inp["features"] = jax.random.normal(ks[0], (N, D), dtype=jnp.float32)
    inp["edge_index"] = jax.random.randint(ks[1], (2, E), 0, N)
    inp["etypes"] = jax.random.randint(ks[2], (E,), 0, T)
    inp["W_lin"] = jax.random.uniform(ks[3], (T, D, D), minval=-s, maxval=s, dtype=jnp.float32)
    inp["b_lin"] = jax.random.uniform(ks[4], (T, D), minval=-s, maxval=s, dtype=jnp.float32)
    inp["W_ih"] = jax.random.uniform(ks[5], (3 * D, D), minval=-s, maxval=s, dtype=jnp.float32)
    inp["W_hh"] = jax.random.uniform(ks[6], (3 * D, D), minval=-s, maxval=s, dtype=jnp.float32)
    inp["b_ih"] = jax.random.uniform(ks[7], (3 * D,), minval=-s, maxval=s, dtype=jnp.float32)
    inp["b_hh"] = jax.random.uniform(ks[8], (3 * D,), minval=-s, maxval=s, dtype=jnp.float32)
    inp["W_i"] = jax.random.uniform(ks[9], (D, 2 * D), minval=-si, maxval=si, dtype=jnp.float32)
    inp["b_i"] = jax.random.uniform(ks[10], (D,), minval=-si, maxval=si, dtype=jnp.float32)
    inp["W_j"] = jax.random.uniform(ks[11], (D, D), minval=-s, maxval=s, dtype=jnp.float32)
    inp["b_j"] = jax.random.uniform(ks[12], (D,), minval=-s, maxval=s, dtype=jnp.float32)
    return inp

def _gru_cell(x, h, W_ih, W_hh, b_ih, b_hh):
    gi = x @ W_ih.T + b_ih
    gh = h @ W_hh.T + b_hh
    i_r, i_z, i_n = jnp.split(gi, 3, axis=1)
    h_r, h_z, h_n = jnp.split(gh, 3, axis=1)
    r = jax.nn.sigmoid(i_r + h_r)
    z = jax.nn.sigmoid(i_z + h_z)
    n = jnp.tanh(i_n + r * h_n)
    return (1.0 - z) * n + z * h

def reference(features, edge_index, etypes, W_lin, b_lin, W_ih, W_hh, b_ih, b_hh, W_i, b_i, W_j, b_j):
    src = edge_index[0]
    dst = edge_index[1]
    h = features  # in_feats == out_feats, so no zero-padding needed (DGL GatedGraphConv)
    for _ in range(STEPS):
        # per-etype linear applied to node states, then gathered per edge (same math as
        # DGL's per-edge linears[etype](src_h))
        Wh = jnp.einsum('nd,tod->tno', h, W_lin) + b_lin[:, None, :]  # [T, N, D]
        m = Wh[etypes, src]                                            # [E, D] gather
        a = jax.ops.segment_sum(m, dst, num_segments=N)                 # scatter-add
        h = _gru_cell(a, h, W_ih, W_hh, b_ih, b_hh)
    # dropout is identity in eval mode
    gate = jax.nn.sigmoid(jnp.concatenate([h, features], axis=1) @ W_i.T + b_i)
    return gate * (h @ W_j.T + b_j)

if __name__ == "__main__":
    import jax
    _d = setup_inputs()
    print(jax.jit(kernel)(*tuple(_d.values())))

</pallas_src>

<mosaic_0001>
#map = affine_map<(d0, d1) -> (0, 0, 0)>
module attributes {stable_mosaic.version = 14 : i64} {
  func.func @_seg_sum(%arg0: i32, %arg1: i32, %arg2: memref<16x250x80xi32, #tpu.memory_space<hbm>>, %arg3: memref<16x250x80xi32, #tpu.memory_space<hbm>>, %arg4: memref<2x40000x64xf32, #tpu.memory_space<hbm>>, %arg5: memref<2x12800x64xf32, #tpu.memory_space<hbm>>, %arg6: memref<250x80xi32, #tpu.memory_space<vmem>>, %arg7: memref<250x80xi32, #tpu.memory_space<vmem>>, %arg8: memref<5x80x64xf32, #tpu.memory_space<vmem>>, %arg9: memref<160x64xf32, #tpu.memory_space<vmem>>, %arg10: memref<12800x64xf32, #tpu.memory_space<vmem_shared>>, %arg11: memref<!tpu.dma_semaphore, #tpu.memory_space<semaphore_mem>>, %arg12: memref<!tpu.dma_semaphore, #tpu.memory_space<semaphore_mem>>, %arg13: memref<!tpu.dma_semaphore, #tpu.memory_space<semaphore_mem>>, %arg14: memref<!tpu.dma_semaphore, #tpu.memory_space<semaphore_mem>>, %arg15: memref<!tpu.dma_semaphore, #tpu.memory_space<semaphore_mem>>) attributes {dimension_semantics = [#tpu.dimension_semantics<core_parallel>, #tpu.dimension_semantics<subcore_parallel>], iteration_bounds = array<i64: 2, 16>, scalar_prefetch = 0 : i64, scratch_operands = 10 : i64, tpu.core_type = #tpu.core_type<sc_vector_subcore>, window_params = [{transform_indices = #map}, {transform_indices = #map}, {transform_indices = #map}, {transform_indices = #map}]} {
    "tpu.region"() ({
      %run_scoped3A = tpu.sem_alloc : memref<!tpu.dma_semaphore, #tpu.memory_space<semaphore_mem>>
      %dma_start3A_93 = arith.constant 0 : i32
      %dma_start3A_94 = arith.constant 0 : i32
      %dma_start3A_95 = tpu.memref_slice %arg2[%arg1, %dma_start3A_93, %dma_start3A_94] : memref<16x250x80xi32, #tpu.memory_space<hbm>> -> memref<1x250x80xi32, #tpu.memory_space<hbm>>
      %dma_start3A_96 = tpu.memref_squeeze %dma_start3A_95 : memref<1x250x80xi32, #tpu.memory_space<hbm>> -> memref<250x80xi32, #tpu.memory_space<hbm>>
      %dma_start3A_97 = arith.constant 0 : i32
      %dma_start3A_98 = arith.constant 0 : i32
      %dma_start3A_99 = tpu.memref_slice %arg2[%arg1, %dma_start3A_97, %dma_start3A_98] : memref<16x250x80xi32, #tpu.memory_space<hbm>> -> memref<1x250x80xi32, #tpu.memory_space<hbm>>
      %dma_start3A_100 = tpu.memref_squeeze %dma_start3A_99 : memref<1x250x80xi32, #tpu.memory_space<hbm>> -> memref<250x80xi32, #tpu.memory_space<hbm>>
      tpu.enqueue_dma source(%dma_start3A_100 : memref<250x80xi32, #tpu.memory_space<hbm>>) target(%arg6 : memref<250x80xi32, #tpu.memory_space<vmem>>) target_semaphore(%run_scoped3A : memref<!tpu.dma_semaphore, #tpu.memory_space<semaphore_mem>>)
      %dma_wait3A = arith.constant 0 : i32
      %dma_wait3A_101 = arith.constant 0 : i32
      %dma_wait3A_102 = tpu.memref_slice %arg2[%arg1, %dma_wait3A, %dma_wait3A_101] : memref<16x250x80xi32, #tpu.memory_space<hbm>> -> memref<1x250x80xi32, #tpu.memory_space<hbm>>
      %dma_wait3A_103 = tpu.memref_squeeze %dma_wait3A_102 : memref<1x250x80xi32, #tpu.memory_space<hbm>> -> memref<250x80xi32, #tpu.memory_space<hbm>>
      %dma_wait3A_104 = arith.constant 0 : i32
      %dma_wait3A_105 = arith.constant 0 : i32
      %dma_wait3A_106 = tpu.memref_slice %arg2[%arg1, %dma_wait3A_104, %dma_wait3A_105] : memref<16x250x80xi32, #tpu.memory_space<hbm>> -> memref<1x250x80xi32, #tpu.memory_space<hbm>>
      %dma_wait3A_107 = tpu.memref_squeeze %dma_wait3A_106 : memref<1x250x80xi32, #tpu.memory_space<hbm>> -> memref<250x80xi32, #tpu.memory_space<hbm>>
      tpu.wait_dma2 semaphore(%run_scoped3A : memref<!tpu.dma_semaphore, #tpu.memory_space<semaphore_mem>>) src(%dma_wait3A_107 : memref<250x80xi32, #tpu.memory_space<hbm>>) dst(%arg6 : memref<250x80xi32, #tpu.memory_space<vmem>>)
      tpu.yield
    }) : () -> ()
    "tpu.region"() ({
      %run_scoped3A = tpu.sem_alloc : memref<!tpu.dma_semaphore, #tpu.memory_space<semaphore_mem>>
      %dma_start3A_93 = arith.constant 0 : i32
      %dma_start3A_94 = arith.constant 0 : i32
      %dma_start3A_95 = tpu.memref_slice %arg3[%arg1, %dma_start3A_93, %dma_start3A_94] : memref<16x250x80xi32, #tpu.memory_space<hbm>> -> memref<1x250x80xi32, #tpu.memory_space<hbm>>
      %dma_start3A_96 = tpu.memref_squeeze %dma_start3A_95 : memref<1x250x80xi32, #tpu.memory_space<hbm>> -> memref<250x80xi32, #tpu.memory_space<hbm>>
      %dma_start3A_97 = arith.constant 0 : i32
      %dma_start3A_98 = arith.constant 0 : i32
      %dma_start3A_99 = tpu.memref_slice %arg3[%arg1, %dma_start3A_97, %dma_start3A_98] : memref<16x250x80xi32, #tpu.memory_space<hbm>> -> memref<1x250x80xi32, #tpu.memory_space<hbm>>
      %dma_start3A_100 = tpu.memref_squeeze %dma_start3A_99 : memref<1x250x80xi32, #tpu.memory_space<hbm>> -> memref<250x80xi32, #tpu.memory_space<hbm>>
      tpu.enqueue_dma source(%dma_start3A_100 : memref<250x80xi32, #tpu.memory_space<hbm>>) target(%arg7 : memref<250x80xi32, #tpu.memory_space<vmem>>) target_semaphore(%run_scoped3A : memref<!tpu.dma_semaphore, #tpu.memory_space<semaphore_mem>>)
      %dma_wait3A = arith.constant 0 : i32
      %dma_wait3A_101 = arith.constant 0 : i32
      %dma_wait3A_102 = tpu.memref_slice %arg3[%arg1, %dma_wait3A, %dma_wait3A_101] : memref<16x250x80xi32, #tpu.memory_space<hbm>> -> memref<1x250x80xi32, #tpu.memory_space<hbm>>
      %dma_wait3A_103 = tpu.memref_squeeze %dma_wait3A_102 : memref<1x250x80xi32, #tpu.memory_space<hbm>> -> memref<250x80xi32, #tpu.memory_space<hbm>>
      %dma_wait3A_104 = arith.constant 0 : i32
      %dma_wait3A_105 = arith.constant 0 : i32
      %dma_wait3A_106 = tpu.memref_slice %arg3[%arg1, %dma_wait3A_104, %dma_wait3A_105] : memref<16x250x80xi32, #tpu.memory_space<hbm>> -> memref<1x250x80xi32, #tpu.memory_space<hbm>>
      %dma_wait3A_107 = tpu.memref_squeeze %dma_wait3A_106 : memref<1x250x80xi32, #tpu.memory_space<hbm>> -> memref<250x80xi32, #tpu.memory_space<hbm>>
      tpu.wait_dma2 semaphore(%run_scoped3A : memref<!tpu.dma_semaphore, #tpu.memory_space<semaphore_mem>>) src(%dma_wait3A_107 : memref<250x80xi32, #tpu.memory_space<hbm>>) dst(%arg7 : memref<250x80xi32, #tpu.memory_space<vmem>>)
      tpu.yield
    }) : () -> ()
    %dma_start3A = arith.constant 0 : i32
    %dma_start3A_0 = arith.constant 0 : i32
    %dma_start3A_1 = arith.constant 0 : i32
    %dma_start3A_2 = arith.constant 0 : i32
    %dma_start3A_3 = tpu.memref_slice %arg8[%dma_start3A_0, %dma_start3A_1, %dma_start3A_2] : memref<5x80x64xf32, #tpu.memory_space<vmem>> -> memref<1x80x64xf32, #tpu.memory_space<vmem>>
    %dma_start3A_4 = tpu.memref_squeeze %dma_start3A_3 : memref<1x80x64xf32, #tpu.memory_space<vmem>> -> memref<80x64xf32, #tpu.memory_space<vmem>>
    %dma_start3A_5 = arith.constant 0 : i32
    %dma_start3A_6 = tpu.memref_slice %arg6[%dma_start3A, %dma_start3A_5] : memref<250x80xi32, #tpu.memory_space<vmem>> -> memref<1x80xi32, #tpu.memory_space<vmem>>
    %dma_start3A_7 = tpu.memref_squeeze %dma_start3A_6 : memref<1x80xi32, #tpu.memory_space<vmem>> -> memref<80xi32, #tpu.memory_space<vmem>>
    %dma_start3A_8 = arith.constant 0 : i32
    %dma_start3A_9 = arith.constant 0 : i32
    %dma_start3A_10 = tpu.memref_slice %arg4[%arg0, %dma_start3A_8, %dma_start3A_9] : memref<2x40000x64xf32, #tpu.memory_space<hbm>> -> memref<1x40000x64xf32, #tpu.memory_space<hbm>>
    %dma_start3A_11 = tpu.memref_squeeze %dma_start3A_10 : memref<1x40000x64xf32, #tpu.memory_space<hbm>> -> memref<40000x64xf32, #tpu.memory_space<hbm>>
    %dma_start3A_12 = arith.constant 0 : i32
    %dma_start3A_13 = arith.constant 0 : i32
    %dma_start3A_14 = tpu.memref_slice %dma_start3A_11[%dma_start3A_12, %dma_start3A_13] : memref<40000x64xf32, #tpu.memory_space<hbm>> -> memref<40000x64xf32, #tpu.memory_space<hbm>>
    tpu.enqueue_indirect_dma source(%dma_start3A_14 : memref<40000x64xf32, #tpu.memory_space<hbm>>) target(%dma_start3A_4 : memref<80x64xf32, #tpu.memory_space<vmem>>) offsets(%dma_start3A_7 : memref<80xi32, #tpu.memory_space<vmem>>) semaphore(%arg11 : memref<!tpu.dma_semaphore, #tpu.memory_space<semaphore_mem>>)
    %dma_start3A_15 = arith.constant 1 : i32
    %dma_start3A_16 = arith.constant 1 : i32
    %dma_start3A_17 = arith.constant 0 : i32
    %dma_start3A_18 = arith.constant 0 : i32
    %dma_start3A_19 = tpu.memref_slice %arg8[%dma_start3A_16, %dma_start3A_17, %dma_start3A_18] : memref<5x80x64xf32, #tpu.memory_space<vmem>> -> memref<1x80x64xf32, #tpu.memory_space<vmem>>
    %dma_start3A_20 = tpu.memref_squeeze %dma_start3A_19 : memref<1x80x64xf32, #tpu.memory_space<vmem>> -> memref<80x64xf32, #tpu.memory_space<vmem>>
    %dma_start3A_21 = arith.constant 0 : i32
    %dma_start3A_22 = tpu.memref_slice %arg6[%dma_start3A_15, %dma_start3A_21] : memref<250x80xi32, #tpu.memory_space<vmem>> -> memref<1x80xi32, #tpu.memory_space<vmem>>
    %dma_start3A_23 = tpu.memref_squeeze %dma_start3A_22 : memref<1x80xi32, #tpu.memory_space<vmem>> -> memref<80xi32, #tpu.memory_space<vmem>>
    %dma_start3A_24 = arith.constant 0 : i32
    %dma_start3A_25 = arith.constant 0 : i32
    %dma_start3A_26 = tpu.memref_slice %arg4[%arg0, %dma_start3A_24, %dma_start3A_25] : memref<2x40000x64xf32, #tpu.memory_space<hbm>> -> memref<1x40000x64xf32, #tpu.memory_space<hbm>>
    %dma_start3A_27 = tpu.memref_squeeze %dma_start3A_26 : memref<1x40000x64xf32, #tpu.memory_space<hbm>> -> memref<40000x64xf32, #tpu.memory_space<hbm>>
    %dma_start3A_28 = arith.constant 0 : i32
    %dma_start3A_29 = arith.constant 0 : i32
    %dma_start3A_30 = tpu.memref_slice %dma_start3A_27[%dma_start3A_28, %dma_start3A_29] : memref<40000x64xf32, #tpu.memory_space<hbm>> -> memref<40000x64xf32, #tpu.memory_space<hbm>>
    tpu.enqueue_indirect_dma source(%dma_start3A_30 : memref<40000x64xf32, #tpu.memory_space<hbm>>) target(%dma_start3A_20 : memref<80x64xf32, #tpu.memory_space<vmem>>) offsets(%dma_start3A_23 : memref<80xi32, #tpu.memory_space<vmem>>) semaphore(%arg12 : memref<!tpu.dma_semaphore, #tpu.memory_space<semaphore_mem>>)
    %dma_start3A_31 = arith.constant 2 : i32
    %dma_start3A_32 = arith.constant 2 : i32
    %dma_start3A_33 = arith.constant 0 : i32
    %dma_start3A_34 = arith.constant 0 : i32
    %dma_start3A_35 = tpu.memref_slice %arg8[%dma_start3A_32, %dma_start3A_33, %dma_start3A_34] : memref<5x80x64xf32, #tpu.memory_space<vmem>> -> memref<1x80x64xf32, #tpu.memory_space<vmem>>
    %dma_start3A_36 = tpu.memref_squeeze %dma_start3A_35 : memref<1x80x64xf32, #tpu.memory_space<vmem>> -> memref<80x64xf32, #tpu.memory_space<vmem>>
    %dma_start3A_37 = arith.constant 0 : i32
    %dma_start3A_38 = tpu.memref_slice %arg6[%dma_start3A_31, %dma_start3A_37] : memref<250x80xi32, #tpu.memory_space<vmem>> -> memref<1x80xi32, #tpu.memory_space<vmem>>
    %dma_start3A_39 = tpu.memref_squeeze %dma_start3A_38 : memref<1x80xi32, #tpu.memory_space<vmem>> -> memref<80xi32, #tpu.memory_space<vmem>>
    %dma_start3A_40 = arith.constant 0 : i32
    %dma_start3A_41 = arith.constant 0 : i32
    %dma_start3A_42 = tpu.memref_slice %arg4[%arg0, %dma_start3A_40, %dma_start3A_41] : memref<2x40000x64xf32, #tpu.memory_space<hbm>> -> memref<1x40000x64xf32, #tpu.memory_space<hbm>>
    %dma_start3A_43 = tpu.memref_squeeze %dma_start3A_42 : memref<1x40000x64xf32, #tpu.memory_space<hbm>> -> memref<40000x64xf32, #tpu.memory_space<hbm>>
    %dma_start3A_44 = arith.constant 0 : i32
    %dma_start3A_45 = arith.constant 0 : i32
    %dma_start3A_46 = tpu.memref_slice %dma_start3A_43[%dma_start3A_44, %dma_start3A_45] : memref<40000x64xf32, #tpu.memory_space<hbm>> -> memref<40000x64xf32, #tpu.memory_space<hbm>>
    tpu.enqueue_indirect_dma source(%dma_start3A_46 : memref<40000x64xf32, #tpu.memory_space<hbm>>) target(%dma_start3A_36 : memref<80x64xf32, #tpu.memory_space<vmem>>) offsets(%dma_start3A_39 : memref<80xi32, #tpu.memory_space<vmem>>) semaphore(%arg13 : memref<!tpu.dma_semaphore, #tpu.memory_space<semaphore_mem>>)
    %dma_start3A_47 = arith.constant 3 : i32
    %dma_start3A_48 = arith.constant 3 : i32
    %dma_start3A_49 = arith.constant 0 : i32
    %dma_start3A_50 = arith.constant 0 : i32
    %dma_start3A_51 = tpu.memref_slice %arg8[%dma_start3A_48, %dma_start3A_49, %dma_start3A_50] : memref<5x80x64xf32, #tpu.memory_space<vmem>> -> memref<1x80x64xf32, #tpu.memory_space<vmem>>
    %dma_start3A_52 = tpu.memref_squeeze %dma_start3A_51 : memref<1x80x64xf32, #tpu.memory_space<vmem>> -> memref<80x64xf32, #tpu.memory_space<vmem>>
    %dma_start3A_53 = arith.constant 0 : i32
    %dma_start3A_54 = tpu.memref_slice %arg6[%dma_start3A_47, %dma_start3A_53] : memref<250x80xi32, #tpu.memory_space<vmem>> -> memref<1x80xi32, #tpu.memory_space<vmem>>
    %dma_start3A_55 = tpu.memref_squeeze %dma_start3A_54 : memref<1x80xi32, #tpu.memory_space<vmem>> -> memref<80xi32, #tpu.memory_space<vmem>>
    %dma_start3A_56 = arith.constant 0 : i32
    %dma_start3A_57 = arith.constant 0 : i32
    %dma_start3A_58 = tpu.memref_slice %arg4[%arg0, %dma_start3A_56, %dma_start3A_57] : memref<2x40000x64xf32, #tpu.memory_space<hbm>> -> memref<1x40000x64xf32, #tpu.memory_space<hbm>>
    %dma_start3A_59 = tpu.memref_squeeze %dma_start3A_58 : memref<1x40000x64xf32, #tpu.memory_space<hbm>> -> memref<40000x64xf32, #tpu.memory_space<hbm>>
    %dma_start3A_60 = arith.constant 0 : i32
    %dma_start3A_61 = arith.constant 0 : i32
    %dma_start3A_62 = tpu.memref_slice %dma_start3A_59[%dma_start3A_60, %dma_start3A_61] : memref<40000x64xf32, #tpu.memory_space<hbm>> -> memref<40000x64xf32, #tpu.memory_space<hbm>>
    tpu.enqueue_indirect_dma source(%dma_start3A_62 : memref<40000x64xf32, #tpu.memory_space<hbm>>) target(%dma_start3A_52 : memref<80x64xf32, #tpu.memory_space<vmem>>) offsets(%dma_start3A_55 : memref<80xi32, #tpu.memory_space<vmem>>) semaphore(%arg14 : memref<!tpu.dma_semaphore, #tpu.memory_space<semaphore_mem>>)
    %scan3A = arith.constant 0 : i32
    %scan3A_63 = arith.constant 0 : i32
    %scan3A_64 = arith.constant 160 : i32
    %scan3A_65 = arith.addi %scan3A_63, %scan3A_64 : i32
    %scan3A_66 = arith.constant 1 : i32
    scf.for %scan3A_93 = %scan3A_63 to %scan3A_65 step %scan3A_66  : i32 {
      %broadcast_in_dim3A = arith.constant 0.000000e+00 : f32
      %broadcast_in_dim3A_94 = vector.broadcast %broadcast_in_dim3A : f32 to vector<16xf32>
      %swap3A = arith.index_cast %scan3A_93 : i32 to index
      %swap3A_95 = arith.constant 0 : index
      %swap3A_96 = tpu.vector_load %arg9[%swap3A, %swap3A_95] {strides = array<i32>} : memref<160x64xf32, #tpu.memory_space<vmem>>, vector<1x16xf32>,
      %swap3A_97 = vector.shape_cast %swap3A_96 : vector<1x16xf32> to vector<16xf32>
      %swap3A_98 = vector.shape_cast %broadcast_in_dim3A_94 : vector<16xf32> to vector<1x16xf32>
      tpu.vector_store %arg9[%swap3A, %swap3A_95], %swap3A_98 {strides = array<i32>} : memref<160x64xf32, #tpu.memory_space<vmem>>, vector<1x16xf32>,
      %broadcast_in_dim3A_99 = arith.constant 0.000000e+00 : f32
      %broadcast_in_dim3A_100 = vector.broadcast %broadcast_in_dim3A_99 : f32 to vector<16xf32>
      %swap3A_101 = arith.index_cast %scan3A_93 : i32 to index
      %swap3A_102 = arith.constant 16 : index
      %swap3A_103 = tpu.vector_load %arg9[%swap3A_101, %swap3A_102] {strides = array<i32>} : memref<160x64xf32, #tpu.memory_space<vmem>>, vector<1x16xf32>,
      %swap3A_104 = vector.shape_cast %swap3A_103 : vector<1x16xf32> to vector<16xf32>
      %swap3A_105 = vector.shape_cast %broadcast_in_dim3A_100 : vector<16xf32> to vector<1x16xf32>
      tpu.vector_store %arg9[%swap3A_101, %swap3A_102], %swap3A_105 {strides = array<i32>} : memref<160x64xf32, #tpu.memory_space<vmem>>, vector<1x16xf32>,
      %broadcast_in_dim3A_106 = arith.constant 0.000000e+00 : f32
      %broadcast_in_dim3A_107 = vector.broadcast %broadcast_in_dim3A_106 : f32 to vector<16xf32>
      %swap3A_108 = arith.index_cast %scan3A_93 : i32 to index
      %swap3A_109 = arith.constant 32 : index
      %swap3A_110 = tpu.vector_load %arg9[%swap3A_108, %swap3A_109] {strides = array<i32>} : memref<160x64xf32, #tpu.memory_space<vmem>>, vector<1x16xf32>,
      %swap3A_111 = vector.shape_cast %swap3A_110 : vector<1x16xf32> to vector<16xf32>
      %swap3A_112 = vector.shape_cast %broadcast_in_dim3A_107 : vector<16xf32> to vector<1x16xf32>
      tpu.vector_store %arg9[%swap3A_108, %swap3A_109], %swap3A_112 {strides = array<i32>} : memref<160x64xf32, #tpu.memory_space<vmem>>, vector<1x16xf32>,
      %broadcast_in_dim3A_113 = arith.constant 0.000000e+00 : f32
      %broadcast_in_dim3A_114 = vector.broadcast %broadcast_in_dim3A_113 : f32 to vector<16xf32>
      %swap3A_115 = arith.index_cast %scan3A_93 : i32 to index
      %swap3A_116 = arith.constant 48 : index
      %swap3A_117 = tpu.vector_load %arg9[%swap3A_115, %swap3A_116] {strides = array<i32>} : memref<160x64xf32, #tpu.memory_space<vmem>>, vector<1x16xf32>,
      %swap3A_118 = vector.shape_cast %swap3A_117 : vector<1x16xf32> to vector<16xf32>
      %swap3A_119 = vector.shape_cast %broadcast_in_dim3A_114 : vector<16xf32> to vector<1x16xf32>
      tpu.vector_store %arg9[%swap3A_115, %swap3A_116], %swap3A_119 {strides = array<i32>} : memref<160x64xf32, #tpu.memory_space<vmem>>, vector<1x16xf32>,
    }
    %scan3A_67 = arith.constant 160 : i32
    %mul3A = arith.constant 640 : i32
    %mul3A_68 = arith.muli %arg1, %mul3A : i32
    %add3A = arith.constant 0 : i32
    %add3A_69 = arith.addi %mul3A_68, %add3A : i32
    "tpu.region"() ({
      %run_scoped3A = tpu.sem_alloc : memref<!tpu.dma_semaphore, #tpu.memory_space<semaphore_mem>>
      %dma_start3A_93 = arith.constant 0 : i32
      %dma_start3A_94 = tpu.memref_slice %arg10[%add3A_69, %dma_start3A_93] : memref<12800x64xf32, #tpu.memory_space<vmem_shared>> -> memref<160x64xf32, #tpu.memory_space<vmem_shared>>
      %dma_start3A_95 = arith.constant 0 : i32
      %dma_start3A_96 = tpu.memref_slice %arg10[%add3A_69, %dma_start3A_95] : memref<12800x64xf32, #tpu.memory_space<vmem_shared>> -> memref<160x64xf32, #tpu.memory_space<vmem_shared>>
      tpu.enqueue_dma source(%arg9 : memref<160x64xf32, #tpu.memory_space<vmem>>) target(%dma_start3A_96 : memref<160x64xf32, #tpu.memory_space<vmem_shared>>) target_semaphore(%run_scoped3A : memref<!tpu.dma_semaphore, #tpu.memory_space<semaphore_mem>>)
      %dma_wait3A = arith.constant 0 : i32
      %dma_wait3A_97 = tpu.memref_slice %arg10[%add3A_69, %dma_wait3A] : memref<12800x64xf32, #tpu.memory_space<vmem_shared>> -> memref<160x64xf32, #tpu.memory_space<vmem_shared>>
      %dma_wait3A_98 = arith.constant 0 : i32
      %dma_wait3A_99 = tpu.memref_slice %arg10[%add3A_69, %dma_wait3A_98] : memref<12800x64xf32, #tpu.memory_space<vmem_shared>> -> memref<160x64xf32, #tpu.memory_space<vmem_shared>>
      tpu.wait_dma2 semaphore(%run_scoped3A : memref<!tpu.dma_semaphore, #tpu.memory_space<semaphore_mem>>) src(%arg9 : memref<160x64xf32, #tpu.memory_space<vmem>>) dst(%dma_wait3A_99 : memref<160x64xf32, #tpu.memory_space<vmem_shared>>)
      tpu.yield
    }) : () -> ()
    %mul3A_70 = arith.constant 640 : i32
    %mul3A_71 = arith.muli %arg1, %mul3A_70 : i32
    %add3A_72 = arith.constant 160 : i32
    %add3A_73 = arith.addi %mul3A_71, %add3A_72 : i32
    "tpu.region"() ({
      %run_scoped3A = tpu.sem_alloc : memref<!tpu.dma_semaphore, #tpu.memory_space<semaphore_mem>>
      %dma_start3A_93 = arith.constant 0 : i32
      %dma_start3A_94 = tpu.memref_slice %arg10[%add3A_73, %dma_start3A_93] : memref<12800x64xf32, #tpu.memory_space<vmem_shared>> -> memref<160x64xf32, #tpu.memory_space<vmem_shared>>
      %dma_start3A_95 = arith.constant 0 : i32
      %dma_start3A_96 = tpu.memref_slice %arg10[%add3A_73, %dma_start3A_95] : memref<12800x64xf32, #tpu.memory_space<vmem_shared>> -> memref<160x64xf32, #tpu.memory_space<vmem_shared>>
      tpu.enqueue_dma source(%arg9 : memref<160x64xf32, #tpu.memory_space<vmem>>) target(%dma_start3A_96 : memref<160x64xf32, #tpu.memory_space<vmem_shared>>) target_semaphore(%run_scoped3A : memref<!tpu.dma_semaphore, #tpu.memory_space<semaphore_mem>>)
      %dma_wait3A = arith.constant 0 : i32
      %dma_wait3A_97 = tpu.memref_slice %arg10[%add3A_73, %dma_wait3A] : memref<12800x64xf32, #tpu.memory_space<vmem_shared>> -> memref<160x64xf32, #tpu.memory_space<vmem_shared>>
      %dma_wait3A_98 = arith.constant 0 : i32
      %dma_wait3A_99 = tpu.memref_slice %arg10[%add3A_73, %dma_wait3A_98] : memref<12800x64xf32, #tpu.memory_space<vmem_shared>> -> memref<160x64xf32, #tpu.memory_space<vmem_shared>>
      tpu.wait_dma2 semaphore(%run_scoped3A : memref<!tpu.dma_semaphore, #tpu.memory_space<semaphore_mem>>) src(%arg9 : memref<160x64xf32, #tpu.memory_space<vmem>>) dst(%dma_wait3A_99 : memref<160x64xf32, #tpu.memory_space<vmem_shared>>)
      tpu.yield
    }) : () -> ()
    %mul3A_74 = arith.constant 640 : i32
    %mul3A_75 = arith.muli %arg1, %mul3A_74 : i32
    %add3A_76 = arith.constant 320 : i32
    %add3A_77 = arith.addi %mul3A_75, %add3A_76 : i32
    "tpu.region"() ({
      %run_scoped3A = tpu.sem_alloc : memref<!tpu.dma_semaphore, #tpu.memory_space<semaphore_mem>>
      %dma_start3A_93 = arith.constant 0 : i32
      %dma_start3A_94 = tpu.memref_slice %arg10[%add3A_77, %dma_start3A_93] : memref<12800x64xf32, #tpu.memory_space<vmem_shared>> -> memref<160x64xf32, #tpu.memory_space<vmem_shared>>
      %dma_start3A_95 = arith.constant 0 : i32
      %dma_start3A_96 = tpu.memref_slice %arg10[%add3A_77, %dma_start3A_95] : memref<12800x64xf32, #tpu.memory_space<vmem_shared>> -> memref<160x64xf32, #tpu.memory_space<vmem_shared>>
      tpu.enqueue_dma source(%arg9 : memref<160x64xf32, #tpu.memory_space<vmem>>) target(%dma_start3A_96 : memref<160x64xf32, #tpu.memory_space<vmem_shared>>) target_semaphore(%run_scoped3A : memref<!tpu.dma_semaphore, #tpu.memory_space<semaphore_mem>>)
      %dma_wait3A = arith.constant 0 : i32
      %dma_wait3A_97 = tpu.memref_slice %arg10[%add3A_77, %dma_wait3A] : memref<12800x64xf32, #tpu.memory_space<vmem_shared>> -> memref<160x64xf32, #tpu.memory_space<vmem_shared>>
      %dma_wait3A_98 = arith.constant 0 : i32
      %dma_wait3A_99 = tpu.memref_slice %arg10[%add3A_77, %dma_wait3A_98] : memref<12800x64xf32, #tpu.memory_space<vmem_shared>> -> memref<160x64xf32, #tpu.memory_space<vmem_shared>>
      tpu.wait_dma2 semaphore(%run_scoped3A : memref<!tpu.dma_semaphore, #tpu.memory_space<semaphore_mem>>) src(%arg9 : memref<160x64xf32, #tpu.memory_space<vmem>>) dst(%dma_wait3A_99 : memref<160x64xf32, #tpu.memory_space<vmem_shared>>)
      tpu.yield
    }) : () -> ()
    %mul3A_78 = arith.constant 640 : i32
    %mul3A_79 = arith.muli %arg1, %mul3A_78 : i32
    %add3A_80 = arith.constant 480 : i32
    %add3A_81 = arith.addi %mul3A_79, %add3A_80 : i32
    "tpu.region"() ({
      %run_scoped3A = tpu.sem_alloc : memref<!tpu.dma_semaphore, #tpu.memory_space<semaphore_mem>>
      %dma_start3A_93 = arith.constant 0 : i32
      %dma_start3A_94 = tpu.memref_slice %arg10[%add3A_81, %dma_start3A_93] : memref<12800x64xf32, #tpu.memory_space<vmem_shared>> -> memref<160x64xf32, #tpu.memory_space<vmem_shared>>
      %dma_start3A_95 = arith.constant 0 : i32
      %dma_start3A_96 = tpu.memref_slice %arg10[%add3A_81, %dma_start3A_95] : memref<12800x64xf32, #tpu.memory_space<vmem_shared>> -> memref<160x64xf32, #tpu.memory_space<vmem_shared>>
      tpu.enqueue_dma source(%arg9 : memref<160x64xf32, #tpu.memory_space<vmem>>) target(%dma_start3A_96 : memref<160x64xf32, #tpu.memory_space<vmem_shared>>) target_semaphore(%run_scoped3A : memref<!tpu.dma_semaphore, #tpu.memory_space<semaphore_mem>>)
      %dma_wait3A = arith.constant 0 : i32
      %dma_wait3A_97 = tpu.memref_slice %arg10[%add3A_81, %dma_wait3A] : memref<12800x64xf32, #tpu.memory_space<vmem_shared>> -> memref<160x64xf32, #tpu.memory_space<vmem_shared>>
      %dma_wait3A_98 = arith.constant 0 : i32
      %dma_wait3A_99 = tpu.memref_slice %arg10[%add3A_81, %dma_wait3A_98] : memref<12800x64xf32, #tpu.memory_space<vmem_shared>> -> memref<160x64xf32, #tpu.memory_space<vmem_shared>>
      tpu.wait_dma2 semaphore(%run_scoped3A : memref<!tpu.dma_semaphore, #tpu.memory_space<semaphore_mem>>) src(%arg9 : memref<160x64xf32, #tpu.memory_space<vmem>>) dst(%dma_wait3A_99 : memref<160x64xf32, #tpu.memory_space<vmem_shared>>)
      tpu.yield
    }) : () -> ()
    %barrier3A = arith.constant 0 : index
    tpu.barrier barrier_id(%barrier3A)
    %scan3A_82 = arith.constant 0 : i32
    %scan3A_83 = arith.constant 0 : i32
    %scan3A_84 = arith.constant 50 : i32
    %scan3A_85 = arith.addi %scan3A_83, %scan3A_84 : i32
    %scan3A_86 = arith.constant 1 : i32
    scf.for %scan3A_93 = %scan3A_83 to %scan3A_85 step %scan3A_86  : i32 {
      %mul3A_94 = arith.constant 5 : i32
      %mul3A_95 = arith.muli %scan3A_93, %mul3A_94 : i32
      %add3A_96 = arith.constant 0 : i32
      %add3A_97 = arith.addi %mul3A_95, %add3A_96 : i32
      %add3A_98 = arith.constant 5 : i32
      %add3A_99 = arith.addi %add3A_97, %add3A_98 : i32
      %sub3A = arith.constant 1 : i32
      %sub3A_100 = arith.subi %add3A_99, %sub3A : i32
      %lt3A = arith.constant 250 : i32
      %lt3A_101 = arith.cmpi slt, %sub3A_100, %lt3A : i32
      %convert_element_type3A = arith.extui %lt3A_101 : i1 to i32
      %cond3A = arith.constant 0 : i32
      %cond3A_102 = arith.cmpi ne, %convert_element_type3A, %cond3A : i32
      scf.if %cond3A_102 {
        %dma_start3A_225 = arith.constant 4 : i32
        %dma_start3A_226 = arith.constant 0 : i32
        %dma_start3A_227 = arith.constant 0 : i32
        %dma_start3A_228 = tpu.memref_slice %arg8[%dma_start3A_225, %dma_start3A_226, %dma_start3A_227] : memref<5x80x64xf32, #tpu.memory_space<vmem>> -> memref<1x80x64xf32, #tpu.memory_space<vmem>>
        %dma_start3A_229 = tpu.memref_squeeze %dma_start3A_228 : memref<1x80x64xf32, #tpu.memory_space<vmem>> -> memref<80x64xf32, #tpu.memory_space<vmem>>
        %dma_start3A_230 = arith.constant 0 : i32
        %dma_start3A_231 = tpu.memref_slice %arg6[%sub3A_100, %dma_start3A_230] : memref<250x80xi32, #tpu.memory_space<vmem>> -> memref<1x80xi32, #tpu.memory_space<vmem>>
        %dma_start3A_232 = tpu.memref_squeeze %dma_start3A_231 : memref<1x80xi32, #tpu.memory_space<vmem>> -> memref<80xi32, #tpu.memory_space<vmem>>
        %dma_start3A_233 = arith.constant 0 : i32
        %dma_start3A_234 = arith.constant 0 : i32
        %dma_start3A_235 = tpu.memref_slice %arg4[%arg0, %dma_start3A_233, %dma_start3A_234] : memref<2x40000x64xf32, #tpu.memory_space<hbm>> -> memref<1x40000x64xf32, #tpu.memory_space<hbm>>
        %dma_start3A_236 = tpu.memref_squeeze %dma_start3A_235 : memref<1x40000x64xf32, #tpu.memory_space<hbm>> -> memref<40000x64xf32, #tpu.memory_space<hbm>>
        %dma_start3A_237 = arith.constant 0 : i32
        %dma_start3A_238 = arith.constant 0 : i32
        %dma_start3A_239 = tpu.memref_slice %dma_start3A_236[%dma_start3A_237, %dma_start3A_238] : memref<40000x64xf32, #tpu.memory_space<hbm>> -> memref<40000x64xf32, #tpu.memory_space<hbm>>
        tpu.enqueue_indirect_dma source(%dma_start3A_239 : memref<40000x64xf32, #tpu.memory_space<hbm>>) target(%dma_start3A_229 : memref<80x64xf32, #tpu.memory_space<vmem>>) offsets(%dma_start3A_232 : memref<80xi32, #tpu.memory_space<vmem>>) semaphore(%arg15 : memref<!tpu.dma_semaphore, #tpu.memory_space<semaphore_mem>>)
      } else {
      }
      %dma_wait3A = arith.constant 0 : i32
      %dma_wait3A_103 = arith.constant 0 : i32
      %dma_wait3A_104 = arith.constant 0 : i32
      %dma_wait3A_105 = tpu.memref_slice %arg8[%dma_wait3A, %dma_wait3A_103, %dma_wait3A_104] : memref<5x80x64xf32, #tpu.memory_space<vmem>> -> memref<1x80x64xf32, #tpu.memory_space<vmem>>
      %dma_wait3A_106 = tpu.memref_squeeze %dma_wait3A_105 : memref<1x80x64xf32, #tpu.memory_space<vmem>> -> memref<80x64xf32, #tpu.memory_space<vmem>>
      %dma_wait3A_107 = arith.constant 0 : i32
      %dma_wait3A_108 = tpu.memref_slice %arg6[%add3A_97, %dma_wait3A_107] : memref<250x80xi32, #tpu.memory_space<vmem>> -> memref<1x80xi32, #tpu.memory_space<vmem>>
      %dma_wait3A_109 = tpu.memref_squeeze %dma_wait3A_108 : memref<1x80xi32, #tpu.memory_space<vmem>> -> memref<80xi32, #tpu.memory_space<vmem>>
      %dma_wait3A_110 = arith.constant 0 : i32
      %dma_wait3A_111 = arith.constant 0 : i32
      %dma_wait3A_112 = tpu.memref_slice %arg4[%arg0, %dma_wait3A_110, %dma_wait3A_111] : memref<2x40000x64xf32, #tpu.memory_space<hbm>> -> memref<1x40000x64xf32, #tpu.memory_space<hbm>>
      %dma_wait3A_113 = tpu.memref_squeeze %dma_wait3A_112 : memref<1x40000x64xf32, #tpu.memory_space<hbm>> -> memref<40000x64xf32, #tpu.memory_space<hbm>>
      %dma_wait3A_114 = arith.constant 0 : i32
      %dma_wait3A_115 = arith.constant 0 : i32
      %dma_wait3A_116 = tpu.memref_slice %dma_wait3A_113[%dma_wait3A_114, %dma_wait3A_115] : memref<40000x64xf32, #tpu.memory_space<hbm>> -> memref<40000x64xf32, #tpu.memory_space<hbm>>
      tpu.wait_indirect_dma semaphore(%arg11 : memref<!tpu.dma_semaphore, #tpu.memory_space<semaphore_mem>>) src(%dma_wait3A_116 : memref<40000x64xf32, #tpu.memory_space<hbm>>) dst(%dma_wait3A_106 : memref<80x64xf32, #tpu.memory_space<vmem>>)
      %run_scoped3A = arith.constant 0 : i32
      "tpu.region"() ({
        %run_scoped3A_225 = tpu.sem_alloc : memref<!tpu.dma_semaphore, #tpu.memory_space<semaphore_mem>>
        %dma_start3A_226 = arith.constant 0 : i32
        %dma_start3A_227 = arith.constant 0 : i32
        %dma_start3A_228 = tpu.memref_slice %arg8[%run_scoped3A, %dma_start3A_226, %dma_start3A_227] : memref<5x80x64xf32, #tpu.memory_space<vmem>> -> memref<1x80x64xf32, #tpu.memory_space<vmem>>
        %dma_start3A_229 = tpu.memref_squeeze %dma_start3A_228 : memref<1x80x64xf32, #tpu.memory_space<vmem>> -> memref<80x64xf32, #tpu.memory_space<vmem>>
        %dma_start3A_230 = arith.constant 0 : i32
        %dma_start3A_231 = tpu.memref_slice %arg7[%add3A_97, %dma_start3A_230] : memref<250x80xi32, #tpu.memory_space<vmem>> -> memref<1x80xi32, #tpu.memory_space<vmem>>
        %dma_start3A_232 = tpu.memref_squeeze %dma_start3A_231 : memref<1x80xi32, #tpu.memory_space<vmem>> -> memref<80xi32, #tpu.memory_space<vmem>>
        %dma_start3A_233 = arith.constant 0 : i32
        %dma_start3A_234 = arith.constant 0 : i32
        %dma_start3A_235 = tpu.memref_slice %arg10[%dma_start3A_233, %dma_start3A_234] : memref<12800x64xf32, #tpu.memory_space<vmem_shared>> -> memref<12800x64xf32, #tpu.memory_space<vmem_shared>>
        tpu.enqueue_indirect_dma source(%dma_start3A_229 : memref<80x64xf32, #tpu.memory_space<vmem>>) target(%dma_start3A_235 : memref<12800x64xf32, #tpu.memory_space<vmem_shared>>) offsets(%dma_start3A_232 : memref<80xi32, #tpu.memory_space<vmem>>) semaphore(%run_scoped3A_225 : memref<!tpu.dma_semaphore, #tpu.memory_space<semaphore_mem>>) {add = true}
        %dma_wait3A_236 = arith.constant 0 : i32
        %dma_wait3A_237 = arith.constant 0 : i32
        %dma_wait3A_238 = tpu.memref_slice %arg8[%run_scoped3A, %dma_wait3A_236, %dma_wait3A_237] : memref<5x80x64xf32, #tpu.memory_space<vmem>> -> memref<1x80x64xf32, #tpu.memory_space<vmem>>
        %dma_wait3A_239 = tpu.memref_squeeze %dma_wait3A_238 : memref<1x80x64xf32, #tpu.memory_space<vmem>> -> memref<80x64xf32, #tpu.memory_space<vmem>>
        %dma_wait3A_240 = arith.constant 0 : i32
        %dma_wait3A_241 = tpu.memref_slice %arg7[%add3A_97, %dma_wait3A_240] : memref<250x80xi32, #tpu.memory_space<vmem>> -> memref<1x80xi32, #tpu.memory_space<vmem>>
        %dma_wait3A_242 = tpu.memref_squeeze %dma_wait3A_241 : memref<1x80xi32, #tpu.memory_space<vmem>> -> memref<80xi32, #tpu.memory_space<vmem>>
        %dma_wait3A_243 = arith.constant 0 : i32
        %dma_wait3A_244 = arith.constant 0 : i32
        %dma_wait3A_245 = tpu.memref_slice %arg10[%dma_wait3A_243, %dma_wait3A_244] : memref<12800x64xf32, #tpu.memory_space<vmem_shared>> -> memref<12800x64xf32, #tpu.memory_space<vmem_shared>>
        tpu.wait_indirect_dma semaphore(%run_scoped3A_225 : memref<!tpu.dma_semaphore, #tpu.memory_space<semaphore_mem>>) src(%dma_wait3A_239 : memref<80x64xf32, #tpu.memory_space<vmem>>) dst(%dma_wait3A_245 : memref<12800x64xf32, #tpu.memory_space<vmem_shared>>)
        tpu.yield
      }) : () -> ()
      %add3A_117 = arith.constant 1 : i32
      %add3A_118 = arith.addi %mul3A_95, %add3A_117 : i32
      %add3A_119 = arith.constant 5 : i32
      %add3A_120 = arith.addi %add3A_118, %add3A_119 : i32
      %sub3A_121 = arith.constant 1 : i32
      %sub3A_122 = arith.subi %add3A_120, %sub3A_121 : i32
      %lt3A_123 = arith.constant 250 : i32
      %lt3A_124 = arith.cmpi slt, %sub3A_122, %lt3A_123 : i32
      %convert_element_type3A_125 = arith.extui %lt3A_124 : i1 to i32
      %cond3A_126 = arith.constant 0 : i32
      %cond3A_127 = arith.cmpi ne, %convert_element_type3A_125, %cond3A_126 : i32
      scf.if %cond3A_127 {
        %dma_start3A_225 = arith.constant 0 : i32
        %dma_start3A_226 = arith.constant 0 : i32
        %dma_start3A_227 = arith.constant 0 : i32
        %dma_start3A_228 = tpu.memref_slice %arg8[%dma_start3A_225, %dma_start3A_226, %dma_start3A_227] : memref<5x80x64xf32, #tpu.memory_space<vmem>> -> memref<1x80x64xf32, #tpu.memory_space<vmem>>
        %dma_start3A_229 = tpu.memref_squeeze %dma_start3A_228 : memref<1x80x64xf32, #tpu.memory_space<vmem>> -> memref<80x64xf32, #tpu.memory_space<vmem>>
        %dma_start3A_230 = arith.constant 0 : i32
        %dma_start3A_231 = tpu.memref_slice %arg6[%sub3A_122, %dma_start3A_230] : memref<250x80xi32, #tpu.memory_space<vmem>> -> memref<1x80xi32, #tpu.memory_space<vmem>>
        %dma_start3A_232 = tpu.memref_squeeze %dma_start3A_231 : memref<1x80xi32, #tpu.memory_space<vmem>> -> memref<80xi32, #tpu.memory_space<vmem>>
        %dma_start3A_233 = arith.constant 0 : i32
        %dma_start3A_234 = arith.constant 0 : i32
        %dma_start3A_235 = tpu.memref_slice %arg4[%arg0, %dma_start3A_233, %dma_start3A_234] : memref<2x40000x64xf32, #tpu.memory_space<hbm>> -> memref<1x40000x64xf32, #tpu.memory_space<hbm>>
        %dma_start3A_236 = tpu.memref_squeeze %dma_start3A_235 : memref<1x40000x64xf32, #tpu.memory_space<hbm>> -> memref<40000x64xf32, #tpu.memory_space<hbm>>
        %dma_start3A_237 = arith.constant 0 : i32
        %dma_start3A_238 = arith.constant 0 : i32
        %dma_start3A_239 = tpu.memref_slice %dma_start3A_236[%dma_start3A_237, %dma_start3A_238] : memref<40000x64xf32, #tpu.memory_space<hbm>> -> memref<40000x64xf32, #tpu.memory_space<hbm>>
        tpu.enqueue_indirect_dma source(%dma_start3A_239 : memref<40000x64xf32, #tpu.memory_space<hbm>>) target(%dma_start3A_229 : memref<80x64xf32, #tpu.memory_space<vmem>>) offsets(%dma_start3A_232 : memref<80xi32, #tpu.memory_space<vmem>>) semaphore(%arg11 : memref<!tpu.dma_semaphore, #tpu.memory_space<semaphore_mem>>)
      } else {
      }
      %dma_wait3A_128 = arith.constant 1 : i32
      %dma_wait3A_129 = arith.constant 0 : i32
      %dma_wait3A_130 = arith.constant 0 : i32
      %dma_wait3A_131 = tpu.memref_slice %arg8[%dma_wait3A_128, %dma_wait3A_129, %dma_wait3A_130] : memref<5x80x64xf32, #tpu.memory_space<vmem>> -> memref<1x80x64xf32, #tpu.memory_space<vmem>>
      %dma_wait3A_132 = tpu.memref_squeeze %dma_wait3A_131 : memref<1x80x64xf32, #tpu.memory_space<vmem>> -> memref<80x64xf32, #tpu.memory_space<vmem>>
      %dma_wait3A_133 = arith.constant 0 : i32
      %dma_wait3A_134 = tpu.memref_slice %arg6[%add3A_118, %dma_wait3A_133] : memref<250x80xi32, #tpu.memory_space<vmem>> -> memref<1x80xi32, #tpu.memory_space<vmem>>
      %dma_wait3A_135 = tpu.memref_squeeze %dma_wait3A_134 : memref<1x80xi32, #tpu.memory_space<vmem>> -> memref<80xi32, #tpu.memory_space<vmem>>
      %dma_wait3A_136 = arith.constant 0 : i32
      %dma_wait3A_137 = arith.constant 0 : i32
      %dma_wait3A_138 = tpu.memref_slice %arg4[%arg0, %dma_wait3A_136, %dma_wait3A_137] : memref<2x40000x64xf32, #tpu.memory_space<hbm>> -> memref<1x40000x64xf32, #tpu.memory_space<hbm>>
      %dma_wait3A_139 = tpu.memref_squeeze %dma_wait3A_138 : memref<1x40000x64xf32, #tpu.memory_space<hbm>> -> memref<40000x64xf32, #tpu.memory_space<hbm>>
      %dma_wait3A_140 = arith.constant 0 : i32
      %dma_wait3A_141 = arith.constant 0 : i32
      %dma_wait3A_142 = tpu.memref_slice %dma_wait3A_139[%dma_wait3A_140, %dma_wait3A_141] : memref<40000x64xf32, #tpu.memory_space<hbm>> -> memref<40000x64xf32, #tpu.memory_space<hbm>>
      tpu.wait_indirect_dma semaphore(%arg12 : memref<!tpu.dma_semaphore, #tpu.memory_space<semaphore_mem>>) src(%dma_wait3A_142 : memref<40000x64xf32, #tpu.memory_space<hbm>>) dst(%dma_wait3A_132 : memref<80x64xf32, #tpu.memory_space<vmem>>)
      %run_scoped3A_143 = arith.constant 1 : i32
      "tpu.region"() ({
        %run_scoped3A_225 = tpu.sem_alloc : memref<!tpu.dma_semaphore, #tpu.memory_space<semaphore_mem>>
        %dma_start3A_226 = arith.constant 0 : i32
        %dma_start3A_227 = arith.constant 0 : i32
        %dma_start3A_228 = tpu.memref_slice %arg8[%run_scoped3A_143, %dma_start3A_226, %dma_start3A_227] : memref<5x80x64xf32, #tpu.memory_space<vmem>> -> memref<1x80x64xf32, #tpu.memory_space<vmem>>
        %dma_start3A_229 = tpu.memref_squeeze %dma_start3A_228 : memref<1x80x64xf32, #tpu.memory_space<vmem>> -> memref<80x64xf32, #tpu.memory_space<vmem>>
        %dma_start3A_230 = arith.constant 0 : i32
        %dma_start3A_231 = tpu.memref_slice %arg7[%add3A_118, %dma_start3A_230] : memref<250x80xi32, #tpu.memory_space<vmem>> -> memref<1x80xi32, #tpu.memory_space<vmem>>
        %dma_start3A_232 = tpu.memref_squeeze %dma_start3A_231 : memref<1x80xi32, #tpu.memory_space<vmem>> -> memref<80xi32, #tpu.memory_space<vmem>>
        %dma_start3A_233 = arith.constant 0 : i32
        %dma_start3A_234 = arith.constant 0 : i32
        %dma_start3A_235 = tpu.memref_slice %arg10[%dma_start3A_233, %dma_start3A_234] : memref<12800x64xf32, #tpu.memory_space<vmem_shared>> -> memref<12800x64xf32, #tpu.memory_space<vmem_shared>>
        tpu.enqueue_indirect_dma source(%dma_start3A_229 : memref<80x64xf32, #tpu.memory_space<vmem>>) target(%dma_start3A_235 : memref<12800x64xf32, #tpu.memory_space<vmem_shared>>) offsets(%dma_start3A_232 : memref<80xi32, #tpu.memory_space<vmem>>) semaphore(%run_scoped3A_225 : memref<!tpu.dma_semaphore, #tpu.memory_space<semaphore_mem>>) {add = true}
        %dma_wait3A_236 = arith.constant 0 : i32
        %dma_wait3A_237 = arith.constant 0 : i32
        %dma_wait3A_238 = tpu.memref_slice %arg8[%run_scoped3A_143, %dma_wait3A_236, %dma_wait3A_237] : memref<5x80x64xf32, #tpu.memory_space<vmem>> -> memref<1x80x64xf32, #tpu.memory_space<vmem>>
        %dma_wait3A_239 = tpu.memref_squeeze %dma_wait3A_238 : memref<1x80x64xf32, #tpu.memory_space<vmem>> -> memref<80x64xf32, #tpu.memory_space<vmem>>
        %dma_wait3A_240 = arith.constant 0 : i32
        %dma_wait3A_241 = tpu.memref_slice %arg7[%add3A_118, %dma_wait3A_240] : memref<250x80xi32, #tpu.memory_space<vmem>> -> memref<1x80xi32, #tpu.memory_space<vmem>>
        %dma_wait3A_242 = tpu.memref_squeeze %dma_wait3A_241 : memref<1x80xi32, #tpu.memory_space<vmem>> -> memref<80xi32, #tpu.memory_space<vmem>>
        %dma_wait3A_243 = arith.constant 0 : i32
        %dma_wait3A_244 = arith.constant 0 : i32
        %dma_wait3A_245 = tpu.memref_slice %arg10[%dma_wait3A_243, %dma_wait3A_244] : memref<12800x64xf32, #tpu.memory_space<vmem_shared>> -> memref<12800x64xf32, #tpu.memory_space<vmem_shared>>
        tpu.wait_indirect_dma semaphore(%run_scoped3A_225 : memref<!tpu.dma_semaphore, #tpu.memory_space<semaphore_mem>>) src(%dma_wait3A_239 : memref<80x64xf32, #tpu.memory_space<vmem>>) dst(%dma_wait3A_245 : memref<12800x64xf32, #tpu.memory_space<vmem_shared>>)
        tpu.yield
      }) : () -> ()
      %add3A_144 = arith.constant 2 : i32
      %add3A_145 = arith.addi %mul3A_95, %add3A_144 : i32
      %add3A_146 = arith.constant 5 : i32
      %add3A_147 = arith.addi %add3A_145, %add3A_146 : i32
      %sub3A_148 = arith.constant 1 : i32
      %sub3A_149 = arith.subi %add3A_147, %sub3A_148 : i32
      %lt3A_150 = arith.constant 250 : i32
      %lt3A_151 = arith.cmpi slt, %sub3A_149, %lt3A_150 : i32
      %convert_element_type3A_152 = arith.extui %lt3A_151 : i1 to i32
      %cond3A_153 = arith.constant 0 : i32
      %cond3A_154 = arith.cmpi ne, %convert_element_type3A_152, %cond3A_153 : i32
      scf.if %cond3A_154 {
        %dma_start3A_225 = arith.constant 1 : i32
        %dma_start3A_226 = arith.constant 0 : i32
        %dma_start3A_227 = arith.constant 0 : i32
        %dma_start3A_228 = tpu.memref_slice %arg8[%dma_start3A_225, %dma_start3A_226, %dma_start3A_227] : memref<5x80x64xf32, #tpu.memory_space<vmem>> -> memref<1x80x64xf32, #tpu.memory_space<vmem>>
        %dma_start3A_229 = tpu.memref_squeeze %dma_start3A_228 : memref<1x80x64xf32, #tpu.memory_space<vmem>> -> memref<80x64xf32, #tpu.memory_space<vmem>>
        %dma_start3A_230 = arith.constant 0 : i32
        %dma_start3A_231 = tpu.memref_slice %arg6[%sub3A_149, %dma_start3A_230] : memref<250x80xi32, #tpu.memory_space<vmem>> -> memref<1x80xi32, #tpu.memory_space<vmem>>
        %dma_start3A_232 = tpu.memref_squeeze %dma_start3A_231 : memref<1x80xi32, #tpu.memory_space<vmem>> -> memref<80xi32, #tpu.memory_space<vmem>>
        %dma_start3A_233 = arith.constant 0 : i32
        %dma_start3A_234 = arith.constant 0 : i32
        %dma_start3A_235 = tpu.memref_slice %arg4[%arg0, %dma_start3A_233, %dma_start3A_234] : memref<2x40000x64xf32, #tpu.memory_space<hbm>> -> memref<1x40000x64xf32, #tpu.memory_space<hbm>>
        %dma_start3A_236 = tpu.memref_squeeze %dma_start3A_235 : memref<1x40000x64xf32, #tpu.memory_space<hbm>> -> memref<40000x64xf32, #tpu.memory_space<hbm>>
        %dma_start3A_237 = arith.constant 0 : i32
        %dma_start3A_238 = arith.constant 0 : i32
        %dma_start3A_239 = tpu.memref_slice %dma_start3A_236[%dma_start3A_237, %dma_start3A_238] : memref<40000x64xf32, #tpu.memory_space<hbm>> -> memref<40000x64xf32, #tpu.memory_space<hbm>>
        tpu.enqueue_indirect_dma source(%dma_start3A_239 : memref<40000x64xf32, #tpu.memory_space<hbm>>) target(%dma_start3A_229 : memref<80x64xf32, #tpu.memory_space<vmem>>) offsets(%dma_start3A_232 : memref<80xi32, #tpu.memory_space<vmem>>) semaphore(%arg12 : memref<!tpu.dma_semaphore, #tpu.memory_space<semaphore_mem>>)
      } else {
      }
      %dma_wait3A_155 = arith.constant 2 : i32
      %dma_wait3A_156 = arith.constant 0 : i32
      %dma_wait3A_157 = arith.constant 0 : i32
      %dma_wait3A_158 = tpu.memref_slice %arg8[%dma_wait3A_155, %dma_wait3A_156, %dma_wait3A_157] : memref<5x80x64xf32, #tpu.memory_space<vmem>> -> memref<1x80x64xf32, #tpu.memory_space<vmem>>
      %dma_wait3A_159 = tpu.memref_squeeze %dma_wait3A_158 : memref<1x80x64xf32, #tpu.memory_space<vmem>> -> memref<80x64xf32, #tpu.memory_space<vmem>>
      %dma_wait3A_160 = arith.constant 0 : i32
      %dma_wait3A_161 = tpu.memref_slice %arg6[%add3A_145, %dma_wait3A_160] : memref<250x80xi32, #tpu.memory_space<vmem>> -> memref<1x80xi32, #tpu.memory_space<vmem>>
      %dma_wait3A_162 = tpu.memref_squeeze %dma_wait3A_161 : memref<1x80xi32, #tpu.memory_space<vmem>> -> memref<80xi32, #tpu.memory_space<vmem>>
      %dma_wait3A_163 = arith.constant 0 : i32
      %dma_wait3A_164 = arith.constant 0 : i32
      %dma_wait3A_165 = tpu.memref_slice %arg4[%arg0, %dma_wait3A_163, %dma_wait3A_164] : memref<2x40000x64xf32, #tpu.memory_space<hbm>> -> memref<1x40000x64xf32, #tpu.memory_space<hbm>>
      %dma_wait3A_166 = tpu.memref_squeeze %dma_wait3A_165 : memref<1x40000x64xf32, #tpu.memory_space<hbm>> -> memref<40000x64xf32, #tpu.memory_space<hbm>>
      %dma_wait3A_167 = arith.constant 0 : i32
      %dma_wait3A_168 = arith.constant 0 : i32
      %dma_wait3A_169 = tpu.memref_slice %dma_wait3A_166[%dma_wait3A_167, %dma_wait3A_168] : memref<40000x64xf32, #tpu.memory_space<hbm>> -> memref<40000x64xf32, #tpu.memory_space<hbm>>
      tpu.wait_indirect_dma semaphore(%arg13 : memref<!tpu.dma_semaphore, #tpu.memory_space<semaphore_mem>>) src(%dma_wait3A_169 : memref<40000x64xf32, #tpu.memory_space<hbm>>) dst(%dma_wait3A_159 : memref<80x64xf32, #tpu.memory_space<vmem>>)
      %run_scoped3A_170 = arith.constant 2 : i32
      "tpu.region"() ({
        %run_scoped3A_225 = tpu.sem_alloc : memref<!tpu.dma_semaphore, #tpu.memory_space<semaphore_mem>>
        %dma_start3A_226 = arith.constant 0 : i32
        %dma_start3A_227 = arith.constant 0 : i32
        %dma_start3A_228 = tpu.memref_slice %arg8[%run_scoped3A_170, %dma_start3A_226, %dma_start3A_227] : memref<5x80x64xf32, #tpu.memory_space<vmem>> -> memref<1x80x64xf32, #tpu.memory_space<vmem>>
        %dma_start3A_229 = tpu.memref_squeeze %dma_start3A_228 : memref<1x80x64xf32, #tpu.memory_space<vmem>> -> memref<80x64xf32, #tpu.memory_space<vmem>>
        %dma_start3A_230 = arith.constant 0 : i32
        %dma_start3A_231 = tpu.memref_slice %arg7[%add3A_145, %dma_start3A_230] : memref<250x80xi32, #tpu.memory_space<vmem>> -> memref<1x80xi32, #tpu.memory_space<vmem>>
        %dma_start3A_232 = tpu.memref_squeeze %dma_start3A_231 : memref<1x80xi32, #tpu.memory_space<vmem>> -> memref<80xi32, #tpu.memory_space<vmem>>
        %dma_start3A_233 = arith.constant 0 : i32
        %dma_start3A_234 = arith.constant 0 : i32
        %dma_start3A_235 = tpu.memref_slice %arg10[%dma_start3A_233, %dma_start3A_234] : memref<12800x64xf32, #tpu.memory_space<vmem_shared>> -> memref<12800x64xf32, #tpu.memory_space<vmem_shared>>
        tpu.enqueue_indirect_dma source(%dma_start3A_229 : memref<80x64xf32, #tpu.memory_space<vmem>>) target(%dma_start3A_235 : memref<12800x64xf32, #tpu.memory_space<vmem_shared>>) offsets(%dma_start3A_232 : memref<80xi32, #tpu.memory_space<vmem>>) semaphore(%run_scoped3A_225 : memref<!tpu.dma_semaphore, #tpu.memory_space<semaphore_mem>>) {add = true}
        %dma_wait3A_236 = arith.constant 0 : i32
        %dma_wait3A_237 = arith.constant 0 : i32
        %dma_wait3A_238 = tpu.memref_slice %arg8[%run_scoped3A_170, %dma_wait3A_236, %dma_wait3A_237] : memref<5x80x64xf32, #tpu.memory_space<vmem>> -> memref<1x80x64xf32, #tpu.memory_space<vmem>>
        %dma_wait3A_239 = tpu.memref_squeeze %dma_wait3A_238 : memref<1x80x64xf32, #tpu.memory_space<vmem>> -> memref<80x64xf32, #tpu.memory_space<vmem>>
        %dma_wait3A_240 = arith.constant 0 : i32
        %dma_wait3A_241 = tpu.memref_slice %arg7[%add3A_145, %dma_wait3A_240] : memref<250x80xi32, #tpu.memory_space<vmem>> -> memref<1x80xi32, #tpu.memory_space<vmem>>
        %dma_wait3A_242 = tpu.memref_squeeze %dma_wait3A_241 : memref<1x80xi32, #tpu.memory_space<vmem>> -> memref<80xi32, #tpu.memory_space<vmem>>
        %dma_wait3A_243 = arith.constant 0 : i32
        %dma_wait3A_244 = arith.constant 0 : i32
        %dma_wait3A_245 = tpu.memref_slice %arg10[%dma_wait3A_243, %dma_wait3A_244] : memref<12800x64xf32, #tpu.memory_space<vmem_shared>> -> memref<12800x64xf32, #tpu.memory_space<vmem_shared>>
        tpu.wait_indirect_dma semaphore(%run_scoped3A_225 : memref<!tpu.dma_semaphore, #tpu.memory_space<semaphore_mem>>) src(%dma_wait3A_239 : memref<80x64xf32, #tpu.memory_space<vmem>>) dst(%dma_wait3A_245 : memref<12800x64xf32, #tpu.memory_space<vmem_shared>>)
        tpu.yield
      }) : () -> ()
      %add3A_171 = arith.constant 3 : i32
      %add3A_172 = arith.addi %mul3A_95, %add3A_171 : i32
      %add3A_173 = arith.constant 5 : i32
      %add3A_174 = arith.addi %add3A_172, %add3A_173 : i32
      %sub3A_175 = arith.constant 1 : i32
      %sub3A_176 = arith.subi %add3A_174, %sub3A_175 : i32
      %lt3A_177 = arith.constant 250 : i32
      %lt3A_178 = arith.cmpi slt, %sub3A_176, %lt3A_177 : i32
      %convert_element_type3A_179 = arith.extui %lt3A_178 : i1 to i32
      %cond3A_180 = arith.constant 0 : i32
      %cond3A_181 = arith.cmpi ne, %convert_element_type3A_179, %cond3A_180 : i32
      scf.if %cond3A_181 {
        %dma_start3A_225 = arith.constant 2 : i32
        %dma_start3A_226 = arith.constant 0 : i32
        %dma_start3A_227 = arith.constant 0 : i32
        %dma_start3A_228 = tpu.memref_slice %arg8[%dma_start3A_225, %dma_start3A_226, %dma_start3A_227] : memref<5x80x64xf32, #tpu.memory_space<vmem>> -> memref<1x80x64xf32, #tpu.memory_space<vmem>>
        %dma_start3A_229 = tpu.memref_squeeze %dma_start3A_228 : memref<1x80x64xf32, #tpu.memory_space<vmem>> -> memref<80x64xf32, #tpu.memory_space<vmem>>
        %dma_start3A_230 = arith.constant 0 : i32
        %dma_start3A_231 = tpu.memref_slice %arg6[%sub3A_176, %dma_start3A_230] : memref<250x80xi32, #tpu.memory_space<vmem>> -> memref<1x80xi32, #tpu.memory_space<vmem>>
        %dma_start3A_232 = tpu.memref_squeeze %dma_start3A_231 : memref<1x80xi32, #tpu.memory_space<vmem>> -> memref<80xi32, #tpu.memory_space<vmem>>
        %dma_start3A_233 = arith.constant 0 : i32
        %dma_start3A_234 = arith.constant 0 : i32
        %dma_start3A_235 = tpu.memref_slice %arg4[%arg0, %dma_start3A_233, %dma_start3A_234] : memref<2x40000x64xf32, #tpu.memory_space<hbm>> -> memref<1x40000x64xf32, #tpu.memory_space<hbm>>
        %dma_start3A_236 = tpu.memref_squeeze %dma_start3A_235 : memref<1x40000x64xf32, #tpu.memory_space<hbm>> -> memref<40000x64xf32, #tpu.memory_space<hbm>>
        %dma_start3A_237 = arith.constant 0 : i32
        %dma_start3A_238 = arith.constant 0 : i32
        %dma_start3A_239 = tpu.memref_slice %dma_start3A_236[%dma_start3A_237, %dma_start3A_238] : memref<40000x64xf32, #tpu.memory_space<hbm>> -> memref<40000x64xf32, #tpu.memory_space<hbm>>
        tpu.enqueue_indirect_dma source(%dma_start3A_239 : memref<40000x64xf32, #tpu.memory_space<hbm>>) target(%dma_start3A_229 : memref<80x64xf32, #tpu.memory_space<vmem>>) offsets(%dma_start3A_232 : memref<80xi32, #tpu.memory_space<vmem>>) semaphore(%arg13 : memref<!tpu.dma_semaphore, #tpu.memory_space<semaphore_mem>>)
      } else {
      }
      %dma_wait3A_182 = arith.constant 3 : i32
      %dma_wait3A_183 = arith.constant 0 : i32
      %dma_wait3A_184 = arith.constant 0 : i32
      %dma_wait3A_185 = tpu.memref_slice %arg8[%dma_wait3A_182, %dma_wait3A_183, %dma_wait3A_184] : memref<5x80x64xf32, #tpu.memory_space<vmem>> -> memref<1x80x64xf32, #tpu.memory_space<vmem>>
      %dma_wait3A_186 = tpu.memref_squeeze %dma_wait3A_185 : memref<1x80x64xf32, #tpu.memory_space<vmem>> -> memref<80x64xf32, #tpu.memory_space<vmem>>
      %dma_wait3A_187 = arith.constant 0 : i32
      %dma_wait3A_188 = tpu.memref_slice %arg6[%add3A_172, %dma_wait3A_187] : memref<250x80xi32, #tpu.memory_space<vmem>> -> memref<1x80xi32, #tpu.memory_space<vmem>>
      %dma_wait3A_189 = tpu.memref_squeeze %dma_wait3A_188 : memref<1x80xi32, #tpu.memory_space<vmem>> -> memref<80xi32, #tpu.memory_space<vmem>>
      %dma_wait3A_190 = arith.constant 0 : i32
      %dma_wait3A_191 = arith.constant 0 : i32
      %dma_wait3A_192 = tpu.memref_slice %arg4[%arg0, %dma_wait3A_190, %dma_wait3A_191] : memref<2x40000x64xf32, #tpu.memory_space<hbm>> -> memref<1x40000x64xf32, #tpu.memory_space<hbm>>
      %dma_wait3A_193 = tpu.memref_squeeze %dma_wait3A_192 : memref<1x40000x64xf32, #tpu.memory_space<hbm>> -> memref<40000x64xf32, #tpu.memory_space<hbm>>
      %dma_wait3A_194 = arith.constant 0 : i32
      %dma_wait3A_195 = arith.constant 0 : i32
      %dma_wait3A_196 = tpu.memref_slice %dma_wait3A_193[%dma_wait3A_194, %dma_wait3A_195] : memref<40000x64xf32, #tpu.memory_space<hbm>> -> memref<40000x64xf32, #tpu.memory_space<hbm>>
      tpu.wait_indirect_dma semaphore(%arg14 : memref<!tpu.dma_semaphore, #tpu.memory_space<semaphore_mem>>) src(%dma_wait3A_196 : memref<40000x64xf32, #tpu.memory_space<hbm>>) dst(%dma_wait3A_186 : memref<80x64xf32, #tpu.memory_space<vmem>>)
      %run_scoped3A_197 = arith.constant 3 : i32
      "tpu.region"() ({
        %run_scoped3A_225 = tpu.sem_alloc : memref<!tpu.dma_semaphore, #tpu.memory_space<semaphore_mem>>
        %dma_start3A_226 = arith.constant 0 : i32
        %dma_start3A_227 = arith.constant 0 : i32
        %dma_start3A_228 = tpu.memref_slice %arg8[%run_scoped3A_197, %dma_start3A_226, %dma_start3A_227] : memref<5x80x64xf32, #tpu.memory_space<vmem>> -> memref<1x80x64xf32, #tpu.memory_space<vmem>>
        %dma_start3A_229 = tpu.memref_squeeze %dma_start3A_228 : memref<1x80x64xf32, #tpu.memory_space<vmem>> -> memref<80x64xf32, #tpu.memory_space<vmem>>
        %dma_start3A_230 = arith.constant 0 : i32
        %dma_start3A_231 = tpu.memref_slice %arg7[%add3A_172, %dma_start3A_230] : memref<250x80xi32, #tpu.memory_space<vmem>> -> memref<1x80xi32, #tpu.memory_space<vmem>>
        %dma_start3A_232 = tpu.memref_squeeze %dma_start3A_231 : memref<1x80xi32, #tpu.memory_space<vmem>> -> memref<80xi32, #tpu.memory_space<vmem>>
        %dma_start3A_233 = arith.constant 0 : i32
        %dma_start3A_234 = arith.constant 0 : i32
        %dma_start3A_235 = tpu.memref_slice %arg10[%dma_start3A_233, %dma_start3A_234] : memref<12800x64xf32, #tpu.memory_space<vmem_shared>> -> memref<12800x64xf32, #tpu.memory_space<vmem_shared>>
        tpu.enqueue_indirect_dma source(%dma_start3A_229 : memref<80x64xf32, #tpu.memory_space<vmem>>) target(%dma_start3A_235 : memref<12800x64xf32, #tpu.memory_space<vmem_shared>>) offsets(%dma_start3A_232 : memref<80xi32, #tpu.memory_space<vmem>>) semaphore(%run_scoped3A_225 : memref<!tpu.dma_semaphore, #tpu.memory_space<semaphore_mem>>) {add = true}
        %dma_wait3A_236 = arith.constant 0 : i32
        %dma_wait3A_237 = arith.constant 0 : i32
        %dma_wait3A_238 = tpu.memref_slice %arg8[%run_scoped3A_197, %dma_wait3A_236, %dma_wait3A_237] : memref<5x80x64xf32, #tpu.memory_space<vmem>> -> memref<1x80x64xf32, #tpu.memory_space<vmem>>
        %dma_wait3A_239 = tpu.memref_squeeze %dma_wait3A_238 : memref<1x80x64xf32, #tpu.memory_space<vmem>> -> memref<80x64xf32, #tpu.memory_space<vmem>>
        %dma_wait3A_240 = arith.constant 0 : i32
        %dma_wait3A_241 = tpu.memref_slice %arg7[%add3A_172, %dma_wait3A_240] : memref<250x80xi32, #tpu.memory_space<vmem>> -> memref<1x80xi32, #tpu.memory_space<vmem>>
        %dma_wait3A_242 = tpu.memref_squeeze %dma_wait3A_241 : memref<1x80xi32, #tpu.memory_space<vmem>> -> memref<80xi32, #tpu.memory_space<vmem>>
        %dma_wait3A_243 = arith.constant 0 : i32
        %dma_wait3A_244 = arith.constant 0 : i32
        %dma_wait3A_245 = tpu.memref_slice %arg10[%dma_wait3A_243, %dma_wait3A_244] : memref<12800x64xf32, #tpu.memory_space<vmem_shared>> -> memref<12800x64xf32, #tpu.memory_space<vmem_shared>>
        tpu.wait_indirect_dma semaphore(%run_scoped3A_225 : memref<!tpu.dma_semaphore, #tpu.memory_space<semaphore_mem>>) src(%dma_wait3A_239 : memref<80x64xf32, #tpu.memory_space<vmem>>) dst(%dma_wait3A_245 : memref<12800x64xf32, #tpu.memory_space<vmem_shared>>)
        tpu.yield
      }) : () -> ()
      %add3A_198 = arith.constant 4 : i32
      %add3A_199 = arith.addi %mul3A_95, %add3A_198 : i32
      %add3A_200 = arith.constant 5 : i32
      %add3A_201 = arith.addi %add3A_199, %add3A_200 : i32
      %sub3A_202 = arith.constant 1 : i32
      %sub3A_203 = arith.subi %add3A_201, %sub3A_202 : i32
      %lt3A_204 = arith.constant 250 : i32
      %lt3A_205 = arith.cmpi slt, %sub3A_203, %lt3A_204 : i32
      %convert_element_type3A_206 = arith.extui %lt3A_205 : i1 to i32
      %cond3A_207 = arith.constant 0 : i32
      %cond3A_208 = arith.cmpi ne, %convert_element_type3A_206, %cond3A_207 : i32
      scf.if %cond3A_208 {
        %dma_start3A_225 = arith.constant 3 : i32
        %dma_start3A_226 = arith.constant 0 : i32
        %dma_start3A_227 = arith.constant 0 : i32
        %dma_start3A_228 = tpu.memref_slice %arg8[%dma_start3A_225, %dma_start3A_226, %dma_start3A_227] : memref<5x80x64xf32, #tpu.memory_space<vmem>> -> memref<1x80x64xf32, #tpu.memory_space<vmem>>
        %dma_start3A_229 = tpu.memref_squeeze %dma_start3A_228 : memref<1x80x64xf32, #tpu.memory_space<vmem>> -> memref<80x64xf32, #tpu.memory_space<vmem>>
        %dma_start3A_230 = arith.constant 0 : i32
        %dma_start3A_231 = tpu.memref_slice %arg6[%sub3A_203, %dma_start3A_230] : memref<250x80xi32, #tpu.memory_space<vmem>> -> memref<1x80xi32, #tpu.memory_space<vmem>>
        %dma_start3A_232 = tpu.memref_squeeze %dma_start3A_231 : memref<1x80xi32, #tpu.memory_space<vmem>> -> memref<80xi32, #tpu.memory_space<vmem>>
        %dma_start3A_233 = arith.constant 0 : i32
        %dma_start3A_234 = arith.constant 0 : i32
        %dma_start3A_235 = tpu.memref_slice %arg4[%arg0, %dma_start3A_233, %dma_start3A_234] : memref<2x40000x64xf32, #tpu.memory_space<hbm>> -> memref<1x40000x64xf32, #tpu.memory_space<hbm>>
        %dma_start3A_236 = tpu.memref_squeeze %dma_start3A_235 : memref<1x40000x64xf32, #tpu.memory_space<hbm>> -> memref<40000x64xf32, #tpu.memory_space<hbm>>
        %dma_start3A_237 = arith.constant 0 : i32
        %dma_start3A_238 = arith.constant 0 : i32
        %dma_start3A_239 = tpu.memref_slice %dma_start3A_236[%dma_start3A_237, %dma_start3A_238] : memref<40000x64xf32, #tpu.memory_space<hbm>> -> memref<40000x64xf32, #tpu.memory_space<hbm>>
        tpu.enqueue_indirect_dma source(%dma_start3A_239 : memref<40000x64xf32, #tpu.memory_space<hbm>>) target(%dma_start3A_229 : memref<80x64xf32, #tpu.memory_space<vmem>>) offsets(%dma_start3A_232 : memref<80xi32, #tpu.memory_space<vmem>>) semaphore(%arg14 : memref<!tpu.dma_semaphore, #tpu.memory_space<semaphore_mem>>)
      } else {
      }
      %dma_wait3A_209 = arith.constant 4 : i32
      %dma_wait3A_210 = arith.constant 0 : i32
      %dma_wait3A_211 = arith.constant 0 : i32
      %dma_wait3A_212 = tpu.memref_slice %arg8[%dma_wait3A_209, %dma_wait3A_210, %dma_wait3A_211] : memref<5x80x64xf32, #tpu.memory_space<vmem>> -> memref<1x80x64xf32, #tpu.memory_space<vmem>>
      %dma_wait3A_213 = tpu.memref_squeeze %dma_wait3A_212 : memref<1x80x64xf32, #tpu.memory_space<vmem>> -> memref<80x64xf32, #tpu.memory_space<vmem>>
      %dma_wait3A_214 = arith.constant 0 : i32
      %dma_wait3A_215 = tpu.memref_slice %arg6[%add3A_199, %dma_wait3A_214] : memref<250x80xi32, #tpu.memory_space<vmem>> -> memref<1x80xi32, #tpu.memory_space<vmem>>
      %dma_wait3A_216 = tpu.memref_squeeze %dma_wait3A_215 : memref<1x80xi32, #tpu.memory_space<vmem>> -> memref<80xi32, #tpu.memory_space<vmem>>
      %dma_wait3A_217 = arith.constant 0 : i32
      %dma_wait3A_218 = arith.constant 0 : i32
      %dma_wait3A_219 = tpu.memref_slice %arg4[%arg0, %dma_wait3A_217, %dma_wait3A_218] : memref<2x40000x64xf32, #tpu.memory_space<hbm>> -> memref<1x40000x64xf32, #tpu.memory_space<hbm>>
      %dma_wait3A_220 = tpu.memref_squeeze %dma_wait3A_219 : memref<1x40000x64xf32, #tpu.memory_space<hbm>> -> memref<40000x64xf32, #tpu.memory_space<hbm>>
      %dma_wait3A_221 = arith.constant 0 : i32
      %dma_wait3A_222 = arith.constant 0 : i32
      %dma_wait3A_223 = tpu.memref_slice %dma_wait3A_220[%dma_wait3A_221, %dma_wait3A_222] : memref<40000x64xf32, #tpu.memory_space<hbm>> -> memref<40000x64xf32, #tpu.memory_space<hbm>>
      tpu.wait_indirect_dma semaphore(%arg15 : memref<!tpu.dma_semaphore, #tpu.memory_space<semaphore_mem>>) src(%dma_wait3A_223 : memref<40000x64xf32, #tpu.memory_space<hbm>>) dst(%dma_wait3A_213 : memref<80x64xf32, #tpu.memory_space<vmem>>)
      %run_scoped3A_224 = arith.constant 4 : i32
      "tpu.region"() ({
        %run_scoped3A_225 = tpu.sem_alloc : memref<!tpu.dma_semaphore, #tpu.memory_space<semaphore_mem>>
        %dma_start3A_226 = arith.constant 0 : i32
        %dma_start3A_227 = arith.constant 0 : i32
        %dma_start3A_228 = tpu.memref_slice %arg8[%run_scoped3A_224, %dma_start3A_226, %dma_start3A_227] : memref<5x80x64xf32, #tpu.memory_space<vmem>> -> memref<1x80x64xf32, #tpu.memory_space<vmem>>
        %dma_start3A_229 = tpu.memref_squeeze %dma_start3A_228 : memref<1x80x64xf32, #tpu.memory_space<vmem>> -> memref<80x64xf32, #tpu.memory_space<vmem>>
        %dma_start3A_230 = arith.constant 0 : i32
        %dma_start3A_231 = tpu.memref_slice %arg7[%add3A_199, %dma_start3A_230] : memref<250x80xi32, #tpu.memory_space<vmem>> -> memref<1x80xi32, #tpu.memory_space<vmem>>
        %dma_start3A_232 = tpu.memref_squeeze %dma_start3A_231 : memref<1x80xi32, #tpu.memory_space<vmem>> -> memref<80xi32, #tpu.memory_space<vmem>>
        %dma_start3A_233 = arith.constant 0 : i32
        %dma_start3A_234 = arith.constant 0 : i32
        %dma_start3A_235 = tpu.memref_slice %arg10[%dma_start3A_233, %dma_start3A_234] : memref<12800x64xf32, #tpu.memory_space<vmem_shared>> -> memref<12800x64xf32, #tpu.memory_space<vmem_shared>>
        tpu.enqueue_indirect_dma source(%dma_start3A_229 : memref<80x64xf32, #tpu.memory_space<vmem>>) target(%dma_start3A_235 : memref<12800x64xf32, #tpu.memory_space<vmem_shared>>) offsets(%dma_start3A_232 : memref<80xi32, #tpu.memory_space<vmem>>) semaphore(%run_scoped3A_225 : memref<!tpu.dma_semaphore, #tpu.memory_space<semaphore_mem>>) {add = true}
        %dma_wait3A_236 = arith.constant 0 : i32
        %dma_wait3A_237 = arith.constant 0 : i32
        %dma_wait3A_238 = tpu.memref_slice %arg8[%run_scoped3A_224, %dma_wait3A_236, %dma_wait3A_237] : memref<5x80x64xf32, #tpu.memory_space<vmem>> -> memref<1x80x64xf32, #tpu.memory_space<vmem>>
        %dma_wait3A_239 = tpu.memref_squeeze %dma_wait3A_238 : memref<1x80x64xf32, #tpu.memory_space<vmem>> -> memref<80x64xf32, #tpu.memory_space<vmem>>
        %dma_wait3A_240 = arith.constant 0 : i32
        %dma_wait3A_241 = tpu.memref_slice %arg7[%add3A_199, %dma_wait3A_240] : memref<250x80xi32, #tpu.memory_space<vmem>> -> memref<1x80xi32, #tpu.memory_space<vmem>>
        %dma_wait3A_242 = tpu.memref_squeeze %dma_wait3A_241 : memref<1x80xi32, #tpu.memory_space<vmem>> -> memref<80xi32, #tpu.memory_space<vmem>>
        %dma_wait3A_243 = arith.constant 0 : i32
        %dma_wait3A_244 = arith.constant 0 : i32
        %dma_wait3A_245 = tpu.memref_slice %arg10[%dma_wait3A_243, %dma_wait3A_244] : memref<12800x64xf32, #tpu.memory_space<vmem_shared>> -> memref<12800x64xf32, #tpu.memory_space<vmem_shared>>
        tpu.wait_indirect_dma semaphore(%run_scoped3A_225 : memref<!tpu.dma_semaphore, #tpu.memory_space<semaphore_mem>>) src(%dma_wait3A_239 : memref<80x64xf32, #tpu.memory_space<vmem>>) dst(%dma_wait3A_245 : memref<12800x64xf32, #tpu.memory_space<vmem_shared>>)
        tpu.yield
      }) : () -> ()
    }
    %scan3A_87 = arith.constant 50 : i32
    %barrier3A_88 = arith.constant 0 : index
    tpu.barrier barrier_id(%barrier3A_88)
    %mul3A_89 = arith.constant 640 : i32
    %mul3A_90 = arith.muli %arg1, %mul3A_89 : i32
    %mul3A_91 = arith.constant 640 : i32
    %mul3A_92 = arith.muli %arg1, %mul3A_91 : i32
    "tpu.region"() ({
      %run_scoped3A = tpu.sem_alloc : memref<!tpu.dma_semaphore, #tpu.memory_space<semaphore_mem>>
      %dma_start3A_93 = arith.constant 0 : i32
      %dma_start3A_94 = tpu.memref_slice %arg5[%arg0, %mul3A_92, %dma_start3A_93] : memref<2x12800x64xf32, #tpu.memory_space<hbm>> -> memref<1x640x64xf32, #tpu.memory_space<hbm>>
      %dma_start3A_95 = tpu.memref_squeeze %dma_start3A_94 : memref<1x640x64xf32, #tpu.memory_space<hbm>> -> memref<640x64xf32, #tpu.memory_space<hbm>>
      %dma_start3A_96 = arith.constant 0 : i32
      %dma_start3A_97 = tpu.memref_slice %arg10[%mul3A_90, %dma_start3A_96] : memref<12800x64xf32, #tpu.memory_space<vmem_shared>> -> memref<640x64xf32, #tpu.memory_space<vmem_shared>>
      tpu.enqueue_dma source(%dma_start3A_97 : memref<640x64xf32, #tpu.memory_space<vmem_shared>>) target(%dma_start3A_95 : memref<640x64xf32, #tpu.memory_space<hbm>>) target_semaphore(%run_scoped3A : memref<!tpu.dma_semaphore, #tpu.memory_space<semaphore_mem>>)
      %dma_wait3A = arith.constant 0 : i32
      %dma_wait3A_98 = tpu.memref_slice %arg5[%arg0, %mul3A_92, %dma_wait3A] : memref<2x12800x64xf32, #tpu.memory_space<hbm>> -> memref<1x640x64xf32, #tpu.memory_space<hbm>>
      %dma_wait3A_99 = tpu.memref_squeeze %dma_wait3A_98 : memref<1x640x64xf32, #tpu.memory_space<hbm>> -> memref<640x64xf32, #tpu.memory_space<hbm>>
      %dma_wait3A_100 = arith.constant 0 : i32
      %dma_wait3A_101 = tpu.memref_slice %arg10[%mul3A_90, %dma_wait3A_100] : memref<12800x64xf32, #tpu.memory_space<vmem_shared>> -> memref<640x64xf32, #tpu.memory_space<vmem_shared>>
      tpu.wait_dma2 semaphore(%run_scoped3A : memref<!tpu.dma_semaphore, #tpu.memory_space<semaphore_mem>>) src(%dma_wait3A_101 : memref<640x64xf32, #tpu.memory_space<vmem_shared>>) dst(%dma_wait3A_99 : memref<640x64xf32, #tpu.memory_space<hbm>>)
      tpu.yield
    }) : () -> ()
    return
  }
}

#map = affine_map<(d0, d1) -> (0, 0, 0)>
module attributes {stable_mosaic.version = 14 : i64} {
  func.func @_seg_sum(%arg0: i32, %arg1: i32, %arg2: memref<16x250x80xi32, #tpu.memory_space<hbm>>, %arg3: memref<16x250x80xi32, #tpu.memory_space<hbm>>, %arg4: memref<2x40000x64xf32, #tpu.memory_space<hbm>>, %arg5: memref<2x12800x64xf32, #tpu.memory_space<hbm>>, %arg6: memref<250x80xi32, #tpu.memory_space<vmem>>, %arg7: memref<250x80xi32, #tpu.memory_space<vmem>>, %arg8: memref<5x80x64xf32, #tpu.memory_space<vmem>>, %arg9: memref<160x64xf32, #tpu.memory_space<vmem>>, %arg10: memref<12800x64xf32, #tpu.memory_space<vmem_shared>>, %arg11: memref<!tpu.dma_semaphore, #tpu.memory_space<semaphore_mem>>, %arg12: memref<!tpu.dma_semaphore, #tpu.memory_space<semaphore_mem>>, %arg13: memref<!tpu.dma_semaphore, #tpu.memory_space<semaphore_mem>>, %arg14: memref<!tpu.dma_semaphore, #tpu.memory_space<semaphore_mem>>, %arg15: memref<!tpu.dma_semaphore, #tpu.memory_space<semaphore_mem>>) attributes {dimension_semantics = [#tpu.dimension_semantics<core_parallel>, #tpu.dimension_semantics<subcore_parallel>], iteration_bounds = array<i64: 2, 16>, scalar_prefetch = 0 : i64, scratch_operands = 10 : i64, tpu.core_type = #tpu.core_type<sc_vector_subcore>, window_params = [{transform_indices = #map}, {transform_indices = #map}, {transform_indices = #map}, {transform_indices = #map}]} {
    "tpu.region"() ({
      %run_scoped3A = tpu.sem_alloc : memref<!tpu.dma_semaphore, #tpu.memory_space<semaphore_mem>>
      %dma_start3A_93 = arith.constant 0 : i32
      %dma_start3A_94 = arith.constant 0 : i32
      %dma_start3A_95 = tpu.memref_slice %arg2[%arg1, %dma_start3A_93, %dma_start3A_94] : memref<16x250x80xi32, #tpu.memory_space<hbm>> -> memref<1x250x80xi32, #tpu.memory_space<hbm>>
      %dma_start3A_96 = tpu.memref_squeeze %dma_start3A_95 : memref<1x250x80xi32, #tpu.memory_space<hbm>> -> memref<250x80xi32, #tpu.memory_space<hbm>>
      %dma_start3A_97 = arith.constant 0 : i32
      %dma_start3A_98 = arith.constant 0 : i32
      %dma_start3A_99 = tpu.memref_slice %arg2[%arg1, %dma_start3A_97, %dma_start3A_98] : memref<16x250x80xi32, #tpu.memory_space<hbm>> -> memref<1x250x80xi32, #tpu.memory_space<hbm>>
      %dma_start3A_100 = tpu.memref_squeeze %dma_start3A_99 : memref<1x250x80xi32, #tpu.memory_space<hbm>> -> memref<250x80xi32, #tpu.memory_space<hbm>>
      tpu.enqueue_dma source(%dma_start3A_100 : memref<250x80xi32, #tpu.memory_space<hbm>>) target(%arg6 : memref<250x80xi32, #tpu.memory_space<vmem>>) target_semaphore(%run_scoped3A : memref<!tpu.dma_semaphore, #tpu.memory_space<semaphore_mem>>)
      %dma_wait3A = arith.constant 0 : i32
      %dma_wait3A_101 = arith.constant 0 : i32
      %dma_wait3A_102 = tpu.memref_slice %arg2[%arg1, %dma_wait3A, %dma_wait3A_101] : memref<16x250x80xi32, #tpu.memory_space<hbm>> -> memref<1x250x80xi32, #tpu.memory_space<hbm>>
      %dma_wait3A_103 = tpu.memref_squeeze %dma_wait3A_102 : memref<1x250x80xi32, #tpu.memory_space<hbm>> -> memref<250x80xi32, #tpu.memory_space<hbm>>
      %dma_wait3A_104 = arith.constant 0 : i32
      %dma_wait3A_105 = arith.constant 0 : i32
      %dma_wait3A_106 = tpu.memref_slice %arg2[%arg1, %dma_wait3A_104, %dma_wait3A_105] : memref<16x250x80xi32, #tpu.memory_space<hbm>> -> memref<1x250x80xi32, #tpu.memory_space<hbm>>
      %dma_wait3A_107 = tpu.memref_squeeze %dma_wait3A_106 : memref<1x250x80xi32, #tpu.memory_space<hbm>> -> memref<250x80xi32, #tpu.memory_space<hbm>>
      tpu.wait_dma2 semaphore(%run_scoped3A : memref<!tpu.dma_semaphore, #tpu.memory_space<semaphore_mem>>) src(%dma_wait3A_107 : memref<250x80xi32, #tpu.memory_space<hbm>>) dst(%arg6 : memref<250x80xi32, #tpu.memory_space<vmem>>)
      tpu.yield
    }) : () -> ()
    "tpu.region"() ({
      %run_scoped3A = tpu.sem_alloc : memref<!tpu.dma_semaphore, #tpu.memory_space<semaphore_mem>>
      %dma_start3A_93 = arith.constant 0 : i32
      %dma_start3A_94 = arith.constant 0 : i32
      %dma_start3A_95 = tpu.memref_slice %arg3[%arg1, %dma_start3A_93, %dma_start3A_94] : memref<16x250x80xi32, #tpu.memory_space<hbm>> -> memref<1x250x80xi32, #tpu.memory_space<hbm>>
      %dma_start3A_96 = tpu.memref_squeeze %dma_start3A_95 : memref<1x250x80xi32, #tpu.memory_space<hbm>> -> memref<250x80xi32, #tpu.memory_space<hbm>>
      %dma_start3A_97 = arith.constant 0 : i32
      %dma_start3A_98 = arith.constant 0 : i32
      %dma_start3A_99 = tpu.memref_slice %arg3[%arg1, %dma_start3A_97, %dma_start3A_98] : memref<16x250x80xi32, #tpu.memory_space<hbm>> -> memref<1x250x80xi32, #tpu.memory_space<hbm>>
      %dma_start3A_100 = tpu.memref_squeeze %dma_start3A_99 : memref<1x250x80xi32, #tpu.memory_space<hbm>> -> memref<250x80xi32, #tpu.memory_space<hbm>>
      tpu.enqueue_dma source(%dma_start3A_100 : memref<250x80xi32, #tpu.memory_space<hbm>>) target(%arg7 : memref<250x80xi32, #tpu.memory_space<vmem>>) target_semaphore(%run_scoped3A : memref<!tpu.dma_semaphore, #tpu.memory_space<semaphore_mem>>)
      %dma_wait3A = arith.constant 0 : i32
      %dma_wait3A_101 = arith.constant 0 : i32
      %dma_wait3A_102 = tpu.memref_slice %arg3[%arg1, %dma_wait3A, %dma_wait3A_101] : memref<16x250x80xi32, #tpu.memory_space<hbm>> -> memref<1x250x80xi32, #tpu.memory_space<hbm>>
      %dma_wait3A_103 = tpu.memref_squeeze %dma_wait3A_102 : memref<1x250x80xi32, #tpu.memory_space<hbm>> -> memref<250x80xi32, #tpu.memory_space<hbm>>
      %dma_wait3A_104 = arith.constant 0 : i32
      %dma_wait3A_105 = arith.constant 0 : i32
      %dma_wait3A_106 = tpu.memref_slice %arg3[%arg1, %dma_wait3A_104, %dma_wait3A_105] : memref<16x250x80xi32, #tpu.memory_space<hbm>> -> memref<1x250x80xi32, #tpu.memory_space<hbm>>
      %dma_wait3A_107 = tpu.memref_squeeze %dma_wait3A_106 : memref<1x250x80xi32, #tpu.memory_space<hbm>> -> memref<250x80xi32, #tpu.memory_space<hbm>>
      tpu.wait_dma2 semaphore(%run_scoped3A : memref<!tpu.dma_semaphore, #tpu.memory_space<semaphore_mem>>) src(%dma_wait3A_107 : memref<250x80xi32, #tpu.memory_space<hbm>>) dst(%arg7 : memref<250x80xi32, #tpu.memory_space<vmem>>)
      tpu.yield
    }) : () -> ()
    %dma_start3A = arith.constant 0 : i32
    %dma_start3A_0 = arith.constant 0 : i32
    %dma_start3A_1 = arith.constant 0 : i32
    %dma_start3A_2 = arith.constant 0 : i32
    %dma_start3A_3 = tpu.memref_slice %arg8[%dma_start3A_0, %dma_start3A_1, %dma_start3A_2] : memref<5x80x64xf32, #tpu.memory_space<vmem>> -> memref<1x80x64xf32, #tpu.memory_space<vmem>>
    %dma_start3A_4 = tpu.memref_squeeze %dma_start3A_3 : memref<1x80x64xf32, #tpu.memory_space<vmem>> -> memref<80x64xf32, #tpu.memory_space<vmem>>
    %dma_start3A_5 = arith.constant 0 : i32
    %dma_start3A_6 = tpu.memref_slice %arg6[%dma_start3A, %dma_start3A_5] : memref<250x80xi32, #tpu.memory_space<vmem>> -> memref<1x80xi32, #tpu.memory_space<vmem>>
    %dma_start3A_7 = tpu.memref_squeeze %dma_start3A_6 : memref<1x80xi32, #tpu.memory_space<vmem>> -> memref<80xi32, #tpu.memory_space<vmem>>
    %dma_start3A_8 = arith.constant 0 : i32
    %dma_start3A_9 = arith.constant 0 : i32
    %dma_start3A_10 = tpu.memref_slice %arg4[%arg0, %dma_start3A_8, %dma_start3A_9] : memref<2x40000x64xf32, #tpu.memory_space<hbm>> -> memref<1x40000x64xf32, #tpu.memory_space<hbm>>
    %dma_start3A_11 = tpu.memref_squeeze %dma_start3A_10 : memref<1x40000x64xf32, #tpu.memory_space<hbm>> -> memref<40000x64xf32, #tpu.memory_space<hbm>>
    %dma_start3A_12 = arith.constant 0 : i32
    %dma_start3A_13 = arith.constant 0 : i32
    %dma_start3A_14 = tpu.memref_slice %dma_start3A_11[%dma_start3A_12, %dma_start3A_13] : memref<40000x64xf32, #tpu.memory_space<hbm>> -> memref<40000x64xf32, #tpu.memory_space<hbm>>
    tpu.enqueue_indirect_dma source(%dma_start3A_14 : memref<40000x64xf32, #tpu.memory_space<hbm>>) target(%dma_start3A_4 : memref<80x64xf32, #tpu.memory_space<vmem>>) offsets(%dma_start3A_7 : memref<80xi32, #tpu.memory_space<vmem>>) semaphore(%arg11 : memref<!tpu.dma_semaphore, #tpu.memory_space<semaphore_mem>>)
    %dma_start3A_15 = arith.constant 1 : i32
    %dma_start3A_16 = arith.constant 1 : i32
    %dma_start3A_17 = arith.constant 0 : i32
    %dma_start3A_18 = arith.constant 0 : i32
    %dma_start3A_19 = tpu.memref_slice %arg8[%dma_start3A_16, %dma_start3A_17, %dma_start3A_18] : memref<5x80x64xf32, #tpu.memory_space<vmem>> -> memref<1x80x64xf32, #tpu.memory_space<vmem>>
    %dma_start3A_20 = tpu.memref_squeeze %dma_start3A_19 : memref<1x80x64xf32, #tpu.memory_space<vmem>> -> memref<80x64xf32, #tpu.memory_space<vmem>>
    %dma_start3A_21 = arith.constant 0 : i32
    %dma_start3A_22 = tpu.memref_slice %arg6[%dma_start3A_15, %dma_start3A_21] : memref<250x80xi32, #tpu.memory_space<vmem>> -> memref<1x80xi32, #tpu.memory_space<vmem>>
    %dma_start3A_23 = tpu.memref_squeeze %dma_start3A_22 : memref<1x80xi32, #tpu.memory_space<vmem>> -> memref<80xi32, #tpu.memory_space<vmem>>
    %dma_start3A_24 = arith.constant 0 : i32
    %dma_start3A_25 = arith.constant 0 : i32
    %dma_start3A_26 = tpu.memref_slice %arg4[%arg0, %dma_start3A_24, %dma_start3A_25] : memref<2x40000x64xf32, #tpu.memory_space<hbm>> -> memref<1x40000x64xf32, #tpu.memory_space<hbm>>
    %dma_start3A_27 = tpu.memref_squeeze %dma_start3A_26 : memref<1x40000x64xf32, #tpu.memory_space<hbm>> -> memref<40000x64xf32, #tpu.memory_space<hbm>>
    %dma_start3A_28 = arith.constant 0 : i32
    %dma_start3A_29 = arith.constant 0 : i32
    %dma_start3A_30 = tpu.memref_slice %dma_start3A_27[%dma_start3A_28, %dma_start3A_29] : memref<40000x64xf32, #tpu.memory_space<hbm>> -> memref<40000x64xf32, #tpu.memory_space<hbm>>
    tpu.enqueue_indirect_dma source(%dma_start3A_30 : memref<40000x64xf32, #tpu.memory_space<hbm>>) target(%dma_start3A_20 : memref<80x64xf32, #tpu.memory_space<vmem>>) offsets(%dma_start3A_23 : memref<80xi32, #tpu.memory_space<vmem>>) semaphore(%arg12 : memref<!tpu.dma_semaphore, #tpu.memory_space<semaphore_mem>>)
    %dma_start3A_31 = arith.constant 2 : i32
    %dma_start3A_32 = arith.constant 2 : i32
    %dma_start3A_33 = arith.constant 0 : i32
    %dma_start3A_34 = arith.constant 0 : i32
    %dma_start3A_35 = tpu.memref_slice %arg8[%dma_start3A_32, %dma_start3A_33, %dma_start3A_34] : memref<5x80x64xf32, #tpu.memory_space<vmem>> -> memref<1x80x64xf32, #tpu.memory_space<vmem>>
    %dma_start3A_36 = tpu.memref_squeeze %dma_start3A_35 : memref<1x80x64xf32, #tpu.memory_space<vmem>> -> memref<80x64xf32, #tpu.memory_space<vmem>>
    %dma_start3A_37 = arith.constant 0 : i32
    %dma_start3A_38 = tpu.memref_slice %arg6[%dma_start3A_31, %dma_start3A_37] : memref<250x80xi32, #tpu.memory_space<vmem>> -> memref<1x80xi32, #tpu.memory_space<vmem>>
    %dma_start3A_39 = tpu.memref_squeeze %dma_start3A_38 : memref<1x80xi32, #tpu.memory_space<vmem>> -> memref<80xi32, #tpu.memory_space<vmem>>
    %dma_start3A_40 = arith.constant 0 : i32
    %dma_start3A_41 = arith.constant 0 : i32
    %dma_start3A_42 = tpu.memref_slice %arg4[%arg0, %dma_start3A_40, %dma_start3A_41] : memref<2x40000x64xf32, #tpu.memory_space<hbm>> -> memref<1x40000x64xf32, #tpu.memory_space<hbm>>
    %dma_start3A_43 = tpu.memref_squeeze %dma_start3A_42 : memref<1x40000x64xf32, #tpu.memory_space<hbm>> -> memref<40000x64xf32, #tpu.memory_space<hbm>>
    %dma_start3A_44 = arith.constant 0 : i32
    %dma_start3A_45 = arith.constant 0 : i32
    %dma_start3A_46 = tpu.memref_slice %dma_start3A_43[%dma_start3A_44, %dma_start3A_45] : memref<40000x64xf32, #tpu.memory_space<hbm>> -> memref<40000x64xf32, #tpu.memory_space<hbm>>
    tpu.enqueue_indirect_dma source(%dma_start3A_46 : memref<40000x64xf32, #tpu.memory_space<hbm>>) target(%dma_start3A_36 : memref<80x64xf32, #tpu.memory_space<vmem>>) offsets(%dma_start3A_39 : memref<80xi32, #tpu.memory_space<vmem>>) semaphore(%arg13 : memref<!tpu.dma_semaphore, #tpu.memory_space<semaphore_mem>>)
    %dma_start3A_47 = arith.constant 3 : i32
    %dma_start3A_48 = arith.constant 3 : i32
    %dma_start3A_49 = arith.constant 0 : i32
    %dma_start3A_50 = arith.constant 0 : i32
    %dma_start3A_51 = tpu.memref_slice %arg8[%dma_start3A_48, %dma_start3A_49, %dma_start3A_50] : memref<5x80x64xf32, #tpu.memory_space<vmem>> -> memref<1x80x64xf32, #tpu.memory_space<vmem>>
    %dma_start3A_52 = tpu.memref_squeeze %dma_start3A_51 : memref<1x80x64xf32, #tpu.memory_space<vmem>> -> memref<80x64xf32, #tpu.memory_space<vmem>>
    %dma_start3A_53 = arith.constant 0 : i32
    %dma_start3A_54 = tpu.memref_slice %arg6[%dma_start3A_47, %dma_start3A_53] : memref<250x80xi32, #tpu.memory_space<vmem>> -> memref<1x80xi32, #tpu.memory_space<vmem>>
    %dma_start3A_55 = tpu.memref_squeeze %dma_start3A_54 : memref<1x80xi32, #tpu.memory_space<vmem>> -> memref<80xi32, #tpu.memory_space<vmem>>
    %dma_start3A_56 = arith.constant 0 : i32
    %dma_start3A_57 = arith.constant 0 : i32
    %dma_start3A_58 = tpu.memref_slice %arg4[%arg0, %dma_start3A_56, %dma_start3A_57] : memref<2x40000x64xf32, #tpu.memory_space<hbm>> -> memref<1x40000x64xf32, #tpu.memory_space<hbm>>
    %dma_start3A_59 = tpu.memref_squeeze %dma_start3A_58 : memref<1x40000x64xf32, #tpu.memory_space<hbm>> -> memref<40000x64xf32, #tpu.memory_space<hbm>>
    %dma_start3A_60 = arith.constant 0 : i32
    %dma_start3A_61 = arith.constant 0 : i32
    %dma_start3A_62 = tpu.memref_slice %dma_start3A_59[%dma_start3A_60, %dma_start3A_61] : memref<40000x64xf32, #tpu.memory_space<hbm>> -> memref<40000x64xf32, #tpu.memory_space<hbm>>
    tpu.enqueue_indirect_dma source(%dma_start3A_62 : memref<40000x64xf32, #tpu.memory_space<hbm>>) target(%dma_start3A_52 : memref<80x64xf32, #tpu.memory_space<vmem>>) offsets(%dma_start3A_55 : memref<80xi32, #tpu.memory_space<vmem>>) semaphore(%arg14 : memref<!tpu.dma_semaphore, #tpu.memory_space<semaphore_mem>>)
    %scan3A = arith.constant 0 : i32
    %scan3A_63 = arith.constant 0 : i32
    %scan3A_64 = arith.constant 160 : i32
    %scan3A_65 = arith.addi %scan3A_63, %scan3A_64 : i32
    %scan3A_66 = arith.constant 1 : i32
    scf.for %scan3A_93 = %scan3A_63 to %scan3A_65 step %scan3A_66  : i32 {
      %broadcast_in_dim3A = arith.constant 0.000000e+00 : f32
      %broadcast_in_dim3A_94 = vector.broadcast %broadcast_in_dim3A : f32 to vector<16xf32>
      %swap3A = arith.index_cast %scan3A_93 : i32 to index
      %swap3A_95 = arith.constant 0 : index
      %swap3A_96 = tpu.vector_load %arg9[%swap3A, %swap3A_95] {strides = array<i32>} : memref<160x64xf32, #tpu.memory_space<vmem>>, vector<1x16xf32>,
      %swap3A_97 = vector.shape_cast %swap3A_96 : vector<1x16xf32> to vector<16xf32>
      %swap3A_98 = vector.shape_cast %broadcast_in_dim3A_94 : vector<16xf32> to vector<1x16xf32>
      tpu.vector_store %arg9[%swap3A, %swap3A_95], %swap3A_98 {strides = array<i32>} : memref<160x64xf32, #tpu.memory_space<vmem>>, vector<1x16xf32>,
      %broadcast_in_dim3A_99 = arith.constant 0.000000e+00 : f32
      %broadcast_in_dim3A_100 = vector.broadcast %broadcast_in_dim3A_99 : f32 to vector<16xf32>
      %swap3A_101 = arith.index_cast %scan3A_93 : i32 to index
      %swap3A_102 = arith.constant 16 : index
      %swap3A_103 = tpu.vector_load %arg9[%swap3A_101, %swap3A_102] {strides = array<i32>} : memref<160x64xf32, #tpu.memory_space<vmem>>, vector<1x16xf32>,
      %swap3A_104 = vector.shape_cast %swap3A_103 : vector<1x16xf32> to vector<16xf32>
      %swap3A_105 = vector.shape_cast %broadcast_in_dim3A_100 : vector<16xf32> to vector<1x16xf32>
      tpu.vector_store %arg9[%swap3A_101, %swap3A_102], %swap3A_105 {strides = array<i32>} : memref<160x64xf32, #tpu.memory_space<vmem>>, vector<1x16xf32>,
      %broadcast_in_dim3A_106 = arith.constant 0.000000e+00 : f32
      %broadcast_in_dim3A_107 = vector.broadcast %broadcast_in_dim3A_106 : f32 to vector<16xf32>
      %swap3A_108 = arith.index_cast %scan3A_93 : i32 to index
      %swap3A_109 = arith.constant 32 : index
      %swap3A_110 = tpu.vector_load %arg9[%swap3A_108, %swap3A_109] {strides = array<i32>} : memref<160x64xf32, #tpu.memory_space<vmem>>, vector<1x16xf32>,
      %swap3A_111 = vector.shape_cast %swap3A_110 : vector<1x16xf32> to vector<16xf32>
      %swap3A_112 = vector.shape_cast %broadcast_in_dim3A_107 : vector<16xf32> to vector<1x16xf32>
      tpu.vector_store %arg9[%swap3A_108, %swap3A_109], %swap3A_112 {strides = array<i32>} : memref<160x64xf32, #tpu.memory_space<vmem>>, vector<1x16xf32>,
      %broadcast_in_dim3A_113 = arith.constant 0.000000e+00 : f32
      %broadcast_in_dim3A_114 = vector.broadcast %broadcast_in_dim3A_113 : f32 to vector<16xf32>
      %swap3A_115 = arith.index_cast %scan3A_93 : i32 to index
      %swap3A_116 = arith.constant 48 : index
      %swap3A_117 = tpu.vector_load %arg9[%swap3A_115, %swap3A_116] {strides = array<i32>} : memref<160x64xf32, #tpu.memory_space<vmem>>, vector<1x16xf32>,
      %swap3A_118 = vector.shape_cast %swap3A_117 : vector<1x16xf32> to vector<16xf32>
      %swap3A_119 = vector.shape_cast %broadcast_in_dim3A_114 : vector<16xf32> to vector<1x16xf32>
      tpu.vector_store %arg9[%swap3A_115, %swap3A_116], %swap3A_119 {strides = array<i32>} : memref<160x64xf32, #tpu.memory_space<vmem>>, vector<1x16xf32>,
    }
    %scan3A_67 = arith.constant 160 : i32
    %mul3A = arith.constant 640 : i32
    %mul3A_68 = arith.muli %arg1, %mul3A : i32
    %add3A = arith.constant 0 : i32
    %add3A_69 = arith.addi %mul3A_68, %add3A : i32
    "tpu.region"() ({
      %run_scoped3A = tpu.sem_alloc : memref<!tpu.dma_semaphore, #tpu.memory_space<semaphore_mem>>
      %dma_start3A_93 = arith.constant 0 : i32
      %dma_start3A_94 = tpu.memref_slice %arg10[%add3A_69, %dma_start3A_93] : memref<12800x64xf32, #tpu.memory_space<vmem_shared>> -> memref<160x64xf32, #tpu.memory_space<vmem_shared>>
      %dma_start3A_95 = arith.constant 0 : i32
      %dma_start3A_96 = tpu.memref_slice %arg10[%add3A_69, %dma_start3A_95] : memref<12800x64xf32, #tpu.memory_space<vmem_shared>> -> memref<160x64xf32, #tpu.memory_space<vmem_shared>>
      tpu.enqueue_dma source(%arg9 : memref<160x64xf32, #tpu.memory_space<vmem>>) target(%dma_start3A_96 : memref<160x64xf32, #tpu.memory_space<vmem_shared>>) target_semaphore(%run_scoped3A : memref<!tpu.dma_semaphore, #tpu.memory_space<semaphore_mem>>)
      %dma_wait3A = arith.constant 0 : i32
      %dma_wait3A_97 = tpu.memref_slice %arg10[%add3A_69, %dma_wait3A] : memref<12800x64xf32, #tpu.memory_space<vmem_shared>> -> memref<160x64xf32, #tpu.memory_space<vmem_shared>>
      %dma_wait3A_98 = arith.constant 0 : i32
      %dma_wait3A_99 = tpu.memref_slice %arg10[%add3A_69, %dma_wait3A_98] : memref<12800x64xf32, #tpu.memory_space<vmem_shared>> -> memref<160x64xf32, #tpu.memory_space<vmem_shared>>
      tpu.wait_dma2 semaphore(%run_scoped3A : memref<!tpu.dma_semaphore, #tpu.memory_space<semaphore_mem>>) src(%arg9 : memref<160x64xf32, #tpu.memory_space<vmem>>) dst(%dma_wait3A_99 : memref<160x64xf32, #tpu.memory_space<vmem_shared>>)
      tpu.yield
    }) : () -> ()
    %mul3A_70 = arith.constant 640 : i32
    %mul3A_71 = arith.muli %arg1, %mul3A_70 : i32
    %add3A_72 = arith.constant 160 : i32
    %add3A_73 = arith.addi %mul3A_71, %add3A_72 : i32
    "tpu.region"() ({
      %run_scoped3A = tpu.sem_alloc : memref<!tpu.dma_semaphore, #tpu.memory_space<semaphore_mem>>
      %dma_start3A_93 = arith.constant 0 : i32
      %dma_start3A_94 = tpu.memref_slice %arg10[%add3A_73, %dma_start3A_93] : memref<12800x64xf32, #tpu.memory_space<vmem_shared>> -> memref<160x64xf32, #tpu.memory_space<vmem_shared>>
      %dma_start3A_95 = arith.constant 0 : i32
      %dma_start3A_96 = tpu.memref_slice %arg10[%add3A_73, %dma_start3A_95] : memref<12800x64xf32, #tpu.memory_space<vmem_shared>> -> memref<160x64xf32, #tpu.memory_space<vmem_shared>>
      tpu.enqueue_dma source(%arg9 : memref<160x64xf32, #tpu.memory_space<vmem>>) target(%dma_start3A_96 : memref<160x64xf32, #tpu.memory_space<vmem_shared>>) target_semaphore(%run_scoped3A : memref<!tpu.dma_semaphore, #tpu.memory_space<semaphore_mem>>)
      %dma_wait3A = arith.constant 0 : i32
      %dma_wait3A_97 = tpu.memref_slice %arg10[%add3A_73, %dma_wait3A] : memref<12800x64xf32, #tpu.memory_space<vmem_shared>> -> memref<160x64xf32, #tpu.memory_space<vmem_shared>>
      %dma_wait3A_98 = arith.constant 0 : i32
      %dma_wait3A_99 = tpu.memref_slice %arg10[%add3A_73, %dma_wait3A_98] : memref<12800x64xf32, #tpu.memory_space<vmem_shared>> -> memref<160x64xf32, #tpu.memory_space<vmem_shared>>
      tpu.wait_dma2 semaphore(%run_scoped3A : memref<!tpu.dma_semaphore, #tpu.memory_space<semaphore_mem>>) src(%arg9 : memref<160x64xf32, #tpu.memory_space<vmem>>) dst(%dma_wait3A_99 : memref<160x64xf32, #tpu.memory_space<vmem_shared>>)
      tpu.yield
    }) : () -> ()
    %mul3A_74 = arith.constant 640 : i32
    %mul3A_75 = arith.muli %arg1, %mul3A_74 : i32
    %add3A_76 = arith.constant 320 : i32
    %add3A_77 = arith.addi %mul3A_75, %add3A_76 : i32
    "tpu.region"() ({
      %run_scoped3A = tpu.sem_alloc : memref<!tpu.dma_semaphore, #tpu.memory_space<semaphore_mem>>
      %dma_start3A_93 = arith.constant 0 : i32
      %dma_start3A_94 = tpu.memref_slice %arg10[%add3A_77, %dma_start3A_93] : memref<12800x64xf32, #tpu.memory_space<vmem_shared>> -> memref<160x64xf32, #tpu.memory_space<vmem_shared>>
      %dma_start3A_95 = arith.constant 0 : i32
      %dma_start3A_96 = tpu.memref_slice %arg10[%add3A_77, %dma_start3A_95] : memref<12800x64xf32, #tpu.memory_space<vmem_shared>> -> memref<160x64xf32, #tpu.memory_space<vmem_shared>>
      tpu.enqueue_dma source(%arg9 : memref<160x64xf32, #tpu.memory_space<vmem>>) target(%dma_start3A_96 : memref<160x64xf32, #tpu.memory_space<vmem_shared>>) target_semaphore(%run_scoped3A : memref<!tpu.dma_semaphore, #tpu.memory_space<semaphore_mem>>)
      %dma_wait3A = arith.constant 0 : i32
      %dma_wait3A_97 = tpu.memref_slice %arg10[%add3A_77, %dma_wait3A] : memref<12800x64xf32, #tpu.memory_space<vmem_shared>> -> memref<160x64xf32, #tpu.memory_space<vmem_shared>>
      %dma_wait3A_98 = arith.constant 0 : i32
      %dma_wait3A_99 = tpu.memref_slice %arg10[%add3A_77, %dma_wait3A_98] : memref<12800x64xf32, #tpu.memory_space<vmem_shared>> -> memref<160x64xf32, #tpu.memory_space<vmem_shared>>
      tpu.wait_dma2 semaphore(%run_scoped3A : memref<!tpu.dma_semaphore, #tpu.memory_space<semaphore_mem>>) src(%arg9 : memref<160x64xf32, #tpu.memory_space<vmem>>) dst(%dma_wait3A_99 : memref<160x64xf32, #tpu.memory_space<vmem_shared>>)
      tpu.yield
    }) : () -> ()
    %mul3A_78 = arith.constant 640 : i32
    %mul3A_79 = arith.muli %arg1, %mul3A_78 : i32
    %add3A_80 = arith.constant 480 : i32
    %add3A_81 = arith.addi %mul3A_79, %add3A_80 : i32
    "tpu.region"() ({
      %run_scoped3A = tpu.sem_alloc : memref<!tpu.dma_semaphore, #tpu.memory_space<semaphore_mem>>
      %dma_start3A_93 = arith.constant 0 : i32
      %dma_start3A_94 = tpu.memref_slice %arg10[%add3A_81, %dma_start3A_93] : memref<12800x64xf32, #tpu.memory_space<vmem_shared>> -> memref<160x64xf32, #tpu.memory_space<vmem_shared>>
      %dma_start3A_95 = arith.constant 0 : i32
      %dma_start3A_96 = tpu.memref_slice %arg10[%add3A_81, %dma_start3A_95] : memref<12800x64xf32, #tpu.memory_space<vmem_shared>> -> memref<160x64xf32, #tpu.memory_space<vmem_shared>>
      tpu.enqueue_dma source(%arg9 : memref<160x64xf32, #tpu.memory_space<vmem>>) target(%dma_start3A_96 : memref<160x64xf32, #tpu.memory_space<vmem_shared>>) target_semaphore(%run_scoped3A : memref<!tpu.dma_semaphore, #tpu.memory_space<semaphore_mem>>)
      %dma_wait3A = arith.constant 0 : i32
      %dma_wait3A_97 = tpu.memref_slice %arg10[%add3A_81, %dma_wait3A] : memref<12800x64xf32, #tpu.memory_space<vmem_shared>> -> memref<160x64xf32, #tpu.memory_space<vmem_shared>>
      %dma_wait3A_98 = arith.constant 0 : i32
      %dma_wait3A_99 = tpu.memref_slice %arg10[%add3A_81, %dma_wait3A_98] : memref<12800x64xf32, #tpu.memory_space<vmem_shared>> -> memref<160x64xf32, #tpu.memory_space<vmem_shared>>
      tpu.wait_dma2 semaphore(%run_scoped3A : memref<!tpu.dma_semaphore, #tpu.memory_space<semaphore_mem>>) src(%arg9 : memref<160x64xf32, #tpu.memory_space<vmem>>) dst(%dma_wait3A_99 : memref<160x64xf32, #tpu.memory_space<vmem_shared>>)
      tpu.yield
    }) : () -> ()
    %barrier3A = arith.constant 0 : index
    tpu.barrier barrier_id(%barrier3A)
    %scan3A_82 = arith.constant 0 : i32
    %scan3A_83 = arith.constant 0 : i32
    %scan3A_84 = arith.constant 50 : i32
    %scan3A_85 = arith.addi %scan3A_83, %scan3A_84 : i32
    %scan3A_86 = arith.constant 1 : i32
    scf.for %scan3A_93 = %scan3A_83 to %scan3A_85 step %scan3A_86  : i32 {
      %mul3A_94 = arith.constant 5 : i32
      %mul3A_95 = arith.muli %scan3A_93, %mul3A_94 : i32
      %add3A_96 = arith.constant 0 : i32
      %add3A_97 = arith.addi %mul3A_95, %add3A_96 : i32
      %add3A_98 = arith.constant 5 : i32
      %add3A_99 = arith.addi %add3A_97, %add3A_98 : i32
      %sub3A = arith.constant 1 : i32
      %sub3A_100 = arith.subi %add3A_99, %sub3A : i32
      %lt3A = arith.constant 250 : i32
      %lt3A_101 = arith.cmpi slt, %sub3A_100, %lt3A : i32
      %convert_element_type3A = arith.extui %lt3A_101 : i1 to i32
      %cond3A = arith.constant 0 : i32
      %cond3A_102 = arith.cmpi ne, %convert_element_type3A, %cond3A : i32
      scf.if %cond3A_102 {
        %dma_start3A_225 = arith.constant 4 : i32
        %dma_start3A_226 = arith.constant 0 : i32
        %dma_start3A_227 = arith.constant 0 : i32
        %dma_start3A_228 = tpu.memref_slice %arg8[%dma_start3A_225, %dma_start3A_226, %dma_start3A_227] : memref<5x80x64xf32, #tpu.memory_space<vmem>> -> memref<1x80x64xf32, #tpu.memory_space<vmem>>
        %dma_start3A_229 = tpu.memref_squeeze %dma_start3A_228 : memref<1x80x64xf32, #tpu.memory_space<vmem>> -> memref<80x64xf32, #tpu.memory_space<vmem>>
        %dma_start3A_230 = arith.constant 0 : i32
        %dma_start3A_231 = tpu.memref_slice %arg6[%sub3A_100, %dma_start3A_230] : memref<250x80xi32, #tpu.memory_space<vmem>> -> memref<1x80xi32, #tpu.memory_space<vmem>>
        %dma_start3A_232 = tpu.memref_squeeze %dma_start3A_231 : memref<1x80xi32, #tpu.memory_space<vmem>> -> memref<80xi32, #tpu.memory_space<vmem>>
        %dma_start3A_233 = arith.constant 0 : i32
        %dma_start3A_234 = arith.constant 0 : i32
        %dma_start3A_235 = tpu.memref_slice %arg4[%arg0, %dma_start3A_233, %dma_start3A_234] : memref<2x40000x64xf32, #tpu.memory_space<hbm>> -> memref<1x40000x64xf32, #tpu.memory_space<hbm>>
        %dma_start3A_236 = tpu.memref_squeeze %dma_start3A_235 : memref<1x40000x64xf32, #tpu.memory_space<hbm>> -> memref<40000x64xf32, #tpu.memory_space<hbm>>
        %dma_start3A_237 = arith.constant 0 : i32
        %dma_start3A_238 = arith.constant 0 : i32
        %dma_start3A_239 = tpu.memref_slice %dma_start3A_236[%dma_start3A_237, %dma_start3A_238] : memref<40000x64xf32, #tpu.memory_space<hbm>> -> memref<40000x64xf32, #tpu.memory_space<hbm>>
        tpu.enqueue_indirect_dma source(%dma_start3A_239 : memref<40000x64xf32, #tpu.memory_space<hbm>>) target(%dma_start3A_229 : memref<80x64xf32, #tpu.memory_space<vmem>>) offsets(%dma_start3A_232 : memref<80xi32, #tpu.memory_space<vmem>>) semaphore(%arg15 : memref<!tpu.dma_semaphore, #tpu.memory_space<semaphore_mem>>)
      } else {
      }
      %dma_wait3A = arith.constant 0 : i32
      %dma_wait3A_103 = arith.constant 0 : i32
      %dma_wait3A_104 = arith.constant 0 : i32
      %dma_wait3A_105 = tpu.memref_slice %arg8[%dma_wait3A, %dma_wait3A_103, %dma_wait3A_104] : memref<5x80x64xf32, #tpu.memory_space<vmem>> -> memref<1x80x64xf32, #tpu.memory_space<vmem>>
      %dma_wait3A_106 = tpu.memref_squeeze %dma_wait3A_105 : memref<1x80x64xf32, #tpu.memory_space<vmem>> -> memref<80x64xf32, #tpu.memory_space<vmem>>
      %dma_wait3A_107 = arith.constant 0 : i32
      %dma_wait3A_108 = tpu.memref_slice %arg6[%add3A_97, %dma_wait3A_107] : memref<250x80xi32, #tpu.memory_space<vmem>> -> memref<1x80xi32, #tpu.memory_space<vmem>>
      %dma_wait3A_109 = tpu.memref_squeeze %dma_wait3A_108 : memref<1x80xi32, #tpu.memory_space<vmem>> -> memref<80xi32, #tpu.memory_space<vmem>>
      %dma_wait3A_110 = arith.constant 0 : i32
      %dma_wait3A_111 = arith.constant 0 : i32
      %dma_wait3A_112 = tpu.memref_slice %arg4[%arg0, %dma_wait3A_110, %dma_wait3A_111] : memref<2x40000x64xf32, #tpu.memory_space<hbm>> -> memref<1x40000x64xf32, #tpu.memory_space<hbm>>
      %dma_wait3A_113 = tpu.memref_squeeze %dma_wait3A_112 : memref<1x40000x64xf32, #tpu.memory_space<hbm>> -> memref<40000x64xf32, #tpu.memory_space<hbm>>
      %dma_wait3A_114 = arith.constant 0 : i32
      %dma_wait3A_115 = arith.constant 0 : i32
      %dma_wait3A_116 = tpu.memref_slice %dma_wait3A_113[%dma_wait3A_114, %dma_wait3A_115] : memref<40000x64xf32, #tpu.memory_space<hbm>> -> memref<40000x64xf32, #tpu.memory_space<hbm>>
      tpu.wait_indirect_dma semaphore(%arg11 : memref<!tpu.dma_semaphore, #tpu.memory_space<semaphore_mem>>) src(%dma_wait3A_116 : memref<40000x64xf32, #tpu.memory_space<hbm>>) dst(%dma_wait3A_106 : memref<80x64xf32, #tpu.memory_space<vmem>>)
      %run_scoped3A = arith.constant 0 : i32
      "tpu.region"() ({
        %run_scoped3A_225 = tpu.sem_alloc : memref<!tpu.dma_semaphore, #tpu.memory_space<semaphore_mem>>
        %dma_start3A_226 = arith.constant 0 : i32
        %dma_start3A_227 = arith.constant 0 : i32
        %dma_start3A_228 = tpu.memref_slice %arg8[%run_scoped3A, %dma_start3A_226, %dma_start3A_227] : memref<5x80x64xf32, #tpu.memory_space<vmem>> -> memref<1x80x64xf32, #tpu.memory_space<vmem>>
        %dma_start3A_229 = tpu.memref_squeeze %dma_start3A_228 : memref<1x80x64xf32, #tpu.memory_space<vmem>> -> memref<80x64xf32, #tpu.memory_space<vmem>>
        %dma_start3A_230 = arith.constant 0 : i32
        %dma_start3A_231 = tpu.memref_slice %arg7[%add3A_97, %dma_start3A_230] : memref<250x80xi32, #tpu.memory_space<vmem>> -> memref<1x80xi32, #tpu.memory_space<vmem>>
        %dma_start3A_232 = tpu.memref_squeeze %dma_start3A_231 : memref<1x80xi32, #tpu.memory_space<vmem>> -> memref<80xi32, #tpu.memory_space<vmem>>
        %dma_start3A_233 = arith.constant 0 : i32
        %dma_start3A_234 = arith.constant 0 : i32
        %dma_start3A_235 = tpu.memref_slice %arg10[%dma_start3A_233, %dma_start3A_234] : memref<12800x64xf32, #tpu.memory_space<vmem_shared>> -> memref<12800x64xf32, #tpu.memory_space<vmem_shared>>
        tpu.enqueue_indirect_dma source(%dma_start3A_229 : memref<80x64xf32, #tpu.memory_space<vmem>>) target(%dma_start3A_235 : memref<12800x64xf32, #tpu.memory_space<vmem_shared>>) offsets(%dma_start3A_232 : memref<80xi32, #tpu.memory_space<vmem>>) semaphore(%run_scoped3A_225 : memref<!tpu.dma_semaphore, #tpu.memory_space<semaphore_mem>>) {add = true}
        %dma_wait3A_236 = arith.constant 0 : i32
        %dma_wait3A_237 = arith.constant 0 : i32
        %dma_wait3A_238 = tpu.memref_slice %arg8[%run_scoped3A, %dma_wait3A_236, %dma_wait3A_237] : memref<5x80x64xf32, #tpu.memory_space<vmem>> -> memref<1x80x64xf32, #tpu.memory_space<vmem>>
        %dma_wait3A_239 = tpu.memref_squeeze %dma_wait3A_238 : memref<1x80x64xf32, #tpu.memory_space<vmem>> -> memref<80x64xf32, #tpu.memory_space<vmem>>
        %dma_wait3A_240 = arith.constant 0 : i32
        %dma_wait3A_241 = tpu.memref_slice %arg7[%add3A_97, %dma_wait3A_240] : memref<250x80xi32, #tpu.memory_space<vmem>> -> memref<1x80xi32, #tpu.memory_space<vmem>>
        %dma_wait3A_242 = tpu.memref_squeeze %dma_wait3A_241 : memref<1x80xi32, #tpu.memory_space<vmem>> -> memref<80xi32, #tpu.memory_space<vmem>>
        %dma_wait3A_243 = arith.constant 0 : i32
        %dma_wait3A_244 = arith.constant 0 : i32
        %dma_wait3A_245 = tpu.memref_slice %arg10[%dma_wait3A_243, %dma_wait3A_244] : memref<12800x64xf32, #tpu.memory_space<vmem_shared>> -> memref<12800x64xf32, #tpu.memory_space<vmem_shared>>
        tpu.wait_indirect_dma semaphore(%run_scoped3A_225 : memref<!tpu.dma_semaphore, #tpu.memory_space<semaphore_mem>>) src(%dma_wait3A_239 : memref<80x64xf32, #tpu.memory_space<vmem>>) dst(%dma_wait3A_245 : memref<12800x64xf32, #tpu.memory_space<vmem_shared>>)
        tpu.yield
      }) : () -> ()
      %add3A_117 = arith.constant 1 : i32
      %add3A_118 = arith.addi %mul3A_95, %add3A_117 : i32
      %add3A_119 = arith.constant 5 : i32
      %add3A_120 = arith.addi %add3A_118, %add3A_119 : i32
      %sub3A_121 = arith.constant 1 : i32
      %sub3A_122 = arith.subi %add3A_120, %sub3A_121 : i32
      %lt3A_123 = arith.constant 250 : i32
      %lt3A_124 = arith.cmpi slt, %sub3A_122, %lt3A_123 : i32
      %convert_element_type3A_125 = arith.extui %lt3A_124 : i1 to i32
      %cond3A_126 = arith.constant 0 : i32
      %cond3A_127 = arith.cmpi ne, %convert_element_type3A_125, %cond3A_126 : i32
      scf.if %cond3A_127 {
        %dma_start3A_225 = arith.constant 0 : i32
        %dma_start3A_226 = arith.constant 0 : i32
        %dma_start3A_227 = arith.constant 0 : i32
        %dma_start3A_228 = tpu.memref_slice %arg8[%dma_start3A_225, %dma_start3A_226, %dma_start3A_227] : memref<5x80x64xf32, #tpu.memory_space<vmem>> -> memref<1x80x64xf32, #tpu.memory_space<vmem>>
        %dma_start3A_229 = tpu.memref_squeeze %dma_start3A_228 : memref<1x80x64xf32, #tpu.memory_space<vmem>> -> memref<80x64xf32, #tpu.memory_space<vmem>>
        %dma_start3A_230 = arith.constant 0 : i32
        %dma_start3A_231 = tpu.memref_slice %arg6[%sub3A_122, %dma_start3A_230] : memref<250x80xi32, #tpu.memory_space<vmem>> -> memref<1x80xi32, #tpu.memory_space<vmem>>
        %dma_start3A_232 = tpu.memref_squeeze %dma_start3A_231 : memref<1x80xi32, #tpu.memory_space<vmem>> -> memref<80xi32, #tpu.memory_space<vmem>>
        %dma_start3A_233 = arith.constant 0 : i32
        %dma_start3A_234 = arith.constant 0 : i32
        %dma_start3A_235 = tpu.memref_slice %arg4[%arg0, %dma_start3A_233, %dma_start3A_234] : memref<2x40000x64xf32, #tpu.memory_space<hbm>> -> memref<1x40000x64xf32, #tpu.memory_space<hbm>>
        %dma_start3A_236 = tpu.memref_squeeze %dma_start3A_235 : memref<1x40000x64xf32, #tpu.memory_space<hbm>> -> memref<40000x64xf32, #tpu.memory_space<hbm>>
        %dma_start3A_237 = arith.constant 0 : i32
        %dma_start3A_238 = arith.constant 0 : i32
        %dma_start3A_239 = tpu.memref_slice %dma_start3A_236[%dma_start3A_237, %dma_start3A_238] : memref<40000x64xf32, #tpu.memory_space<hbm>> -> memref<40000x64xf32, #tpu.memory_space<hbm>>
        tpu.enqueue_indirect_dma source(%dma_start3A_239 : memref<40000x64xf32, #tpu.memory_space<hbm>>) target(%dma_start3A_229 : memref<80x64xf32, #tpu.memory_space<vmem>>) offsets(%dma_start3A_232 : memref<80xi32, #tpu.memory_space<vmem>>) semaphore(%arg11 : memref<!tpu.dma_semaphore, #tpu.memory_space<semaphore_mem>>)
      } else {
      }
      %dma_wait3A_128 = arith.constant 1 : i32
      %dma_wait3A_129 = arith.constant 0 : i32
      %dma_wait3A_130 = arith.constant 0 : i32
      %dma_wait3A_131 = tpu.memref_slice %arg8[%dma_wait3A_128, %dma_wait3A_129, %dma_wait3A_130] : memref<5x80x64xf32, #tpu.memory_space<vmem>> -> memref<1x80x64xf32, #tpu.memory_space<vmem>>
      %dma_wait3A_132 = tpu.memref_squeeze %dma_wait3A_131 : memref<1x80x64xf32, #tpu.memory_space<vmem>> -> memref<80x64xf32, #tpu.memory_space<vmem>>
      %dma_wait3A_133 = arith.constant 0 : i32
      %dma_wait3A_134 = tpu.memref_slice %arg6[%add3A_118, %dma_wait3A_133] : memref<250x80xi32, #tpu.memory_space<vmem>> -> memref<1x80xi32, #tpu.memory_space<vmem>>
      %dma_wait3A_135 = tpu.memref_squeeze %dma_wait3A_134 : memref<1x80xi32, #tpu.memory_space<vmem>> -> memref<80xi32, #tpu.memory_space<vmem>>
      %dma_wait3A_136 = arith.constant 0 : i32
      %dma_wait3A_137 = arith.constant 0 : i32
      %dma_wait3A_138 = tpu.memref_slice %arg4[%arg0, %dma_wait3A_136, %dma_wait3A_137] : memref<2x40000x64xf32, #tpu.memory_space<hbm>> -> memref<1x40000x64xf32, #tpu.memory_space<hbm>>
      %dma_wait3A_139 = tpu.memref_squeeze %dma_wait3A_138 : memref<1x40000x64xf32, #tpu.memory_space<hbm>> -> memref<40000x64xf32, #tpu.memory_space<hbm>>
      %dma_wait3A_140 = arith.constant 0 : i32
      %dma_wait3A_141 = arith.constant 0 : i32
      %dma_wait3A_142 = tpu.memref_slice %dma_wait3A_139[%dma_wait3A_140, %dma_wait3A_141] : memref<40000x64xf32, #tpu.memory_space<hbm>> -> memref<40000x64xf32, #tpu.memory_space<hbm>>
      tpu.wait_indirect_dma semaphore(%arg12 : memref<!tpu.dma_semaphore, #tpu.memory_space<semaphore_mem>>) src(%dma_wait3A_142 : memref<40000x64xf32, #tpu.memory_space<hbm>>) dst(%dma_wait3A_132 : memref<80x64xf32, #tpu.memory_space<vmem>>)
      %run_scoped3A_143 = arith.constant 1 : i32
      "tpu.region"() ({
        %run_scoped3A_225 = tpu.sem_alloc : memref<!tpu.dma_semaphore, #tpu.memory_space<semaphore_mem>>
        %dma_start3A_226 = arith.constant 0 : i32
        %dma_start3A_227 = arith.constant 0 : i32
        %dma_start3A_228 = tpu.memref_slice %arg8[%run_scoped3A_143, %dma_start3A_226, %dma_start3A_227] : memref<5x80x64xf32, #tpu.memory_space<vmem>> -> memref<1x80x64xf32, #tpu.memory_space<vmem>>
        %dma_start3A_229 = tpu.memref_squeeze %dma_start3A_228 : memref<1x80x64xf32, #tpu.memory_space<vmem>> -> memref<80x64xf32, #tpu.memory_space<vmem>>
        %dma_start3A_230 = arith.constant 0 : i32
        %dma_start3A_231 = tpu.memref_slice %arg7[%add3A_118, %dma_start3A_230] : memref<250x80xi32, #tpu.memory_space<vmem>> -> memref<1x80xi32, #tpu.memory_space<vmem>>
        %dma_start3A_232 = tpu.memref_squeeze %dma_start3A_231 : memref<1x80xi32, #tpu.memory_space<vmem>> -> memref<80xi32, #tpu.memory_space<vmem>>
        %dma_start3A_233 = arith.constant 0 : i32
        %dma_start3A_234 = arith.constant 0 : i32
        %dma_start3A_235 = tpu.memref_slice %arg10[%dma_start3A_233, %dma_start3A_234] : memref<12800x64xf32, #tpu.memory_space<vmem_shared>> -> memref<12800x64xf32, #tpu.memory_space<vmem_shared>>
        tpu.enqueue_indirect_dma source(%dma_start3A_229 : memref<80x64xf32, #tpu.memory_space<vmem>>) target(%dma_start3A_235 : memref<12800x64xf32, #tpu.memory_space<vmem_shared>>) offsets(%dma_start3A_232 : memref<80xi32, #tpu.memory_space<vmem>>) semaphore(%run_scoped3A_225 : memref<!tpu.dma_semaphore, #tpu.memory_space<semaphore_mem>>) {add = true}
        %dma_wait3A_236 = arith.constant 0 : i32
        %dma_wait3A_237 = arith.constant 0 : i32
        %dma_wait3A_238 = tpu.memref_slice %arg8[%run_scoped3A_143, %dma_wait3A_236, %dma_wait3A_237] : memref<5x80x64xf32, #tpu.memory_space<vmem>> -> memref<1x80x64xf32, #tpu.memory_space<vmem>>
        %dma_wait3A_239 = tpu.memref_squeeze %dma_wait3A_238 : memref<1x80x64xf32, #tpu.memory_space<vmem>> -> memref<80x64xf32, #tpu.memory_space<vmem>>
        %dma_wait3A_240 = arith.constant 0 : i32
        %dma_wait3A_241 = tpu.memref_slice %arg7[%add3A_118, %dma_wait3A_240] : memref<250x80xi32, #tpu.memory_space<vmem>> -> memref<1x80xi32, #tpu.memory_space<vmem>>
        %dma_wait3A_242 = tpu.memref_squeeze %dma_wait3A_241 : memref<1x80xi32, #tpu.memory_space<vmem>> -> memref<80xi32, #tpu.memory_space<vmem>>
        %dma_wait3A_243 = arith.constant 0 : i32
        %dma_wait3A_244 = arith.constant 0 : i32
        %dma_wait3A_245 = tpu.memref_slice %arg10[%dma_wait3A_243, %dma_wait3A_244] : memref<12800x64xf32, #tpu.memory_space<vmem_shared>> -> memref<12800x64xf32, #tpu.memory_space<vmem_shared>>
        tpu.wait_indirect_dma semaphore(%run_scoped3A_225 : memref<!tpu.dma_semaphore, #tpu.memory_space<semaphore_mem>>) src(%dma_wait3A_239 : memref<80x64xf32, #tpu.memory_space<vmem>>) dst(%dma_wait3A_245 : memref<12800x64xf32, #tpu.memory_space<vmem_shared>>)
        tpu.yield
      }) : () -> ()
      %add3A_144 = arith.constant 2 : i32
      %add3A_145 = arith.addi %mul3A_95, %add3A_144 : i32
      %add3A_146 = arith.constant 5 : i32
      %add3A_147 = arith.addi %add3A_145, %add3A_146 : i32
      %sub3A_148 = arith.constant 1 : i32
      %sub3A_149 = arith.subi %add3A_147, %sub3A_148 : i32
      %lt3A_150 = arith.constant 250 : i32
      %lt3A_151 = arith.cmpi slt, %sub3A_149, %lt3A_150 : i32
      %convert_element_type3A_152 = arith.extui %lt3A_151 : i1 to i32
      %cond3A_153 = arith.constant 0 : i32
      %cond3A_154 = arith.cmpi ne, %convert_element_type3A_152, %cond3A_153 : i32
      scf.if %cond3A_154 {
        %dma_start3A_225 = arith.constant 1 : i32
        %dma_start3A_226 = arith.constant 0 : i32
        %dma_start3A_227 = arith.constant 0 : i32
        %dma_start3A_228 = tpu.memref_slice %arg8[%dma_start3A_225, %dma_start3A_226, %dma_start3A_227] : memref<5x80x64xf32, #tpu.memory_space<vmem>> -> memref<1x80x64xf32, #tpu.memory_space<vmem>>
        %dma_start3A_229 = tpu.memref_squeeze %dma_start3A_228 : memref<1x80x64xf32, #tpu.memory_space<vmem>> -> memref<80x64xf32, #tpu.memory_space<vmem>>
        %dma_start3A_230 = arith.constant 0 : i32
        %dma_start3A_231 = tpu.memref_slice %arg6[%sub3A_149, %dma_start3A_230] : memref<250x80xi32, #tpu.memory_space<vmem>> -> memref<1x80xi32, #tpu.memory_space<vmem>>
        %dma_start3A_232 = tpu.memref_squeeze %dma_start3A_231 : memref<1x80xi32, #tpu.memory_space<vmem>> -> memref<80xi32, #tpu.memory_space<vmem>>
        %dma_start3A_233 = arith.constant 0 : i32
        %dma_start3A_234 = arith.constant 0 : i32
        %dma_start3A_235 = tpu.memref_slice %arg4[%arg0, %dma_start3A_233, %dma_start3A_234] : memref<2x40000x64xf32, #tpu.memory_space<hbm>> -> memref<1x40000x64xf32, #tpu.memory_space<hbm>>
        %dma_start3A_236 = tpu.memref_squeeze %dma_start3A_235 : memref<1x40000x64xf32, #tpu.memory_space<hbm>> -> memref<40000x64xf32, #tpu.memory_space<hbm>>
        %dma_start3A_237 = arith.constant 0 : i32
        %dma_start3A_238 = arith.constant 0 : i32
        %dma_start3A_239 = tpu.memref_slice %dma_start3A_236[%dma_start3A_237, %dma_start3A_238] : memref<40000x64xf32, #tpu.memory_space<hbm>> -> memref<40000x64xf32, #tpu.memory_space<hbm>>
        tpu.enqueue_indirect_dma source(%dma_start3A_239 : memref<40000x64xf32, #tpu.memory_space<hbm>>) target(%dma_start3A_229 : memref<80x64xf32, #tpu.memory_space<vmem>>) offsets(%dma_start3A_232 : memref<80xi32, #tpu.memory_space<vmem>>) semaphore(%arg12 : memref<!tpu.dma_semaphore, #tpu.memory_space<semaphore_mem>>)
      } else {
      }
      %dma_wait3A_155 = arith.constant 2 : i32
      %dma_wait3A_156 = arith.constant 0 : i32
      %dma_wait3A_157 = arith.constant 0 : i32
      %dma_wait3A_158 = tpu.memref_slice %arg8[%dma_wait3A_155, %dma_wait3A_156, %dma_wait3A_157] : memref<5x80x64xf32, #tpu.memory_space<vmem>> -> memref<1x80x64xf32, #tpu.memory_space<vmem>>
      %dma_wait3A_159 = tpu.memref_squeeze %dma_wait3A_158 : memref<1x80x64xf32, #tpu.memory_space<vmem>> -> memref<80x64xf32, #tpu.memory_space<vmem>>
      %dma_wait3A_160 = arith.constant 0 : i32
      %dma_wait3A_161 = tpu.memref_slice %arg6[%add3A_145, %dma_wait3A_160] : memref<250x80xi32, #tpu.memory_space<vmem>> -> memref<1x80xi32, #tpu.memory_space<vmem>>
      %dma_wait3A_162 = tpu.memref_squeeze %dma_wait3A_161 : memref<1x80xi32, #tpu.memory_space<vmem>> -> memref<80xi32, #tpu.memory_space<vmem>>
      %dma_wait3A_163 = arith.constant 0 : i32
      %dma_wait3A_164 = arith.constant 0 : i32
      %dma_wait3A_165 = tpu.memref_slice %arg4[%arg0, %dma_wait3A_163, %dma_wait3A_164] : memref<2x40000x64xf32, #tpu.memory_space<hbm>> -> memref<1x40000x64xf32, #tpu.memory_space<hbm>>
      %dma_wait3A_166 = tpu.memref_squeeze %dma_wait3A_165 : memref<1x40000x64xf32, #tpu.memory_space<hbm>> -> memref<40000x64xf32, #tpu.memory_space<hbm>>
      %dma_wait3A_167 = arith.constant 0 : i32
      %dma_wait3A_168 = arith.constant 0 : i32
      %dma_wait3A_169 = tpu.memref_slice %dma_wait3A_166[%dma_wait3A_167, %dma_wait3A_168] : memref<40000x64xf32, #tpu.memory_space<hbm>> -> memref<40000x64xf32, #tpu.memory_space<hbm>>
      tpu.wait_indirect_dma semaphore(%arg13 : memref<!tpu.dma_semaphore, #tpu.memory_space<semaphore_mem>>) src(%dma_wait3A_169 : memref<40000x64xf32, #tpu.memory_space<hbm>>) dst(%dma_wait3A_159 : memref<80x64xf32, #tpu.memory_space<vmem>>)
      %run_scoped3A_170 = arith.constant 2 : i32
      "tpu.region"() ({
        %run_scoped3A_225 = tpu.sem_alloc : memref<!tpu.dma_semaphore, #tpu.memory_space<semaphore_mem>>
        %dma_start3A_226 = arith.constant 0 : i32
        %dma_start3A_227 = arith.constant 0 : i32
        %dma_start3A_228 = tpu.memref_slice %arg8[%run_scoped3A_170, %dma_start3A_226, %dma_start3A_227] : memref<5x80x64xf32, #tpu.memory_space<vmem>> -> memref<1x80x64xf32, #tpu.memory_space<vmem>>
        %dma_start3A_229 = tpu.memref_squeeze %dma_start3A_228 : memref<1x80x64xf32, #tpu.memory_space<vmem>> -> memref<80x64xf32, #tpu.memory_space<vmem>>
        %dma_start3A_230 = arith.constant 0 : i32
        %dma_start3A_231 = tpu.memref_slice %arg7[%add3A_145, %dma_start3A_230] : memref<250x80xi32, #tpu.memory_space<vmem>> -> memref<1x80xi32, #tpu.memory_space<vmem>>
        %dma_start3A_232 = tpu.memref_squeeze %dma_start3A_231 : memref<1x80xi32, #tpu.memory_space<vmem>> -> memref<80xi32, #tpu.memory_space<vmem>>
        %dma_start3A_233 = arith.constant 0 : i32
        %dma_start3A_234 = arith.constant 0 : i32
        %dma_start3A_235 = tpu.memref_slice %arg10[%dma_start3A_233, %dma_start3A_234] : memref<12800x64xf32, #tpu.memory_space<vmem_shared>> -> memref<12800x64xf32, #tpu.memory_space<vmem_shared>>
        tpu.enqueue_indirect_dma source(%dma_start3A_229 : memref<80x64xf32, #tpu.memory_space<vmem>>) target(%dma_start3A_235 : memref<12800x64xf32, #tpu.memory_space<vmem_shared>>) offsets(%dma_start3A_232 : memref<80xi32, #tpu.memory_space<vmem>>) semaphore(%run_scoped3A_225 : memref<!tpu.dma_semaphore, #tpu.memory_space<semaphore_mem>>) {add = true}
        %dma_wait3A_236 = arith.constant 0 : i32
        %dma_wait3A_237 = arith.constant 0 : i32
        %dma_wait3A_238 = tpu.memref_slice %arg8[%run_scoped3A_170, %dma_wait3A_236, %dma_wait3A_237] : memref<5x80x64xf32, #tpu.memory_space<vmem>> -> memref<1x80x64xf32, #tpu.memory_space<vmem>>
        %dma_wait3A_239 = tpu.memref_squeeze %dma_wait3A_238 : memref<1x80x64xf32, #tpu.memory_space<vmem>> -> memref<80x64xf32, #tpu.memory_space<vmem>>
        %dma_wait3A_240 = arith.constant 0 : i32
        %dma_wait3A_241 = tpu.memref_slice %arg7[%add3A_145, %dma_wait3A_240] : memref<250x80xi32, #tpu.memory_space<vmem>> -> memref<1x80xi32, #tpu.memory_space<vmem>>
        %dma_wait3A_242 = tpu.memref_squeeze %dma_wait3A_241 : memref<1x80xi32, #tpu.memory_space<vmem>> -> memref<80xi32, #tpu.memory_space<vmem>>
        %dma_wait3A_243 = arith.constant 0 : i32
        %dma_wait3A_244 = arith.constant 0 : i32
        %dma_wait3A_245 = tpu.memref_slice %arg10[%dma_wait3A_243, %dma_wait3A_244] : memref<12800x64xf32, #tpu.memory_space<vmem_shared>> -> memref<12800x64xf32, #tpu.memory_space<vmem_shared>>
        tpu.wait_indirect_dma semaphore(%run_scoped3A_225 : memref<!tpu.dma_semaphore, #tpu.memory_space<semaphore_mem>>) src(%dma_wait3A_239 : memref<80x64xf32, #tpu.memory_space<vmem>>) dst(%dma_wait3A_245 : memref<12800x64xf32, #tpu.memory_space<vmem_shared>>)
        tpu.yield
      }) : () -> ()
      %add3A_171 = arith.constant 3 : i32
      %add3A_172 = arith.addi %mul3A_95, %add3A_171 : i32
      %add3A_173 = arith.constant 5 : i32
      %add3A_174 = arith.addi %add3A_172, %add3A_173 : i32
      %sub3A_175 = arith.constant 1 : i32
      %sub3A_176 = arith.subi %add3A_174, %sub3A_175 : i32
      %lt3A_177 = arith.constant 250 : i32
      %lt3A_178 = arith.cmpi slt, %sub3A_176, %lt3A_177 : i32
      %convert_element_type3A_179 = arith.extui %lt3A_178 : i1 to i32
      %cond3A_180 = arith.constant 0 : i32
      %cond3A_181 = arith.cmpi ne, %convert_element_type3A_179, %cond3A_180 : i32
      scf.if %cond3A_181 {
        %dma_start3A_225 = arith.constant 2 : i32
        %dma_start3A_226 = arith.constant 0 : i32
        %dma_start3A_227 = arith.constant 0 : i32
        %dma_start3A_228 = tpu.memref_slice %arg8[%dma_start3A_225, %dma_start3A_226, %dma_start3A_227] : memref<5x80x64xf32, #tpu.memory_space<vmem>> -> memref<1x80x64xf32, #tpu.memory_space<vmem>>
        %dma_start3A_229 = tpu.memref_squeeze %dma_start3A_228 : memref<1x80x64xf32, #tpu.memory_space<vmem>> -> memref<80x64xf32, #tpu.memory_space<vmem>>
        %dma_start3A_230 = arith.constant 0 : i32
        %dma_start3A_231 = tpu.memref_slice %arg6[%sub3A_176, %dma_start3A_230] : memref<250x80xi32, #tpu.memory_space<vmem>> -> memref<1x80xi32, #tpu.memory_space<vmem>>
        %dma_start3A_232 = tpu.memref_squeeze %dma_start3A_231 : memref<1x80xi32, #tpu.memory_space<vmem>> -> memref<80xi32, #tpu.memory_space<vmem>>
        %dma_start3A_233 = arith.constant 0 : i32
        %dma_start3A_234 = arith.constant 0 : i32
        %dma_start3A_235 = tpu.memref_slice %arg4[%arg0, %dma_start3A_233, %dma_start3A_234] : memref<2x40000x64xf32, #tpu.memory_space<hbm>> -> memref<1x40000x64xf32, #tpu.memory_space<hbm>>
        %dma_start3A_236 = tpu.memref_squeeze %dma_start3A_235 : memref<1x40000x64xf32, #tpu.memory_space<hbm>> -> memref<40000x64xf32, #tpu.memory_space<hbm>>
        %dma_start3A_237 = arith.constant 0 : i32
        %dma_start3A_238 = arith.constant 0 : i32
        %dma_start3A_239 = tpu.memref_slice %dma_start3A_236[%dma_start3A_237, %dma_start3A_238] : memref<40000x64xf32, #tpu.memory_space<hbm>> -> memref<40000x64xf32, #tpu.memory_space<hbm>>
        tpu.enqueue_indirect_dma source(%dma_start3A_239 : memref<40000x64xf32, #tpu.memory_space<hbm>>) target(%dma_start3A_229 : memref<80x64xf32, #tpu.memory_space<vmem>>) offsets(%dma_start3A_232 : memref<80xi32, #tpu.memory_space<vmem>>) semaphore(%arg13 : memref<!tpu.dma_semaphore, #tpu.memory_space<semaphore_mem>>)
      } else {
      }
      %dma_wait3A_182 = arith.constant 3 : i32
      %dma_wait3A_183 = arith.constant 0 : i32
      %dma_wait3A_184 = arith.constant 0 : i32
      %dma_wait3A_185 = tpu.memref_slice %arg8[%dma_wait3A_182, %dma_wait3A_183, %dma_wait3A_184] : memref<5x80x64xf32, #tpu.memory_space<vmem>> -> memref<1x80x64xf32, #tpu.memory_space<vmem>>
      %dma_wait3A_186 = tpu.memref_squeeze %dma_wait3A_185 : memref<1x80x64xf32, #tpu.memory_space<vmem>> -> memref<80x64xf32, #tpu.memory_space<vmem>>
      %dma_wait3A_187 = arith.constant 0 : i32
      %dma_wait3A_188 = tpu.memref_slice %arg6[%add3A_172, %dma_wait3A_187] : memref<250x80xi32, #tpu.memory_space<vmem>> -> memref<1x80xi32, #tpu.memory_space<vmem>>
      %dma_wait3A_189 = tpu.memref_squeeze %dma_wait3A_188 : memref<1x80xi32, #tpu.memory_space<vmem>> -> memref<80xi32, #tpu.memory_space<vmem>>
      %dma_wait3A_190 = arith.constant 0 : i32
      %dma_wait3A_191 = arith.constant 0 : i32
      %dma_wait3A_192 = tpu.memref_slice %arg4[%arg0, %dma_wait3A_190, %dma_wait3A_191] : memref<2x40000x64xf32, #tpu.memory_space<hbm>> -> memref<1x40000x64xf32, #tpu.memory_space<hbm>>
      %dma_wait3A_193 = tpu.memref_squeeze %dma_wait3A_192 : memref<1x40000x64xf32, #tpu.memory_space<hbm>> -> memref<40000x64xf32, #tpu.memory_space<hbm>>
      %dma_wait3A_194 = arith.constant 0 : i32
      %dma_wait3A_195 = arith.constant 0 : i32
      %dma_wait3A_196 = tpu.memref_slice %dma_wait3A_193[%dma_wait3A_194, %dma_wait3A_195] : memref<40000x64xf32, #tpu.memory_space<hbm>> -> memref<40000x64xf32, #tpu.memory_space<hbm>>
      tpu.wait_indirect_dma semaphore(%arg14 : memref<!tpu.dma_semaphore, #tpu.memory_space<semaphore_mem>>) src(%dma_wait3A_196 : memref<40000x64xf32, #tpu.memory_space<hbm>>) dst(%dma_wait3A_186 : memref<80x64xf32, #tpu.memory_space<vmem>>)
      %run_scoped3A_197 = arith.constant 3 : i32
      "tpu.region"() ({
        %run_scoped3A_225 = tpu.sem_alloc : memref<!tpu.dma_semaphore, #tpu.memory_space<semaphore_mem>>
        %dma_start3A_226 = arith.constant 0 : i32
        %dma_start3A_227 = arith.constant 0 : i32
        %dma_start3A_228 = tpu.memref_slice %arg8[%run_scoped3A_197, %dma_start3A_226, %dma_start3A_227] : memref<5x80x64xf32, #tpu.memory_space<vmem>> -> memref<1x80x64xf32, #tpu.memory_space<vmem>>
        %dma_start3A_229 = tpu.memref_squeeze %dma_start3A_228 : memref<1x80x64xf32, #tpu.memory_space<vmem>> -> memref<80x64xf32, #tpu.memory_space<vmem>>
        %dma_start3A_230 = arith.constant 0 : i32
        %dma_start3A_231 = tpu.memref_slice %arg7[%add3A_172, %dma_start3A_230] : memref<250x80xi32, #tpu.memory_space<vmem>> -> memref<1x80xi32, #tpu.memory_space<vmem>>
        %dma_start3A_232 = tpu.memref_squeeze %dma_start3A_231 : memref<1x80xi32, #tpu.memory_space<vmem>> -> memref<80xi32, #tpu.memory_space<vmem>>
        %dma_start3A_233 = arith.constant 0 : i32
        %dma_start3A_234 = arith.constant 0 : i32
        %dma_start3A_235 = tpu.memref_slice %arg10[%dma_start3A_233, %dma_start3A_234] : memref<12800x64xf32, #tpu.memory_space<vmem_shared>> -> memref<12800x64xf32, #tpu.memory_space<vmem_shared>>
        tpu.enqueue_indirect_dma source(%dma_start3A_229 : memref<80x64xf32, #tpu.memory_space<vmem>>) target(%dma_start3A_235 : memref<12800x64xf32, #tpu.memory_space<vmem_shared>>) offsets(%dma_start3A_232 : memref<80xi32, #tpu.memory_space<vmem>>) semaphore(%run_scoped3A_225 : memref<!tpu.dma_semaphore, #tpu.memory_space<semaphore_mem>>) {add = true}
        %dma_wait3A_236 = arith.constant 0 : i32
        %dma_wait3A_237 = arith.constant 0 : i32
        %dma_wait3A_238 = tpu.memref_slice %arg8[%run_scoped3A_197, %dma_wait3A_236, %dma_wait3A_237] : memref<5x80x64xf32, #tpu.memory_space<vmem>> -> memref<1x80x64xf32, #tpu.memory_space<vmem>>
        %dma_wait3A_239 = tpu.memref_squeeze %dma_wait3A_238 : memref<1x80x64xf32, #tpu.memory_space<vmem>> -> memref<80x64xf32, #tpu.memory_space<vmem>>
        %dma_wait3A_240 = arith.constant 0 : i32
        %dma_wait3A_241 = tpu.memref_slice %arg7[%add3A_172, %dma_wait3A_240] : memref<250x80xi32, #tpu.memory_space<vmem>> -> memref<1x80xi32, #tpu.memory_space<vmem>>
        %dma_wait3A_242 = tpu.memref_squeeze %dma_wait3A_241 : memref<1x80xi32, #tpu.memory_space<vmem>> -> memref<80xi32, #tpu.memory_space<vmem>>
        %dma_wait3A_243 = arith.constant 0 : i32
        %dma_wait3A_244 = arith.constant 0 : i32
        %dma_wait3A_245 = tpu.memref_slice %arg10[%dma_wait3A_243, %dma_wait3A_244] : memref<12800x64xf32, #tpu.memory_space<vmem_shared>> -> memref<12800x64xf32, #tpu.memory_space<vmem_shared>>
        tpu.wait_indirect_dma semaphore(%run_scoped3A_225 : memref<!tpu.dma_semaphore, #tpu.memory_space<semaphore_mem>>) src(%dma_wait3A_239 : memref<80x64xf32, #tpu.memory_space<vmem>>) dst(%dma_wait3A_245 : memref<12800x64xf32, #tpu.memory_space<vmem_shared>>)
        tpu.yield
      }) : () -> ()
      %add3A_198 = arith.constant 4 : i32
      %add3A_199 = arith.addi %mul3A_95, %add3A_198 : i32
      %add3A_200 = arith.constant 5 : i32
      %add3A_201 = arith.addi %add3A_199, %add3A_200 : i32
      %sub3A_202 = arith.constant 1 : i32
      %sub3A_203 = arith.subi %add3A_201, %sub3A_202 : i32
      %lt3A_204 = arith.constant 250 : i32
      %lt3A_205 = arith.cmpi slt, %sub3A_203, %lt3A_204 : i32
      %convert_element_type3A_206 = arith.extui %lt3A_205 : i1 to i32
      %cond3A_207 = arith.constant 0 : i32
      %cond3A_208 = arith.cmpi ne, %convert_element_type3A_206, %cond3A_207 : i32
      scf.if %cond3A_208 {
        %dma_start3A_225 = arith.constant 3 : i32
        %dma_start3A_226 = arith.constant 0 : i32
        %dma_start3A_227 = arith.constant 0 : i32
        %dma_start3A_228 = tpu.memref_slice %arg8[%dma_start3A_225, %dma_start3A_226, %dma_start3A_227] : memref<5x80x64xf32, #tpu.memory_space<vmem>> -> memref<1x80x64xf32, #tpu.memory_space<vmem>>
        %dma_start3A_229 = tpu.memref_squeeze %dma_start3A_228 : memref<1x80x64xf32, #tpu.memory_space<vmem>> -> memref<80x64xf32, #tpu.memory_space<vmem>>
        %dma_start3A_230 = arith.constant 0 : i32
        %dma_start3A_231 = tpu.memref_slice %arg6[%sub3A_203, %dma_start3A_230] : memref<250x80xi32, #tpu.memory_space<vmem>> -> memref<1x80xi32, #tpu.memory_space<vmem>>
        %dma_start3A_232 = tpu.memref_squeeze %dma_start3A_231 : memref<1x80xi32, #tpu.memory_space<vmem>> -> memref<80xi32, #tpu.memory_space<vmem>>
        %dma_start3A_233 = arith.constant 0 : i32
        %dma_start3A_234 = arith.constant 0 : i32
        %dma_start3A_235 = tpu.memref_slice %arg4[%arg0, %dma_start3A_233, %dma_start3A_234] : memref<2x40000x64xf32, #tpu.memory_space<hbm>> -> memref<1x40000x64xf32, #tpu.memory_space<hbm>>
        %dma_start3A_236 = tpu.memref_squeeze %dma_start3A_235 : memref<1x40000x64xf32, #tpu.memory_space<hbm>> -> memref<40000x64xf32, #tpu.memory_space<hbm>>
        %dma_start3A_237 = arith.constant 0 : i32
        %dma_start3A_238 = arith.constant 0 : i32
        %dma_start3A_239 = tpu.memref_slice %dma_start3A_236[%dma_start3A_237, %dma_start3A_238] : memref<40000x64xf32, #tpu.memory_space<hbm>> -> memref<40000x64xf32, #tpu.memory_space<hbm>>
        tpu.enqueue_indirect_dma source(%dma_start3A_239 : memref<40000x64xf32, #tpu.memory_space<hbm>>) target(%dma_start3A_229 : memref<80x64xf32, #tpu.memory_space<vmem>>) offsets(%dma_start3A_232 : memref<80xi32, #tpu.memory_space<vmem>>) semaphore(%arg14 : memref<!tpu.dma_semaphore, #tpu.memory_space<semaphore_mem>>)
      } else {
      }
      %dma_wait3A_209 = arith.constant 4 : i32
      %dma_wait3A_210 = arith.constant 0 : i32
      %dma_wait3A_211 = arith.constant 0 : i32
      %dma_wait3A_212 = tpu.memref_slice %arg8[%dma_wait3A_209, %dma_wait3A_210, %dma_wait3A_211] : memref<5x80x64xf32, #tpu.memory_space<vmem>> -> memref<1x80x64xf32, #tpu.memory_space<vmem>>
      %dma_wait3A_213 = tpu.memref_squeeze %dma_wait3A_212 : memref<1x80x64xf32, #tpu.memory_space<vmem>> -> memref<80x64xf32, #tpu.memory_space<vmem>>
      %dma_wait3A_214 = arith.constant 0 : i32
      %dma_wait3A_215 = tpu.memref_slice %arg6[%add3A_199, %dma_wait3A_214] : memref<250x80xi32, #tpu.memory_space<vmem>> -> memref<1x80xi32, #tpu.memory_space<vmem>>
      %dma_wait3A_216 = tpu.memref_squeeze %dma_wait3A_215 : memref<1x80xi32, #tpu.memory_space<vmem>> -> memref<80xi32, #tpu.memory_space<vmem>>
      %dma_wait3A_217 = arith.constant 0 : i32
      %dma_wait3A_218 = arith.constant 0 : i32
      %dma_wait3A_219 = tpu.memref_slice %arg4[%arg0, %dma_wait3A_217, %dma_wait3A_218] : memref<2x40000x64xf32, #tpu.memory_space<hbm>> -> memref<1x40000x64xf32, #tpu.memory_space<hbm>>
      %dma_wait3A_220 = tpu.memref_squeeze %dma_wait3A_219 : memref<1x40000x64xf32, #tpu.memory_space<hbm>> -> memref<40000x64xf32, #tpu.memory_space<hbm>>
      %dma_wait3A_221 = arith.constant 0 : i32
      %dma_wait3A_222 = arith.constant 0 : i32
      %dma_wait3A_223 = tpu.memref_slice %dma_wait3A_220[%dma_wait3A_221, %dma_wait3A_222] : memref<40000x64xf32, #tpu.memory_space<hbm>> -> memref<40000x64xf32, #tpu.memory_space<hbm>>
      tpu.wait_indirect_dma semaphore(%arg15 : memref<!tpu.dma_semaphore, #tpu.memory_space<semaphore_mem>>) src(%dma_wait3A_223 : memref<40000x64xf32, #tpu.memory_space<hbm>>) dst(%dma_wait3A_213 : memref<80x64xf32, #tpu.memory_space<vmem>>)
      %run_scoped3A_224 = arith.constant 4 : i32
      "tpu.region"() ({
        %run_scoped3A_225 = tpu.sem_alloc : memref<!tpu.dma_semaphore, #tpu.memory_space<semaphore_mem>>
        %dma_start3A_226 = arith.constant 0 : i32
        %dma_start3A_227 = arith.constant 0 : i32
        %dma_start3A_228 = tpu.memref_slice %arg8[%run_scoped3A_224, %dma_start3A_226, %dma_start3A_227] : memref<5x80x64xf32, #tpu.memory_space<vmem>> -> memref<1x80x64xf32, #tpu.memory_space<vmem>>
        %dma_start3A_229 = tpu.memref_squeeze %dma_start3A_228 : memref<1x80x64xf32, #tpu.memory_space<vmem>> -> memref<80x64xf32, #tpu.memory_space<vmem>>
        %dma_start3A_230 = arith.constant 0 : i32
        %dma_start3A_231 = tpu.memref_slice %arg7[%add3A_199, %dma_start3A_230] : memref<250x80xi32, #tpu.memory_space<vmem>> -> memref<1x80xi32, #tpu.memory_space<vmem>>
        %dma_start3A_232 = tpu.memref_squeeze %dma_start3A_231 : memref<1x80xi32, #tpu.memory_space<vmem>> -> memref<80xi32, #tpu.memory_space<vmem>>
        %dma_start3A_233 = arith.constant 0 : i32
        %dma_start3A_234 = arith.constant 0 : i32
        %dma_start3A_235 = tpu.memref_slice %arg10[%dma_start3A_233, %dma_start3A_234] : memref<12800x64xf32, #tpu.memory_space<vmem_shared>> -> memref<12800x64xf32, #tpu.memory_space<vmem_shared>>
        tpu.enqueue_indirect_dma source(%dma_start3A_229 : memref<80x64xf32, #tpu.memory_space<vmem>>) target(%dma_start3A_235 : memref<12800x64xf32, #tpu.memory_space<vmem_shared>>) offsets(%dma_start3A_232 : memref<80xi32, #tpu.memory_space<vmem>>) semaphore(%run_scoped3A_225 : memref<!tpu.dma_semaphore, #tpu.memory_space<semaphore_mem>>) {add = true}
        %dma_wait3A_236 = arith.constant 0 : i32
        %dma_wait3A_237 = arith.constant 0 : i32
        %dma_wait3A_238 = tpu.memref_slice %arg8[%run_scoped3A_224, %dma_wait3A_236, %dma_wait3A_237] : memref<5x80x64xf32, #tpu.memory_space<vmem>> -> memref<1x80x64xf32, #tpu.memory_space<vmem>>
        %dma_wait3A_239 = tpu.memref_squeeze %dma_wait3A_238 : memref<1x80x64xf32, #tpu.memory_space<vmem>> -> memref<80x64xf32, #tpu.memory_space<vmem>>
        %dma_wait3A_240 = arith.constant 0 : i32
        %dma_wait3A_241 = tpu.memref_slice %arg7[%add3A_199, %dma_wait3A_240] : memref<250x80xi32, #tpu.memory_space<vmem>> -> memref<1x80xi32, #tpu.memory_space<vmem>>
        %dma_wait3A_242 = tpu.memref_squeeze %dma_wait3A_241 : memref<1x80xi32, #tpu.memory_space<vmem>> -> memref<80xi32, #tpu.memory_space<vmem>>
        %dma_wait3A_243 = arith.constant 0 : i32
        %dma_wait3A_244 = arith.constant 0 : i32
        %dma_wait3A_245 = tpu.memref_slice %arg10[%dma_wait3A_243, %dma_wait3A_244] : memref<12800x64xf32, #tpu.memory_space<vmem_shared>> -> memref<12800x64xf32, #tpu.memory_space<vmem_shared>>
        tpu.wait_indirect_dma semaphore(%run_scoped3A_225 : memref<!tpu.dma_semaphore, #tpu.memory_space<semaphore_mem>>) src(%dma_wait3A_239 : memref<80x64xf32, #tpu.memory_space<vmem>>) dst(%dma_wait3A_245 : memref<12800x64xf32, #tpu.memory_space<vmem_shared>>)
        tpu.yield
      }) : () -> ()
    }
    %scan3A_87 = arith.constant 50 : i32
    %barrier3A_88 = arith.constant 0 : index
    tpu.barrier barrier_id(%barrier3A_88)
    %mul3A_89 = arith.constant 640 : i32
    %mul3A_90 = arith.muli %arg1, %mul3A_89 : i32
    %mul3A_91 = arith.constant 640 : i32
    %mul3A_92 = arith.muli %arg1, %mul3A_91 : i32
    "tpu.region"() ({
      %run_scoped3A = tpu.sem_alloc : memref<!tpu.dma_semaphore, #tpu.memory_space<semaphore_mem>>
      %dma_start3A_93 = arith.constant 0 : i32
      %dma_start3A_94 = tpu.memref_slice %arg5[%arg0, %mul3A_92, %dma_start3A_93] : memref<2x12800x64xf32, #tpu.memory_space<hbm>> -> memref<1x640x64xf32, #tpu.memory_space<hbm>>
      %dma_start3A_95 = tpu.memref_squeeze %dma_start3A_94 : memref<1x640x64xf32, #tpu.memory_space<hbm>> -> memref<640x64xf32, #tpu.memory_space<hbm>>
      %dma_start3A_96 = arith.constant 0 : i32
      %dma_start3A_97 = tpu.memref_slice %arg10[%mul3A_90, %dma_start3A_96] : memref<12800x64xf32, #tpu.memory_space<vmem_shared>> -> memref<640x64xf32, #tpu.memory_space<vmem_shared>>
      tpu.enqueue_dma source(%dma_start3A_97 : memref<640x64xf32, #tpu.memory_space<vmem_shared>>) target(%dma_start3A_95 : memref<640x64xf32, #tpu.memory_space<hbm>>) target_semaphore(%run_scoped3A : memref<!tpu.dma_semaphore, #tpu.memory_space<semaphore_mem>>)
      %dma_wait3A = arith.constant 0 : i32
      %dma_wait3A_98 = tpu.memref_slice %arg5[%arg0, %mul3A_92, %dma_wait3A] : memref<2x12800x64xf32, #tpu.memory_space<hbm>> -> memref<1x640x64xf32, #tpu.memory_space<hbm>>
      %dma_wait3A_99 = tpu.memref_squeeze %dma_wait3A_98 : memref<1x640x64xf32, #tpu.memory_space<hbm>> -> memref<640x64xf32, #tpu.memory_space<hbm>>
      %dma_wait3A_100 = arith.constant 0 : i32
      %dma_wait3A_101 = tpu.memref_slice %arg10[%mul3A_90, %dma_wait3A_100] : memref<12800x64xf32, #tpu.memory_space<vmem_shared>> -> memref<640x64xf32, #tpu.memory_space<vmem_shared>>
      tpu.wait_dma2 semaphore(%run_scoped3A : memref<!tpu.dma_semaphore, #tpu.memory_space<semaphore_mem>>) src(%dma_wait3A_101 : memref<640x64xf32, #tpu.memory_space<vmem_shared>>) dst(%dma_wait3A_99 : memref<640x64xf32, #tpu.memory_space<hbm>>)
      tpu.yield
    }) : () -> ()
    return
  }
}

#map = affine_map<(d0, d1) -> (0, 0, 0)>
module attributes {stable_mosaic.version = 14 : i64} {
  func.func @_seg_sum(%arg0: i32, %arg1: i32, %arg2: memref<16x250x80xi32, #tpu.memory_space<hbm>>, %arg3: memref<16x250x80xi32, #tpu.memory_space<hbm>>, %arg4: memref<2x40000x64xf32, #tpu.memory_space<hbm>>, %arg5: memref<2x12800x64xf32, #tpu.memory_space<hbm>>, %arg6: memref<250x80xi32, #tpu.memory_space<vmem>>, %arg7: memref<250x80xi32, #tpu.memory_space<vmem>>, %arg8: memref<5x80x64xf32, #tpu.memory_space<vmem>>, %arg9: memref<160x64xf32, #tpu.memory_space<vmem>>, %arg10: memref<12800x64xf32, #tpu.memory_space<vmem_shared>>, %arg11: memref<!tpu.dma_semaphore, #tpu.memory_space<semaphore_mem>>, %arg12: memref<!tpu.dma_semaphore, #tpu.memory_space<semaphore_mem>>, %arg13: memref<!tpu.dma_semaphore, #tpu.memory_space<semaphore_mem>>, %arg14: memref<!tpu.dma_semaphore, #tpu.memory_space<semaphore_mem>>, %arg15: memref<!tpu.dma_semaphore, #tpu.memory_space<semaphore_mem>>) attributes {dimension_semantics = [#tpu.dimension_semantics<core_parallel>, #tpu.dimension_semantics<subcore_parallel>], iteration_bounds = array<i64: 2, 16>, scalar_prefetch = 0 : i64, scratch_operands = 10 : i64, tpu.core_type = #tpu.core_type<sc_vector_subcore>, window_params = [{transform_indices = #map}, {transform_indices = #map}, {transform_indices = #map}, {transform_indices = #map}]} {
    "tpu.region"() ({
      %run_scoped3A = tpu.sem_alloc : memref<!tpu.dma_semaphore, #tpu.memory_space<semaphore_mem>>
      %dma_start3A_93 = arith.constant 0 : i32
      %dma_start3A_94 = arith.constant 0 : i32
      %dma_start3A_95 = tpu.memref_slice %arg2[%arg1, %dma_start3A_93, %dma_start3A_94] : memref<16x250x80xi32, #tpu.memory_space<hbm>> -> memref<1x250x80xi32, #tpu.memory_space<hbm>>
      %dma_start3A_96 = tpu.memref_squeeze %dma_start3A_95 : memref<1x250x80xi32, #tpu.memory_space<hbm>> -> memref<250x80xi32, #tpu.memory_space<hbm>>
      %dma_start3A_97 = arith.constant 0 : i32
      %dma_start3A_98 = arith.constant 0 : i32
      %dma_start3A_99 = tpu.memref_slice %arg2[%arg1, %dma_start3A_97, %dma_start3A_98] : memref<16x250x80xi32, #tpu.memory_space<hbm>> -> memref<1x250x80xi32, #tpu.memory_space<hbm>>
      %dma_start3A_100 = tpu.memref_squeeze %dma_start3A_99 : memref<1x250x80xi32, #tpu.memory_space<hbm>> -> memref<250x80xi32, #tpu.memory_space<hbm>>
      tpu.enqueue_dma source(%dma_start3A_100 : memref<250x80xi32, #tpu.memory_space<hbm>>) target(%arg6 : memref<250x80xi32, #tpu.memory_space<vmem>>) target_semaphore(%run_scoped3A : memref<!tpu.dma_semaphore, #tpu.memory_space<semaphore_mem>>)
      %dma_wait3A = arith.constant 0 : i32
      %dma_wait3A_101 = arith.constant 0 : i32
      %dma_wait3A_102 = tpu.memref_slice %arg2[%arg1, %dma_wait3A, %dma_wait3A_101] : memref<16x250x80xi32, #tpu.memory_space<hbm>> -> memref<1x250x80xi32, #tpu.memory_space<hbm>>
      %dma_wait3A_103 = tpu.memref_squeeze %dma_wait3A_102 : memref<1x250x80xi32, #tpu.memory_space<hbm>> -> memref<250x80xi32, #tpu.memory_space<hbm>>
      %dma_wait3A_104 = arith.constant 0 : i32
      %dma_wait3A_105 = arith.constant 0 : i32
      %dma_wait3A_106 = tpu.memref_slice %arg2[%arg1, %dma_wait3A_104, %dma_wait3A_105] : memref<16x250x80xi32, #tpu.memory_space<hbm>> -> memref<1x250x80xi32, #tpu.memory_space<hbm>>
      %dma_wait3A_107 = tpu.memref_squeeze %dma_wait3A_106 : memref<1x250x80xi32, #tpu.memory_space<hbm>> -> memref<250x80xi32, #tpu.memory_space<hbm>>
      tpu.wait_dma2 semaphore(%run_scoped3A : memref<!tpu.dma_semaphore, #tpu.memory_space<semaphore_mem>>) src(%dma_wait3A_107 : memref<250x80xi32, #tpu.memory_space<hbm>>) dst(%arg6 : memref<250x80xi32, #tpu.memory_space<vmem>>)
      tpu.yield
    }) : () -> ()
    "tpu.region"() ({
      %run_scoped3A = tpu.sem_alloc : memref<!tpu.dma_semaphore, #tpu.memory_space<semaphore_mem>>
      %dma_start3A_93 = arith.constant 0 : i32
      %dma_start3A_94 = arith.constant 0 : i32
      %dma_start3A_95 = tpu.memref_slice %arg3[%arg1, %dma_start3A_93, %dma_start3A_94] : memref<16x250x80xi32, #tpu.memory_space<hbm>> -> memref<1x250x80xi32, #tpu.memory_space<hbm>>
      %dma_start3A_96 = tpu.memref_squeeze %dma_start3A_95 : memref<1x250x80xi32, #tpu.memory_space<hbm>> -> memref<250x80xi32, #tpu.memory_space<hbm>>
      %dma_start3A_97 = arith.constant 0 : i32
      %dma_start3A_98 = arith.constant 0 : i32
      %dma_start3A_99 = tpu.memref_slice %arg3[%arg1, %dma_start3A_97, %dma_start3A_98] : memref<16x250x80xi32, #tpu.memory_space<hbm>> -> memref<1x250x80xi32, #tpu.memory_space<hbm>>
      %dma_start3A_100 = tpu.memref_squeeze %dma_start3A_99 : memref<1x250x80xi32, #tpu.memory_space<hbm>> -> memref<250x80xi32, #tpu.memory_space<hbm>>
      tpu.enqueue_dma source(%dma_start3A_100 : memref<250x80xi32, #tpu.memory_space<hbm>>) target(%arg7 : memref<250x80xi32, #tpu.memory_space<vmem>>) target_semaphore(%run_scoped3A : memref<!tpu.dma_semaphore, #tpu.memory_space<semaphore_mem>>)
      %dma_wait3A = arith.constant 0 : i32
      %dma_wait3A_101 = arith.constant 0 : i32
      %dma_wait3A_102 = tpu.memref_slice %arg3[%arg1, %dma_wait3A, %dma_wait3A_101] : memref<16x250x80xi32, #tpu.memory_space<hbm>> -> memref<1x250x80xi32, #tpu.memory_space<hbm>>
      %dma_wait3A_103 = tpu.memref_squeeze %dma_wait3A_102 : memref<1x250x80xi32, #tpu.memory_space<hbm>> -> memref<250x80xi32, #tpu.memory_space<hbm>>
      %dma_wait3A_104 = arith.constant 0 : i32
      %dma_wait3A_105 = arith.constant 0 : i32
      %dma_wait3A_106 = tpu.memref_slice %arg3[%arg1, %dma_wait3A_104, %dma_wait3A_105] : memref<16x250x80xi32, #tpu.memory_space<hbm>> -> memref<1x250x80xi32, #tpu.memory_space<hbm>>
      %dma_wait3A_107 = tpu.memref_squeeze %dma_wait3A_106 : memref<1x250x80xi32, #tpu.memory_space<hbm>> -> memref<250x80xi32, #tpu.memory_space<hbm>>
      tpu.wait_dma2 semaphore(%run_scoped3A : memref<!tpu.dma_semaphore, #tpu.memory_space<semaphore_mem>>) src(%dma_wait3A_107 : memref<250x80xi32, #tpu.memory_space<hbm>>) dst(%arg7 : memref<250x80xi32, #tpu.memory_space<vmem>>)
      tpu.yield
    }) : () -> ()
    %dma_start3A = arith.constant 0 : i32
    %dma_start3A_0 = arith.constant 0 : i32
    %dma_start3A_1 = arith.constant 0 : i32
    %dma_start3A_2 = arith.constant 0 : i32
    %dma_start3A_3 = tpu.memref_slice %arg8[%dma_start3A_0, %dma_start3A_1, %dma_start3A_2] : memref<5x80x64xf32, #tpu.memory_space<vmem>> -> memref<1x80x64xf32, #tpu.memory_space<vmem>>
    %dma_start3A_4 = tpu.memref_squeeze %dma_start3A_3 : memref<1x80x64xf32, #tpu.memory_space<vmem>> -> memref<80x64xf32, #tpu.memory_space<vmem>>
    %dma_start3A_5 = arith.constant 0 : i32
    %dma_start3A_6 = tpu.memref_slice %arg6[%dma_start3A, %dma_start3A_5] : memref<250x80xi32, #tpu.memory_space<vmem>> -> memref<1x80xi32, #tpu.memory_space<vmem>>
    %dma_start3A_7 = tpu.memref_squeeze %dma_start3A_6 : memref<1x80xi32, #tpu.memory_space<vmem>> -> memref<80xi32, #tpu.memory_space<vmem>>
    %dma_start3A_8 = arith.constant 0 : i32
    %dma_start3A_9 = arith.constant 0 : i32
    %dma_start3A_10 = tpu.memref_slice %arg4[%arg0, %dma_start3A_8, %dma_start3A_9] : memref<2x40000x64xf32, #tpu.memory_space<hbm>> -> memref<1x40000x64xf32, #tpu.memory_space<hbm>>
    %dma_start3A_11 = tpu.memref_squeeze %dma_start3A_10 : memref<1x40000x64xf32, #tpu.memory_space<hbm>> -> memref<40000x64xf32, #tpu.memory_space<hbm>>
    %dma_start3A_12 = arith.constant 0 : i32
    %dma_start3A_13 = arith.constant 0 : i32
    %dma_start3A_14 = tpu.memref_slice %dma_start3A_11[%dma_start3A_12, %dma_start3A_13] : memref<40000x64xf32, #tpu.memory_space<hbm>> -> memref<40000x64xf32, #tpu.memory_space<hbm>>
    tpu.enqueue_indirect_dma source(%dma_start3A_14 : memref<40000x64xf32, #tpu.memory_space<hbm>>) target(%dma_start3A_4 : memref<80x64xf32, #tpu.memory_space<vmem>>) offsets(%dma_start3A_7 : memref<80xi32, #tpu.memory_space<vmem>>) semaphore(%arg11 : memref<!tpu.dma_semaphore, #tpu.memory_space<semaphore_mem>>)
    %dma_start3A_15 = arith.constant 1 : i32
    %dma_start3A_16 = arith.constant 1 : i32
    %dma_start3A_17 = arith.constant 0 : i32
    %dma_start3A_18 = arith.constant 0 : i32
    %dma_start3A_19 = tpu.memref_slice %arg8[%dma_start3A_16, %dma_start3A_17, %dma_start3A_18] : memref<5x80x64xf32, #tpu.memory_space<vmem>> -> memref<1x80x64xf32, #tpu.memory_space<vmem>>
    %dma_start3A_20 = tpu.memref_squeeze %dma_start3A_19 : memref<1x80x64xf32, #tpu.memory_space<vmem>> -> memref<80x64xf32, #tpu.memory_space<vmem>>
    %dma_start3A_21 = arith.constant 0 : i32
    %dma_start3A_22 = tpu.memref_slice %arg6[%dma_start3A_15, %dma_start3A_21] : memref<250x80xi32, #tpu.memory_space<vmem>> -> memref<1x80xi32, #tpu.memory_space<vmem>>
    %dma_start3A_23 = tpu.memref_squeeze %dma_start3A_22 : memref<1x80xi32, #tpu.memory_space<vmem>> -> memref<80xi32, #tpu.memory_space<vmem>>
    %dma_start3A_24 = arith.constant 0 : i32
    %dma_start3A_25 = arith.constant 0 : i32
    %dma_start3A_26 = tpu.memref_slice %arg4[%arg0, %dma_start3A_24, %dma_start3A_25] : memref<2x40000x64xf32, #tpu.memory_space<hbm>> -> memref<1x40000x64xf32, #tpu.memory_space<hbm>>
    %dma_start3A_27 = tpu.memref_squeeze %dma_start3A_26 : memref<1x40000x64xf32, #tpu.memory_space<hbm>> -> memref<40000x64xf32, #tpu.memory_space<hbm>>
    %dma_start3A_28 = arith.constant 0 : i32
    %dma_start3A_29 = arith.constant 0 : i32
    %dma_start3A_30 = tpu.memref_slice %dma_start3A_27[%dma_start3A_28, %dma_start3A_29] : memref<40000x64xf32, #tpu.memory_space<hbm>> -> memref<40000x64xf32, #tpu.memory_space<hbm>>
    tpu.enqueue_indirect_dma source(%dma_start3A_30 : memref<40000x64xf32, #tpu.memory_space<hbm>>) target(%dma_start3A_20 : memref<80x64xf32, #tpu.memory_space<vmem>>) offsets(%dma_start3A_23 : memref<80xi32, #tpu.memory_space<vmem>>) semaphore(%arg12 : memref<!tpu.dma_semaphore, #tpu.memory_space<semaphore_mem>>)
    %dma_start3A_31 = arith.constant 2 : i32
    %dma_start3A_32 = arith.constant 2 : i32
    %dma_start3A_33 = arith.constant 0 : i32
    %dma_start3A_34 = arith.constant 0 : i32
    %dma_start3A_35 = tpu.memref_slice %arg8[%dma_start3A_32, %dma_start3A_33, %dma_start3A_34] : memref<5x80x64xf32, #tpu.memory_space<vmem>> -> memref<1x80x64xf32, #tpu.memory_space<vmem>>
    %dma_start3A_36 = tpu.memref_squeeze %dma_start3A_35 : memref<1x80x64xf32, #tpu.memory_space<vmem>> -> memref<80x64xf32, #tpu.memory_space<vmem>>
    %dma_start3A_37 = arith.constant 0 : i32
    %dma_start3A_38 = tpu.memref_slice %arg6[%dma_start3A_31, %dma_start3A_37] : memref<250x80xi32, #tpu.memory_space<vmem>> -> memref<1x80xi32, #tpu.memory_space<vmem>>
    %dma_start3A_39 = tpu.memref_squeeze %dma_start3A_38 : memref<1x80xi32, #tpu.memory_space<vmem>> -> memref<80xi32, #tpu.memory_space<vmem>>
    %dma_start3A_40 = arith.constant 0 : i32
    %dma_start3A_41 = arith.constant 0 : i32
    %dma_start3A_42 = tpu.memref_slice %arg4[%arg0, %dma_start3A_40, %dma_start3A_41] : memref<2x40000x64xf32, #tpu.memory_space<hbm>> -> memref<1x40000x64xf32, #tpu.memory_space<hbm>>
    %dma_start3A_43 = tpu.memref_squeeze %dma_start3A_42 : memref<1x40000x64xf32, #tpu.memory_space<hbm>> -> memref<40000x64xf32, #tpu.memory_space<hbm>>
    %dma_start3A_44 = arith.constant 0 : i32
    %dma_start3A_45 = arith.constant 0 : i32
    %dma_start3A_46 = tpu.memref_slice %dma_start3A_43[%dma_start3A_44, %dma_start3A_45] : memref<40000x64xf32, #tpu.memory_space<hbm>> -> memref<40000x64xf32, #tpu.memory_space<hbm>>
    tpu.enqueue_indirect_dma source(%dma_start3A_46 : memref<40000x64xf32, #tpu.memory_space<hbm>>) target(%dma_start3A_36 : memref<80x64xf32, #tpu.memory_space<vmem>>) offsets(%dma_start3A_39 : memref<80xi32, #tpu.memory_space<vmem>>) semaphore(%arg13 : memref<!tpu.dma_semaphore, #tpu.memory_space<semaphore_mem>>)
    %dma_start3A_47 = arith.constant 3 : i32
    %dma_start3A_48 = arith.constant 3 : i32
    %dma_start3A_49 = arith.constant 0 : i32
    %dma_start3A_50 = arith.constant 0 : i32
    %dma_start3A_51 = tpu.memref_slice %arg8[%dma_start3A_48, %dma_start3A_49, %dma_start3A_50] : memref<5x80x64xf32, #tpu.memory_space<vmem>> -> memref<1x80x64xf32, #tpu.memory_space<vmem>>
    %dma_start3A_52 = tpu.memref_squeeze %dma_start3A_51 : memref<1x80x64xf32, #tpu.memory_space<vmem>> -> memref<80x64xf32, #tpu.memory_space<vmem>>
    %dma_start3A_53 = arith.constant 0 : i32
    %dma_start3A_54 = tpu.memref_slice %arg6[%dma_start3A_47, %dma_start3A_53] : memref<250x80xi32, #tpu.memory_space<vmem>> -> memref<1x80xi32, #tpu.memory_space<vmem>>
    %dma_start3A_55 = tpu.memref_squeeze %dma_start3A_54 : memref<1x80xi32, #tpu.memory_space<vmem>> -> memref<80xi32, #tpu.memory_space<vmem>>
    %dma_start3A_56 = arith.constant 0 : i32
    %dma_start3A_57 = arith.constant 0 : i32
    %dma_start3A_58 = tpu.memref_slice %arg4[%arg0, %dma_start3A_56, %dma_start3A_57] : memref<2x40000x64xf32, #tpu.memory_space<hbm>> -> memref<1x40000x64xf32, #tpu.memory_space<hbm>>
    %dma_start3A_59 = tpu.memref_squeeze %dma_start3A_58 : memref<1x40000x64xf32, #tpu.memory_space<hbm>> -> memref<40000x64xf32, #tpu.memory_space<hbm>>
    %dma_start3A_60 = arith.constant 0 : i32
    %dma_start3A_61 = arith.constant 0 : i32
    %dma_start3A_62 = tpu.memref_slice %dma_start3A_59[%dma_start3A_60, %dma_start3A_61] : memref<40000x64xf32, #tpu.memory_space<hbm>> -> memref<40000x64xf32, #tpu.memory_space<hbm>>
    tpu.enqueue_indirect_dma source(%dma_start3A_62 : memref<40000x64xf32, #tpu.memory_space<hbm>>) target(%dma_start3A_52 : memref<80x64xf32, #tpu.memory_space<vmem>>) offsets(%dma_start3A_55 : memref<80xi32, #tpu.memory_space<vmem>>) semaphore(%arg14 : memref<!tpu.dma_semaphore, #tpu.memory_space<semaphore_mem>>)
    %scan3A = arith.constant 0 : i32
    %scan3A_63 = arith.constant 0 : i32
    %scan3A_64 = arith.constant 160 : i32
    %scan3A_65 = arith.addi %scan3A_63, %scan3A_64 : i32
    %scan3A_66 = arith.constant 1 : i32
    scf.for %scan3A_93 = %scan3A_63 to %scan3A_65 step %scan3A_66  : i32 {
      %broadcast_in_dim3A = arith.constant 0.000000e+00 : f32
      %broadcast_in_dim3A_94 = vector.broadcast %broadcast_in_dim3A : f32 to vector<16xf32>
      %swap3A = arith.index_cast %scan3A_93 : i32 to index
      %swap3A_95 = arith.constant 0 : index
      %swap3A_96 = tpu.vector_load %arg9[%swap3A, %swap3A_95] {strides = array<i32>} : memref<160x64xf32, #tpu.memory_space<vmem>>, vector<1x16xf32>,
      %swap3A_97 = vector.shape_cast %swap3A_96 : vector<1x16xf32> to vector<16xf32>
      %swap3A_98 = vector.shape_cast %broadcast_in_dim3A_94 : vector<16xf32> to vector<1x16xf32>
      tpu.vector_store %arg9[%swap3A, %swap3A_95], %swap3A_98 {strides = array<i32>} : memref<160x64xf32, #tpu.memory_space<vmem>>, vector<1x16xf32>,
      %broadcast_in_dim3A_99 = arith.constant 0.000000e+00 : f32
      %broadcast_in_dim3A_100 = vector.broadcast %broadcast_in_dim3A_99 : f32 to vector<16xf32>
      %swap3A_101 = arith.index_cast %scan3A_93 : i32 to index
      %swap3A_102 = arith.constant 16 : index
      %swap3A_103 = tpu.vector_load %arg9[%swap3A_101, %swap3A_102] {strides = array<i32>} : memref<160x64xf32, #tpu.memory_space<vmem>>, vector<1x16xf32>,
      %swap3A_104 = vector.shape_cast %swap3A_103 : vector<1x16xf32> to vector<16xf32>
      %swap3A_105 = vector.shape_cast %broadcast_in_dim3A_100 : vector<16xf32> to vector<1x16xf32>
      tpu.vector_store %arg9[%swap3A_101, %swap3A_102], %swap3A_105 {strides = array<i32>} : memref<160x64xf32, #tpu.memory_space<vmem>>, vector<1x16xf32>,
      %broadcast_in_dim3A_106 = arith.constant 0.000000e+00 : f32
      %broadcast_in_dim3A_107 = vector.broadcast %broadcast_in_dim3A_106 : f32 to vector<16xf32>
      %swap3A_108 = arith.index_cast %scan3A_93 : i32 to index
      %swap3A_109 = arith.constant 32 : index
      %swap3A_110 = tpu.vector_load %arg9[%swap3A_108, %swap3A_109] {strides = array<i32>} : memref<160x64xf32, #tpu.memory_space<vmem>>, vector<1x16xf32>,
      %swap3A_111 = vector.shape_cast %swap3A_110 : vector<1x16xf32> to vector<16xf32>
      %swap3A_112 = vector.shape_cast %broadcast_in_dim3A_107 : vector<16xf32> to vector<1x16xf32>
      tpu.vector_store %arg9[%swap3A_108, %swap3A_109], %swap3A_112 {strides = array<i32>} : memref<160x64xf32, #tpu.memory_space<vmem>>, vector<1x16xf32>,
      %broadcast_in_dim3A_113 = arith.constant 0.000000e+00 : f32
      %broadcast_in_dim3A_114 = vector.broadcast %broadcast_in_dim3A_113 : f32 to vector<16xf32>
      %swap3A_115 = arith.index_cast %scan3A_93 : i32 to index
      %swap3A_116 = arith.constant 48 : index
      %swap3A_117 = tpu.vector_load %arg9[%swap3A_115, %swap3A_116] {strides = array<i32>} : memref<160x64xf32, #tpu.memory_space<vmem>>, vector<1x16xf32>,
      %swap3A_118 = vector.shape_cast %swap3A_117 : vector<1x16xf32> to vector<16xf32>
      %swap3A_119 = vector.shape_cast %broadcast_in_dim3A_114 : vector<16xf32> to vector<1x16xf32>
      tpu.vector_store %arg9[%swap3A_115, %swap3A_116], %swap3A_119 {strides = array<i32>} : memref<160x64xf32, #tpu.memory_space<vmem>>, vector<1x16xf32>,
    }
    %scan3A_67 = arith.constant 160 : i32
    %mul3A = arith.constant 640 : i32
    %mul3A_68 = arith.muli %arg1, %mul3A : i32
    %add3A = arith.constant 0 : i32
    %add3A_69 = arith.addi %mul3A_68, %add3A : i32
    "tpu.region"() ({
      %run_scoped3A = tpu.sem_alloc : memref<!tpu.dma_semaphore, #tpu.memory_space<semaphore_mem>>
      %dma_start3A_93 = arith.constant 0 : i32
      %dma_start3A_94 = tpu.memref_slice %arg10[%add3A_69, %dma_start3A_93] : memref<12800x64xf32, #tpu.memory_space<vmem_shared>> -> memref<160x64xf32, #tpu.memory_space<vmem_shared>>
      %dma_start3A_95 = arith.constant 0 : i32
      %dma_start3A_96 = tpu.memref_slice %arg10[%add3A_69, %dma_start3A_95] : memref<12800x64xf32, #tpu.memory_space<vmem_shared>> -> memref<160x64xf32, #tpu.memory_space<vmem_shared>>
      tpu.enqueue_dma source(%arg9 : memref<160x64xf32, #tpu.memory_space<vmem>>) target(%dma_start3A_96 : memref<160x64xf32, #tpu.memory_space<vmem_shared>>) target_semaphore(%run_scoped3A : memref<!tpu.dma_semaphore, #tpu.memory_space<semaphore_mem>>)
      %dma_wait3A = arith.constant 0 : i32
      %dma_wait3A_97 = tpu.memref_slice %arg10[%add3A_69, %dma_wait3A] : memref<12800x64xf32, #tpu.memory_space<vmem_shared>> -> memref<160x64xf32, #tpu.memory_space<vmem_shared>>
      %dma_wait3A_98 = arith.constant 0 : i32
      %dma_wait3A_99 = tpu.memref_slice %arg10[%add3A_69, %dma_wait3A_98] : memref<12800x64xf32, #tpu.memory_space<vmem_shared>> -> memref<160x64xf32, #tpu.memory_space<vmem_shared>>
      tpu.wait_dma2 semaphore(%run_scoped3A : memref<!tpu.dma_semaphore, #tpu.memory_space<semaphore_mem>>) src(%arg9 : memref<160x64xf32, #tpu.memory_space<vmem>>) dst(%dma_wait3A_99 : memref<160x64xf32, #tpu.memory_space<vmem_shared>>)
      tpu.yield
    }) : () -> ()
    %mul3A_70 = arith.constant 640 : i32
    %mul3A_71 = arith.muli %arg1, %mul3A_70 : i32
    %add3A_72 = arith.constant 160 : i32
    %add3A_73 = arith.addi %mul3A_71, %add3A_72 : i32
    "tpu.region"() ({
      %run_scoped3A = tpu.sem_alloc : memref<!tpu.dma_semaphore, #tpu.memory_space<semaphore_mem>>
      %dma_start3A_93 = arith.constant 0 : i32
      %dma_start3A_94 = tpu.memref_slice %arg10[%add3A_73, %dma_start3A_93] : memref<12800x64xf32, #tpu.memory_space<vmem_shared>> -> memref<160x64xf32, #tpu.memory_space<vmem_shared>>
      %dma_start3A_95 = arith.constant 0 : i32
      %dma_start3A_96 = tpu.memref_slice %arg10[%add3A_73, %dma_start3A_95] : memref<12800x64xf32, #tpu.memory_space<vmem_shared>> -> memref<160x64xf32, #tpu.memory_space<vmem_shared>>
      tpu.enqueue_dma source(%arg9 : memref<160x64xf32, #tpu.memory_space<vmem>>) target(%dma_start3A_96 : memref<160x64xf32, #tpu.memory_space<vmem_shared>>) target_semaphore(%run_scoped3A : memref<!tpu.dma_semaphore, #tpu.memory_space<semaphore_mem>>)
      %dma_wait3A = arith.constant 0 : i32
      %dma_wait3A_97 = tpu.memref_slice %arg10[%add3A_73, %dma_wait3A] : memref<12800x64xf32, #tpu.memory_space<vmem_shared>> -> memref<160x64xf32, #tpu.memory_space<vmem_shared>>
      %dma_wait3A_98 = arith.constant 0 : i32
      %dma_wait3A_99 = tpu.memref_slice %arg10[%add3A_73, %dma_wait3A_98] : memref<12800x64xf32, #tpu.memory_space<vmem_shared>> -> memref<160x64xf32, #tpu.memory_space<vmem_shared>>
      tpu.wait_dma2 semaphore(%run_scoped3A : memref<!tpu.dma_semaphore, #tpu.memory_space<semaphore_mem>>) src(%arg9 : memref<160x64xf32, #tpu.memory_space<vmem>>) dst(%dma_wait3A_99 : memref<160x64xf32, #tpu.memory_space<vmem_shared>>)
      tpu.yield
    }) : () -> ()
    %mul3A_74 = arith.constant 640 : i32
    %mul3A_75 = arith.muli %arg1, %mul3A_74 : i32
    %add3A_76 = arith.constant 320 : i32
    %add3A_77 = arith.addi %mul3A_75, %add3A_76 : i32
    "tpu.region"() ({
      %run_scoped3A = tpu.sem_alloc : memref<!tpu.dma_semaphore, #tpu.memory_space<semaphore_mem>>
      %dma_start3A_93 = arith.constant 0 : i32
      %dma_start3A_94 = tpu.memref_slice %arg10[%add3A_77, %dma_start3A_93] : memref<12800x64xf32, #tpu.memory_space<vmem_shared>> -> memref<160x64xf32, #tpu.memory_space<vmem_shared>>
      %dma_start3A_95 = arith.constant 0 : i32
      %dma_start3A_96 = tpu.memref_slice %arg10[%add3A_77, %dma_start3A_95] : memref<12800x64xf32, #tpu.memory_space<vmem_shared>> -> memref<160x64xf32, #tpu.memory_space<vmem_shared>>
      tpu.enqueue_dma source(%arg9 : memref<160x64xf32, #tpu.memory_space<vmem>>) target(%dma_start3A_96 : memref<160x64xf32, #tpu.memory_space<vmem_shared>>) target_semaphore(%run_scoped3A : memref<!tpu.dma_semaphore, #tpu.memory_space<semaphore_mem>>)
      %dma_wait3A = arith.constant 0 : i32
      %dma_wait3A_97 = tpu.memref_slice %arg10[%add3A_77, %dma_wait3A] : memref<12800x64xf32, #tpu.memory_space<vmem_shared>> -> memref<160x64xf32, #tpu.memory_space<vmem_shared>>
      %dma_wait3A_98 = arith.constant 0 : i32
      %dma_wait3A_99 = tpu.memref_slice %arg10[%add3A_77, %dma_wait3A_98] : memref<12800x64xf32, #tpu.memory_space<vmem_shared>> -> memref<160x64xf32, #tpu.memory_space<vmem_shared>>
      tpu.wait_dma2 semaphore(%run_scoped3A : memref<!tpu.dma_semaphore, #tpu.memory_space<semaphore_mem>>) src(%arg9 : memref<160x64xf32, #tpu.memory_space<vmem>>) dst(%dma_wait3A_99 : memref<160x64xf32, #tpu.memory_space<vmem_shared>>)
      tpu.yield
    }) : () -> ()
    %mul3A_78 = arith.constant 640 : i32
    %mul3A_79 = arith.muli %arg1, %mul3A_78 : i32
    %add3A_80 = arith.constant 480 : i32
    %add3A_81 = arith.addi %mul3A_79, %add3A_80 : i32
    "tpu.region"() ({
      %run_scoped3A = tpu.sem_alloc : memref<!tpu.dma_semaphore, #tpu.memory_space<semaphore_mem>>
      %dma_start3A_93 = arith.constant 0 : i32
      %dma_start3A_94 = tpu.memref_slice %arg10[%add3A_81, %dma_start3A_93] : memref<12800x64xf32, #tpu.memory_space<vmem_shared>> -> memref<160x64xf32, #tpu.memory_space<vmem_shared>>
      %dma_start3A_95 = arith.constant 0 : i32
      %dma_start3A_96 = tpu.memref_slice %arg10[%add3A_81, %dma_start3A_95] : memref<12800x64xf32, #tpu.memory_space<vmem_shared>> -> memref<160x64xf32, #tpu.memory_space<vmem_shared>>
      tpu.enqueue_dma source(%arg9 : memref<160x64xf32, #tpu.memory_space<vmem>>) target(%dma_start3A_96 : memref<160x64xf32, #tpu.memory_space<vmem_shared>>) target_semaphore(%run_scoped3A : memref<!tpu.dma_semaphore, #tpu.memory_space<semaphore_mem>>)
      %dma_wait3A = arith.constant 0 : i32
      %dma_wait3A_97 = tpu.memref_slice %arg10[%add3A_81, %dma_wait3A] : memref<12800x64xf32, #tpu.memory_space<vmem_shared>> -> memref<160x64xf32, #tpu.memory_space<vmem_shared>>
      %dma_wait3A_98 = arith.constant 0 : i32
      %dma_wait3A_99 = tpu.memref_slice %arg10[%add3A_81, %dma_wait3A_98] : memref<12800x64xf32, #tpu.memory_space<vmem_shared>> -> memref<160x64xf32, #tpu.memory_space<vmem_shared>>
      tpu.wait_dma2 semaphore(%run_scoped3A : memref<!tpu.dma_semaphore, #tpu.memory_space<semaphore_mem>>) src(%arg9 : memref<160x64xf32, #tpu.memory_space<vmem>>) dst(%dma_wait3A_99 : memref<160x64xf32, #tpu.memory_space<vmem_shared>>)
      tpu.yield
    }) : () -> ()
    %barrier3A = arith.constant 0 : index
    tpu.barrier barrier_id(%barrier3A)
    %scan3A_82 = arith.constant 0 : i32
    %scan3A_83 = arith.constant 0 : i32
    %scan3A_84 = arith.constant 50 : i32
    %scan3A_85 = arith.addi %scan3A_83, %scan3A_84 : i32
    %scan3A_86 = arith.constant 1 : i32
    scf.for %scan3A_93 = %scan3A_83 to %scan3A_85 step %scan3A_86  : i32 {
      %mul3A_94 = arith.constant 5 : i32
      %mul3A_95 = arith.muli %scan3A_93, %mul3A_94 : i32
      %add3A_96 = arith.constant 0 : i32
      %add3A_97 = arith.addi %mul3A_95, %add3A_96 : i32
      %add3A_98 = arith.constant 5 : i32
      %add3A_99 = arith.addi %add3A_97, %add3A_98 : i32
      %sub3A = arith.constant 1 : i32
      %sub3A_100 = arith.subi %add3A_99, %sub3A : i32
      %lt3A = arith.constant 250 : i32
      %lt3A_101 = arith.cmpi slt, %sub3A_100, %lt3A : i32
      %convert_element_type3A = arith.extui %lt3A_101 : i1 to i32
      %cond3A = arith.constant 0 : i32
      %cond3A_102 = arith.cmpi ne, %convert_element_type3A, %cond3A : i32
      scf.if %cond3A_102 {
        %dma_start3A_225 = arith.constant 4 : i32
        %dma_start3A_226 = arith.constant 0 : i32
        %dma_start3A_227 = arith.constant 0 : i32
        %dma_start3A_228 = tpu.memref_slice %arg8[%dma_start3A_225, %dma_start3A_226, %dma_start3A_227] : memref<5x80x64xf32, #tpu.memory_space<vmem>> -> memref<1x80x64xf32, #tpu.memory_space<vmem>>
        %dma_start3A_229 = tpu.memref_squeeze %dma_start3A_228 : memref<1x80x64xf32, #tpu.memory_space<vmem>> -> memref<80x64xf32, #tpu.memory_space<vmem>>
        %dma_start3A_230 = arith.constant 0 : i32
        %dma_start3A_231 = tpu.memref_slice %arg6[%sub3A_100, %dma_start3A_230] : memref<250x80xi32, #tpu.memory_space<vmem>> -> memref<1x80xi32, #tpu.memory_space<vmem>>
        %dma_start3A_232 = tpu.memref_squeeze %dma_start3A_231 : memref<1x80xi32, #tpu.memory_space<vmem>> -> memref<80xi32, #tpu.memory_space<vmem>>
        %dma_start3A_233 = arith.constant 0 : i32
        %dma_start3A_234 = arith.constant 0 : i32
        %dma_start3A_235 = tpu.memref_slice %arg4[%arg0, %dma_start3A_233, %dma_start3A_234] : memref<2x40000x64xf32, #tpu.memory_space<hbm>> -> memref<1x40000x64xf32, #tpu.memory_space<hbm>>
        %dma_start3A_236 = tpu.memref_squeeze %dma_start3A_235 : memref<1x40000x64xf32, #tpu.memory_space<hbm>> -> memref<40000x64xf32, #tpu.memory_space<hbm>>
        %dma_start3A_237 = arith.constant 0 : i32
        %dma_start3A_238 = arith.constant 0 : i32
        %dma_start3A_239 = tpu.memref_slice %dma_start3A_236[%dma_start3A_237, %dma_start3A_238] : memref<40000x64xf32, #tpu.memory_space<hbm>> -> memref<40000x64xf32, #tpu.memory_space<hbm>>
        tpu.enqueue_indirect_dma source(%dma_start3A_239 : memref<40000x64xf32, #tpu.memory_space<hbm>>) target(%dma_start3A_229 : memref<80x64xf32, #tpu.memory_space<vmem>>) offsets(%dma_start3A_232 : memref<80xi32, #tpu.memory_space<vmem>>) semaphore(%arg15 : memref<!tpu.dma_semaphore, #tpu.memory_space<semaphore_mem>>)
      } else {
      }
      %dma_wait3A = arith.constant 0 : i32
      %dma_wait3A_103 = arith.constant 0 : i32
      %dma_wait3A_104 = arith.constant 0 : i32
      %dma_wait3A_105 = tpu.memref_slice %arg8[%dma_wait3A, %dma_wait3A_103, %dma_wait3A_104] : memref<5x80x64xf32, #tpu.memory_space<vmem>> -> memref<1x80x64xf32, #tpu.memory_space<vmem>>
      %dma_wait3A_106 = tpu.memref_squeeze %dma_wait3A_105 : memref<1x80x64xf32, #tpu.memory_space<vmem>> -> memref<80x64xf32, #tpu.memory_space<vmem>>
      %dma_wait3A_107 = arith.constant 0 : i32
      %dma_wait3A_108 = tpu.memref_slice %arg6[%add3A_97, %dma_wait3A_107] : memref<250x80xi32, #tpu.memory_space<vmem>> -> memref<1x80xi32, #tpu.memory_space<vmem>>
      %dma_wait3A_109 = tpu.memref_squeeze %dma_wait3A_108 : memref<1x80xi32, #tpu.memory_space<vmem>> -> memref<80xi32, #tpu.memory_space<vmem>>
      %dma_wait3A_110 = arith.constant 0 : i32
      %dma_wait3A_111 = arith.constant 0 : i32
      %dma_wait3A_112 = tpu.memref_slice %arg4[%arg0, %dma_wait3A_110, %dma_wait3A_111] : memref<2x40000x64xf32, #tpu.memory_space<hbm>> -> memref<1x40000x64xf32, #tpu.memory_space<hbm>>
      %dma_wait3A_113 = tpu.memref_squeeze %dma_wait3A_112 : memref<1x40000x64xf32, #tpu.memory_space<hbm>> -> memref<40000x64xf32, #tpu.memory_space<hbm>>
      %dma_wait3A_114 = arith.constant 0 : i32
      %dma_wait3A_115 = arith.constant 0 : i32
      %dma_wait3A_116 = tpu.memref_slice %dma_wait3A_113[%dma_wait3A_114, %dma_wait3A_115] : memref<40000x64xf32, #tpu.memory_space<hbm>> -> memref<40000x64xf32, #tpu.memory_space<hbm>>
      tpu.wait_indirect_dma semaphore(%arg11 : memref<!tpu.dma_semaphore, #tpu.memory_space<semaphore_mem>>) src(%dma_wait3A_116 : memref<40000x64xf32, #tpu.memory_space<hbm>>) dst(%dma_wait3A_106 : memref<80x64xf32, #tpu.memory_space<vmem>>)
      %run_scoped3A = arith.constant 0 : i32
      "tpu.region"() ({
        %run_scoped3A_225 = tpu.sem_alloc : memref<!tpu.dma_semaphore, #tpu.memory_space<semaphore_mem>>
        %dma_start3A_226 = arith.constant 0 : i32
        %dma_start3A_227 = arith.constant 0 : i32
        %dma_start3A_228 = tpu.memref_slice %arg8[%run_scoped3A, %dma_start3A_226, %dma_start3A_227] : memref<5x80x64xf32, #tpu.memory_space<vmem>> -> memref<1x80x64xf32, #tpu.memory_space<vmem>>
        %dma_start3A_229 = tpu.memref_squeeze %dma_start3A_228 : memref<1x80x64xf32, #tpu.memory_space<vmem>> -> memref<80x64xf32, #tpu.memory_space<vmem>>
        %dma_start3A_230 = arith.constant 0 : i32
        %dma_start3A_231 = tpu.memref_slice %arg7[%add3A_97, %dma_start3A_230] : memref<250x80xi32, #tpu.memory_space<vmem>> -> memref<1x80xi32, #tpu.memory_space<vmem>>
        %dma_start3A_232 = tpu.memref_squeeze %dma_start3A_231 : memref<1x80xi32, #tpu.memory_space<vmem>> -> memref<80xi32, #tpu.memory_space<vmem>>
        %dma_start3A_233 = arith.constant 0 : i32
        %dma_start3A_234 = arith.constant 0 : i32
        %dma_start3A_235 = tpu.memref_slice %arg10[%dma_start3A_233, %dma_start3A_234] : memref<12800x64xf32, #tpu.memory_space<vmem_shared>> -> memref<12800x64xf32, #tpu.memory_space<vmem_shared>>
        tpu.enqueue_indirect_dma source(%dma_start3A_229 : memref<80x64xf32, #tpu.memory_space<vmem>>) target(%dma_start3A_235 : memref<12800x64xf32, #tpu.memory_space<vmem_shared>>) offsets(%dma_start3A_232 : memref<80xi32, #tpu.memory_space<vmem>>) semaphore(%run_scoped3A_225 : memref<!tpu.dma_semaphore, #tpu.memory_space<semaphore_mem>>) {add = true}
        %dma_wait3A_236 = arith.constant 0 : i32
        %dma_wait3A_237 = arith.constant 0 : i32
        %dma_wait3A_238 = tpu.memref_slice %arg8[%run_scoped3A, %dma_wait3A_236, %dma_wait3A_237] : memref<5x80x64xf32, #tpu.memory_space<vmem>> -> memref<1x80x64xf32, #tpu.memory_space<vmem>>
        %dma_wait3A_239 = tpu.memref_squeeze %dma_wait3A_238 : memref<1x80x64xf32, #tpu.memory_space<vmem>> -> memref<80x64xf32, #tpu.memory_space<vmem>>
        %dma_wait3A_240 = arith.constant 0 : i32
        %dma_wait3A_241 = tpu.memref_slice %arg7[%add3A_97, %dma_wait3A_240] : memref<250x80xi32, #tpu.memory_space<vmem>> -> memref<1x80xi32, #tpu.memory_space<vmem>>
        %dma_wait3A_242 = tpu.memref_squeeze %dma_wait3A_241 : memref<1x80xi32, #tpu.memory_space<vmem>> -> memref<80xi32, #tpu.memory_space<vmem>>
        %dma_wait3A_243 = arith.constant 0 : i32
        %dma_wait3A_244 = arith.constant 0 : i32
        %dma_wait3A_245 = tpu.memref_slice %arg10[%dma_wait3A_243, %dma_wait3A_244] : memref<12800x64xf32, #tpu.memory_space<vmem_shared>> -> memref<12800x64xf32, #tpu.memory_space<vmem_shared>>
        tpu.wait_indirect_dma semaphore(%run_scoped3A_225 : memref<!tpu.dma_semaphore, #tpu.memory_space<semaphore_mem>>) src(%dma_wait3A_239 : memref<80x64xf32, #tpu.memory_space<vmem>>) dst(%dma_wait3A_245 : memref<12800x64xf32, #tpu.memory_space<vmem_shared>>)
        tpu.yield
      }) : () -> ()
      %add3A_117 = arith.constant 1 : i32
      %add3A_118 = arith.addi %mul3A_95, %add3A_117 : i32
      %add3A_119 = arith.constant 5 : i32
      %add3A_120 = arith.addi %add3A_118, %add3A_119 : i32
      %sub3A_121 = arith.constant 1 : i32
      %sub3A_122 = arith.subi %add3A_120, %sub3A_121 : i32
      %lt3A_123 = arith.constant 250 : i32
      %lt3A_124 = arith.cmpi slt, %sub3A_122, %lt3A_123 : i32
      %convert_element_type3A_125 = arith.extui %lt3A_124 : i1 to i32
      %cond3A_126 = arith.constant 0 : i32
      %cond3A_127 = arith.cmpi ne, %convert_element_type3A_125, %cond3A_126 : i32
      scf.if %cond3A_127 {
        %dma_start3A_225 = arith.constant 0 : i32
        %dma_start3A_226 = arith.constant 0 : i32
        %dma_start3A_227 = arith.constant 0 : i32
        %dma_start3A_228 = tpu.memref_slice %arg8[%dma_start3A_225, %dma_start3A_226, %dma_start3A_227] : memref<5x80x64xf32, #tpu.memory_space<vmem>> -> memref<1x80x64xf32, #tpu.memory_space<vmem>>
        %dma_start3A_229 = tpu.memref_squeeze %dma_start3A_228 : memref<1x80x64xf32, #tpu.memory_space<vmem>> -> memref<80x64xf32, #tpu.memory_space<vmem>>
        %dma_start3A_230 = arith.constant 0 : i32
        %dma_start3A_231 = tpu.memref_slice %arg6[%sub3A_122, %dma_start3A_230] : memref<250x80xi32, #tpu.memory_space<vmem>> -> memref<1x80xi32, #tpu.memory_space<vmem>>
        %dma_start3A_232 = tpu.memref_squeeze %dma_start3A_231 : memref<1x80xi32, #tpu.memory_space<vmem>> -> memref<80xi32, #tpu.memory_space<vmem>>
        %dma_start3A_233 = arith.constant 0 : i32
        %dma_start3A_234 = arith.constant 0 : i32
        %dma_start3A_235 = tpu.memref_slice %arg4[%arg0, %dma_start3A_233, %dma_start3A_234] : memref<2x40000x64xf32, #tpu.memory_space<hbm>> -> memref<1x40000x64xf32, #tpu.memory_space<hbm>>
        %dma_start3A_236 = tpu.memref_squeeze %dma_start3A_235 : memref<1x40000x64xf32, #tpu.memory_space<hbm>> -> memref<40000x64xf32, #tpu.memory_space<hbm>>
        %dma_start3A_237 = arith.constant 0 : i32
        %dma_start3A_238 = arith.constant 0 : i32
        %dma_start3A_239 = tpu.memref_slice %dma_start3A_236[%dma_start3A_237, %dma_start3A_238] : memref<40000x64xf32, #tpu.memory_space<hbm>> -> memref<40000x64xf32, #tpu.memory_space<hbm>>
        tpu.enqueue_indirect_dma source(%dma_start3A_239 : memref<40000x64xf32, #tpu.memory_space<hbm>>) target(%dma_start3A_229 : memref<80x64xf32, #tpu.memory_space<vmem>>) offsets(%dma_start3A_232 : memref<80xi32, #tpu.memory_space<vmem>>) semaphore(%arg11 : memref<!tpu.dma_semaphore, #tpu.memory_space<semaphore_mem>>)
      } else {
      }
      %dma_wait3A_128 = arith.constant 1 : i32
      %dma_wait3A_129 = arith.constant 0 : i32
      %dma_wait3A_130 = arith.constant 0 : i32
      %dma_wait3A_131 = tpu.memref_slice %arg8[%dma_wait3A_128, %dma_wait3A_129, %dma_wait3A_130] : memref<5x80x64xf32, #tpu.memory_space<vmem>> -> memref<1x80x64xf32, #tpu.memory_space<vmem>>
      %dma_wait3A_132 = tpu.memref_squeeze %dma_wait3A_131 : memref<1x80x64xf32, #tpu.memory_space<vmem>> -> memref<80x64xf32, #tpu.memory_space<vmem>>
      %dma_wait3A_133 = arith.constant 0 : i32
      %dma_wait3A_134 = tpu.memref_slice %arg6[%add3A_118, %dma_wait3A_133] : memref<250x80xi32, #tpu.memory_space<vmem>> -> memref<1x80xi32, #tpu.memory_space<vmem>>
      %dma_wait3A_135 = tpu.memref_squeeze %dma_wait3A_134 : memref<1x80xi32, #tpu.memory_space<vmem>> -> memref<80xi32, #tpu.memory_space<vmem>>
      %dma_wait3A_136 = arith.constant 0 : i32
      %dma_wait3A_137 = arith.constant 0 : i32
      %dma_wait3A_138 = tpu.memref_slice %arg4[%arg0, %dma_wait3A_136, %dma_wait3A_137] : memref<2x40000x64xf32, #tpu.memory_space<hbm>> -> memref<1x40000x64xf32, #tpu.memory_space<hbm>>
      %dma_wait3A_139 = tpu.memref_squeeze %dma_wait3A_138 : memref<1x40000x64xf32, #tpu.memory_space<hbm>> -> memref<40000x64xf32, #tpu.memory_space<hbm>>
      %dma_wait3A_140 = arith.constant 0 : i32
      %dma_wait3A_141 = arith.constant 0 : i32
      %dma_wait3A_142 = tpu.memref_slice %dma_wait3A_139[%dma_wait3A_140, %dma_wait3A_141] : memref<40000x64xf32, #tpu.memory_space<hbm>> -> memref<40000x64xf32, #tpu.memory_space<hbm>>
      tpu.wait_indirect_dma semaphore(%arg12 : memref<!tpu.dma_semaphore, #tpu.memory_space<semaphore_mem>>) src(%dma_wait3A_142 : memref<40000x64xf32, #tpu.memory_space<hbm>>) dst(%dma_wait3A_132 : memref<80x64xf32, #tpu.memory_space<vmem>>)
      %run_scoped3A_143 = arith.constant 1 : i32
      "tpu.region"() ({
        %run_scoped3A_225 = tpu.sem_alloc : memref<!tpu.dma_semaphore, #tpu.memory_space<semaphore_mem>>
        %dma_start3A_226 = arith.constant 0 : i32
        %dma_start3A_227 = arith.constant 0 : i32
        %dma_start3A_228 = tpu.memref_slice %arg8[%run_scoped3A_143, %dma_start3A_226, %dma_start3A_227] : memref<5x80x64xf32, #tpu.memory_space<vmem>> -> memref<1x80x64xf32, #tpu.memory_space<vmem>>
        %dma_start3A_229 = tpu.memref_squeeze %dma_start3A_228 : memref<1x80x64xf32, #tpu.memory_space<vmem>> -> memref<80x64xf32, #tpu.memory_space<vmem>>
        %dma_start3A_230 = arith.constant 0 : i32
        %dma_start3A_231 = tpu.memref_slice %arg7[%add3A_118, %dma_start3A_230] : memref<250x80xi32, #tpu.memory_space<vmem>> -> memref<1x80xi32, #tpu.memory_space<vmem>>
        %dma_start3A_232 = tpu.memref_squeeze %dma_start3A_231 : memref<1x80xi32, #tpu.memory_space<vmem>> -> memref<80xi32, #tpu.memory_space<vmem>>
        %dma_start3A_233 = arith.constant 0 : i32
        %dma_start3A_234 = arith.constant 0 : i32
        %dma_start3A_235 = tpu.memref_slice %arg10[%dma_start3A_233, %dma_start3A_234] : memref<12800x64xf32, #tpu.memory_space<vmem_shared>> -> memref<12800x64xf32, #tpu.memory_space<vmem_shared>>
        tpu.enqueue_indirect_dma source(%dma_start3A_229 : memref<80x64xf32, #tpu.memory_space<vmem>>) target(%dma_start3A_235 : memref<12800x64xf32, #tpu.memory_space<vmem_shared>>) offsets(%dma_start3A_232 : memref<80xi32, #tpu.memory_space<vmem>>) semaphore(%run_scoped3A_225 : memref<!tpu.dma_semaphore, #tpu.memory_space<semaphore_mem>>) {add = true}
        %dma_wait3A_236 = arith.constant 0 : i32
        %dma_wait3A_237 = arith.constant 0 : i32
        %dma_wait3A_238 = tpu.memref_slice %arg8[%run_scoped3A_143, %dma_wait3A_236, %dma_wait3A_237] : memref<5x80x64xf32, #tpu.memory_space<vmem>> -> memref<1x80x64xf32, #tpu.memory_space<vmem>>
        %dma_wait3A_239 = tpu.memref_squeeze %dma_wait3A_238 : memref<1x80x64xf32, #tpu.memory_space<vmem>> -> memref<80x64xf32, #tpu.memory_space<vmem>>
        %dma_wait3A_240 = arith.constant 0 : i32
        %dma_wait3A_241 = tpu.memref_slice %arg7[%add3A_118, %dma_wait3A_240] : memref<250x80xi32, #tpu.memory_space<vmem>> -> memref<1x80xi32, #tpu.memory_space<vmem>>
        %dma_wait3A_242 = tpu.memref_squeeze %dma_wait3A_241 : memref<1x80xi32, #tpu.memory_space<vmem>> -> memref<80xi32, #tpu.memory_space<vmem>>
        %dma_wait3A_243 = arith.constant 0 : i32
        %dma_wait3A_244 = arith.constant 0 : i32
        %dma_wait3A_245 = tpu.memref_slice %arg10[%dma_wait3A_243, %dma_wait3A_244] : memref<12800x64xf32, #tpu.memory_space<vmem_shared>> -> memref<12800x64xf32, #tpu.memory_space<vmem_shared>>
        tpu.wait_indirect_dma semaphore(%run_scoped3A_225 : memref<!tpu.dma_semaphore, #tpu.memory_space<semaphore_mem>>) src(%dma_wait3A_239 : memref<80x64xf32, #tpu.memory_space<vmem>>) dst(%dma_wait3A_245 : memref<12800x64xf32, #tpu.memory_space<vmem_shared>>)
        tpu.yield
      }) : () -> ()
      %add3A_144 = arith.constant 2 : i32
      %add3A_145 = arith.addi %mul3A_95, %add3A_144 : i32
      %add3A_146 = arith.constant 5 : i32
      %add3A_147 = arith.addi %add3A_145, %add3A_146 : i32
      %sub3A_148 = arith.constant 1 : i32
      %sub3A_149 = arith.subi %add3A_147, %sub3A_148 : i32
      %lt3A_150 = arith.constant 250 : i32
      %lt3A_151 = arith.cmpi slt, %sub3A_149, %lt3A_150 : i32
      %convert_element_type3A_152 = arith.extui %lt3A_151 : i1 to i32
      %cond3A_153 = arith.constant 0 : i32
      %cond3A_154 = arith.cmpi ne, %convert_element_type3A_152, %cond3A_153 : i32
      scf.if %cond3A_154 {
        %dma_start3A_225 = arith.constant 1 : i32
        %dma_start3A_226 = arith.constant 0 : i32
        %dma_start3A_227 = arith.constant 0 : i32
        %dma_start3A_228 = tpu.memref_slice %arg8[%dma_start3A_225, %dma_start3A_226, %dma_start3A_227] : memref<5x80x64xf32, #tpu.memory_space<vmem>> -> memref<1x80x64xf32, #tpu.memory_space<vmem>>
        %dma_start3A_229 = tpu.memref_squeeze %dma_start3A_228 : memref<1x80x64xf32, #tpu.memory_space<vmem>> -> memref<80x64xf32, #tpu.memory_space<vmem>>
        %dma_start3A_230 = arith.constant 0 : i32
        %dma_start3A_231 = tpu.memref_slice %arg6[%sub3A_149, %dma_start3A_230] : memref<250x80xi32, #tpu.memory_space<vmem>> -> memref<1x80xi32, #tpu.memory_space<vmem>>
        %dma_start3A_232 = tpu.memref_squeeze %dma_start3A_231 : memref<1x80xi32, #tpu.memory_space<vmem>> -> memref<80xi32, #tpu.memory_space<vmem>>
        %dma_start3A_233 = arith.constant 0 : i32
        %dma_start3A_234 = arith.constant 0 : i32
        %dma_start3A_235 = tpu.memref_slice %arg4[%arg0, %dma_start3A_233, %dma_start3A_234] : memref<2x40000x64xf32, #tpu.memory_space<hbm>> -> memref<1x40000x64xf32, #tpu.memory_space<hbm>>
        %dma_start3A_236 = tpu.memref_squeeze %dma_start3A_235 : memref<1x40000x64xf32, #tpu.memory_space<hbm>> -> memref<40000x64xf32, #tpu.memory_space<hbm>>
        %dma_start3A_237 = arith.constant 0 : i32
        %dma_start3A_238 = arith.constant 0 : i32
        %dma_start3A_239 = tpu.memref_slice %dma_start3A_236[%dma_start3A_237, %dma_start3A_238] : memref<40000x64xf32, #tpu.memory_space<hbm>> -> memref<40000x64xf32, #tpu.memory_space<hbm>>
        tpu.enqueue_indirect_dma source(%dma_start3A_239 : memref<40000x64xf32, #tpu.memory_space<hbm>>) target(%dma_start3A_229 : memref<80x64xf32, #tpu.memory_space<vmem>>) offsets(%dma_start3A_232 : memref<80xi32, #tpu.memory_space<vmem>>) semaphore(%arg12 : memref<!tpu.dma_semaphore, #tpu.memory_space<semaphore_mem>>)
      } else {
      }
      %dma_wait3A_155 = arith.constant 2 : i32
      %dma_wait3A_156 = arith.constant 0 : i32
      %dma_wait3A_157 = arith.constant 0 : i32
      %dma_wait3A_158 = tpu.memref_slice %arg8[%dma_wait3A_155, %dma_wait3A_156, %dma_wait3A_157] : memref<5x80x64xf32, #tpu.memory_space<vmem>> -> memref<1x80x64xf32, #tpu.memory_space<vmem>>
      %dma_wait3A_159 = tpu.memref_squeeze %dma_wait3A_158 : memref<1x80x64xf32, #tpu.memory_space<vmem>> -> memref<80x64xf32, #tpu.memory_space<vmem>>
      %dma_wait3A_160 = arith.constant 0 : i32
      %dma_wait3A_161 = tpu.memref_slice %arg6[%add3A_145, %dma_wait3A_160] : memref<250x80xi32, #tpu.memory_space<vmem>> -> memref<1x80xi32, #tpu.memory_space<vmem>>
      %dma_wait3A_162 = tpu.memref_squeeze %dma_wait3A_161 : memref<1x80xi32, #tpu.memory_space<vmem>> -> memref<80xi32, #tpu.memory_space<vmem>>
      %dma_wait3A_163 = arith.constant 0 : i32
      %dma_wait3A_164 = arith.constant 0 : i32
      %dma_wait3A_165 = tpu.memref_slice %arg4[%arg0, %dma_wait3A_163, %dma_wait3A_164] : memref<2x40000x64xf32, #tpu.memory_space<hbm>> -> memref<1x40000x64xf32, #tpu.memory_space<hbm>>
      %dma_wait3A_166 = tpu.memref_squeeze %dma_wait3A_165 : memref<1x40000x64xf32, #tpu.memory_space<hbm>> -> memref<40000x64xf32, #tpu.memory_space<hbm>>
      %dma_wait3A_167 = arith.constant 0 : i32
      %dma_wait3A_168 = arith.constant 0 : i32
      %dma_wait3A_169 = tpu.memref_slice %dma_wait3A_166[%dma_wait3A_167, %dma_wait3A_168] : memref<40000x64xf32, #tpu.memory_space<hbm>> -> memref<40000x64xf32, #tpu.memory_space<hbm>>
      tpu.wait_indirect_dma semaphore(%arg13 : memref<!tpu.dma_semaphore, #tpu.memory_space<semaphore_mem>>) src(%dma_wait3A_169 : memref<40000x64xf32, #tpu.memory_space<hbm>>) dst(%dma_wait3A_159 : memref<80x64xf32, #tpu.memory_space<vmem>>)
      %run_scoped3A_170 = arith.constant 2 : i32
      "tpu.region"() ({
        %run_scoped3A_225 = tpu.sem_alloc : memref<!tpu.dma_semaphore, #tpu.memory_space<semaphore_mem>>
        %dma_start3A_226 = arith.constant 0 : i32
        %dma_start3A_227 = arith.constant 0 : i32
        %dma_start3A_228 = tpu.memref_slice %arg8[%run_scoped3A_170, %dma_start3A_226, %dma_start3A_227] : memref<5x80x64xf32, #tpu.memory_space<vmem>> -> memref<1x80x64xf32, #tpu.memory_space<vmem>>
        %dma_start3A_229 = tpu.memref_squeeze %dma_start3A_228 : memref<1x80x64xf32, #tpu.memory_space<vmem>> -> memref<80x64xf32, #tpu.memory_space<vmem>>
        %dma_start3A_230 = arith.constant 0 : i32
        %dma_start3A_231 = tpu.memref_slice %arg7[%add3A_145, %dma_start3A_230] : memref<250x80xi32, #tpu.memory_space<vmem>> -> memref<1x80xi32, #tpu.memory_space<vmem>>
        %dma_start3A_232 = tpu.memref_squeeze %dma_start3A_231 : memref<1x80xi32, #tpu.memory_space<vmem>> -> memref<80xi32, #tpu.memory_space<vmem>>
        %dma_start3A_233 = arith.constant 0 : i32
        %dma_start3A_234 = arith.constant 0 : i32
        %dma_start3A_235 = tpu.memref_slice %arg10[%dma_start3A_233, %dma_start3A_234] : memref<12800x64xf32, #tpu.memory_space<vmem_shared>> -> memref<12800x64xf32, #tpu.memory_space<vmem_shared>>
        tpu.enqueue_indirect_dma source(%dma_start3A_229 : memref<80x64xf32, #tpu.memory_space<vmem>>) target(%dma_start3A_235 : memref<12800x64xf32, #tpu.memory_space<vmem_shared>>) offsets(%dma_start3A_232 : memref<80xi32, #tpu.memory_space<vmem>>) semaphore(%run_scoped3A_225 : memref<!tpu.dma_semaphore, #tpu.memory_space<semaphore_mem>>) {add = true}
        %dma_wait3A_236 = arith.constant 0 : i32
        %dma_wait3A_237 = arith.constant 0 : i32
        %dma_wait3A_238 = tpu.memref_slice %arg8[%run_scoped3A_170, %dma_wait3A_236, %dma_wait3A_237] : memref<5x80x64xf32, #tpu.memory_space<vmem>> -> memref<1x80x64xf32, #tpu.memory_space<vmem>>
        %dma_wait3A_239 = tpu.memref_squeeze %dma_wait3A_238 : memref<1x80x64xf32, #tpu.memory_space<vmem>> -> memref<80x64xf32, #tpu.memory_space<vmem>>
        %dma_wait3A_240 = arith.constant 0 : i32
        %dma_wait3A_241 = tpu.memref_slice %arg7[%add3A_145, %dma_wait3A_240] : memref<250x80xi32, #tpu.memory_space<vmem>> -> memref<1x80xi32, #tpu.memory_space<vmem>>
        %dma_wait3A_242 = tpu.memref_squeeze %dma_wait3A_241 : memref<1x80xi32, #tpu.memory_space<vmem>> -> memref<80xi32, #tpu.memory_space<vmem>>
        %dma_wait3A_243 = arith.constant 0 : i32
        %dma_wait3A_244 = arith.constant 0 : i32
        %dma_wait3A_245 = tpu.memref_slice %arg10[%dma_wait3A_243, %dma_wait3A_244] : memref<12800x64xf32, #tpu.memory_space<vmem_shared>> -> memref<12800x64xf32, #tpu.memory_space<vmem_shared>>
        tpu.wait_indirect_dma semaphore(%run_scoped3A_225 : memref<!tpu.dma_semaphore, #tpu.memory_space<semaphore_mem>>) src(%dma_wait3A_239 : memref<80x64xf32, #tpu.memory_space<vmem>>) dst(%dma_wait3A_245 : memref<12800x64xf32, #tpu.memory_space<vmem_shared>>)
        tpu.yield
      }) : () -> ()
      %add3A_171 = arith.constant 3 : i32
      %add3A_172 = arith.addi %mul3A_95, %add3A_171 : i32
      %add3A_173 = arith.constant 5 : i32
      %add3A_174 = arith.addi %add3A_172, %add3A_173 : i32
      %sub3A_175 = arith.constant 1 : i32
      %sub3A_176 = arith.subi %add3A_174, %sub3A_175 : i32
      %lt3A_177 = arith.constant 250 : i32
      %lt3A_178 = arith.cmpi slt, %sub3A_176, %lt3A_177 : i32
      %convert_element_type3A_179 = arith.extui %lt3A_178 : i1 to i32
      %cond3A_180 = arith.constant 0 : i32
      %cond3A_181 = arith.cmpi ne, %convert_element_type3A_179, %cond3A_180 : i32
      scf.if %cond3A_181 {
        %dma_start3A_225 = arith.constant 2 : i32
        %dma_start3A_226 = arith.constant 0 : i32
        %dma_start3A_227 = arith.constant 0 : i32
        %dma_start3A_228 = tpu.memref_slice %arg8[%dma_start3A_225, %dma_start3A_226, %dma_start3A_227] : memref<5x80x64xf32, #tpu.memory_space<vmem>> -> memref<1x80x64xf32, #tpu.memory_space<vmem>>
        %dma_start3A_229 = tpu.memref_squeeze %dma_start3A_228 : memref<1x80x64xf32, #tpu.memory_space<vmem>> -> memref<80x64xf32, #tpu.memory_space<vmem>>
        %dma_start3A_230 = arith.constant 0 : i32
        %dma_start3A_231 = tpu.memref_slice %arg6[%sub3A_176, %dma_start3A_230] : memref<250x80xi32, #tpu.memory_space<vmem>> -> memref<1x80xi32, #tpu.memory_space<vmem>>
        %dma_start3A_232 = tpu.memref_squeeze %dma_start3A_231 : memref<1x80xi32, #tpu.memory_space<vmem>> -> memref<80xi32, #tpu.memory_space<vmem>>
        %dma_start3A_233 = arith.constant 0 : i32
        %dma_start3A_234 = arith.constant 0 : i32
        %dma_start3A_235 = tpu.memref_slice %arg4[%arg0, %dma_start3A_233, %dma_start3A_234] : memref<2x40000x64xf32, #tpu.memory_space<hbm>> -> memref<1x40000x64xf32, #tpu.memory_space<hbm>>
        %dma_start3A_236 = tpu.memref_squeeze %dma_start3A_235 : memref<1x40000x64xf32, #tpu.memory_space<hbm>> -> memref<40000x64xf32, #tpu.memory_space<hbm>>
        %dma_start3A_237 = arith.constant 0 : i32
        %dma_start3A_238 = arith.constant 0 : i32
        %dma_start3A_239 = tpu.memref_slice %dma_start3A_236[%dma_start3A_237, %dma_start3A_238] : memref<40000x64xf32, #tpu.memory_space<hbm>> -> memref<40000x64xf32, #tpu.memory_space<hbm>>
        tpu.enqueue_indirect_dma source(%dma_start3A_239 : memref<40000x64xf32, #tpu.memory_space<hbm>>) target(%dma_start3A_229 : memref<80x64xf32, #tpu.memory_space<vmem>>) offsets(%dma_start3A_232 : memref<80xi32, #tpu.memory_space<vmem>>) semaphore(%arg13 : memref<!tpu.dma_semaphore, #tpu.memory_space<semaphore_mem>>)
      } else {
      }
      %dma_wait3A_182 = arith.constant 3 : i32
      %dma_wait3A_183 = arith.constant 0 : i32
      %dma_wait3A_184 = arith.constant 0 : i32
      %dma_wait3A_185 = tpu.memref_slice %arg8[%dma_wait3A_182, %dma_wait3A_183, %dma_wait3A_184] : memref<5x80x64xf32, #tpu.memory_space<vmem>> -> memref<1x80x64xf32, #tpu.memory_space<vmem>>
      %dma_wait3A_186 = tpu.memref_squeeze %dma_wait3A_185 : memref<1x80x64xf32, #tpu.memory_space<vmem>> -> memref<80x64xf32, #tpu.memory_space<vmem>>
      %dma_wait3A_187 = arith.constant 0 : i32
      %dma_wait3A_188 = tpu.memref_slice %arg6[%add3A_172, %dma_wait3A_187] : memref<250x80xi32, #tpu.memory_space<vmem>> -> memref<1x80xi32, #tpu.memory_space<vmem>>
      %dma_wait3A_189 = tpu.memref_squeeze %dma_wait3A_188 : memref<1x80xi32, #tpu.memory_space<vmem>> -> memref<80xi32, #tpu.memory_space<vmem>>
      %dma_wait3A_190 = arith.constant 0 : i32
      %dma_wait3A_191 = arith.constant 0 : i32
      %dma_wait3A_192 = tpu.memref_slice %arg4[%arg0, %dma_wait3A_190, %dma_wait3A_191] : memref<2x40000x64xf32, #tpu.memory_space<hbm>> -> memref<1x40000x64xf32, #tpu.memory_space<hbm>>
      %dma_wait3A_193 = tpu.memref_squeeze %dma_wait3A_192 : memref<1x40000x64xf32, #tpu.memory_space<hbm>> -> memref<40000x64xf32, #tpu.memory_space<hbm>>
      %dma_wait3A_194 = arith.constant 0 : i32
      %dma_wait3A_195 = arith.constant 0 : i32
      %dma_wait3A_196 = tpu.memref_slice %dma_wait3A_193[%dma_wait3A_194, %dma_wait3A_195] : memref<40000x64xf32, #tpu.memory_space<hbm>> -> memref<40000x64xf32, #tpu.memory_space<hbm>>
      tpu.wait_indirect_dma semaphore(%arg14 : memref<!tpu.dma_semaphore, #tpu.memory_space<semaphore_mem>>) src(%dma_wait3A_196 : memref<40000x64xf32, #tpu.memory_space<hbm>>) dst(%dma_wait3A_186 : memref<80x64xf32, #tpu.memory_space<vmem>>)
      %run_scoped3A_197 = arith.constant 3 : i32
      "tpu.region"() ({
        %run_scoped3A_225 = tpu.sem_alloc : memref<!tpu.dma_semaphore, #tpu.memory_space<semaphore_mem>>
        %dma_start3A_226 = arith.constant 0 : i32
        %dma_start3A_227 = arith.constant 0 : i32
        %dma_start3A_228 = tpu.memref_slice %arg8[%run_scoped3A_197, %dma_start3A_226, %dma_start3A_227] : memref<5x80x64xf32, #tpu.memory_space<vmem>> -> memref<1x80x64xf32, #tpu.memory_space<vmem>>
        %dma_start3A_229 = tpu.memref_squeeze %dma_start3A_228 : memref<1x80x64xf32, #tpu.memory_space<vmem>> -> memref<80x64xf32, #tpu.memory_space<vmem>>
        %dma_start3A_230 = arith.constant 0 : i32
        %dma_start3A_231 = tpu.memref_slice %arg7[%add3A_172, %dma_start3A_230] : memref<250x80xi32, #tpu.memory_space<vmem>> -> memref<1x80xi32, #tpu.memory_space<vmem>>
        %dma_start3A_232 = tpu.memref_squeeze %dma_start3A_231 : memref<1x80xi32, #tpu.memory_space<vmem>> -> memref<80xi32, #tpu.memory_space<vmem>>
        %dma_start3A_233 = arith.constant 0 : i32
        %dma_start3A_234 = arith.constant 0 : i32
        %dma_start3A_235 = tpu.memref_slice %arg10[%dma_start3A_233, %dma_start3A_234] : memref<12800x64xf32, #tpu.memory_space<vmem_shared>> -> memref<12800x64xf32, #tpu.memory_space<vmem_shared>>
        tpu.enqueue_indirect_dma source(%dma_start3A_229 : memref<80x64xf32, #tpu.memory_space<vmem>>) target(%dma_start3A_235 : memref<12800x64xf32, #tpu.memory_space<vmem_shared>>) offsets(%dma_start3A_232 : memref<80xi32, #tpu.memory_space<vmem>>) semaphore(%run_scoped3A_225 : memref<!tpu.dma_semaphore, #tpu.memory_space<semaphore_mem>>) {add = true}
        %dma_wait3A_236 = arith.constant 0 : i32
        %dma_wait3A_237 = arith.constant 0 : i32
        %dma_wait3A_238 = tpu.memref_slice %arg8[%run_scoped3A_197, %dma_wait3A_236, %dma_wait3A_237] : memref<5x80x64xf32, #tpu.memory_space<vmem>> -> memref<1x80x64xf32, #tpu.memory_space<vmem>>
        %dma_wait3A_239 = tpu.memref_squeeze %dma_wait3A_238 : memref<1x80x64xf32, #tpu.memory_space<vmem>> -> memref<80x64xf32, #tpu.memory_space<vmem>>
        %dma_wait3A_240 = arith.constant 0 : i32
        %dma_wait3A_241 = tpu.memref_slice %arg7[%add3A_172, %dma_wait3A_240] : memref<250x80xi32, #tpu.memory_space<vmem>> -> memref<1x80xi32, #tpu.memory_space<vmem>>
        %dma_wait3A_242 = tpu.memref_squeeze %dma_wait3A_241 : memref<1x80xi32, #tpu.memory_space<vmem>> -> memref<80xi32, #tpu.memory_space<vmem>>
        %dma_wait3A_243 = arith.constant 0 : i32
        %dma_wait3A_244 = arith.constant 0 : i32
        %dma_wait3A_245 = tpu.memref_slice %arg10[%dma_wait3A_243, %dma_wait3A_244] : memref<12800x64xf32, #tpu.memory_space<vmem_shared>> -> memref<12800x64xf32, #tpu.memory_space<vmem_shared>>
        tpu.wait_indirect_dma semaphore(%run_scoped3A_225 : memref<!tpu.dma_semaphore, #tpu.memory_space<semaphore_mem>>) src(%dma_wait3A_239 : memref<80x64xf32, #tpu.memory_space<vmem>>) dst(%dma_wait3A_245 : memref<12800x64xf32, #tpu.memory_space<vmem_shared>>)
        tpu.yield
      }) : () -> ()
      %add3A_198 = arith.constant 4 : i32
      %add3A_199 = arith.addi %mul3A_95, %add3A_198 : i32
      %add3A_200 = arith.constant 5 : i32
      %add3A_201 = arith.addi %add3A_199, %add3A_200 : i32
      %sub3A_202 = arith.constant 1 : i32
      %sub3A_203 = arith.subi %add3A_201, %sub3A_202 : i32
      %lt3A_204 = arith.constant 250 : i32
      %lt3A_205 = arith.cmpi slt, %sub3A_203, %lt3A_204 : i32
      %convert_element_type3A_206 = arith.extui %lt3A_205 : i1 to i32
      %cond3A_207 = arith.constant 0 : i32
      %cond3A_208 = arith.cmpi ne, %convert_element_type3A_206, %cond3A_207 : i32
      scf.if %cond3A_208 {
        %dma_start3A_225 = arith.constant 3 : i32
        %dma_start3A_226 = arith.constant 0 : i32
        %dma_start3A_227 = arith.constant 0 : i32
        %dma_start3A_228 = tpu.memref_slice %arg8[%dma_start3A_225, %dma_start3A_226, %dma_start3A_227] : memref<5x80x64xf32, #tpu.memory_space<vmem>> -> memref<1x80x64xf32, #tpu.memory_space<vmem>>
        %dma_start3A_229 = tpu.memref_squeeze %dma_start3A_228 : memref<1x80x64xf32, #tpu.memory_space<vmem>> -> memref<80x64xf32, #tpu.memory_space<vmem>>
        %dma_start3A_230 = arith.constant 0 : i32
        %dma_start3A_231 = tpu.memref_slice %arg6[%sub3A_203, %dma_start3A_230] : memref<250x80xi32, #tpu.memory_space<vmem>> -> memref<1x80xi32, #tpu.memory_space<vmem>>
        %dma_start3A_232 = tpu.memref_squeeze %dma_start3A_231 : memref<1x80xi32, #tpu.memory_space<vmem>> -> memref<80xi32, #tpu.memory_space<vmem>>
        %dma_start3A_233 = arith.constant 0 : i32
        %dma_start3A_234 = arith.constant 0 : i32
        %dma_start3A_235 = tpu.memref_slice %arg4[%arg0, %dma_start3A_233, %dma_start3A_234] : memref<2x40000x64xf32, #tpu.memory_space<hbm>> -> memref<1x40000x64xf32, #tpu.memory_space<hbm>>
        %dma_start3A_236 = tpu.memref_squeeze %dma_start3A_235 : memref<1x40000x64xf32, #tpu.memory_space<hbm>> -> memref<40000x64xf32, #tpu.memory_space<hbm>>
        %dma_start3A_237 = arith.constant 0 : i32
        %dma_start3A_238 = arith.constant 0 : i32
        %dma_start3A_239 = tpu.memref_slice %dma_start3A_236[%dma_start3A_237, %dma_start3A_238] : memref<40000x64xf32, #tpu.memory_space<hbm>> -> memref<40000x64xf32, #tpu.memory_space<hbm>>
        tpu.enqueue_indirect_dma source(%dma_start3A_239 : memref<40000x64xf32, #tpu.memory_space<hbm>>) target(%dma_start3A_229 : memref<80x64xf32, #tpu.memory_space<vmem>>) offsets(%dma_start3A_232 : memref<80xi32, #tpu.memory_space<vmem>>) semaphore(%arg14 : memref<!tpu.dma_semaphore, #tpu.memory_space<semaphore_mem>>)
      } else {
      }
      %dma_wait3A_209 = arith.constant 4 : i32
      %dma_wait3A_210 = arith.constant 0 : i32
      %dma_wait3A_211 = arith.constant 0 : i32
      %dma_wait3A_212 = tpu.memref_slice %arg8[%dma_wait3A_209, %dma_wait3A_210, %dma_wait3A_211] : memref<5x80x64xf32, #tpu.memory_space<vmem>> -> memref<1x80x64xf32, #tpu.memory_space<vmem>>
      %dma_wait3A_213 = tpu.memref_squeeze %dma_wait3A_212 : memref<1x80x64xf32, #tpu.memory_space<vmem>> -> memref<80x64xf32, #tpu.memory_space<vmem>>
      %dma_wait3A_214 = arith.constant 0 : i32
      %dma_wait3A_215 = tpu.memref_slice %arg6[%add3A_199, %dma_wait3A_214] : memref<250x80xi32, #tpu.memory_space<vmem>> -> memref<1x80xi32, #tpu.memory_space<vmem>>
      %dma_wait3A_216 = tpu.memref_squeeze %dma_wait3A_215 : memref<1x80xi32, #tpu.memory_space<vmem>> -> memref<80xi32, #tpu.memory_space<vmem>>
      %dma_wait3A_217 = arith.constant 0 : i32
      %dma_wait3A_218 = arith.constant 0 : i32
      %dma_wait3A_219 = tpu.memref_slice %arg4[%arg0, %dma_wait3A_217, %dma_wait3A_218] : memref<2x40000x64xf32, #tpu.memory_space<hbm>> -> memref<1x40000x64xf32, #tpu.memory_space<hbm>>
      %dma_wait3A_220 = tpu.memref_squeeze %dma_wait3A_219 : memref<1x40000x64xf32, #tpu.memory_space<hbm>> -> memref<40000x64xf32, #tpu.memory_space<hbm>>
      %dma_wait3A_221 = arith.constant 0 : i32
      %dma_wait3A_222 = arith.constant 0 : i32
      %dma_wait3A_223 = tpu.memref_slice %dma_wait3A_220[%dma_wait3A_221, %dma_wait3A_222] : memref<40000x64xf32, #tpu.memory_space<hbm>> -> memref<40000x64xf32, #tpu.memory_space<hbm>>
      tpu.wait_indirect_dma semaphore(%arg15 : memref<!tpu.dma_semaphore, #tpu.memory_space<semaphore_mem>>) src(%dma_wait3A_223 : memref<40000x64xf32, #tpu.memory_space<hbm>>) dst(%dma_wait3A_213 : memref<80x64xf32, #tpu.memory_space<vmem>>)
      %run_scoped3A_224 = arith.constant 4 : i32
      "tpu.region"() ({
        %run_scoped3A_225 = tpu.sem_alloc : memref<!tpu.dma_semaphore, #tpu.memory_space<semaphore_mem>>
        %dma_start3A_226 = arith.constant 0 : i32
        %dma_start3A_227 = arith.constant 0 : i32
        %dma_start3A_228 = tpu.memref_slice %arg8[%run_scoped3A_224, %dma_start3A_226, %dma_start3A_227] : memref<5x80x64xf32, #tpu.memory_space<vmem>> -> memref<1x80x64xf32, #tpu.memory_space<vmem>>
        %dma_start3A_229 = tpu.memref_squeeze %dma_start3A_228 : memref<1x80x64xf32, #tpu.memory_space<vmem>> -> memref<80x64xf32, #tpu.memory_space<vmem>>
        %dma_start3A_230 = arith.constant 0 : i32
        %dma_start3A_231 = tpu.memref_slice %arg7[%add3A_199, %dma_start3A_230] : memref<250x80xi32, #tpu.memory_space<vmem>> -> memref<1x80xi32, #tpu.memory_space<vmem>>
        %dma_start3A_232 = tpu.memref_squeeze %dma_start3A_231 : memref<1x80xi32, #tpu.memory_space<vmem>> -> memref<80xi32, #tpu.memory_space<vmem>>
        %dma_start3A_233 = arith.constant 0 : i32
        %dma_start3A_234 = arith.constant 0 : i32
        %dma_start3A_235 = tpu.memref_slice %arg10[%dma_start3A_233, %dma_start3A_234] : memref<12800x64xf32, #tpu.memory_space<vmem_shared>> -> memref<12800x64xf32, #tpu.memory_space<vmem_shared>>
        tpu.enqueue_indirect_dma source(%dma_start3A_229 : memref<80x64xf32, #tpu.memory_space<vmem>>) target(%dma_start3A_235 : memref<12800x64xf32, #tpu.memory_space<vmem_shared>>) offsets(%dma_start3A_232 : memref<80xi32, #tpu.memory_space<vmem>>) semaphore(%run_scoped3A_225 : memref<!tpu.dma_semaphore, #tpu.memory_space<semaphore_mem>>) {add = true}
        %dma_wait3A_236 = arith.constant 0 : i32
        %dma_wait3A_237 = arith.constant 0 : i32
        %dma_wait3A_238 = tpu.memref_slice %arg8[%run_scoped3A_224, %dma_wait3A_236, %dma_wait3A_237] : memref<5x80x64xf32, #tpu.memory_space<vmem>> -> memref<1x80x64xf32, #tpu.memory_space<vmem>>
        %dma_wait3A_239 = tpu.memref_squeeze %dma_wait3A_238 : memref<1x80x64xf32, #tpu.memory_space<vmem>> -> memref<80x64xf32, #tpu.memory_space<vmem>>
        %dma_wait3A_240 = arith.constant 0 : i32
        %dma_wait3A_241 = tpu.memref_slice %arg7[%add3A_199, %dma_wait3A_240] : memref<250x80xi32, #tpu.memory_space<vmem>> -> memref<1x80xi32, #tpu.memory_space<vmem>>
        %dma_wait3A_242 = tpu.memref_squeeze %dma_wait3A_241 : memref<1x80xi32, #tpu.memory_space<vmem>> -> memref<80xi32, #tpu.memory_space<vmem>>
        %dma_wait3A_243 = arith.constant 0 : i32
        %dma_wait3A_244 = arith.constant 0 : i32
        %dma_wait3A_245 = tpu.memref_slice %arg10[%dma_wait3A_243, %dma_wait3A_244] : memref<12800x64xf32, #tpu.memory_space<vmem_shared>> -> memref<12800x64xf32, #tpu.memory_space<vmem_shared>>
        tpu.wait_indirect_dma semaphore(%run_scoped3A_225 : memref<!tpu.dma_semaphore, #tpu.memory_space<semaphore_mem>>) src(%dma_wait3A_239 : memref<80x64xf32, #tpu.memory_space<vmem>>) dst(%dma_wait3A_245 : memref<12800x64xf32, #tpu.memory_space<vmem_shared>>)
        tpu.yield
      }) : () -> ()
    }
    %scan3A_87 = arith.constant 50 : i32
    %barrier3A_88 = arith.constant 0 : index
    tpu.barrier barrier_id(%barrier3A_88)
    %mul3A_89 = arith.constant 640 : i32
    %mul3A_90 = arith.muli %arg1, %mul3A_89 : i32
    %mul3A_91 = arith.constant 640 : i32
    %mul3A_92 = arith.muli %arg1, %mul3A_91 : i32
    "tpu.region"() ({
      %run_scoped3A = tpu.sem_alloc : memref<!tpu.dma_semaphore, #tpu.memory_space<semaphore_mem>>
      %dma_start3A_93 = arith.constant 0 : i32
      %dma_start3A_94 = tpu.memref_slice %arg5[%arg0, %mul3A_92, %dma_start3A_93] : memref<2x12800x64xf32, #tpu.memory_space<hbm>> -> memref<1x640x64xf32, #tpu.memory_space<hbm>>
      %dma_start3A_95 = tpu.memref_squeeze %dma_start3A_94 : memref<1x640x64xf32, #tpu.memory_space<hbm>> -> memref<640x64xf32, #tpu.memory_space<hbm>>
      %dma_start3A_96 = arith.constant 0 : i32
      %dma_start3A_97 = tpu.memref_slice %arg10[%mul3A_90, %dma_start3A_96] : memref<12800x64xf32, #tpu.memory_space<vmem_shared>> -> memref<640x64xf32, #tpu.memory_space<vmem_shared>>
      tpu.enqueue_dma source(%dma_start3A_97 : memref<640x64xf32, #tpu.memory_space<vmem_shared>>) target(%dma_start3A_95 : memref<640x64xf32, #tpu.memory_space<hbm>>) target_semaphore(%run_scoped3A : memref<!tpu.dma_semaphore, #tpu.memory_space<semaphore_mem>>)
      %dma_wait3A = arith.constant 0 : i32
      %dma_wait3A_98 = tpu.memref_slice %arg5[%arg0, %mul3A_92, %dma_wait3A] : memref<2x12800x64xf32, #tpu.memory_space<hbm>> -> memref<1x640x64xf32, #tpu.memory_space<hbm>>
      %dma_wait3A_99 = tpu.memref_squeeze %dma_wait3A_98 : memref<1x640x64xf32, #tpu.memory_space<hbm>> -> memref<640x64xf32, #tpu.memory_space<hbm>>
      %dma_wait3A_100 = arith.constant 0 : i32
      %dma_wait3A_101 = tpu.memref_slice %arg10[%mul3A_90, %dma_wait3A_100] : memref<12800x64xf32, #tpu.memory_space<vmem_shared>> -> memref<640x64xf32, #tpu.memory_space<vmem_shared>>
      tpu.wait_dma2 semaphore(%run_scoped3A : memref<!tpu.dma_semaphore, #tpu.memory_space<semaphore_mem>>) src(%dma_wait3A_101 : memref<640x64xf32, #tpu.memory_space<vmem_shared>>) dst(%dma_wait3A_99 : memref<640x64xf32, #tpu.memory_space<hbm>>)
      tpu.yield
    }) : () -> ()
    return
  }
}

module attributes {stable_mosaic.version = 14 : i64} {
  func.func @_wh0_body(%arg0: i32, %arg1: memref<400x128xf32, #tpu.memory_space<vmem>>, %arg2: memref<4x128x128xf32, #tpu.memory_space<vmem>>, %arg3: memref<4x1x128xf32, #tpu.memory_space<vmem>>, %arg4: memref<2x4x400x64xf32, #tpu.memory_space<vmem>>) attributes {dimension_semantics = [#tpu.dimension_semantics<arbitrary>], iteration_bounds = array<i64: 25>, scalar_prefetch = 0 : i64, scratch_operands = 0 : i64, tpu.core_type = #tpu.core_type<tc>, window_params = [{transform_indices = @transform_0, window_bounds = array<i64: 400, 128>}, {pipeline_mode = #tpu.pipeline_mode<synchronous>, transform_indices = @transform_1, window_bounds = array<i64: 4, 128, 128>}, {pipeline_mode = #tpu.pipeline_mode<synchronous>, transform_indices = @transform_2, window_bounds = array<i64: 4, 1, 128>}, {transform_indices = @transform_3, window_bounds = array<i64: 2, 4, 400, 64>}]} {
    %get3A = arith.constant 0 : index
    %get3A_0 = arith.constant 0 : index
    %get3A_1 = vector.load %arg1[%get3A, %get3A_0] : memref<400x128xf32, #tpu.memory_space<vmem>>, vector<400x128xf32>
    %get3A_2 = arith.constant 0 : index
    %get3A_3 = arith.constant 0 : index
    %get3A_4 = arith.constant 0 : index
    %get3A_5 = vector.load %arg2[%get3A_2, %get3A_3, %get3A_4] : memref<4x128x128xf32, #tpu.memory_space<vmem>>, vector<1x128x128xf32>
    %get3A_6 = vector.shape_cast %get3A_5 : vector<1x128x128xf32> to vector<128x128xf32>
    %dot_general3A = arith.constant dense<0.000000e+00> : vector<400x128xf32>
    %dot_general3A_7 = tpu.matmul %get3A_1, %get3A_6, %dot_general3A {dimension_numbers = #tpu.dot_dimension_numbers<[1], [1], [0], [0], [0, 0, 1, 0], [], []>, transpose_lhs_hint = false} : vector<400x128xf32>, vector<128x128xf32>, vector<400x128xf32> -> vector<400x128xf32>
    %get3A_8 = arith.constant 0 : index
    %get3A_9 = arith.constant 0 : index
    %get3A_10 = arith.constant 0 : index
    %get3A_11 = vector.load %arg3[%get3A_8, %get3A_9, %get3A_10] : memref<4x1x128xf32, #tpu.memory_space<vmem>>, vector<1x1x128xf32>
    %get3A_12 = vector.shape_cast %get3A_11 : vector<1x1x128xf32> to vector<1x128xf32>
    %add3A = vector.broadcast %get3A_12 : vector<1x128xf32> to vector<400x128xf32>
    %add3A_13 = arith.addf %dot_general3A_7, %add3A : vector<400x128xf32>
    %slice3A = vector.extract_strided_slice %add3A_13 {offsets = [0, 0], sizes = [400, 64], strides = [1, 1]} : vector<400x128xf32> to vector<400x64xf32>
    %swap3A = arith.constant 0 : i32
    %swap3A_14 = arith.constant 0 : i32
    %swap3A_15 = arith.constant 0 : i32
    %swap3A_16 = arith.constant 0 : i32
    %swap3A_17 = tpu.memref_slice %arg4[%swap3A, %swap3A_14, %swap3A_15, %swap3A_16] : memref<2x4x400x64xf32, #tpu.memory_space<vmem>> -> memref<1x4x400x64xf32, #tpu.memory_space<vmem>>
    %swap3A_18 = tpu.memref_squeeze %swap3A_17 : memref<1x4x400x64xf32, #tpu.memory_space<vmem>> -> memref<4x400x64xf32, #tpu.memory_space<vmem>>
    %swap3A_19 = arith.constant 0 : index
    %swap3A_20 = arith.constant 0 : index
    %swap3A_21 = arith.constant 0 : index
    %swap3A_22 = vector.load %swap3A_18[%swap3A_19, %swap3A_20, %swap3A_21] : memref<4x400x64xf32, #tpu.memory_space<vmem>>, vector<1x400x64xf32>
    %swap3A_23 = vector.shape_cast %swap3A_22 : vector<1x400x64xf32> to vector<400x64xf32>
    %swap3A_24 = vector.shape_cast %slice3A : vector<400x64xf32> to vector<1x400x64xf32>
    tpu.vector_store %swap3A_18[%swap3A_19, %swap3A_20, %swap3A_21], %swap3A_24 {strides = array<i32>} : memref<4x400x64xf32, #tpu.memory_space<vmem>>, vector<1x400x64xf32>,
    %slice3A_25 = vector.extract_strided_slice %add3A_13 {offsets = [0, 64], sizes = [400, 64], strides = [1, 1]} : vector<400x128xf32> to vector<400x64xf32>
    %swap3A_26 = arith.constant 1 : i32
    %swap3A_27 = arith.constant 0 : i32
    %swap3A_28 = arith.constant 0 : i32
    %swap3A_29 = arith.constant 0 : i32
    %swap3A_30 = tpu.memref_slice %arg4[%swap3A_26, %swap3A_27, %swap3A_28, %swap3A_29] : memref<2x4x400x64xf32, #tpu.memory_space<vmem>> -> memref<1x4x400x64xf32, #tpu.memory_space<vmem>>
    %swap3A_31 = tpu.memref_squeeze %swap3A_30 : memref<1x4x400x64xf32, #tpu.memory_space<vmem>> -> memref<4x400x64xf32, #tpu.memory_space<vmem>>
    %swap3A_32 = arith.constant 0 : index
    %swap3A_33 = arith.constant 0 : index
    %swap3A_34 = arith.constant 0 : index
    %swap3A_35 = vector.load %swap3A_31[%swap3A_32, %swap3A_33, %swap3A_34] : memref<4x400x64xf32, #tpu.memory_space<vmem>>, vector<1x400x64xf32>
    %swap3A_36 = vector.shape_cast %swap3A_35 : vector<1x400x64xf32> to vector<400x64xf32>
    %swap3A_37 = vector.shape_cast %slice3A_25 : vector<400x64xf32> to vector<1x400x64xf32>
    tpu.vector_store %swap3A_31[%swap3A_32, %swap3A_33, %swap3A_34], %swap3A_37 {strides = array<i32>} : memref<4x400x64xf32, #tpu.memory_space<vmem>>, vector<1x400x64xf32>,
    %get3A_38 = arith.constant 1 : index
    %get3A_39 = arith.constant 0 : index
    %get3A_40 = arith.constant 0 : index
    %get3A_41 = vector.load %arg2[%get3A_38, %get3A_39, %get3A_40] : memref<4x128x128xf32, #tpu.memory_space<vmem>>, vector<1x128x128xf32>
    %get3A_42 = vector.shape_cast %get3A_41 : vector<1x128x128xf32> to vector<128x128xf32>
    %dot_general3A_43 = arith.constant dense<0.000000e+00> : vector<400x128xf32>
    %dot_general3A_44 = tpu.matmul %get3A_1, %get3A_42, %dot_general3A_43 {dimension_numbers = #tpu.dot_dimension_numbers<[1], [1], [0], [0], [0, 0, 1, 0], [], []>, transpose_lhs_hint = false} : vector<400x128xf32>, vector<128x128xf32>, vector<400x128xf32> -> vector<400x128xf32>
    %get3A_45 = arith.constant 1 : index
    %get3A_46 = arith.constant 0 : index
    %get3A_47 = arith.constant 0 : index
    %get3A_48 = vector.load %arg3[%get3A_45, %get3A_46, %get3A_47] : memref<4x1x128xf32, #tpu.memory_space<vmem>>, vector<1x1x128xf32>
    %get3A_49 = vector.shape_cast %get3A_48 : vector<1x1x128xf32> to vector<1x128xf32>
    %add3A_50 = vector.broadcast %get3A_49 : vector<1x128xf32> to vector<400x128xf32>
    %add3A_51 = arith.addf %dot_general3A_44, %add3A_50 : vector<400x128xf32>
    %slice3A_52 = vector.extract_strided_slice %add3A_51 {offsets = [0, 0], sizes = [400, 64], strides = [1, 1]} : vector<400x128xf32> to vector<400x64xf32>
    %swap3A_53 = arith.constant 0 : i32
    %swap3A_54 = arith.constant 0 : i32
    %swap3A_55 = arith.constant 0 : i32
    %swap3A_56 = arith.constant 0 : i32
    %swap3A_57 = tpu.memref_slice %arg4[%swap3A_53, %swap3A_54, %swap3A_55, %swap3A_56] : memref<2x4x400x64xf32, #tpu.memory_space<vmem>> -> memref<1x4x400x64xf32, #tpu.memory_space<vmem>>
    %swap3A_58 = tpu.memref_squeeze %swap3A_57 : memref<1x4x400x64xf32, #tpu.memory_space<vmem>> -> memref<4x400x64xf32, #tpu.memory_space<vmem>>
    %swap3A_59 = arith.constant 1 : index
    %swap3A_60 = arith.constant 0 : index
    %swap3A_61 = arith.constant 0 : index
    %swap3A_62 = vector.load %swap3A_58[%swap3A_59, %swap3A_60, %swap3A_61] : memref<4x400x64xf32, #tpu.memory_space<vmem>>, vector<1x400x64xf32>
    %swap3A_63 = vector.shape_cast %swap3A_62 : vector<1x400x64xf32> to vector<400x64xf32>
    %swap3A_64 = vector.shape_cast %slice3A_52 : vector<400x64xf32> to vector<1x400x64xf32>
    tpu.vector_store %swap3A_58[%swap3A_59, %swap3A_60, %swap3A_61], %swap3A_64 {strides = array<i32>} : memref<4x400x64xf32, #tpu.memory_space<vmem>>, vector<1x400x64xf32>,
    %slice3A_65 = vector.extract_strided_slice %add3A_51 {offsets = [0, 64], sizes = [400, 64], strides = [1, 1]} : vector<400x128xf32> to vector<400x64xf32>
    %swap3A_66 = arith.constant 1 : i32
    %swap3A_67 = arith.constant 0 : i32
    %swap3A_68 = arith.constant 0 : i32
    %swap3A_69 = arith.constant 0 : i32
    %swap3A_70 = tpu.memref_slice %arg4[%swap3A_66, %swap3A_67, %swap3A_68, %swap3A_69] : memref<2x4x400x64xf32, #tpu.memory_space<vmem>> -> memref<1x4x400x64xf32, #tpu.memory_space<vmem>>
    %swap3A_71 = tpu.memref_squeeze %swap3A_70 : memref<1x4x400x64xf32, #tpu.memory_space<vmem>> -> memref<4x400x64xf32, #tpu.memory_space<vmem>>
    %swap3A_72 = arith.constant 1 : index
    %swap3A_73 = arith.constant 0 : index
    %swap3A_74 = arith.constant 0 : index
    %swap3A_75 = vector.load %swap3A_71[%swap3A_72, %swap3A_73, %swap3A_74] : memref<4x400x64xf32, #tpu.memory_space<vmem>>, vector<1x400x64xf32>
    %swap3A_76 = vector.shape_cast %swap3A_75 : vector<1x400x64xf32> to vector<400x64xf32>
    %swap3A_77 = vector.shape_cast %slice3A_65 : vector<400x64xf32> to vector<1x400x64xf32>
    tpu.vector_store %swap3A_71[%swap3A_72, %swap3A_73, %swap3A_74], %swap3A_77 {strides = array<i32>} : memref<4x400x64xf32, #tpu.memory_space<vmem>>, vector<1x400x64xf32>,
    %get3A_78 = arith.constant 2 : index
    %get3A_79 = arith.constant 0 : index
    %get3A_80 = arith.constant 0 : index
    %get3A_81 = vector.load %arg2[%get3A_78, %get3A_79, %get3A_80] : memref<4x128x128xf32, #tpu.memory_space<vmem>>, vector<1x128x128xf32>
    %get3A_82 = vector.shape_cast %get3A_81 : vector<1x128x128xf32> to vector<128x128xf32>
    %dot_general3A_83 = arith.constant dense<0.000000e+00> : vector<400x128xf32>
    %dot_general3A_84 = tpu.matmul %get3A_1, %get3A_82, %dot_general3A_83 {dimension_numbers = #tpu.dot_dimension_numbers<[1], [1], [0], [0], [0, 0, 1, 0], [], []>, transpose_lhs_hint = false} : vector<400x128xf32>, vector<128x128xf32>, vector<400x128xf32> -> vector<400x128xf32>
    %get3A_85 = arith.constant 2 : index
    %get3A_86 = arith.constant 0 : index
    %get3A_87 = arith.constant 0 : index
    %get3A_88 = vector.load %arg3[%get3A_85, %get3A_86, %get3A_87] : memref<4x1x128xf32, #tpu.memory_space<vmem>>, vector<1x1x128xf32>
    %get3A_89 = vector.shape_cast %get3A_88 : vector<1x1x128xf32> to vector<1x128xf32>
    %add3A_90 = vector.broadcast %get3A_89 : vector<1x128xf32> to vector<400x128xf32>
    %add3A_91 = arith.addf %dot_general3A_84, %add3A_90 : vector<400x128xf32>
    %slice3A_92 = vector.extract_strided_slice %add3A_91 {offsets = [0, 0], sizes = [400, 64], strides = [1, 1]} : vector<400x128xf32> to vector<400x64xf32>
    %swap3A_93 = arith.constant 0 : i32
    %swap3A_94 = arith.constant 0 : i32
    %swap3A_95 = arith.constant 0 : i32
    %swap3A_96 = arith.constant 0 : i32
    %swap3A_97 = tpu.memref_slice %arg4[%swap3A_93, %swap3A_94, %swap3A_95, %swap3A_96] : memref<2x4x400x64xf32, #tpu.memory_space<vmem>> -> memref<1x4x400x64xf32, #tpu.memory_space<vmem>>
    %swap3A_98 = tpu.memref_squeeze %swap3A_97 : memref<1x4x400x64xf32, #tpu.memory_space<vmem>> -> memref<4x400x64xf32, #tpu.memory_space<vmem>>
    %swap3A_99 = arith.constant 2 : index
    %swap3A_100 = arith.constant 0 : index
    %swap3A_101 = arith.constant 0 : index
    %swap3A_102 = vector.load %swap3A_98[%swap3A_99, %swap3A_100, %swap3A_101] : memref<4x400x64xf32, #tpu.memory_space<vmem>>, vector<1x400x64xf32>
    %swap3A_103 = vector.shape_cast %swap3A_102 : vector<1x400x64xf32> to vector<400x64xf32>
    %swap3A_104 = vector.shape_cast %slice3A_92 : vector<400x64xf32> to vector<1x400x64xf32>
    tpu.vector_store %swap3A_98[%swap3A_99, %swap3A_100, %swap3A_101], %swap3A_104 {strides = array<i32>} : memref<4x400x64xf32, #tpu.memory_space<vmem>>, vector<1x400x64xf32>,
    %slice3A_105 = vector.extract_strided_slice %add3A_91 {offsets = [0, 64], sizes = [400, 64], strides = [1, 1]} : vector<400x128xf32> to vector<400x64xf32>
    %swap3A_106 = arith.constant 1 : i32
    %swap3A_107 = arith.constant 0 : i32
    %swap3A_108 = arith.constant 0 : i32
    %swap3A_109 = arith.constant 0 : i32
    %swap3A_110 = tpu.memref_slice %arg4[%swap3A_106, %swap3A_107, %swap3A_108, %swap3A_109] : memref<2x4x400x64xf32, #tpu.memory_space<vmem>> -> memref<1x4x400x64xf32, #tpu.memory_space<vmem>>
    %swap3A_111 = tpu.memref_squeeze %swap3A_110 : memref<1x4x400x64xf32, #tpu.memory_space<vmem>> -> memref<4x400x64xf32, #tpu.memory_space<vmem>>
    %swap3A_112 = arith.constant 2 : index
    %swap3A_113 = arith.constant 0 : index
    %swap3A_114 = arith.constant 0 : index
    %swap3A_115 = vector.load %swap3A_111[%swap3A_112, %swap3A_113, %swap3A_114] : memref<4x400x64xf32, #tpu.memory_space<vmem>>, vector<1x400x64xf32>
    %swap3A_116 = vector.shape_cast %swap3A_115 : vector<1x400x64xf32> to vector<400x64xf32>
    %swap3A_117 = vector.shape_cast %slice3A_105 : vector<400x64xf32> to vector<1x400x64xf32>
    tpu.vector_store %swap3A_111[%swap3A_112, %swap3A_113, %swap3A_114], %swap3A_117 {strides = array<i32>} : memref<4x400x64xf32, #tpu.memory_space<vmem>>, vector<1x400x64xf32>,
    %get3A_118 = arith.constant 3 : index
    %get3A_119 = arith.constant 0 : index
    %get3A_120 = arith.constant 0 : index
    %get3A_121 = vector.load %arg2[%get3A_118, %get3A_119, %get3A_120] : memref<4x128x128xf32, #tpu.memory_space<vmem>>, vector<1x128x128xf32>
    %get3A_122 = vector.shape_cast %get3A_121 : vector<1x128x128xf32> to vector<128x128xf32>
    %dot_general3A_123 = arith.constant dense<0.000000e+00> : vector<400x128xf32>
    %dot_general3A_124 = tpu.matmul %get3A_1, %get3A_122, %dot_general3A_123 {dimension_numbers = #tpu.dot_dimension_numbers<[1], [1], [0], [0], [0, 0, 1, 0], [], []>, transpose_lhs_hint = false} : vector<400x128xf32>, vector<128x128xf32>, vector<400x128xf32> -> vector<400x128xf32>
    %get3A_125 = arith.constant 3 : index
    %get3A_126 = arith.constant 0 : index
    %get3A_127 = arith.constant 0 : index
    %get3A_128 = vector.load %arg3[%get3A_125, %get3A_126, %get3A_127] : memref<4x1x128xf32, #tpu.memory_space<vmem>>, vector<1x1x128xf32>
    %get3A_129 = vector.shape_cast %get3A_128 : vector<1x1x128xf32> to vector<1x128xf32>
    %add3A_130 = vector.broadcast %get3A_129 : vector<1x128xf32> to vector<400x128xf32>
    %add3A_131 = arith.addf %dot_general3A_124, %add3A_130 : vector<400x128xf32>
    %slice3A_132 = vector.extract_strided_slice %add3A_131 {offsets = [0, 0], sizes = [400, 64], strides = [1, 1]} : vector<400x128xf32> to vector<400x64xf32>
    %swap3A_133 = arith.constant 0 : i32
    %swap3A_134 = arith.constant 0 : i32
    %swap3A_135 = arith.constant 0 : i32
    %swap3A_136 = arith.constant 0 : i32
    %swap3A_137 = tpu.memref_slice %arg4[%swap3A_133, %swap3A_134, %swap3A_135, %swap3A_136] : memref<2x4x400x64xf32, #tpu.memory_space<vmem>> -> memref<1x4x400x64xf32, #tpu.memory_space<vmem>>
    %swap3A_138 = tpu.memref_squeeze %swap3A_137 : memref<1x4x400x64xf32, #tpu.memory_space<vmem>> -> memref<4x400x64xf32, #tpu.memory_space<vmem>>
    %swap3A_139 = arith.constant 3 : index
    %swap3A_140 = arith.constant 0 : index
    %swap3A_141 = arith.constant 0 : index
    %swap3A_142 = vector.load %swap3A_138[%swap3A_139, %swap3A_140, %swap3A_141] : memref<4x400x64xf32, #tpu.memory_space<vmem>>, vector<1x400x64xf32>
    %swap3A_143 = vector.shape_cast %swap3A_142 : vector<1x400x64xf32> to vector<400x64xf32>
    %swap3A_144 = vector.shape_cast %slice3A_132 : vector<400x64xf32> to vector<1x400x64xf32>
    tpu.vector_store %swap3A_138[%swap3A_139, %swap3A_140, %swap3A_141], %swap3A_144 {strides = array<i32>} : memref<4x400x64xf32, #tpu.memory_space<vmem>>, vector<1x400x64xf32>,
    %slice3A_145 = vector.extract_strided_slice %add3A_131 {offsets = [0, 64], sizes = [400, 64], strides = [1, 1]} : vector<400x128xf32> to vector<400x64xf32>
    %swap3A_146 = arith.constant 1 : i32
    %swap3A_147 = arith.constant 0 : i32
    %swap3A_148 = arith.constant 0 : i32
    %swap3A_149 = arith.constant 0 : i32
    %swap3A_150 = tpu.memref_slice %arg4[%swap3A_146, %swap3A_147, %swap3A_148, %swap3A_149] : memref<2x4x400x64xf32, #tpu.memory_space<vmem>> -> memref<1x4x400x64xf32, #tpu.memory_space<vmem>>
    %swap3A_151 = tpu.memref_squeeze %swap3A_150 : memref<1x4x400x64xf32, #tpu.memory_space<vmem>> -> memref<4x400x64xf32, #tpu.memory_space<vmem>>
    %swap3A_152 = arith.constant 3 : index
    %swap3A_153 = arith.constant 0 : index
    %swap3A_154 = arith.constant 0 : index
    %swap3A_155 = vector.load %swap3A_151[%swap3A_152, %swap3A_153, %swap3A_154] : memref<4x400x64xf32, #tpu.memory_space<vmem>>, vector<1x400x64xf32>
    %swap3A_156 = vector.shape_cast %swap3A_155 : vector<1x400x64xf32> to vector<400x64xf32>
    %swap3A_157 = vector.shape_cast %slice3A_145 : vector<400x64xf32> to vector<1x400x64xf32>
    tpu.vector_store %swap3A_151[%swap3A_152, %swap3A_153, %swap3A_154], %swap3A_157 {strides = array<i32>} : memref<4x400x64xf32, #tpu.memory_space<vmem>>, vector<1x400x64xf32>,
    return
  }
  func.func @transform_0(%arg0: i32) -> (i32, i32) {
    %c0_i32 = arith.constant 0 : i32
    %c0_i32_0 = arith.constant 0 : i32
    return %arg0, %c0_i32 : i32, i32
  }
  func.func @transform_1(%arg0: i32) -> (i32, i32, i32) {
    %c0_i32 = arith.constant 0 : i32
    %c0_i32_0 = arith.constant 0 : i32
    %c0_i32_1 = arith.constant 0 : i32
    %c0_i32_2 = arith.constant 0 : i32
    return %c0_i32, %c0_i32_0, %c0_i32_1 : i32, i32, i32
  }
  func.func @transform_2(%arg0: i32) -> (i32, i32, i32) {
    %c0_i32 = arith.constant 0 : i32
    %c0_i32_0 = arith.constant 0 : i32
    %c0_i32_1 = arith.constant 0 : i32
    %c0_i32_2 = arith.constant 0 : i32
    return %c0_i32, %c0_i32_0, %c0_i32_1 : i32, i32, i32
  }
  func.func @transform_3(%arg0: i32) -> (i32, i32, i32, i32) {
    %c0_i32 = arith.constant 0 : i32
    %c0_i32_0 = arith.constant 0 : i32
    %c0_i32_1 = arith.constant 0 : i32
    %c0_i32_2 = arith.constant 0 : i32
    return %c0_i32, %c0_i32_0, %arg0, %c0_i32_1 : i32, i32, i32, i32
  }
}

module attributes {stable_mosaic.version = 14 : i64} {
  func.func @_gru_wh_body(%arg0: i32, %arg1: memref<400x64xf32, #tpu.memory_space<vmem>>, %arg2: memref<400x64xf32, #tpu.memory_space<vmem>>, %arg3: memref<400x128xf32, #tpu.memory_space<vmem>>, %arg4: memref<384x128xf32, #tpu.memory_space<vmem>>, %arg5: memref<384x128xf32, #tpu.memory_space<vmem>>, %arg6: memref<1x384xf32, #tpu.memory_space<vmem>>, %arg7: memref<1x384xf32, #tpu.memory_space<vmem>>, %arg8: memref<4x128x128xf32, #tpu.memory_space<vmem>>, %arg9: memref<4x1x128xf32, #tpu.memory_space<vmem>>, %arg10: memref<400x128xf32, #tpu.memory_space<vmem>>, %arg11: memref<2x4x400x64xf32, #tpu.memory_space<vmem>>) attributes {dimension_semantics = [#tpu.dimension_semantics<arbitrary>], iteration_bounds = array<i64: 25>, scalar_prefetch = 0 : i64, scratch_operands = 0 : i64, tpu.core_type = #tpu.core_type<tc>, window_params = [{transform_indices = @transform_0, window_bounds = array<i64: 400, 64>}, {transform_indices = @transform_1, window_bounds = array<i64: 400, 64>}, {transform_indices = @transform_2, window_bounds = array<i64: 400, 128>}, {pipeline_mode = #tpu.pipeline_mode<synchronous>, transform_indices = @transform_3, window_bounds = array<i64: 384, 128>}, {pipeline_mode = #tpu.pipeline_mode<synchronous>, transform_indices = @transform_4, window_bounds = array<i64: 384, 128>}, {pipeline_mode = #tpu.pipeline_mode<synchronous>, transform_indices = @transform_5, window_bounds = array<i64: 1, 384>}, {pipeline_mode = #tpu.pipeline_mode<synchronous>, transform_indices = @transform_6, window_bounds = array<i64: 1, 384>}, {pipeline_mode = #tpu.pipeline_mode<synchronous>, transform_indices = @transform_7, window_bounds = array<i64: 4, 128, 128>}, {pipeline_mode = #tpu.pipeline_mode<synchronous>, transform_indices = @transform_8, window_bounds = array<i64: 4, 1, 128>}, {transform_indices = @transform_9, window_bounds = array<i64: 400, 128>}, {transform_indices = @transform_10, window_bounds = array<i64: 2, 4, 400, 64>}]} {
    %get3A = arith.constant 0 : index
    %get3A_0 = arith.constant 0 : index
    %get3A_1 = vector.load %arg1[%get3A, %get3A_0] : memref<400x64xf32, #tpu.memory_space<vmem>>, vector<400x64xf32>
    %get3A_2 = arith.constant 0 : index
    %get3A_3 = arith.constant 0 : index
    %get3A_4 = vector.load %arg2[%get3A_2, %get3A_3] : memref<400x64xf32, #tpu.memory_space<vmem>>, vector<400x64xf32>
    %get3A_5 = arith.constant 0 : index
    %get3A_6 = arith.constant 0 : index
    %get3A_7 = vector.load %arg3[%get3A_5, %get3A_6] : memref<400x128xf32, #tpu.memory_space<vmem>>, vector<400x128xf32>
    %get3A_8 = arith.constant 0 : index
    %get3A_9 = arith.constant 0 : index
    %get3A_10 = vector.load %arg4[%get3A_8, %get3A_9] : memref<384x128xf32, #tpu.memory_space<vmem>>, vector<384x128xf32>
    %get3A_11 = arith.constant 0 : index
    %get3A_12 = arith.constant 0 : index
    %get3A_13 = vector.load %arg5[%get3A_11, %get3A_12] : memref<384x128xf32, #tpu.memory_space<vmem>>, vector<384x128xf32>
    %get3A_14 = arith.constant 0 : index
    %get3A_15 = arith.constant 0 : index
    %get3A_16 = vector.load %arg6[%get3A_14, %get3A_15] : memref<1x384xf32, #tpu.memory_space<vmem>>, vector<1x384xf32>
    %get3A_17 = arith.constant 0 : index
    %get3A_18 = arith.constant 0 : index
    %get3A_19 = vector.load %arg7[%get3A_17, %get3A_18] : memref<1x384xf32, #tpu.memory_space<vmem>>, vector<1x384xf32>
    %concatenate3A = tpu.concatenate %get3A_1, %get3A_4 in 1 : vector<400x64xf32>, vector<400x64xf32> -> vector<400x128xf32>
    %dot_general3A = arith.constant dense<0.000000e+00> : vector<400x384xf32>
    %dot_general3A_20 = tpu.matmul %concatenate3A, %get3A_10, %dot_general3A {dimension_numbers = #tpu.dot_dimension_numbers<[1], [1], [0], [0], [0, 0, 1, 0], [], []>, transpose_lhs_hint = false} : vector<400x128xf32>, vector<384x128xf32>, vector<400x384xf32> -> vector<400x384xf32>
    %add3A = vector.broadcast %get3A_16 : vector<1x384xf32> to vector<400x384xf32>
    %add3A_21 = arith.addf %dot_general3A_20, %add3A : vector<400x384xf32>
    %dot_general3A_22 = arith.constant dense<0.000000e+00> : vector<400x384xf32>
    %dot_general3A_23 = tpu.matmul %get3A_7, %get3A_13, %dot_general3A_22 {dimension_numbers = #tpu.dot_dimension_numbers<[1], [1], [0], [0], [0, 0, 1, 0], [], []>, transpose_lhs_hint = false} : vector<400x128xf32>, vector<384x128xf32>, vector<400x384xf32> -> vector<400x384xf32>
    %add3A_24 = vector.broadcast %get3A_19 : vector<1x384xf32> to vector<400x384xf32>
    %add3A_25 = arith.addf %dot_general3A_23, %add3A_24 : vector<400x384xf32>
    %slice3A = vector.extract_strided_slice %add3A_21 {offsets = [0, 0], sizes = [400, 128], strides = [1, 1]} : vector<400x384xf32> to vector<400x128xf32>
    %slice3A_26 = vector.extract_strided_slice %add3A_25 {offsets = [0, 0], sizes = [400, 128], strides = [1, 1]} : vector<400x384xf32> to vector<400x128xf32>
    %add3A_27 = arith.addf %slice3A, %slice3A_26 : vector<400x128xf32>
    %logistic3A = arith.negf %add3A_27 : vector<400x128xf32>
    %logistic3A_28 = math.exp %logistic3A : vector<400x128xf32>
    %logistic3A_29 = arith.constant 1.000000e+00 : f32
    %logistic3A_30 = vector.broadcast %logistic3A_29 : f32 to vector<400x128xf32>
    %logistic3A_31 = arith.addf %logistic3A_30, %logistic3A_28 : vector<400x128xf32>
    %logistic3A_32 = arith.divf %logistic3A_30, %logistic3A_31 : vector<400x128xf32>
    %slice3A_33 = vector.extract_strided_slice %add3A_21 {offsets = [0, 128], sizes = [400, 128], strides = [1, 1]} : vector<400x384xf32> to vector<400x128xf32>
    %slice3A_34 = vector.extract_strided_slice %add3A_25 {offsets = [0, 128], sizes = [400, 128], strides = [1, 1]} : vector<400x384xf32> to vector<400x128xf32>
    %add3A_35 = arith.addf %slice3A_33, %slice3A_34 : vector<400x128xf32>
    %logistic3A_36 = arith.negf %add3A_35 : vector<400x128xf32>
    %logistic3A_37 = math.exp %logistic3A_36 : vector<400x128xf32>
    %logistic3A_38 = arith.constant 1.000000e+00 : f32
    %logistic3A_39 = vector.broadcast %logistic3A_38 : f32 to vector<400x128xf32>
    %logistic3A_40 = arith.addf %logistic3A_39, %logistic3A_37 : vector<400x128xf32>
    %logistic3A_41 = arith.divf %logistic3A_39, %logistic3A_40 : vector<400x128xf32>
    %slice3A_42 = vector.extract_strided_slice %add3A_21 {offsets = [0, 256], sizes = [400, 128], strides = [1, 1]} : vector<400x384xf32> to vector<400x128xf32>
    %slice3A_43 = vector.extract_strided_slice %add3A_25 {offsets = [0, 256], sizes = [400, 128], strides = [1, 1]} : vector<400x384xf32> to vector<400x128xf32>
    %mul3A = arith.mulf %logistic3A_32, %slice3A_43 : vector<400x128xf32>
    %add3A_44 = arith.addf %slice3A_42, %mul3A : vector<400x128xf32>
    %tanh3A = math.tanh %add3A_44 : vector<400x128xf32>
    %sub3A = arith.constant 1.000000e+00 : f32
    %sub3A_45 = vector.broadcast %sub3A : f32 to vector<400x128xf32>
    %sub3A_46 = arith.subf %sub3A_45, %logistic3A_41 : vector<400x128xf32>
    %mul3A_47 = arith.mulf %sub3A_46, %tanh3A : vector<400x128xf32>
    %mul3A_48 = arith.mulf %logistic3A_41, %get3A_7 : vector<400x128xf32>
    %add3A_49 = arith.addf %mul3A_47, %mul3A_48 : vector<400x128xf32>
    %swap3A = arith.constant 0 : index
    %swap3A_50 = arith.constant 0 : index
    %swap3A_51 = vector.load %arg10[%swap3A, %swap3A_50] : memref<400x128xf32, #tpu.memory_space<vmem>>, vector<400x128xf32>
    tpu.vector_store %arg10[%swap3A, %swap3A_50], %add3A_49 {strides = array<i32>} : memref<400x128xf32, #tpu.memory_space<vmem>>, vector<400x128xf32>,
    %get3A_52 = arith.constant 0 : index
    %get3A_53 = arith.constant 0 : index
    %get3A_54 = arith.constant 0 : index
    %get3A_55 = vector.load %arg8[%get3A_52, %get3A_53, %get3A_54] : memref<4x128x128xf32, #tpu.memory_space<vmem>>, vector<1x128x128xf32>
    %get3A_56 = vector.shape_cast %get3A_55 : vector<1x128x128xf32> to vector<128x128xf32>
    %dot_general3A_57 = arith.constant dense<0.000000e+00> : vector<400x128xf32>
    %dot_general3A_58 = tpu.matmul %add3A_49, %get3A_56, %dot_general3A_57 {dimension_numbers = #tpu.dot_dimension_numbers<[1], [1], [0], [0], [0, 0, 1, 0], [], []>, transpose_lhs_hint = false} : vector<400x128xf32>, vector<128x128xf32>, vector<400x128xf32> -> vector<400x128xf32>
    %get3A_59 = arith.constant 0 : index
    %get3A_60 = arith.constant 0 : index
    %get3A_61 = arith.constant 0 : index
    %get3A_62 = vector.load %arg9[%get3A_59, %get3A_60, %get3A_61] : memref<4x1x128xf32, #tpu.memory_space<vmem>>, vector<1x1x128xf32>
    %get3A_63 = vector.shape_cast %get3A_62 : vector<1x1x128xf32> to vector<1x128xf32>
    %add3A_64 = vector.broadcast %get3A_63 : vector<1x128xf32> to vector<400x128xf32>
    %add3A_65 = arith.addf %dot_general3A_58, %add3A_64 : vector<400x128xf32>
    %slice3A_66 = vector.extract_strided_slice %add3A_65 {offsets = [0, 0], sizes = [400, 64], strides = [1, 1]} : vector<400x128xf32> to vector<400x64xf32>
    %swap3A_67 = arith.constant 0 : i32
    %swap3A_68 = arith.constant 0 : i32
    %swap3A_69 = arith.constant 0 : i32
    %swap3A_70 = arith.constant 0 : i32
    %swap3A_71 = tpu.memref_slice %arg11[%swap3A_67, %swap3A_68, %swap3A_69, %swap3A_70] : memref<2x4x400x64xf32, #tpu.memory_space<vmem>> -> memref<1x4x400x64xf32, #tpu.memory_space<vmem>>
    %swap3A_72 = tpu.memref_squeeze %swap3A_71 : memref<1x4x400x64xf32, #tpu.memory_space<vmem>> -> memref<4x400x64xf32, #tpu.memory_space<vmem>>
    %swap3A_73 = arith.constant 0 : index
    %swap3A_74 = arith.constant 0 : index
    %swap3A_75 = arith.constant 0 : index
    %swap3A_76 = vector.load %swap3A_72[%swap3A_73, %swap3A_74, %swap3A_75] : memref<4x400x64xf32, #tpu.memory_space<vmem>>, vector<1x400x64xf32>
    %swap3A_77 = vector.shape_cast %swap3A_76 : vector<1x400x64xf32> to vector<400x64xf32>
    %swap3A_78 = vector.shape_cast %slice3A_66 : vector<400x64xf32> to vector<1x400x64xf32>
    tpu.vector_store %swap3A_72[%swap3A_73, %swap3A_74, %swap3A_75], %swap3A_78 {strides = array<i32>} : memref<4x400x64xf32, #tpu.memory_space<vmem>>, vector<1x400x64xf32>,
    %slice3A_79 = vector.extract_strided_slice %add3A_65 {offsets = [0, 64], sizes = [400, 64], strides = [1, 1]} : vector<400x128xf32> to vector<400x64xf32>
    %swap3A_80 = arith.constant 1 : i32
    %swap3A_81 = arith.constant 0 : i32
    %swap3A_82 = arith.constant 0 : i32
    %swap3A_83 = arith.constant 0 : i32
    %swap3A_84 = tpu.memref_slice %arg11[%swap3A_80, %swap3A_81, %swap3A_82, %swap3A_83] : memref<2x4x400x64xf32, #tpu.memory_space<vmem>> -> memref<1x4x400x64xf32, #tpu.memory_space<vmem>>
    %swap3A_85 = tpu.memref_squeeze %swap3A_84 : memref<1x4x400x64xf32, #tpu.memory_space<vmem>> -> memref<4x400x64xf32, #tpu.memory_space<vmem>>
    %swap3A_86 = arith.constant 0 : index
    %swap3A_87 = arith.constant 0 : index
    %swap3A_88 = arith.constant 0 : index
    %swap3A_89 = vector.load %swap3A_85[%swap3A_86, %swap3A_87, %swap3A_88] : memref<4x400x64xf32, #tpu.memory_space<vmem>>, vector<1x400x64xf32>
    %swap3A_90 = vector.shape_cast %swap3A_89 : vector<1x400x64xf32> to vector<400x64xf32>
    %swap3A_91 = vector.shape_cast %slice3A_79 : vector<400x64xf32> to vector<1x400x64xf32>
    tpu.vector_store %swap3A_85[%swap3A_86, %swap3A_87, %swap3A_88], %swap3A_91 {strides = array<i32>} : memref<4x400x64xf32, #tpu.memory_space<vmem>>, vector<1x400x64xf32>,
    %get3A_92 = arith.constant 1 : index
    %get3A_93 = arith.constant 0 : index
    %get3A_94 = arith.constant 0 : index
    %get3A_95 = vector.load %arg8[%get3A_92, %get3A_93, %get3A_94] : memref<4x128x128xf32, #tpu.memory_space<vmem>>, vector<1x128x128xf32>
    %get3A_96 = vector.shape_cast %get3A_95 : vector<1x128x128xf32> to vector<128x128xf32>
    %dot_general3A_97 = arith.constant dense<0.000000e+00> : vector<400x128xf32>
    %dot_general3A_98 = tpu.matmul %add3A_49, %get3A_96, %dot_general3A_97 {dimension_numbers = #tpu.dot_dimension_numbers<[1], [1], [0], [0], [0, 0, 1, 0], [], []>, transpose_lhs_hint = false} : vector<400x128xf32>, vector<128x128xf32>, vector<400x128xf32> -> vector<400x128xf32>
    %get3A_99 = arith.constant 1 : index
    %get3A_100 = arith.constant 0 : index
    %get3A_101 = arith.constant 0 : index
    %get3A_102 = vector.load %arg9[%get3A_99, %get3A_100, %get3A_101] : memref<4x1x128xf32, #tpu.memory_space<vmem>>, vector<1x1x128xf32>
    %get3A_103 = vector.shape_cast %get3A_102 : vector<1x1x128xf32> to vector<1x128xf32>
    %add3A_104 = vector.broadcast %get3A_103 : vector<1x128xf32> to vector<400x128xf32>
    %add3A_105 = arith.addf %dot_general3A_98, %add3A_104 : vector<400x128xf32>
    %slice3A_106 = vector.extract_strided_slice %add3A_105 {offsets = [0, 0], sizes = [400, 64], strides = [1, 1]} : vector<400x128xf32> to vector<400x64xf32>
    %swap3A_107 = arith.constant 0 : i32
    %swap3A_108 = arith.constant 0 : i32
    %swap3A_109 = arith.constant 0 : i32
    %swap3A_110 = arith.constant 0 : i32
    %swap3A_111 = tpu.memref_slice %arg11[%swap3A_107, %swap3A_108, %swap3A_109, %swap3A_110] : memref<2x4x400x64xf32, #tpu.memory_space<vmem>> -> memref<1x4x400x64xf32, #tpu.memory_space<vmem>>
    %swap3A_112 = tpu.memref_squeeze %swap3A_111 : memref<1x4x400x64xf32, #tpu.memory_space<vmem>> -> memref<4x400x64xf32, #tpu.memory_space<vmem>>
    %swap3A_113 = arith.constant 1 : index
    %swap3A_114 = arith.constant 0 : index
    %swap3A_115 = arith.constant 0 : index
    %swap3A_116 = vector.load %swap3A_112[%swap3A_113, %swap3A_114, %swap3A_115] : memref<4x400x64xf32, #tpu.memory_space<vmem>>, vector<1x400x64xf32>
    %swap3A_117 = vector.shape_cast %swap3A_116 : vector<1x400x64xf32> to vector<400x64xf32>
    %swap3A_118 = vector.shape_cast %slice3A_106 : vector<400x64xf32> to vector<1x400x64xf32>
    tpu.vector_store %swap3A_112[%swap3A_113, %swap3A_114, %swap3A_115], %swap3A_118 {strides = array<i32>} : memref<4x400x64xf32, #tpu.memory_space<vmem>>, vector<1x400x64xf32>,
    %slice3A_119 = vector.extract_strided_slice %add3A_105 {offsets = [0, 64], sizes = [400, 64], strides = [1, 1]} : vector<400x128xf32> to vector<400x64xf32>
    %swap3A_120 = arith.constant 1 : i32
    %swap3A_121 = arith.constant 0 : i32
    %swap3A_122 = arith.constant 0 : i32
    %swap3A_123 = arith.constant 0 : i32
    %swap3A_124 = tpu.memref_slice %arg11[%swap3A_120, %swap3A_121, %swap3A_122, %swap3A_123] : memref<2x4x400x64xf32, #tpu.memory_space<vmem>> -> memref<1x4x400x64xf32, #tpu.memory_space<vmem>>
    %swap3A_125 = tpu.memref_squeeze %swap3A_124 : memref<1x4x400x64xf32, #tpu.memory_space<vmem>> -> memref<4x400x64xf32, #tpu.memory_space<vmem>>
    %swap3A_126 = arith.constant 1 : index
    %swap3A_127 = arith.constant 0 : index
    %swap3A_128 = arith.constant 0 : index
    %swap3A_129 = vector.load %swap3A_125[%swap3A_126, %swap3A_127, %swap3A_128] : memref<4x400x64xf32, #tpu.memory_space<vmem>>, vector<1x400x64xf32>
    %swap3A_130 = vector.shape_cast %swap3A_129 : vector<1x400x64xf32> to vector<400x64xf32>
    %swap3A_131 = vector.shape_cast %slice3A_119 : vector<400x64xf32> to vector<1x400x64xf32>
    tpu.vector_store %swap3A_125[%swap3A_126, %swap3A_127, %swap3A_128], %swap3A_131 {strides = array<i32>} : memref<4x400x64xf32, #tpu.memory_space<vmem>>, vector<1x400x64xf32>,
    %get3A_132 = arith.constant 2 : index
    %get3A_133 = arith.constant 0 : index
    %get3A_134 = arith.constant 0 : index
    %get3A_135 = vector.load %arg8[%get3A_132, %get3A_133, %get3A_134] : memref<4x128x128xf32, #tpu.memory_space<vmem>>, vector<1x128x128xf32>
    %get3A_136 = vector.shape_cast %get3A_135 : vector<1x128x128xf32> to vector<128x128xf32>
    %dot_general3A_137 = arith.constant dense<0.000000e+00> : vector<400x128xf32>
    %dot_general3A_138 = tpu.matmul %add3A_49, %get3A_136, %dot_general3A_137 {dimension_numbers = #tpu.dot_dimension_numbers<[1], [1], [0], [0], [0, 0, 1, 0], [], []>, transpose_lhs_hint = false} : vector<400x128xf32>, vector<128x128xf32>, vector<400x128xf32> -> vector<400x128xf32>
    %get3A_139 = arith.constant 2 : index
    %get3A_140 = arith.constant 0 : index
    %get3A_141 = arith.constant 0 : index
    %get3A_142 = vector.load %arg9[%get3A_139, %get3A_140, %get3A_141] : memref<4x1x128xf32, #tpu.memory_space<vmem>>, vector<1x1x128xf32>
    %get3A_143 = vector.shape_cast %get3A_142 : vector<1x1x128xf32> to vector<1x128xf32>
    %add3A_144 = vector.broadcast %get3A_143 : vector<1x128xf32> to vector<400x128xf32>
    %add3A_145 = arith.addf %dot_general3A_138, %add3A_144 : vector<400x128xf32>
    %slice3A_146 = vector.extract_strided_slice %add3A_145 {offsets = [0, 0], sizes = [400, 64], strides = [1, 1]} : vector<400x128xf32> to vector<400x64xf32>
    %swap3A_147 = arith.constant 0 : i32
    %swap3A_148 = arith.constant 0 : i32
    %swap3A_149 = arith.constant 0 : i32
    %swap3A_150 = arith.constant 0 : i32
    %swap3A_151 = tpu.memref_slice %arg11[%swap3A_147, %swap3A_148, %swap3A_149, %swap3A_150] : memref<2x4x400x64xf32, #tpu.memory_space<vmem>> -> memref<1x4x400x64xf32, #tpu.memory_space<vmem>>
    %swap3A_152 = tpu.memref_squeeze %swap3A_151 : memref<1x4x400x64xf32, #tpu.memory_space<vmem>> -> memref<4x400x64xf32, #tpu.memory_space<vmem>>
    %swap3A_153 = arith.constant 2 : index
    %swap3A_154 = arith.constant 0 : index
    %swap3A_155 = arith.constant 0 : index
    %swap3A_156 = vector.load %swap3A_152[%swap3A_153, %swap3A_154, %swap3A_155] : memref<4x400x64xf32, #tpu.memory_space<vmem>>, vector<1x400x64xf32>
    %swap3A_157 = vector.shape_cast %swap3A_156 : vector<1x400x64xf32> to vector<400x64xf32>
    %swap3A_158 = vector.shape_cast %slice3A_146 : vector<400x64xf32> to vector<1x400x64xf32>
    tpu.vector_store %swap3A_152[%swap3A_153, %swap3A_154, %swap3A_155], %swap3A_158 {strides = array<i32>} : memref<4x400x64xf32, #tpu.memory_space<vmem>>, vector<1x400x64xf32>,
    %slice3A_159 = vector.extract_strided_slice %add3A_145 {offsets = [0, 64], sizes = [400, 64], strides = [1, 1]} : vector<400x128xf32> to vector<400x64xf32>
    %swap3A_160 = arith.constant 1 : i32
    %swap3A_161 = arith.constant 0 : i32
    %swap3A_162 = arith.constant 0 : i32
    %swap3A_163 = arith.constant 0 : i32
    %swap3A_164 = tpu.memref_slice %arg11[%swap3A_160, %swap3A_161, %swap3A_162, %swap3A_163] : memref<2x4x400x64xf32, #tpu.memory_space<vmem>> -> memref<1x4x400x64xf32, #tpu.memory_space<vmem>>
    %swap3A_165 = tpu.memref_squeeze %swap3A_164 : memref<1x4x400x64xf32, #tpu.memory_space<vmem>> -> memref<4x400x64xf32, #tpu.memory_space<vmem>>
    %swap3A_166 = arith.constant 2 : index
    %swap3A_167 = arith.constant 0 : index
    %swap3A_168 = arith.constant 0 : index
    %swap3A_169 = vector.load %swap3A_165[%swap3A_166, %swap3A_167, %swap3A_168] : memref<4x400x64xf32, #tpu.memory_space<vmem>>, vector<1x400x64xf32>
    %swap3A_170 = vector.shape_cast %swap3A_169 : vector<1x400x64xf32> to vector<400x64xf32>
    %swap3A_171 = vector.shape_cast %slice3A_159 : vector<400x64xf32> to vector<1x400x64xf32>
    tpu.vector_store %swap3A_165[%swap3A_166, %swap3A_167, %swap3A_168], %swap3A_171 {strides = array<i32>} : memref<4x400x64xf32, #tpu.memory_space<vmem>>, vector<1x400x64xf32>,
    %get3A_172 = arith.constant 3 : index
    %get3A_173 = arith.constant 0 : index
    %get3A_174 = arith.constant 0 : index
    %get3A_175 = vector.load %arg8[%get3A_172, %get3A_173, %get3A_174] : memref<4x128x128xf32, #tpu.memory_space<vmem>>, vector<1x128x128xf32>
    %get3A_176 = vector.shape_cast %get3A_175 : vector<1x128x128xf32> to vector<128x128xf32>
    %dot_general3A_177 = arith.constant dense<0.000000e+00> : vector<400x128xf32>
    %dot_general3A_178 = tpu.matmul %add3A_49, %get3A_176, %dot_general3A_177 {dimension_numbers = #tpu.dot_dimension_numbers<[1], [1], [0], [0], [0, 0, 1, 0], [], []>, transpose_lhs_hint = false} : vector<400x128xf32>, vector<128x128xf32>, vector<400x128xf32> -> vector<400x128xf32>
    %get3A_179 = arith.constant 3 : index
    %get3A_180 = arith.constant 0 : index
    %get3A_181 = arith.constant 0 : index
    %get3A_182 = vector.load %arg9[%get3A_179, %get3A_180, %get3A_181] : memref<4x1x128xf32, #tpu.memory_space<vmem>>, vector<1x1x128xf32>
    %get3A_183 = vector.shape_cast %get3A_182 : vector<1x1x128xf32> to vector<1x128xf32>
    %add3A_184 = vector.broadcast %get3A_183 : vector<1x128xf32> to vector<400x128xf32>
    %add3A_185 = arith.addf %dot_general3A_178, %add3A_184 : vector<400x128xf32>
    %slice3A_186 = vector.extract_strided_slice %add3A_185 {offsets = [0, 0], sizes = [400, 64], strides = [1, 1]} : vector<400x128xf32> to vector<400x64xf32>
    %swap3A_187 = arith.constant 0 : i32
    %swap3A_188 = arith.constant 0 : i32
    %swap3A_189 = arith.constant 0 : i32
    %swap3A_190 = arith.constant 0 : i32
    %swap3A_191 = tpu.memref_slice %arg11[%swap3A_187, %swap3A_188, %swap3A_189, %swap3A_190] : memref<2x4x400x64xf32, #tpu.memory_space<vmem>> -> memref<1x4x400x64xf32, #tpu.memory_space<vmem>>
    %swap3A_192 = tpu.memref_squeeze %swap3A_191 : memref<1x4x400x64xf32, #tpu.memory_space<vmem>> -> memref<4x400x64xf32, #tpu.memory_space<vmem>>
    %swap3A_193 = arith.constant 3 : index
    %swap3A_194 = arith.constant 0 : index
    %swap3A_195 = arith.constant 0 : index
    %swap3A_196 = vector.load %swap3A_192[%swap3A_193, %swap3A_194, %swap3A_195] : memref<4x400x64xf32, #tpu.memory_space<vmem>>, vector<1x400x64xf32>
    %swap3A_197 = vector.shape_cast %swap3A_196 : vector<1x400x64xf32> to vector<400x64xf32>
    %swap3A_198 = vector.shape_cast %slice3A_186 : vector<400x64xf32> to vector<1x400x64xf32>
    tpu.vector_store %swap3A_192[%swap3A_193, %swap3A_194, %swap3A_195], %swap3A_198 {strides = array<i32>} : memref<4x400x64xf32, #tpu.memory_space<vmem>>, vector<1x400x64xf32>,
    %slice3A_199 = vector.extract_strided_slice %add3A_185 {offsets = [0, 64], sizes = [400, 64], strides = [1, 1]} : vector<400x128xf32> to vector<400x64xf32>
    %swap3A_200 = arith.constant 1 : i32
    %swap3A_201 = arith.constant 0 : i32
    %swap3A_202 = arith.constant 0 : i32
    %swap3A_203 = arith.constant 0 : i32
    %swap3A_204 = tpu.memref_slice %arg11[%swap3A_200, %swap3A_201, %swap3A_202, %swap3A_203] : memref<2x4x400x64xf32, #tpu.memory_space<vmem>> -> memref<1x4x400x64xf32, #tpu.memory_space<vmem>>
    %swap3A_205 = tpu.memref_squeeze %swap3A_204 : memref<1x4x400x64xf32, #tpu.memory_space<vmem>> -> memref<4x400x64xf32, #tpu.memory_space<vmem>>
    %swap3A_206 = arith.constant 3 : index
    %swap3A_207 = arith.constant 0 : index
    %swap3A_208 = arith.constant 0 : index
    %swap3A_209 = vector.load %swap3A_205[%swap3A_206, %swap3A_207, %swap3A_208] : memref<4x400x64xf32, #tpu.memory_space<vmem>>, vector<1x400x64xf32>
    %swap3A_210 = vector.shape_cast %swap3A_209 : vector<1x400x64xf32> to vector<400x64xf32>
    %swap3A_211 = vector.shape_cast %slice3A_199 : vector<400x64xf32> to vector<1x400x64xf32>
    tpu.vector_store %swap3A_205[%swap3A_206, %swap3A_207, %swap3A_208], %swap3A_211 {strides = array<i32>} : memref<4x400x64xf32, #tpu.memory_space<vmem>>, vector<1x400x64xf32>,
    return
  }
  func.func @transform_0(%arg0: i32) -> (i32, i32) {
    %c0_i32 = arith.constant 0 : i32
    %c0_i32_0 = arith.constant 0 : i32
    return %arg0, %c0_i32 : i32, i32
  }
  func.func @transform_1(%arg0: i32) -> (i32, i32) {
    %add3A = arith.constant 32 : i32
    %add3A_0 = arith.addi %add3A, %arg0 : i32
    %c0_i32 = arith.constant 0 : i32
    %c0_i32_1 = arith.constant 0 : i32
    return %add3A_0, %c0_i32 : i32, i32
  }
  func.func @transform_2(%arg0: i32) -> (i32, i32) {
    %c0_i32 = arith.constant 0 : i32
    %c0_i32_0 = arith.constant 0 : i32
    return %arg0, %c0_i32 : i32, i32
  }
  func.func @transform_3(%arg0: i32) -> (i32, i32) {
    %c0_i32 = arith.constant 0 : i32
    %c0_i32_0 = arith.constant 0 : i32
    %c0_i32_1 = arith.constant 0 : i32
    return %c0_i32, %c0_i32_0 : i32, i32
  }
  func.func @transform_4(%arg0: i32) -> (i32, i32) {
    %c0_i32 = arith.constant 0 : i32
    %c0_i32_0 = arith.constant 0 : i32
    %c0_i32_1 = arith.constant 0 : i32
    return %c0_i32, %c0_i32_0 : i32, i32
  }
  func.func @transform_5(%arg0: i32) -> (i32, i32) {
    %c0_i32 = arith.constant 0 : i32
    %c0_i32_0 = arith.constant 0 : i32
    %c0_i32_1 = arith.constant 0 : i32
    return %c0_i32, %c0_i32_0 : i32, i32
  }
  func.func @transform_6(%arg0: i32) -> (i32, i32) {
    %c0_i32 = arith.constant 0 : i32
    %c0_i32_0 = arith.constant 0 : i32
    %c0_i32_1 = arith.constant 0 : i32
    return %c0_i32, %c0_i32_0 : i32, i32
  }
  func.func @transform_7(%arg0: i32) -> (i32, i32, i32) {
    %c0_i32 = arith.constant 0 : i32
    %c0_i32_0 = arith.constant 0 : i32
    %c0_i32_1 = arith.constant 0 : i32
    %c0_i32_2 = arith.constant 0 : i32
    return %c0_i32, %c0_i32_0, %c0_i32_1 : i32, i32, i32
  }
  func.func @transform_8(%arg0: i32) -> (i32, i32, i32) {
    %c0_i32 = arith.constant 0 : i32
    %c0_i32_0 = arith.constant 0 : i32
    %c0_i32_1 = arith.constant 0 : i32
    %c0_i32_2 = arith.constant 0 : i32
    return %c0_i32, %c0_i32_0, %c0_i32_1 : i32, i32, i32
  }
  func.func @transform_9(%arg0: i32) -> (i32, i32) {
    %c0_i32 = arith.constant 0 : i32
    %c0_i32_0 = arith.constant 0 : i32
    return %arg0, %c0_i32 : i32, i32
  }
  func.func @transform_10(%arg0: i32) -> (i32, i32, i32, i32) {
    %c0_i32 = arith.constant 0 : i32
    %c0_i32_0 = arith.constant 0 : i32
    %c0_i32_1 = arith.constant 0 : i32
    %c0_i32_2 = arith.constant 0 : i32
    return %c0_i32, %c0_i32_0, %arg0, %c0_i32_1 : i32, i32, i32, i32
  }
}

module attributes {stable_mosaic.version = 14 : i64} {
  func.func @_gru_out_body(%arg0: i32, %arg1: memref<400x64xf32, #tpu.memory_space<vmem>>, %arg2: memref<400x64xf32, #tpu.memory_space<vmem>>, %arg3: memref<400x128xf32, #tpu.memory_space<vmem>>, %arg4: memref<400x128xf32, #tpu.memory_space<vmem>>, %arg5: memref<384x128xf32, #tpu.memory_space<vmem>>, %arg6: memref<384x128xf32, #tpu.memory_space<vmem>>, %arg7: memref<1x384xf32, #tpu.memory_space<vmem>>, %arg8: memref<1x384xf32, #tpu.memory_space<vmem>>, %arg9: memref<128x128xf32, #tpu.memory_space<vmem>>, %arg10: memref<128x128xf32, #tpu.memory_space<vmem>>, %arg11: memref<1x128xf32, #tpu.memory_space<vmem>>, %arg12: memref<128x128xf32, #tpu.memory_space<vmem>>, %arg13: memref<1x128xf32, #tpu.memory_space<vmem>>, %arg14: memref<400x128xf32, #tpu.memory_space<vmem>>) attributes {dimension_semantics = [#tpu.dimension_semantics<arbitrary>], iteration_bounds = array<i64: 25>, scalar_prefetch = 0 : i64, scratch_operands = 0 : i64, tpu.core_type = #tpu.core_type<tc>, window_params = [{transform_indices = @transform_0, window_bounds = array<i64: 400, 64>}, {transform_indices = @transform_1, window_bounds = array<i64: 400, 64>}, {transform_indices = @transform_2, window_bounds = array<i64: 400, 128>}, {transform_indices = @transform_3, window_bounds = array<i64: 400, 128>}, {pipeline_mode = #tpu.pipeline_mode<synchronous>, transform_indices = @transform_4, window_bounds = array<i64: 384, 128>}, {pipeline_mode = #tpu.pipeline_mode<synchronous>, transform_indices = @transform_5, window_bounds = array<i64: 384, 128>}, {pipeline_mode = #tpu.pipeline_mode<synchronous>, transform_indices = @transform_6, window_bounds = array<i64: 1, 384>}, {pipeline_mode = #tpu.pipeline_mode<synchronous>, transform_indices = @transform_7, window_bounds = array<i64: 1, 384>}, {pipeline_mode = #tpu.pipeline_mode<synchronous>, transform_indices = @transform_8, window_bounds = array<i64: 128, 128>}, {pipeline_mode = #tpu.pipeline_mode<synchronous>, transform_indices = @transform_9, window_bounds = array<i64: 128, 128>}, {pipeline_mode = #tpu.pipeline_mode<synchronous>, transform_indices = @transform_10, window_bounds = array<i64: 1, 128>}, {pipeline_mode = #tpu.pipeline_mode<synchronous>, transform_indices = @transform_11, window_bounds = array<i64: 128, 128>}, {pipeline_mode = #tpu.pipeline_mode<synchronous>, transform_indices = @transform_12, window_bounds = array<i64: 1, 128>}, {transform_indices = @transform_13, window_bounds = array<i64: 400, 128>}]} {
    %get3A = arith.constant 0 : index
    %get3A_0 = arith.constant 0 : index
    %get3A_1 = vector.load %arg1[%get3A, %get3A_0] : memref<400x64xf32, #tpu.memory_space<vmem>>, vector<400x64xf32>
    %get3A_2 = arith.constant 0 : index
    %get3A_3 = arith.constant 0 : index
    %get3A_4 = vector.load %arg2[%get3A_2, %get3A_3] : memref<400x64xf32, #tpu.memory_space<vmem>>, vector<400x64xf32>
    %get3A_5 = arith.constant 0 : index
    %get3A_6 = arith.constant 0 : index
    %get3A_7 = vector.load %arg3[%get3A_5, %get3A_6] : memref<400x128xf32, #tpu.memory_space<vmem>>, vector<400x128xf32>
    %get3A_8 = arith.constant 0 : index
    %get3A_9 = arith.constant 0 : index
    %get3A_10 = vector.load %arg5[%get3A_8, %get3A_9] : memref<384x128xf32, #tpu.memory_space<vmem>>, vector<384x128xf32>
    %get3A_11 = arith.constant 0 : index
    %get3A_12 = arith.constant 0 : index
    %get3A_13 = vector.load %arg6[%get3A_11, %get3A_12] : memref<384x128xf32, #tpu.memory_space<vmem>>, vector<384x128xf32>
    %get3A_14 = arith.constant 0 : index
    %get3A_15 = arith.constant 0 : index
    %get3A_16 = vector.load %arg7[%get3A_14, %get3A_15] : memref<1x384xf32, #tpu.memory_space<vmem>>, vector<1x384xf32>
    %get3A_17 = arith.constant 0 : index
    %get3A_18 = arith.constant 0 : index
    %get3A_19 = vector.load %arg8[%get3A_17, %get3A_18] : memref<1x384xf32, #tpu.memory_space<vmem>>, vector<1x384xf32>
    %concatenate3A = tpu.concatenate %get3A_1, %get3A_4 in 1 : vector<400x64xf32>, vector<400x64xf32> -> vector<400x128xf32>
    %dot_general3A = arith.constant dense<0.000000e+00> : vector<400x384xf32>
    %dot_general3A_20 = tpu.matmul %concatenate3A, %get3A_10, %dot_general3A {dimension_numbers = #tpu.dot_dimension_numbers<[1], [1], [0], [0], [0, 0, 1, 0], [], []>, transpose_lhs_hint = false} : vector<400x128xf32>, vector<384x128xf32>, vector<400x384xf32> -> vector<400x384xf32>
    %add3A = vector.broadcast %get3A_16 : vector<1x384xf32> to vector<400x384xf32>
    %add3A_21 = arith.addf %dot_general3A_20, %add3A : vector<400x384xf32>
    %dot_general3A_22 = arith.constant dense<0.000000e+00> : vector<400x384xf32>
    %dot_general3A_23 = tpu.matmul %get3A_7, %get3A_13, %dot_general3A_22 {dimension_numbers = #tpu.dot_dimension_numbers<[1], [1], [0], [0], [0, 0, 1, 0], [], []>, transpose_lhs_hint = false} : vector<400x128xf32>, vector<384x128xf32>, vector<400x384xf32> -> vector<400x384xf32>
    %add3A_24 = vector.broadcast %get3A_19 : vector<1x384xf32> to vector<400x384xf32>
    %add3A_25 = arith.addf %dot_general3A_23, %add3A_24 : vector<400x384xf32>
    %slice3A = vector.extract_strided_slice %add3A_21 {offsets = [0, 0], sizes = [400, 128], strides = [1, 1]} : vector<400x384xf32> to vector<400x128xf32>
    %slice3A_26 = vector.extract_strided_slice %add3A_25 {offsets = [0, 0], sizes = [400, 128], strides = [1, 1]} : vector<400x384xf32> to vector<400x128xf32>
    %add3A_27 = arith.addf %slice3A, %slice3A_26 : vector<400x128xf32>
    %logistic3A = arith.negf %add3A_27 : vector<400x128xf32>
    %logistic3A_28 = math.exp %logistic3A : vector<400x128xf32>
    %logistic3A_29 = arith.constant 1.000000e+00 : f32
    %logistic3A_30 = vector.broadcast %logistic3A_29 : f32 to vector<400x128xf32>
    %logistic3A_31 = arith.addf %logistic3A_30, %logistic3A_28 : vector<400x128xf32>
    %logistic3A_32 = arith.divf %logistic3A_30, %logistic3A_31 : vector<400x128xf32>
    %slice3A_33 = vector.extract_strided_slice %add3A_21 {offsets = [0, 128], sizes = [400, 128], strides = [1, 1]} : vector<400x384xf32> to vector<400x128xf32>
    %slice3A_34 = vector.extract_strided_slice %add3A_25 {offsets = [0, 128], sizes = [400, 128], strides = [1, 1]} : vector<400x384xf32> to vector<400x128xf32>
    %add3A_35 = arith.addf %slice3A_33, %slice3A_34 : vector<400x128xf32>
    %logistic3A_36 = arith.negf %add3A_35 : vector<400x128xf32>
    %logistic3A_37 = math.exp %logistic3A_36 : vector<400x128xf32>
    %logistic3A_38 = arith.constant 1.000000e+00 : f32
    %logistic3A_39 = vector.broadcast %logistic3A_38 : f32 to vector<400x128xf32>
    %logistic3A_40 = arith.addf %logistic3A_39, %logistic3A_37 : vector<400x128xf32>
    %logistic3A_41 = arith.divf %logistic3A_39, %logistic3A_40 : vector<400x128xf32>
    %slice3A_42 = vector.extract_strided_slice %add3A_21 {offsets = [0, 256], sizes = [400, 128], strides = [1, 1]} : vector<400x384xf32> to vector<400x128xf32>
    %slice3A_43 = vector.extract_strided_slice %add3A_25 {offsets = [0, 256], sizes = [400, 128], strides = [1, 1]} : vector<400x384xf32> to vector<400x128xf32>
    %mul3A = arith.mulf %logistic3A_32, %slice3A_43 : vector<400x128xf32>
    %add3A_44 = arith.addf %slice3A_42, %mul3A : vector<400x128xf32>
    %tanh3A = math.tanh %add3A_44 : vector<400x128xf32>
    %sub3A = arith.constant 1.000000e+00 : f32
    %sub3A_45 = vector.broadcast %sub3A : f32 to vector<400x128xf32>
    %sub3A_46 = arith.subf %sub3A_45, %logistic3A_41 : vector<400x128xf32>
    %mul3A_47 = arith.mulf %sub3A_46, %tanh3A : vector<400x128xf32>
    %mul3A_48 = arith.mulf %logistic3A_41, %get3A_7 : vector<400x128xf32>
    %add3A_49 = arith.addf %mul3A_47, %mul3A_48 : vector<400x128xf32>
    %get3A_50 = arith.constant 0 : index
    %get3A_51 = arith.constant 0 : index
    %get3A_52 = vector.load %arg4[%get3A_50, %get3A_51] : memref<400x128xf32, #tpu.memory_space<vmem>>, vector<400x128xf32>
    %get3A_53 = arith.constant 0 : index
    %get3A_54 = arith.constant 0 : index
    %get3A_55 = vector.load %arg9[%get3A_53, %get3A_54] : memref<128x128xf32, #tpu.memory_space<vmem>>, vector<128x128xf32>
    %dot_general3A_56 = arith.constant dense<0.000000e+00> : vector<400x128xf32>
    %dot_general3A_57 = tpu.matmul %add3A_49, %get3A_55, %dot_general3A_56 {dimension_numbers = #tpu.dot_dimension_numbers<[1], [1], [0], [0], [0, 0, 1, 0], [], []>, transpose_lhs_hint = false} : vector<400x128xf32>, vector<128x128xf32>, vector<400x128xf32> -> vector<400x128xf32>
    %get3A_58 = arith.constant 0 : index
    %get3A_59 = arith.constant 0 : index
    %get3A_60 = vector.load %arg10[%get3A_58, %get3A_59] : memref<128x128xf32, #tpu.memory_space<vmem>>, vector<128x128xf32>
    %dot_general3A_61 = arith.constant dense<0.000000e+00> : vector<400x128xf32>
    %dot_general3A_62 = tpu.matmul %get3A_52, %get3A_60, %dot_general3A_61 {dimension_numbers = #tpu.dot_dimension_numbers<[1], [1], [0], [0], [0, 0, 1, 0], [], []>, transpose_lhs_hint = false} : vector<400x128xf32>, vector<128x128xf32>, vector<400x128xf32> -> vector<400x128xf32>
    %add3A_63 = arith.addf %dot_general3A_57, %dot_general3A_62 : vector<400x128xf32>
    %get3A_64 = arith.constant 0 : index
    %get3A_65 = arith.constant 0 : index
    %get3A_66 = vector.load %arg11[%get3A_64, %get3A_65] : memref<1x128xf32, #tpu.memory_space<vmem>>, vector<1x128xf32>
    %add3A_67 = vector.broadcast %get3A_66 : vector<1x128xf32> to vector<400x128xf32>
    %add3A_68 = arith.addf %add3A_63, %add3A_67 : vector<400x128xf32>
    %logistic3A_69 = arith.negf %add3A_68 : vector<400x128xf32>
    %logistic3A_70 = math.exp %logistic3A_69 : vector<400x128xf32>
    %logistic3A_71 = arith.constant 1.000000e+00 : f32
    %logistic3A_72 = vector.broadcast %logistic3A_71 : f32 to vector<400x128xf32>
    %logistic3A_73 = arith.addf %logistic3A_72, %logistic3A_70 : vector<400x128xf32>
    %logistic3A_74 = arith.divf %logistic3A_72, %logistic3A_73 : vector<400x128xf32>
    %get3A_75 = arith.constant 0 : index
    %get3A_76 = arith.constant 0 : index
    %get3A_77 = vector.load %arg12[%get3A_75, %get3A_76] : memref<128x128xf32, #tpu.memory_space<vmem>>, vector<128x128xf32>
    %dot_general3A_78 = arith.constant dense<0.000000e+00> : vector<400x128xf32>
    %dot_general3A_79 = tpu.matmul %add3A_49, %get3A_77, %dot_general3A_78 {dimension_numbers = #tpu.dot_dimension_numbers<[1], [1], [0], [0], [0, 0, 1, 0], [], []>, transpose_lhs_hint = false} : vector<400x128xf32>, vector<128x128xf32>, vector<400x128xf32> -> vector<400x128xf32>
    %get3A_80 = arith.constant 0 : index
    %get3A_81 = arith.constant 0 : index
    %get3A_82 = vector.load %arg13[%get3A_80, %get3A_81] : memref<1x128xf32, #tpu.memory_space<vmem>>, vector<1x128xf32>
    %add3A_83 = vector.broadcast %get3A_82 : vector<1x128xf32> to vector<400x128xf32>
    %add3A_84 = arith.addf %dot_general3A_79, %add3A_83 : vector<400x128xf32>
    %mul3A_85 = arith.mulf %logistic3A_74, %add3A_84 : vector<400x128xf32>
    %swap3A = arith.constant 0 : index
    %swap3A_86 = arith.constant 0 : index
    %swap3A_87 = vector.load %arg14[%swap3A, %swap3A_86] : memref<400x128xf32, #tpu.memory_space<vmem>>, vector<400x128xf32>
    tpu.vector_store %arg14[%swap3A, %swap3A_86], %mul3A_85 {strides = array<i32>} : memref<400x128xf32, #tpu.memory_space<vmem>>, vector<400x128xf32>,
    return
  }
  func.func @transform_0(%arg0: i32) -> (i32, i32) {
    %c0_i32 = arith.constant 0 : i32
    %c0_i32_0 = arith.constant 0 : i32
    return %arg0, %c0_i32 : i32, i32
  }
  func.func @transform_1(%arg0: i32) -> (i32, i32) {
    %add3A = arith.constant 32 : i32
    %add3A_0 = arith.addi %add3A, %arg0 : i32
    %c0_i32 = arith.constant 0 : i32
    %c0_i32_1 = arith.constant 0 : i32
    return %add3A_0, %c0_i32 : i32, i32
  }
  func.func @transform_2(%arg0: i32) -> (i32, i32) {
    %c0_i32 = arith.constant 0 : i32
    %c0_i32_0 = arith.constant 0 : i32
    return %arg0, %c0_i32 : i32, i32
  }
  func.func @transform_3(%arg0: i32) -> (i32, i32) {
    %c0_i32 = arith.constant 0 : i32
    %c0_i32_0 = arith.constant 0 : i32
    return %arg0, %c0_i32 : i32, i32
  }
  func.func @transform_4(%arg0: i32) -> (i32, i32) {
    %c0_i32 = arith.constant 0 : i32
    %c0_i32_0 = arith.constant 0 : i32
    %c0_i32_1 = arith.constant 0 : i32
    return %c0_i32, %c0_i32_0 : i32, i32
  }
  func.func @transform_5(%arg0: i32) -> (i32, i32) {
    %c0_i32 = arith.constant 0 : i32
    %c0_i32_0 = arith.constant 0 : i32
    %c0_i32_1 = arith.constant 0 : i32
    return %c0_i32, %c0_i32_0 : i32, i32
  }
  func.func @transform_6(%arg0: i32) -> (i32, i32) {
    %c0_i32 = arith.constant 0 : i32
    %c0_i32_0 = arith.constant 0 : i32
    %c0_i32_1 = arith.constant 0 : i32
    return %c0_i32, %c0_i32_0 : i32, i32
  }
  func.func @transform_7(%arg0: i32) -> (i32, i32) {
    %c0_i32 = arith.constant 0 : i32
    %c0_i32_0 = arith.constant 0 : i32
    %c0_i32_1 = arith.constant 0 : i32
    return %c0_i32, %c0_i32_0 : i32, i32
  }
  func.func @transform_8(%arg0: i32) -> (i32, i32) {
    %c0_i32 = arith.constant 0 : i32
    %c0_i32_0 = arith.constant 0 : i32
    %c0_i32_1 = arith.constant 0 : i32
    return %c0_i32, %c0_i32_0 : i32, i32
  }
  func.func @transform_9(%arg0: i32) -> (i32, i32) {
    %c0_i32 = arith.constant 0 : i32
    %c0_i32_0 = arith.constant 0 : i32
    %c0_i32_1 = arith.constant 0 : i32
    return %c0_i32, %c0_i32_0 : i32, i32
  }
  func.func @transform_10(%arg0: i32) -> (i32, i32) {
    %c0_i32 = arith.constant 0 : i32
    %c0_i32_0 = arith.constant 0 : i32
    %c0_i32_1 = arith.constant 0 : i32
    return %c0_i32, %c0_i32_0 : i32, i32
  }
  func.func @transform_11(%arg0: i32) -> (i32, i32) {
    %c0_i32 = arith.constant 0 : i32
    %c0_i32_0 = arith.constant 0 : i32
    %c0_i32_1 = arith.constant 0 : i32
    return %c0_i32, %c0_i32_0 : i32, i32
  }
  func.func @transform_12(%arg0: i32) -> (i32, i32) {
    %c0_i32 = arith.constant 0 : i32
    %c0_i32_0 = arith.constant 0 : i32
    %c0_i32_1 = arith.constant 0 : i32
    return %c0_i32, %c0_i32_0 : i32, i32
  }
  func.func @transform_13(%arg0: i32) -> (i32, i32) {
    %c0_i32 = arith.constant 0 : i32
    %c0_i32_0 = arith.constant 0 : i32
    return %arg0, %c0_i32 : i32, i32
  }
}

</mosaic_0001>

<sc_bundles>
// kernel: kernel.12.cloned.1.call-start
scs
__scs_entry_jumppad:
0x0: {  	(pc) =	sbr.rel $0x88, $3  }
0x1: {  	(tag) =	ssettag $0x0;
	lr =	simm.s32 $0x1  }
0x2: {  	[smem:$0x3F94] =	sst lr;
	_ =	strace $0xD0000000  }
0x3: {  	_ = 	snop  }
0x4: {  	_ = 	snop  }
0x5: {  	_ = 	snop  }
0x6: {  	_ = 	snop  }
0x7: {  	_ = 	snop  }
__scs_overlays_trampoline_lowered:
0x8: {  	[smem:$0x3FA3] =	sst s0  }
0x9: {  	[smem:$0x3FA4] =	sst s1  }
0xa: {  	[smem:$0x3FA5] =	sst s2  }
0xb: {  	[smem:$0x3FA6] =	sst s3  }
0xc: {  	[smem:$0x3FA7] =	sst s4  }
0xd: {  	[smem:$0x3FA8] =	sst s5  }
0xe: {  	[smem:$0x3FA9] =	sst s6  }
0xf: {  	[smem:$0x3FAA] =	sst s7  }
0x10: {  	[smem:$0x3FAB] =	sst s8  }
0x11: {  	[smem:$0x3FAC] =	sst s9;
	s0 =	simm.s32 @!p0 $0x0  }
0x12: {  	s1 =	sld [smem:$0x3F92];
	s0 =	simm.s32 @p0 $0x1  }
0x13: {  	[smem:$0x3FAD] =	sst s0;
	s0 =	simm.s32 @!p1 $0x0  }
0x14: {  	s2 =	sld [smem:$0x3F91];
	s0 =	simm.s32 @p1 $0x1  }
0x15: {  	[smem:$0x3FAE] =	sst s0;
	s0 =	simm.s32 @!p2 $0x0  }
0x16: {  	s3 =	sld [smem:$0x3FDB];
	s0 =	simm.s32 @p2 $0x1  }
0x17: {  	s4 =	simm.s32 $0x1BF5;
	[smem:$0x3FB0] =	sst s0  }
0x18: {  	s0 =	sld [smem:$0x3F93];
	_ =	swait.ge [sflag:s4], $0x0  }
0x19: {  	s7 =	sld [smem:$0x3F94]  }
0x1a: {  	s8 =	sadd.s32 $0xFFFFE003, lr  }
0x1b: {  	s9 =	sadd.s32 $0xFFFFFEF7, lr;
	s5 =	simm.s32 $0xFFFFFFFF;
	p2 =	slt.u32 s8, $0xFFFFF086  }
0x1c: {  	p1 =	slt.u32 s9, $0xF7A;
	s5 =	simm.s32 @!p2 $0x0  }
0x1d: {  	s5 =	simm.s32 @p1 $0x1;
	p0 =	seq.s32 s7, s2  }
0x1e: {  	s7 =	smul.u32 @!p0 $0xF7A, s2;
	p2 =	seq.s32 @!p0 s5, $0x0  }
0x1f: {  	s9 =	smul.u32 $0xF7A, s1;
	s8 =	simm.s32 @!p0 $0x1BF5;
	p2 =	por !p2, p0  }
0x20: {  	[sflag:s8] =	ssyncset.s32 @!p0 $0xFFFFF086;
	s6 =	sadd.s32 @!p0 s3, s7;
	s7 =	simm.s32 @!p0 $0x108  }
0x21: {  	s3 =	sadd.s32 s3, s9;
	s6 =	sadd.s32 @!p0 $0x88, s6;
	s7 =	simm.s32 @p2 $0x1082  }
0x22: {  	[simem:s7], [sflag:s8] =	dma.local @!p0 [hbm:s6], $0xF7A  }
0x23: {  	s9 =	sor.u32 $0xD0000000, s2;
	s6 =	simm.s32 $0x108;
	_ =	swait.ge @!p0 [sflag:s8], $0x0  }
0x24: {  	s3 =	sadd.s32 $0x88, s3;
	s6 =	simm.s32 @!p1 $0x1082;
	[sflag:s4] =	ssyncset.s32 $0xFFFFF086  }
0x25: {  	[simem:s6], [sflag:s4] =	dma.local [hbm:s3], $0xF7A  }
0x26: {  	[smem:$0x3F94] =	sst s1;
	(tag) =	ssettag s2;
	_ =	strace s9  }
0x27: {  	s1 =	sld [smem:$0x3FA4]  }
0x28: {  	s2 =	sld [smem:$0x3FA5]  }
0x29: {  	s4 =	sld [smem:$0x3FA7]  }
0x2a: {  	p0 =	seq.s32 s5, $0x0;
	s5 =	sld [smem:$0x3FA8]  }
0x2b: {  	s6 =	sld [smem:$0x3FA9]  }
0x2c: {  	s7 =	sld [smem:$0x3FAA]  }
0x2d: {  	s3 =	simm.s32 $0x108;
	s8 =	sld [smem:$0x3FAB]  }
0x2e: {  	s3 =	simm.s32 @!p0 $0x1082;
	s9 =	sld [smem:$0x3FAC]  }
0x2f: {  	lr =	sadd.s32 s0, s3;
	s0 =	sld [smem:$0x3FA3]  }
0x30: {  	s3 =	sld [smem:$0x3FA6]  }
0x31: {  	[smem:$0x3FAF] =	sst s10  }
0x32: {  	s10 =	sld [smem:$0x3FAD];
	_ =	sdelay $0x3  }
0x33: {  	p0 =	seq.s32 s10, $0x1;
	s10 =	sld [smem:$0x3FAF];
	_ =	sdelay $0x3  }
0x34: {  	[smem:$0x3FAF] =	sst s10  }
0x35: {  	s10 =	sld [smem:$0x3FAE];
	_ =	sdelay $0x3  }
0x36: {  	p1 =	seq.s32 s10, $0x1;
	s10 =	sld [smem:$0x3FAF];
	_ =	sdelay $0x3  }
0x37: {  	[smem:$0x3FAF] =	sst s10  }
0x38: {  	s10 =	sld [smem:$0x3FB0]  }
0x39: {  	_ = 	snop;
	(pc) =	sbr.ind lr, $3  }
0x3a: {  	_ = 	snop  }
0x3b: {  	_ = 	snop  }
0x3c: {  	p2 =	seq.s32 s10, $0x1;
	s10 =	sld [smem:$0x3FAF]  }
0x3d: {  	_ =	shalt  }
0x3e: {  	_ =	shalt  }
0x3f: {  	_ =	shalt  }
0x40: {  	_ =	shalt  }
0x41: {  	_ =	shalt  }
0x42: {  	_ =	shalt  }
0x43: {  	_ =	shalt  }
0x44: {  	_ =	shalt  }
0x45: {  	_ =	shalt  }
0x46: {  	_ =	shalt  }
0x47: {  	_ =	shalt  }
0x48: {  	_ =	shalt  }
0x49: {  	_ =	shalt  }
0x4a: {  	_ =	shalt  }
0x4b: {  	_ =	shalt  }
0x4c: {  	_ =	shalt  }
0x4d: {  	_ =	shalt  }
0x4e: {  	_ =	shalt  }
0x4f: {  	_ =	shalt  }
0x50: {  	_ =	shalt  }
0x51: {  	_ =	shalt  }
0x52: {  	_ =	shalt  }
0x53: {  	_ =	shalt  }
0x54: {  	_ =	shalt  }
0x55: {  	_ =	shalt  }
0x56: {  	_ =	shalt  }
0x57: {  	_ =	shalt  }
0x58: {  	_ =	shalt  }
0x59: {  	_ =	shalt  }
0x5a: {  	_ =	shalt  }
0x5b: {  	_ =	shalt  }
0x5c: {  	_ =	shalt  }
0x5d: {  	_ =	shalt  }
0x5e: {  	_ =	shalt  }
0x5f: {  	_ =	shalt  }
0x60: {  	_ =	shalt  }
0x61: {  	_ =	shalt  }
0x62: {  	_ =	shalt  }
0x63: {  	_ =	shalt  }
0x64: {  	_ =	shalt  }
0x65: {  	_ =	shalt  }
0x66: {  	_ =	shalt  }
0x67: {  	_ =	shalt  }
0x68: {  	_ =	shalt  }
0x69: {  	_ =	shalt  }
0x6a: {  	_ =	shalt  }
0x6b: {  	_ =	shalt  }
0x6c: {  	_ =	shalt  }
0x6d: {  	_ =	shalt  }
0x6e: {  	_ =	shalt  }
0x6f: {  	_ =	shalt  }
0x70: {  	_ =	shalt  }
0x71: {  	_ =	shalt  }
0x72: {  	_ =	shalt  }
0x73: {  	_ =	shalt  }
0x74: {  	_ =	shalt  }
0x75: {  	_ =	shalt  }
0x76: {  	_ =	shalt  }
0x77: {  	_ =	shalt  }
0x78: {  	_ =	shalt  }
0x79: {  	_ =	shalt  }
0x7a: {  	_ =	shalt  }
0x7b: {  	_ =	shalt  }
0x7c: {  	_ =	shalt  }
0x7d: {  	_ =	shalt  }
0x7e: {  	_ =	shalt  }
0x7f: {  	_ =	shalt  }
0x80: {  	_ =	shalt  }
0x81: {  	_ =	shalt  }
0x82: {  	_ =	shalt  }
0x83: {  	_ =	shalt  }
0x84: {  	_ =	shalt  }
0x85: {  	_ =	shalt  }
0x86: {  	_ =	shalt  }
0x87: {  	_ =	shalt  }
.Lfunc_end0:
.L_simem_size_0:
called_computation.1_lowered:
.L_overlay_start_0:
0x88: {  	s2 =	sld [smem:$0x3FD9]  }
0x89: {  	s3 =	sld [smem:$0x3FFE];
	_ =	sdelay $0x1  }
0x8a: {  	s1 =	srdreg.scid  }
0x8b: {  	s0 =	sand.u32 $0x1, s1  }
0x8c: {  	s17 =	sshll.u32 s0, $0xA;
	s2 =	sadd.s32 s3, s2  }
0x8d: {  	s2 =	sadd.s32 s2, s17  }
0x8e: {  	[smem:$0x3FBB] =	sst s2  }
0x8f: {  	_ = 	snop  }
0x90: {  	s2 =	sld [smem:$0x3FD0];
	(tm) =	ssettm $0x1  }
0x91: {  	s18 =	sld [smem:$0x3FFB];
	_ =	sdelay $0x3  }
0x92: {  	_ =	strace s18  }
0x93: {  	s3 =	sld [smem:$0x3FFC];
	_ =	sdelay $0x3  }
0x94: {  	_ =	strace s3  }
0x95: {  	s3 =	sld [smem:$0x3FFD];
	_ =	sdelay $0x3  }
0x96: {  	_ =	strace s3  }
0x97: {  	_ =	strace $0x8FFFFFFF  }
0x98: {  	s19 =	sld [smem:$0x3FDB];
	_ =	sdelay $0x1  }
0x99: {  	s4 =	simm.s32 $_scs_section_size  }
0x9a: {  	s5 =	simm.s32 $_size__tile_overlayer_lowered;
	s6 =	simm.s32 $_tile_overlayer_lowered  }
0x9b: {  	s22 =	simm.s32 $0x1BFF;
	s21 =	sshll.u32 s6, $0x1;
	s3 =	sadd.s32 s4, s19  }
0x9c: {  	s7 =	simm.s32 $0x0;
	s20 =	sshll.u32 s5, $0x1;
	s5 =	sadd.s32 s21, s3  }
0x9d: {  	[timem:s7], [sflag:s22] =	dma.local [hbm:s5], s20  }
0x9e: {  	_ =	swait.ge [sflag:s22], s20  }
0x9f: {  	s4 =	ssub.s32 $0x0, s20;
	[sflag:s22] =	ssyncset.done $0x0  }
0xa0: {  	[sflag:s22] =	ssyncadd.s32 s4;
	_ =	sdelay $0x1  }
0xa1: {  	s23 =	simm.s32 $0x1B8B  }
0xa2: {  	_ =	swait.ge [sflag:s23], $0x1  }
0xa3: {  	[sflag:s23] =	ssyncset.done $0x0  }
0xa4: {  	s25 =	simm.s32 $0x1B8E;
	s24 =	sld [smem:$0x3FFE];
	[sflag:s23] =	ssyncadd.s32 $0xFFFFFFFF  }
0xa5: {  	s26 =	simm.s32 $execute0_lowered;
	[smem:$0x3FD2] =	sst s25  }
0xa6: {  	s5 =	sshll.u32 s26, $0x1;
	_ =	strace $0x80000049;
	[dreg:$0x1] =	wrdreg $0xFFFFFFFF  }
0xa7: {  	s28 =	simm.s32 $_size_execute0_lowered;
	s3 =	sadd.s32 s3, s5;
	[dreg:$0x0] =	wrdreg $0x0  }
0xa8: {  	s5 =	sshll.u32 s28, $0x1;
	[dreg:$0x2] =	wrdreg s3  }
0xa9: {  	[dreg:$0x3] =	wrdreg s5  }
0xaa: {  	[dreg:$0x4] =	wrdreg $0xC0  }
0xab: {  	_ =	task [dreg:s7], $0x5FFFF  }
0xac: {  	[dreg:$0x1] =	wrdreg $0xFFFFFFFF  }
0xad: {  	[dreg:$0x0] =	wrdreg $0x60  }
0xae: {  	[dreg:$0x2] =	wrdreg s24  }
0xaf: {  	[dreg:$0x3] =	wrdreg s2  }
0xb0: {  	[dreg:$0x4] =	wrdreg $0x128400  }
0xb1: {  	[dreg:$0x5] =	wrdreg $0x9  }
0xb2: {  	_ =	task.clear_ibuf [dreg:s7], $0x6FFFF;
	_ =	strace $0x90000049  }
0xb3: {  	s29 =	simm.s32 $0x9;
	_ =	strace $0x8000004B  }
0xb4: {  	_ =	swait.ge [sflag:s29], $0x1  }
0xb5: {  	[sflag:s29] =	ssyncadd.s32 $0xFFFFFFFF  }
0xb6: {  	_ =	strace $0x9000004B  }
0xb7: {  	_ =	sfence  }
0xb8: {  	s30 =	sld [smem:$0x0];
	_ =	sdelay $0x2  }
0xb9: {  	s31 =	sshll.u32 s1, $0xD;
	s1 =	sshrl.u32 s1, $0x2  }
0xba: {  	s3 =	sand.u32 $0x4000, s31;
	s1 =	sadd.s32 s1, s30  }
0xbb: {  	s0 =	sor.u32 s3, s0;
	s1 =	sshll.u32 s1, $0x11  }
0xbc: {  	s0 =	sor.u32 s1, s0  }
0xbd: {  	s0 =	sadd.s32 $0x8F2B, s0  }
0xbe: {  	[sflag:s0] =	ssyncadd.remote.s32 $0x1  }
0xbf: {  	_ =	sfence.sel $0xFFFF  }
0xc0: {  	[dreg:$0x0] =	wrdreg $0xFFFFFFFF;
	(pc) =	sbr.abs _section_cstart, $3  }
0xc1: {  	[dreg:$0x1] =	wrdreg $0xFFFFFFFF  }
0xc2: {  	_ =	task.clear_ibuf [dreg:s7], $0x2FFFF;
	_ =	strace $0x9FFFFFFF  }
0xc3: {  	(tm) =	ssettm $0x7FFFFFFF  }
tec
execute0_lowered:
.L_overlay_start_1:
0x0: {  	(tag) =	ssettag $0x1  }
0x1: {  	s0 =	rddreg [dreg:$0x0]  }
0x2: {  	s1 =	rddreg [dreg:$0x1]  }
0x3: {  	s2 =	rddreg [dreg:$0x2]  }
0x4: {  	s10 =	stileid.u32;
	s4 =	srdreg.scid;
	s3 =	simm.s32 $0x0  }
0x5: {  	s13 =	simm.s32 $0x6;
	s15 =	simm.s32 $0x50;
	s16 =	simm.s32 $0x9C40  }
0x6: {  	s17 =	simm.s32 $0xB040;
	s19 =	simm.s32 $0xC440;
	s21 =	simm.s32 $0xD840  }
0x7: {  	s22 =	simm.s32 $0x10040;
	s23 =	simm.s32 $0xEC40;
	s24 =	simm.s32 $0x1  }
0x8: {  	s25 =	simm.s32 $0x2;
	s26 =	simm.s32 $0x3;
	s5 =	smul.u32 $0x9C4, s10  }
0x9: {  	s28 =	simm.s32 $0x4;
	s29 =	simm.s32 $0x5;
	s7 =	smul.u32 $0xA000, s10  }
0xa: {  	s4 =	sand.u32 $0x1, s4;
	[smem:$0x7FF] =	sst s3;
	s10 =	smul.u32 $0x28000, s10  }
0xb: {  	s20 =	simm.s32 $0x9BF0;
	s6 =	smul.u32 $0xC8000, s4;
	_ =	strace $0x8000004A  }
0xc: {  	s9 =	smul.u32 $0x4E200, s4;
	s4 =	ssub.s32 $0x2, s4;
	s8 =	sadd.s32 s5, s0  }
0xd: {  	s11 =	sshrl.u32 s4, $0x1;
	s30 =	sshrl.u32 s10, $0x2;
	s5 =	sadd.s32 s1, s5  }
0xe: {  	s1 =	simm.s32 $0x0;
	s6 =	sadd.s32 s7, s6;
	s9 =	sadd.s32 s9, s0  }
0xf: {  	s12 =	ssub.s32 s4, s11;
	s4 =	sadd.s32 $0x2200, s8;
	s31 =	sadd.s32 s30, s2  }
0x10: {  	s7 =	sadd.s32 s7, s2;
	s6 =	sshrl.u32 s6, $0x3;
	s8 =	sadd.s32 $0x2800, s31  }
0x11: {  	s10 =	sadd.s32 $0x7800, s31;
	s12 =	smax.u32 s12, $0x1;
	s0 =	sadd.s32 s6, s0  }
0x12: {  	v0 =	vimm.f32 $0.0e+00;
	s6 =	sadd.s32 $0x1DA800, s9;
	s9 =	sadd.s32 $0x5000, s31;
	s11 =	sadd.s32 $0xC000, s0  }
.LBB2_1:
0x13: {  	[tilespmem:s3], [sflag:$0x6] =	stream.linear.gather [hbm4b:s4+s3], $0x4E20, $0x38;
	[tilespmem:$0x1F040] =	vst v63  }
0x14: {  	_ =	swait.ge [sflag:s13], $0x4E20  }
0x15: {  	[sflag:s13] =	ssyncset.done $0x0  }
0x16: {  	s0 =	simm.s32 $0x4E20;
	[sflag:s13] =	ssyncadd.s32 $0xFFFFB1E0  }
0x17: {  	[tilespmem:s0], [sflag:$0x6] =	stream.linear.gather [hbm4b:s5+s3], $0x4E20, $0x38;
	[tilespmem:$0x1F040] =	vst v63  }
0x18: {  	_ =	swait.ge [sflag:s13], $0x4E20  }
0x19: {  	[sflag:s13] =	ssyncset.done $0x0  }
0x1a: {  	[sflag:s13] =	ssyncadd.s32 $0xFFFFB1E0  }
0x1b: {  	[tilespmem:s16], [sflag:$0x1] =	stream.indirect.gather [hbm4b:s6+s15], $0x40, s3, s15, $0xb8;
	[tilespmem:$0x1F040] =	vst v63  }
0x1c: {  	_ = 	snop  }
0x1d: {  	[tilespmem:s17], [sflag:$0x2] =	stream.indirect.gather [hbm4b:s6+s15], $0x40, s15, s15, $0xb8;
	[tilespmem:$0x1F040] =	vst v63  }
0x1e: {  	s18 =	simm.s32 $0xA0  }
0x1f: {  	[tilespmem:s19], [sflag:$0x3] =	stream.indirect.gather [hbm4b:s6+s15], $0x40, s18, s15, $0xb8;
	[tilespmem:$0x1F040] =	vst v63  }
0x20: {  	s31 =	simm.s32 $0xF0;
	s30 =	simm.s32 $0x100;
	s0 =	simm.s32 $0x0  }
0x21: {  	[tilespmem:s21], [sflag:$0x4] =	stream.indirect.gather [hbm4b:s6+s15], $0x40, s31, s15, $0xb8;
	[tilespmem:$0x1F040] =	vst v63  }
.LBB2_2:
0x22: {  	p0 =	sne.s32 s30, $0x9F00;
	[tilespmem:s0+$0x10070] =	vst v0;
	s14 =	smov.u32 s30;
	s30 =	sadd.s32 $0x100, s30  }
.Ltmp0:
0x23: {  	[tilespmem:s0+$0x10060] =	vst v0;
	(pc) =	sbr.rel @p0 .LBB2_2-.Ltmp0, $3  }
0x24: {  	[tilespmem:s0+$0x10040] =	vst v0  }
0x25: {  	[tilespmem:s0+$0x10050] =	vst v0;
	_ =	sdelay $0x1  }
0x26: {  	s0 =	sshra.s32 s14, $0x2  }
0x27: {  	[tilespmem:s0+$0x10070] =	vst v0  }
0x28: {  	[tilespmem:s0+$0x10060] =	vst v0  }
0x29: {  	[tilespmem:s0+$0x10040] =	vst v0  }
0x2a: {  	[tilespmem:s0+$0x10050] =	vst v0  }
0x2b: {  	[spmem:s7] =	stream.linear.scatter [tilespmem:s22], [sflag:$0x6], $0x2800, $0x38;
	[tilespmem:$0x1F040] =	vst v63  }
0x2c: {  	_ =	swait.ge [sflag:s13], $0x2800  }
0x2d: {  	[sflag:s13] =	ssyncset.done $0x0  }
0x2e: {  	[sflag:s13] =	ssyncadd.s32 $0xFFFFD800  }
0x2f: {  	[spmem:s8] =	stream.linear.scatter [tilespmem:s22], [sflag:$0x6], $0x2800, $0x38;
	[tilespmem:$0x1F040] =	vst v63  }
0x30: {  	_ =	swait.ge [sflag:s13], $0x2800  }
0x31: {  	[sflag:s13] =	ssyncset.done $0x0  }
0x32: {  	[sflag:s13] =	ssyncadd.s32 $0xFFFFD800  }
0x33: {  	[spmem:s9] =	stream.linear.scatter [tilespmem:s22], [sflag:$0x6], $0x2800, $0x38;
	[tilespmem:$0x1F040] =	vst v63  }
0x34: {  	_ =	swait.ge [sflag:s13], $0x2800  }
0x35: {  	[sflag:s13] =	ssyncset.done $0x0  }
0x36: {  	[sflag:s13] =	ssyncadd.s32 $0xFFFFD800  }
0x37: {  	[spmem:s10] =	stream.linear.scatter [tilespmem:s22], [sflag:$0x6], $0x2800, $0x38;
	[tilespmem:$0x1F040] =	vst v63  }
0x38: {  	_ =	swait.ge [sflag:s13], $0x2800  }
0x39: {  	[sflag:s13] =	ssyncset.done $0x0  }
0x3a: {  	[sflag:s13] =	ssyncadd.s32 $0xFFFFD800  }
0x3b: {  	s14 =	simm.s32 $0x140;
	[bflag:$0x0] =	sbarrier.arrive $0xFFFF  }
0x3c: {  	[tilespmem:s23], [sflag:$0x5] =	stream.indirect.gather [hbm4b:s6+s15], $0x40, s14, s15, $0xb8;
	[tilespmem:$0x1F040] =	vst v63  }
0x3d: {  	_ =	swait.ge [sflag:s24], $0x1400  }
0x3e: {  	[sflag:s24] =	ssyncset.done $0x0  }
0x3f: {  	s18 =	simm.s32 $0x4E20;
	[sflag:s24] =	ssyncadd.s32 $0xFFFFEC00  }
0x40: {  	[spmem:s2] =	stream.indirect.scatter.add.f32 [tilespmem:s16], [sflag:$0x6], $0x40, s18, s15, $0xb8;
	[tilespmem:$0x1F040] =	vst v63  }
0x41: {  	_ =	swait.ge [sflag:s13], $0x1400  }
0x42: {  	[sflag:s13] =	ssyncset.done $0x0  }
0x43: {  	s14 =	simm.s32 $0x190;
	[sflag:s13] =	ssyncadd.s32 $0xFFFFEC00  }
0x44: {  	[tilespmem:s16], [sflag:$0x1] =	stream.indirect.gather [hbm4b:s6+s15], $0x40, s14, s15, $0xb8;
	[tilespmem:$0x1F040] =	vst v63  }
0x45: {  	_ =	swait.ge [sflag:s25], $0x1400  }
0x46: {  	[sflag:s25] =	ssyncset.done $0x0  }
0x47: {  	s18 =	simm.s32 $0x4E70;
	[sflag:s25] =	ssyncadd.s32 $0xFFFFEC00  }
0x48: {  	[spmem:s2] =	stream.indirect.scatter.add.f32 [tilespmem:s17], [sflag:$0x6], $0x40, s18, s15, $0xb8;
	[tilespmem:$0x1F040] =	vst v63  }
0x49: {  	_ =	swait.ge [sflag:s13], $0x1400  }
0x4a: {  	[sflag:s13] =	ssyncset.done $0x0  }
0x4b: {  	s14 =	simm.s32 $0x1E0;
	[sflag:s13] =	ssyncadd.s32 $0xFFFFEC00  }
0x4c: {  	[tilespmem:s17], [sflag:$0x2] =	stream.indirect.gather [hbm4b:s6+s15], $0x40, s14, s15, $0xb8;
	[tilespmem:$0x1F040] =	vst v63  }
0x4d: {  	_ =	swait.ge [sflag:s26], $0x1400  }
0x4e: {  	[sflag:s26] =	ssyncset.done $0x0  }
0x4f: {  	s18 =	simm.s32 $0x4EC0;
	[sflag:s26] =	ssyncadd.s32 $0xFFFFEC00  }
0x50: {  	[spmem:s2] =	stream.indirect.scatter.add.f32 [tilespmem:s19], [sflag:$0x6], $0x40, s18, s15, $0xb8;
	[tilespmem:$0x1F040] =	vst v63  }
0x51: {  	_ =	swait.ge [sflag:s13], $0x1400  }
0x52: {  	[sflag:s13] =	ssyncset.done $0x0  }
0x53: {  	s14 =	simm.s32 $0x230;
	[sflag:s13] =	ssyncadd.s32 $0xFFFFEC00  }
0x54: {  	[tilespmem:s19], [sflag:$0x3] =	stream.indirect.gather [hbm4b:s6+s15], $0x40, s14, s15, $0xb8;
	[tilespmem:$0x1F040] =	vst v63  }
0x55: {  	_ =	swait.ge [sflag:s28], $0x1400  }
0x56: {  	[sflag:s28] =	ssyncset.done $0x0  }
0x57: {  	s18 =	simm.s32 $0x4F10;
	[sflag:s28] =	ssyncadd.s32 $0xFFFFEC00  }
0x58: {  	[spmem:s2] =	stream.indirect.scatter.add.f32 [tilespmem:s21], [sflag:$0x6], $0x40, s18, s15, $0xb8;
	[tilespmem:$0x1F040] =	vst v63  }
0x59: {  	_ =	swait.ge [sflag:s13], $0x1400  }
0x5a: {  	[sflag:s13] =	ssyncset.done $0x0  }
0x5b: {  	s14 =	simm.s32 $0x280;
	[sflag:s13] =	ssyncadd.s32 $0xFFFFEC00  }
0x5c: {  	[tilespmem:s21], [sflag:$0x4] =	stream.indirect.gather [hbm4b:s6+s15], $0x40, s14, s15, $0xb8;
	[tilespmem:$0x1F040] =	vst v63  }
0x5d: {  	_ =	swait.ge [sflag:s29], $0x1400  }
0x5e: {  	[sflag:s29] =	ssyncset.done $0x0  }
0x5f: {  	s18 =	simm.s32 $0x4F60;
	[sflag:s29] =	ssyncadd.s32 $0xFFFFEC00  }
0x60: {  	[spmem:s2] =	stream.indirect.scatter.add.f32 [tilespmem:s23], [sflag:$0x6], $0x40, s18, s15, $0xb8;
	[tilespmem:$0x1F040] =	vst v63  }
0x61: {  	_ =	swait.ge [sflag:s13], $0x1400  }
0x62: {  	s31 =	simm.s32 $0xC80;
	s30 =	simm.s32 $0x190;
	[sflag:s13] =	ssyncset.done $0x0  }
.LBB2_4:
0x63: {  	s18 =	sadd.s32 $0x140, s30  }
0x64: {  	[sflag:s13] =	ssyncadd.s32 $0xFFFFEC00;
	s0 =	smov.u32 s31;
	s14 =	sadd.s32 $0x640, s31  }
0x65: {  	[tilespmem:s23], [sflag:$0x5] =	stream.indirect.gather [hbm4b:s6+s15], $0x40, s18, s15, $0xb8;
	[tilespmem:$0x1F040] =	vst v63  }
0x66: {  	p0 =	sne.s32 s31, $0x12C00;
	_ =	swait.ge [sflag:s24], $0x1400  }
0x67: {  	[sflag:s24] =	ssyncset.done $0x0  }
0x68: {  	s18 =	sadd.s32 $0x4E20, s30;
	[sflag:s24] =	ssyncadd.s32 $0xFFFFEC00  }
0x69: {  	[spmem:s2] =	stream.indirect.scatter.add.f32 [tilespmem:s16], [sflag:$0x6], $0x40, s18, s15, $0xb8;
	[tilespmem:$0x1F040] =	vst v63  }
0x6a: {  	_ =	swait.ge [sflag:s13], $0x1400  }
0x6b: {  	[sflag:s13] =	ssyncset.done $0x0  }
0x6c: {  	s18 =	sadd.s32 $0x190, s30;
	[sflag:s13] =	ssyncadd.s32 $0xFFFFEC00  }
0x6d: {  	[tilespmem:s16], [sflag:$0x1] =	stream.indirect.gather [hbm4b:s6+s15], $0x40, s18, s15, $0xb8;
	[tilespmem:$0x1F040] =	vst v63  }
0x6e: {  	_ =	swait.ge [sflag:s25], $0x1400  }
0x6f: {  	[sflag:s25] =	ssyncset.done $0x0  }
0x70: {  	s18 =	sadd.s32 $0x4E70, s30;
	[sflag:s25] =	ssyncadd.s32 $0xFFFFEC00  }
0x71: {  	[spmem:s2] =	stream.indirect.scatter.add.f32 [tilespmem:s17], [sflag:$0x6], $0x40, s18, s15, $0xb8;
	[tilespmem:$0x1F040] =	vst v63  }
0x72: {  	_ =	swait.ge [sflag:s13], $0x1400  }
0x73: {  	[sflag:s13] =	ssyncset.done $0x0  }
0x74: {  	s18 =	sadd.s32 $0x1E0, s30;
	[sflag:s13] =	ssyncadd.s32 $0xFFFFEC00  }
0x75: {  	[tilespmem:s17], [sflag:$0x2] =	stream.indirect.gather [hbm4b:s6+s15], $0x40, s18, s15, $0xb8;
	[tilespmem:$0x1F040] =	vst v63  }
0x76: {  	_ =	swait.ge [sflag:s26], $0x1400  }
0x77: {  	[sflag:s26] =	ssyncset.done $0x0  }
0x78: {  	s18 =	sadd.s32 $0x4EC0, s30;
	[sflag:s26] =	ssyncadd.s32 $0xFFFFEC00  }
0x79: {  	[spmem:s2] =	stream.indirect.scatter.add.f32 [tilespmem:s19], [sflag:$0x6], $0x40, s18, s15, $0xb8;
	[tilespmem:$0x1F040] =	vst v63  }
0x7a: {  	_ =	swait.ge [sflag:s13], $0x1400  }
0x7b: {  	[sflag:s13] =	ssyncset.done $0x0  }
0x7c: {  	s18 =	sadd.s32 $0x230, s30;
	[sflag:s13] =	ssyncadd.s32 $0xFFFFEC00  }
0x7d: {  	[tilespmem:s19], [sflag:$0x3] =	stream.indirect.gather [hbm4b:s6+s15], $0x40, s18, s15, $0xb8;
	[tilespmem:$0x1F040] =	vst v63  }
0x7e: {  	_ =	swait.ge [sflag:s28], $0x1400  }
0x7f: {  	[sflag:s28] =	ssyncset.done $0x0  }
0x80: {  	s18 =	sadd.s32 $0x4F10, s30;
	[sflag:s28] =	ssyncadd.s32 $0xFFFFEC00  }
0x81: {  	[spmem:s2] =	stream.indirect.scatter.add.f32 [tilespmem:s21], [sflag:$0x6], $0x40, s18, s15, $0xb8;
	[tilespmem:$0x1F040] =	vst v63  }
0x82: {  	_ =	swait.ge [sflag:s13], $0x1400  }
0x83: {  	[sflag:s13] =	ssyncset.done $0x0  }
0x84: {  	s18 =	sadd.s32 $0x280, s30;
	[sflag:s13] =	ssyncadd.s32 $0xFFFFEC00  }
0x85: {  	[tilespmem:s21], [sflag:$0x4] =	stream.indirect.gather [hbm4b:s6+s15], $0x40, s18, s15, $0xb8;
	[tilespmem:$0x1F040] =	vst v63  }
0x86: {  	_ =	swait.ge [sflag:s29], $0x1400  }
.Ltmp1:
0x87: {  	[sflag:s29] =	ssyncset.done $0x0;
	(pc) =	sbr.rel @p0 .LBB2_4-.Ltmp1, $4  }
0x88: {  	s18 =	sadd.s32 $0x4F60, s30;
	[sflag:s29] =	ssyncadd.s32 $0xFFFFEC00  }
0x89: {  	[spmem:s2] =	stream.indirect.scatter.add.f32 [tilespmem:s23], [sflag:$0x6], $0x40, s18, s15, $0xb8;
	[tilespmem:$0x1F040] =	vst v63  }
0x8a: {  	_ =	swait.ge [sflag:s13], $0x1400  }
0x8b: {  	s31 =	smov.u32 s14;
	s30 =	sshra.s32 s0, $0x2;
	[sflag:s13] =	ssyncset.done $0x0  }
0x8c: {  	s0 =	sadd.s32 $0x140, s30;
	[sflag:s13] =	ssyncadd.s32 $0xFFFFEC00  }
0x8d: {  	[tilespmem:s23], [sflag:$0x5] =	stream.indirect.gather [hbm4b:s6+s15], $0x40, s0, s15, $0xb8;
	[tilespmem:$0x1F040] =	vst v63  }
0x8e: {  	_ =	swait.ge [sflag:s24], $0x1400  }
0x8f: {  	[sflag:s24] =	ssyncset.done $0x0  }
0x90: {  	s31 =	sadd.s32 $0x4E20, s30;
	[sflag:s24] =	ssyncadd.s32 $0xFFFFEC00  }
0x91: {  	[spmem:s2] =	stream.indirect.scatter.add.f32 [tilespmem:s16], [sflag:$0x6], $0x40, s31, s15, $0xb8;
	[tilespmem:$0x1F040] =	vst v63  }
0x92: {  	_ =	swait.ge [sflag:s13], $0x1400  }
0x93: {  	[sflag:s13] =	ssyncset.done $0x0  }
0x94: {  	s14 =	sadd.s32 $0x190, s30;
	[sflag:s13] =	ssyncadd.s32 $0xFFFFEC00  }
0x95: {  	[tilespmem:s16], [sflag:$0x1] =	stream.indirect.gather [hbm4b:s6+s15], $0x40, s14, s15, $0xb8;
	[tilespmem:$0x1F040] =	vst v63  }
0x96: {  	_ =	swait.ge [sflag:s25], $0x1400  }
0x97: {  	[sflag:s25] =	ssyncset.done $0x0  }
0x98: {  	s18 =	sadd.s32 $0x4E70, s30;
	[sflag:s25] =	ssyncadd.s32 $0xFFFFEC00  }
0x99: {  	[spmem:s2] =	stream.indirect.scatter.add.f32 [tilespmem:s17], [sflag:$0x6], $0x40, s18, s15, $0xb8;
	[tilespmem:$0x1F040] =	vst v63  }
0x9a: {  	_ =	swait.ge [sflag:s13], $0x1400  }
0x9b: {  	[sflag:s13] =	ssyncset.done $0x0  }
0x9c: {  	s31 =	sadd.s32 $0x1E0, s30;
	[sflag:s13] =	ssyncadd.s32 $0xFFFFEC00  }
0x9d: {  	[tilespmem:s17], [sflag:$0x2] =	stream.indirect.gather [hbm4b:s6+s15], $0x40, s31, s15, $0xb8;
	[tilespmem:$0x1F040] =	vst v63  }
0x9e: {  	_ =	swait.ge [sflag:s26], $0x1400  }
0x9f: {  	[sflag:s26] =	ssyncset.done $0x0  }
0xa0: {  	s14 =	sadd.s32 $0x4EC0, s30;
	[sflag:s26] =	ssyncadd.s32 $0xFFFFEC00  }
0xa1: {  	[spmem:s2] =	stream.indirect.scatter.add.f32 [tilespmem:s19], [sflag:$0x6], $0x40, s14, s15, $0xb8;
	[tilespmem:$0x1F040] =	vst v63  }
0xa2: {  	_ =	swait.ge [sflag:s13], $0x1400  }
0xa3: {  	[sflag:s13] =	ssyncset.done $0x0  }
0xa4: {  	s18 =	sadd.s32 $0x230, s30;
	[sflag:s13] =	ssyncadd.s32 $0xFFFFEC00  }
0xa5: {  	[tilespmem:s19], [sflag:$0x3] =	stream.indirect.gather [hbm4b:s6+s15], $0x40, s18, s15, $0xb8;
	[tilespmem:$0x1F040] =	vst v63  }
0xa6: {  	_ =	swait.ge [sflag:s28], $0x1400  }
0xa7: {  	[sflag:s28] =	ssyncset.done $0x0  }
0xa8: {  	s31 =	sadd.s32 $0x4F10, s30;
	[sflag:s28] =	ssyncadd.s32 $0xFFFFEC00  }
0xa9: {  	[spmem:s2] =	stream.indirect.scatter.add.f32 [tilespmem:s21], [sflag:$0x6], $0x40, s31, s15, $0xb8;
	[tilespmem:$0x1F040] =	vst v63  }
0xaa: {  	_ =	swait.ge [sflag:s13], $0x1400  }
0xab: {  	[sflag:s13] =	ssyncset.done $0x0  }
0xac: {  	s14 =	sadd.s32 $0x280, s30;
	[sflag:s13] =	ssyncadd.s32 $0xFFFFEC00  }
0xad: {  	[tilespmem:s21], [sflag:$0x4] =	stream.indirect.gather [hbm4b:s6+s15], $0x40, s14, s15, $0xb8;
	[tilespmem:$0x1F040] =	vst v63  }
0xae: {  	_ =	swait.ge [sflag:s29], $0x1400  }
0xaf: {  	[sflag:s29] =	ssyncset.done $0x0  }
0xb0: {  	s18 =	sadd.s32 $0x4F60, s30;
	[sflag:s29] =	ssyncadd.s32 $0xFFFFEC00  }
0xb1: {  	[spmem:s2] =	stream.indirect.scatter.add.f32 [tilespmem:s23], [sflag:$0x6], $0x40, s18, s15, $0xb8;
	[tilespmem:$0x1F040] =	vst v63  }
0xb2: {  	_ =	swait.ge [sflag:s13], $0x1400  }
0xb3: {  	[sflag:s13] =	ssyncset.done $0x0  }
0xb4: {  	s30 =	simm.s32 $0x4DD0;
	[sflag:s13] =	ssyncadd.s32 $0xFFFFEC00  }
0xb5: {  	[tilespmem:s23], [sflag:$0x5] =	stream.indirect.gather [hbm4b:s6+s15], $0x40, s30, s15, $0xb8;
	[tilespmem:$0x1F040] =	vst v63  }
0xb6: {  	_ =	swait.ge [sflag:s24], $0x1400  }
0xb7: {  	[sflag:s24] =	ssyncset.done $0x0  }
0xb8: {  	s31 =	simm.s32 $0x9AB0;
	[sflag:s24] =	ssyncadd.s32 $0xFFFFEC00  }
0xb9: {  	[spmem:s2] =	stream.indirect.scatter.add.f32 [tilespmem:s16], [sflag:$0x6], $0x40, s31, s15, $0xb8;
	[tilespmem:$0x1F040] =	vst v63  }
0xba: {  	_ =	swait.ge [sflag:s13], $0x1400  }
0xbb: {  	[sflag:s13] =	ssyncset.done $0x0  }
0xbc: {  	[sflag:s13] =	ssyncadd.s32 $0xFFFFEC00  }
0xbd: {  	_ =	swait.ge [sflag:s25], $0x1400  }
0xbe: {  	[sflag:s25] =	ssyncset.done $0x0  }
0xbf: {  	s14 =	simm.s32 $0x9B00;
	[sflag:s25] =	ssyncadd.s32 $0xFFFFEC00  }
0xc0: {  	[spmem:s2] =	stream.indirect.scatter.add.f32 [tilespmem:s17], [sflag:$0x6], $0x40, s14, s15, $0xb8;
	[tilespmem:$0x1F040] =	vst v63  }
0xc1: {  	_ =	swait.ge [sflag:s13], $0x1400  }
0xc2: {  	[sflag:s13] =	ssyncset.done $0x0  }
0xc3: {  	[sflag:s13] =	ssyncadd.s32 $0xFFFFEC00  }
0xc4: {  	_ =	swait.ge [sflag:s26], $0x1400  }
0xc5: {  	[sflag:s26] =	ssyncset.done $0x0  }
0xc6: {  	s18 =	simm.s32 $0x9B50;
	[sflag:s26] =	ssyncadd.s32 $0xFFFFEC00  }
0xc7: {  	[spmem:s2] =	stream.indirect.scatter.add.f32 [tilespmem:s19], [sflag:$0x6], $0x40, s18, s15, $0xb8;
	[tilespmem:$0x1F040] =	vst v63  }
0xc8: {  	_ =	swait.ge [sflag:s13], $0x1400  }
0xc9: {  	[sflag:s13] =	ssyncset.done $0x0  }
0xca: {  	[sflag:s13] =	ssyncadd.s32 $0xFFFFEC00  }
0xcb: {  	_ =	swait.ge [sflag:s28], $0x1400  }
0xcc: {  	[sflag:s28] =	ssyncset.done $0x0  }
0xcd: {  	s30 =	simm.s32 $0x9BA0;
	[sflag:s28] =	ssyncadd.s32 $0xFFFFEC00  }
0xce: {  	[spmem:s2] =	stream.indirect.scatter.add.f32 [tilespmem:s21], [sflag:$0x6], $0x40, s30, s15, $0xb8;
	[tilespmem:$0x1F040] =	vst v63  }
0xcf: {  	_ =	swait.ge [sflag:s13], $0x1400  }
0xd0: {  	[sflag:s13] =	ssyncset.done $0x0  }
0xd1: {  	[sflag:s13] =	ssyncadd.s32 $0xFFFFEC00  }
0xd2: {  	_ =	swait.ge [sflag:s29], $0x1400  }
0xd3: {  	[sflag:s29] =	ssyncset.done $0x0  }
0xd4: {  	[sflag:s29] =	ssyncadd.s32 $0xFFFFEC00  }
0xd5: {  	[spmem:s2] =	stream.indirect.scatter.add.f32 [tilespmem:s23], [sflag:$0x6], $0x40, s20, s15, $0xb8;
	[tilespmem:$0x1F040] =	vst v63  }
0xd6: {  	s31 =	stileid.u32;
	_ =	swait.ge [sflag:s13], $0x1400  }
0xd7: {  	s1 =	sadd.s32 $0x1, s1;
	s0 =	sshll.u32 s31, $0x6;
	[sflag:s13] =	ssyncset.done $0x0  }
0xd8: {  	p0 =	sne.s32 s1, s12;
	s0 =	sor.u32 $0x1C06, s0;
	[sflag:s13] =	ssyncadd.s32 $0xFFFFEC00  }
.Ltmp2:
0xd9: {  	s14 =	sshrl.u32 s7, $0x3;
	[bflag:$0x0] =	sbarrier.arrive $0xFFFF;
	(pc) =	sbr.rel @p0 .LBB2_1-.Ltmp2, $4  }
0xda: {  	[hbm:s11], [sflag:s0] =	dma.local [spmem:s14], $0x1400  }
0xdb: {  	_ =	swait.ge [sflag:s13], $0x1400  }
0xdc: {  	[sflag:s13] =	ssyncset.done $0x0  }
0xdd: {  	[sflag:s13] =	ssyncadd.s32 $0xFFFFEC00  }
0xde: {  	_ =	sfence.sel $0x180000  }
0xdf: {  	[bflag:$0x0] =	sbarrier.arrive $0xFFFF  }
0xe0: {  	_ =	strace $0x9000004A  }
0xe1: {  	s0 =	stileid.u32;
	[bflag:$0x2] =	sbarrier.arrive $0xFFFF  }
0xe2: {  	p0 =	sne.s32 s0, $0x0;
	s0 =	rddreg [dreg:$0x3]  }
0xe3: {  	s0 =	sadd.s32 @!p0 $0x100000, s0  }
0xe4: {  	[sflag:s0] =	ssyncadd.tile.s32 @!p0 $0x1;
	_ =	shalt  }
.Lfunc_end2:
_tile_overlayer_lowered:
.L_overlay_start_2:
0xe5: {  	(tag) =	ssettag $0x2  }
0xe6: {  	s0 =	rddreg [dreg:$0x0];
	s2 =	stileid.u32  }
0xe7: {  	s1 =	rddreg [dreg:$0x1];
	p0 =	sne.s32 s2, $0x0  }
0xe8: {  	s3 =	rddreg [dreg:$0x2];
	[bflag:$0x3] =	sbarrier.arrive $0xFFFF;
	s2 =	simm.s32 @!p0 $0x1C06  }
0xe9: {  	[timem:s3], [sflag:s2] =	dma.local @!p0 [hbm:s0], s1  }
0xea: {  	s0 =	simm.s32 @!p0 $0x6  }
0xeb: {  	_ =	swait.ge @!p0 [sflag:s0], s1  }
0xec: {  	s1 =	ssub.s32 @!p0 $0x0, s1;
	[sflag:s0] =	ssyncset.done @!p0 $0x0  }
0xed: {  	[sflag:s0] =	ssyncadd.s32 @!p0 s1  }
0xee: {  	[bflag:$0x3] =	sbarrier.arrive $0xFFFF  }
0xef: {  	_ =	shalt  }

// kernel: kernel.15.cloned.1.call-start
scs
__scs_entry_jumppad:
0x0: {  	(pc) =	sbr.rel $0x88, $3  }
0x1: {  	(tag) =	ssettag $0x0;
	lr =	simm.s32 $0x1  }
0x2: {  	[smem:$0x3F94] =	sst lr;
	_ =	strace $0xD0000000  }
0x3: {  	_ = 	snop  }
0x4: {  	_ = 	snop  }
0x5: {  	_ = 	snop  }
0x6: {  	_ = 	snop  }
0x7: {  	_ = 	snop  }
__scs_overlays_trampoline_lowered:
0x8: {  	[smem:$0x3FA3] =	sst s0  }
0x9: {  	[smem:$0x3FA4] =	sst s1  }
0xa: {  	[smem:$0x3FA5] =	sst s2  }
0xb: {  	[smem:$0x3FA6] =	sst s3  }
0xc: {  	[smem:$0x3FA7] =	sst s4  }
0xd: {  	[smem:$0x3FA8] =	sst s5  }
0xe: {  	[smem:$0x3FA9] =	sst s6  }
0xf: {  	[smem:$0x3FAA] =	sst s7  }
0x10: {  	[smem:$0x3FAB] =	sst s8  }
0x11: {  	[smem:$0x3FAC] =	sst s9;
	s0 =	simm.s32 @!p0 $0x0  }
0x12: {  	s1 =	sld [smem:$0x3F92];
	s0 =	simm.s32 @p0 $0x1  }
0x13: {  	[smem:$0x3FAD] =	sst s0;
	s0 =	simm.s32 @!p1 $0x0  }
0x14: {  	s2 =	sld [smem:$0x3F91];
	s0 =	simm.s32 @p1 $0x1  }
0x15: {  	[smem:$0x3FAE] =	sst s0;
	s0 =	simm.s32 @!p2 $0x0  }
0x16: {  	s3 =	sld [smem:$0x3FDB];
	s0 =	simm.s32 @p2 $0x1  }
0x17: {  	s4 =	simm.s32 $0x1BF5;
	[smem:$0x3FB0] =	sst s0  }
0x18: {  	s0 =	sld [smem:$0x3F93];
	_ =	swait.ge [sflag:s4], $0x0  }
0x19: {  	s7 =	sld [smem:$0x3F94]  }
0x1a: {  	s8 =	sadd.s32 $0xFFFFE003, lr  }
0x1b: {  	s9 =	sadd.s32 $0xFFFFFEF7, lr;
	s5 =	simm.s32 $0xFFFFFFFF;
	p2 =	slt.u32 s8, $0xFFFFF086  }
0x1c: {  	p1 =	slt.u32 s9, $0xF7A;
	s5 =	simm.s32 @!p2 $0x0  }
0x1d: {  	s5 =	simm.s32 @p1 $0x1;
	p0 =	seq.s32 s7, s2  }
0x1e: {  	s7 =	smul.u32 @!p0 $0xF7A, s2;
	p2 =	seq.s32 @!p0 s5, $0x0  }
0x1f: {  	s9 =	smul.u32 $0xF7A, s1;
	s8 =	simm.s32 @!p0 $0x1BF5;
	p2 =	por !p2, p0  }
0x20: {  	[sflag:s8] =	ssyncset.s32 @!p0 $0xFFFFF086;
	s6 =	sadd.s32 @!p0 s3, s7;
	s7 =	simm.s32 @!p0 $0x108  }
0x21: {  	s3 =	sadd.s32 s3, s9;
	s6 =	sadd.s32 @!p0 $0x88, s6;
	s7 =	simm.s32 @p2 $0x1082  }
0x22: {  	[simem:s7], [sflag:s8] =	dma.local @!p0 [hbm:s6], $0xF7A  }
0x23: {  	s9 =	sor.u32 $0xD0000000, s2;
	s6 =	simm.s32 $0x108;
	_ =	swait.ge @!p0 [sflag:s8], $0x0  }
0x24: {  	s3 =	sadd.s32 $0x88, s3;
	s6 =	simm.s32 @!p1 $0x1082;
	[sflag:s4] =	ssyncset.s32 $0xFFFFF086  }
0x25: {  	[simem:s6], [sflag:s4] =	dma.local [hbm:s3], $0xF7A  }
0x26: {  	[smem:$0x3F94] =	sst s1;
	(tag) =	ssettag s2;
	_ =	strace s9  }
0x27: {  	s1 =	sld [smem:$0x3FA4]  }
0x28: {  	s2 =	sld [smem:$0x3FA5]  }
0x29: {  	s4 =	sld [smem:$0x3FA7]  }
0x2a: {  	p0 =	seq.s32 s5, $0x0;
	s5 =	sld [smem:$0x3FA8]  }
0x2b: {  	s6 =	sld [smem:$0x3FA9]  }
0x2c: {  	s7 =	sld [smem:$0x3FAA]  }
0x2d: {  	s3 =	simm.s32 $0x108;
	s8 =	sld [smem:$0x3FAB]  }
0x2e: {  	s3 =	simm.s32 @!p0 $0x1082;
	s9 =	sld [smem:$0x3FAC]  }
0x2f: {  	lr =	sadd.s32 s0, s3;
	s0 =	sld [smem:$0x3FA3]  }
0x30: {  	s3 =	sld [smem:$0x3FA6]  }
0x31: {  	[smem:$0x3FAF] =	sst s10  }
0x32: {  	s10 =	sld [smem:$0x3FAD];
	_ =	sdelay $0x3  }
0x33: {  	p0 =	seq.s32 s10, $0x1;
	s10 =	sld [smem:$0x3FAF];
	_ =	sdelay $0x3  }
0x34: {  	[smem:$0x3FAF] =	sst s10  }
0x35: {  	s10 =	sld [smem:$0x3FAE];
	_ =	sdelay $0x3  }
0x36: {  	p1 =	seq.s32 s10, $0x1;
	s10 =	sld [smem:$0x3FAF];
	_ =	sdelay $0x3  }
0x37: {  	[smem:$0x3FAF] =	sst s10  }
0x38: {  	s10 =	sld [smem:$0x3FB0]  }
0x39: {  	_ = 	snop;
	(pc) =	sbr.ind lr, $3  }
0x3a: {  	_ = 	snop  }
0x3b: {  	_ = 	snop  }
0x3c: {  	p2 =	seq.s32 s10, $0x1;
	s10 =	sld [smem:$0x3FAF]  }
0x3d: {  	_ =	shalt  }
0x3e: {  	_ =	shalt  }
0x3f: {  	_ =	shalt  }
0x40: {  	_ =	shalt  }
0x41: {  	_ =	shalt  }
0x42: {  	_ =	shalt  }
0x43: {  	_ =	shalt  }
0x44: {  	_ =	shalt  }
0x45: {  	_ =	shalt  }
0x46: {  	_ =	shalt  }
0x47: {  	_ =	shalt  }
0x48: {  	_ =	shalt  }
0x49: {  	_ =	shalt  }
0x4a: {  	_ =	shalt  }
0x4b: {  	_ =	shalt  }
0x4c: {  	_ =	shalt  }
0x4d: {  	_ =	shalt  }
0x4e: {  	_ =	shalt  }
0x4f: {  	_ =	shalt  }
0x50: {  	_ =	shalt  }
0x51: {  	_ =	shalt  }
0x52: {  	_ =	shalt  }
0x53: {  	_ =	shalt  }
0x54: {  	_ =	shalt  }
0x55: {  	_ =	shalt  }
0x56: {  	_ =	shalt  }
0x57: {  	_ =	shalt  }
0x58: {  	_ =	shalt  }
0x59: {  	_ =	shalt  }
0x5a: {  	_ =	shalt  }
0x5b: {  	_ =	shalt  }
0x5c: {  	_ =	shalt  }
0x5d: {  	_ =	shalt  }
0x5e: {  	_ =	shalt  }
0x5f: {  	_ =	shalt  }
0x60: {  	_ =	shalt  }
0x61: {  	_ =	shalt  }
0x62: {  	_ =	shalt  }
0x63: {  	_ =	shalt  }
0x64: {  	_ =	shalt  }
0x65: {  	_ =	shalt  }
0x66: {  	_ =	shalt  }
0x67: {  	_ =	shalt  }
0x68: {  	_ =	shalt  }
0x69: {  	_ =	shalt  }
0x6a: {  	_ =	shalt  }
0x6b: {  	_ =	shalt  }
0x6c: {  	_ =	shalt  }
0x6d: {  	_ =	shalt  }
0x6e: {  	_ =	shalt  }
0x6f: {  	_ =	shalt  }
0x70: {  	_ =	shalt  }
0x71: {  	_ =	shalt  }
0x72: {  	_ =	shalt  }
0x73: {  	_ =	shalt  }
0x74: {  	_ =	shalt  }
0x75: {  	_ =	shalt  }
0x76: {  	_ =	shalt  }
0x77: {  	_ =	shalt  }
0x78: {  	_ =	shalt  }
0x79: {  	_ =	shalt  }
0x7a: {  	_ =	shalt  }
0x7b: {  	_ =	shalt  }
0x7c: {  	_ =	shalt  }
0x7d: {  	_ =	shalt  }
0x7e: {  	_ =	shalt  }
0x7f: {  	_ =	shalt  }
0x80: {  	_ =	shalt  }
0x81: {  	_ =	shalt  }
0x82: {  	_ =	shalt  }
0x83: {  	_ =	shalt  }
0x84: {  	_ =	shalt  }
0x85: {  	_ =	shalt  }
0x86: {  	_ =	shalt  }
0x87: {  	_ =	shalt  }
.Lfunc_end0:
.L_simem_size_0:
called_computation.2_lowered:
.L_overlay_start_0:
0x88: {  	s2 =	sld [smem:$0x3FD9]  }
0x89: {  	s3 =	sld [smem:$0x3FFE];
	_ =	sdelay $0x1  }
0x8a: {  	s1 =	srdreg.scid  }
0x8b: {  	s0 =	sand.u32 $0x1, s1  }
0x8c: {  	s17 =	sshll.u32 s0, $0xA;
	s2 =	sadd.s32 s3, s2  }
0x8d: {  	s2 =	sadd.s32 s2, s17  }
0x8e: {  	[smem:$0x3FBB] =	sst s2  }
0x8f: {  	_ = 	snop  }
0x90: {  	s2 =	sld [smem:$0x3FD0];
	(tm) =	ssettm $0x1  }
0x91: {  	s18 =	sld [smem:$0x3FFB];
	_ =	sdelay $0x3  }
0x92: {  	_ =	strace s18  }
0x93: {  	s3 =	sld [smem:$0x3FFC];
	_ =	sdelay $0x3  }
0x94: {  	_ =	strace s3  }
0x95: {  	s3 =	sld [smem:$0x3FFD];
	_ =	sdelay $0x3  }
0x96: {  	_ =	strace s3  }
0x97: {  	_ =	strace $0x8FFFFFFF  }
0x98: {  	s19 =	sld [smem:$0x3FDB];
	_ =	sdelay $0x1  }
0x99: {  	s4 =	simm.s32 $_scs_section_size  }
0x9a: {  	s5 =	simm.s32 $_size__tile_overlayer_lowered;
	s6 =	simm.s32 $_tile_overlayer_lowered  }
0x9b: {  	s22 =	simm.s32 $0x1BFF;
	s21 =	sshll.u32 s6, $0x1;
	s3 =	sadd.s32 s4, s19  }
0x9c: {  	s7 =	simm.s32 $0x0;
	s20 =	sshll.u32 s5, $0x1;
	s5 =	sadd.s32 s21, s3  }
0x9d: {  	[timem:s7], [sflag:s22] =	dma.local [hbm:s5], s20  }
0x9e: {  	_ =	swait.ge [sflag:s22], s20  }
0x9f: {  	s4 =	ssub.s32 $0x0, s20;
	[sflag:s22] =	ssyncset.done $0x0  }
0xa0: {  	[sflag:s22] =	ssyncadd.s32 s4;
	_ =	sdelay $0x1  }
0xa1: {  	s23 =	simm.s32 $0x1B8B  }
0xa2: {  	_ =	swait.ge [sflag:s23], $0x1  }
0xa3: {  	[sflag:s23] =	ssyncset.done $0x0  }
0xa4: {  	s25 =	simm.s32 $0x1B8E;
	s24 =	sld [smem:$0x3FFE];
	[sflag:s23] =	ssyncadd.s32 $0xFFFFFFFF  }
0xa5: {  	s26 =	simm.s32 $execute0_lowered;
	[smem:$0x3FD2] =	sst s25  }
0xa6: {  	s5 =	sshll.u32 s26, $0x1;
	_ =	strace $0x8000004C;
	[dreg:$0x1] =	wrdreg $0xFFFFFFFF  }
0xa7: {  	s28 =	simm.s32 $_size_execute0_lowered;
	s3 =	sadd.s32 s3, s5;
	[dreg:$0x0] =	wrdreg $0x0  }
0xa8: {  	s5 =	sshll.u32 s28, $0x1;
	[dreg:$0x2] =	wrdreg s3  }
0xa9: {  	[dreg:$0x3] =	wrdreg s5  }
0xaa: {  	[dreg:$0x4] =	wrdreg $0xC0  }
0xab: {  	_ =	task [dreg:s7], $0x5FFFF  }
0xac: {  	[dreg:$0x1] =	wrdreg $0xFFFFFFFF  }
0xad: {  	[dreg:$0x0] =	wrdreg $0x60  }
0xae: {  	[dreg:$0x2] =	wrdreg s24  }
0xaf: {  	[dreg:$0x3] =	wrdreg s2  }
0xb0: {  	[dreg:$0x4] =	wrdreg $0x128400  }
0xb1: {  	[dreg:$0x5] =	wrdreg $0x9  }
0xb2: {  	_ =	task.clear_ibuf [dreg:s7], $0x6FFFF;
	_ =	strace $0x9000004C  }
0xb3: {  	s29 =	simm.s32 $0x9;
	_ =	strace $0x8000004E  }
0xb4: {  	_ =	swait.ge [sflag:s29], $0x1  }
0xb5: {  	[sflag:s29] =	ssyncadd.s32 $0xFFFFFFFF  }
0xb6: {  	_ =	strace $0x9000004E  }
0xb7: {  	_ =	sfence  }
0xb8: {  	s30 =	sld [smem:$0x0];
	_ =	sdelay $0x2  }
0xb9: {  	s31 =	sshll.u32 s1, $0xD;
	s1 =	sshrl.u32 s1, $0x2  }
0xba: {  	s3 =	sand.u32 $0x4000, s31;
	s1 =	sadd.s32 s1, s30  }
0xbb: {  	s0 =	sor.u32 s3, s0;
	s1 =	sshll.u32 s1, $0x11  }
0xbc: {  	s0 =	sor.u32 s1, s0  }
0xbd: {  	s0 =	sadd.s32 $0x8F2B, s0  }
0xbe: {  	[sflag:s0] =	ssyncadd.remote.s32 $0x1  }
0xbf: {  	_ =	sfence.sel $0xFFFF  }
0xc0: {  	[dreg:$0x0] =	wrdreg $0xFFFFFFFF;
	(pc) =	sbr.abs _section_cstart, $3  }
0xc1: {  	[dreg:$0x1] =	wrdreg $0xFFFFFFFF  }
0xc2: {  	_ =	task.clear_ibuf [dreg:s7], $0x2FFFF;
	_ =	strace $0x9FFFFFFF  }
0xc3: {  	(tm) =	ssettm $0x7FFFFFFF  }
tec
execute0_lowered:
.L_overlay_start_1:
0x0: {  	(tag) =	ssettag $0x1  }
0x1: {  	s0 =	rddreg [dreg:$0x0]  }
0x2: {  	s1 =	rddreg [dreg:$0x1]  }
0x3: {  	s2 =	rddreg [dreg:$0x2]  }
0x4: {  	s10 =	stileid.u32;
	s4 =	srdreg.scid;
	s3 =	simm.s32 $0x0  }
0x5: {  	s13 =	simm.s32 $0x6;
	s15 =	simm.s32 $0x50;
	s16 =	simm.s32 $0x9C40  }
0x6: {  	s17 =	simm.s32 $0xB040;
	s19 =	simm.s32 $0xC440;
	s21 =	simm.s32 $0xD840  }
0x7: {  	s22 =	simm.s32 $0x10040;
	s23 =	simm.s32 $0xEC40;
	s24 =	simm.s32 $0x1  }
0x8: {  	s25 =	simm.s32 $0x2;
	s26 =	simm.s32 $0x3;
	s5 =	smul.u32 $0x9C4, s10  }
0x9: {  	s28 =	simm.s32 $0x4;
	s29 =	simm.s32 $0x5;
	s7 =	smul.u32 $0xA000, s10  }
0xa: {  	s4 =	sand.u32 $0x1, s4;
	[smem:$0x7FF] =	sst s3;
	s10 =	smul.u32 $0x28000, s10  }
0xb: {  	s20 =	simm.s32 $0x9BF0;
	s6 =	smul.u32 $0xC8000, s4;
	_ =	strace $0x8000004D  }
0xc: {  	s9 =	smul.u32 $0x4E200, s4;
	s4 =	ssub.s32 $0x2, s4;
	s8 =	sadd.s32 s5, s0  }
0xd: {  	s11 =	sshrl.u32 s4, $0x1;
	s30 =	sshrl.u32 s10, $0x2;
	s5 =	sadd.s32 s1, s5  }
0xe: {  	s1 =	simm.s32 $0x0;
	s6 =	sadd.s32 s7, s6;
	s9 =	sadd.s32 s9, s0  }
0xf: {  	s12 =	ssub.s32 s4, s11;
	s4 =	sadd.s32 $0x2200, s8;
	s31 =	sadd.s32 s30, s2  }
0x10: {  	s7 =	sadd.s32 s7, s2;
	s6 =	sshrl.u32 s6, $0x3;
	s8 =	sadd.s32 $0x2800, s31  }
0x11: {  	s10 =	sadd.s32 $0x7800, s31;
	s12 =	smax.u32 s12, $0x1;
	s0 =	sadd.s32 s6, s0  }
0x12: {  	v0 =	vimm.f32 $0.0e+00;
	s6 =	sadd.s32 $0x1DA800, s9;
	s9 =	sadd.s32 $0x5000, s31;
	s11 =	sadd.s32 $0xC000, s0  }
.LBB2_1:
0x13: {  	[tilespmem:s3], [sflag:$0x6] =	stream.linear.gather [hbm4b:s4+s3], $0x4E20, $0x38;
	[tilespmem:$0x1F040] =	vst v63  }
0x14: {  	_ =	swait.ge [sflag:s13], $0x4E20  }
0x15: {  	[sflag:s13] =	ssyncset.done $0x0  }
0x16: {  	s0 =	simm.s32 $0x4E20;
	[sflag:s13] =	ssyncadd.s32 $0xFFFFB1E0  }
0x17: {  	[tilespmem:s0], [sflag:$0x6] =	stream.linear.gather [hbm4b:s5+s3], $0x4E20, $0x38;
	[tilespmem:$0x1F040] =	vst v63  }
0x18: {  	_ =	swait.ge [sflag:s13], $0x4E20  }
0x19: {  	[sflag:s13] =	ssyncset.done $0x0  }
0x1a: {  	[sflag:s13] =	ssyncadd.s32 $0xFFFFB1E0  }
0x1b: {  	[tilespmem:s16], [sflag:$0x1] =	stream.indirect.gather [hbm4b:s6+s15], $0x40, s3, s15, $0xb8;
	[tilespmem:$0x1F040] =	vst v63  }
0x1c: {  	_ = 	snop  }
0x1d: {  	[tilespmem:s17], [sflag:$0x2] =	stream.indirect.gather [hbm4b:s6+s15], $0x40, s15, s15, $0xb8;
	[tilespmem:$0x1F040] =	vst v63  }
0x1e: {  	s18 =	simm.s32 $0xA0  }
0x1f: {  	[tilespmem:s19], [sflag:$0x3] =	stream.indirect.gather [hbm4b:s6+s15], $0x40, s18, s15, $0xb8;
	[tilespmem:$0x1F040] =	vst v63  }
0x20: {  	s31 =	simm.s32 $0xF0;
	s30 =	simm.s32 $0x100;
	s0 =	simm.s32 $0x0  }
0x21: {  	[tilespmem:s21], [sflag:$0x4] =	stream.indirect.gather [hbm4b:s6+s15], $0x40, s31, s15, $0xb8;
	[tilespmem:$0x1F040] =	vst v63  }
.LBB2_2:
0x22: {  	p0 =	sne.s32 s30, $0x9F00;
	[tilespmem:s0+$0x10070] =	vst v0;
	s14 =	smov.u32 s30;
	s30 =	sadd.s32 $0x100, s30  }
.Ltmp0:
0x23: {  	[tilespmem:s0+$0x10060] =	vst v0;
	(pc) =	sbr.rel @p0 .LBB2_2-.Ltmp0, $3  }
0x24: {  	[tilespmem:s0+$0x10040] =	vst v0  }
0x25: {  	[tilespmem:s0+$0x10050] =	vst v0;
	_ =	sdelay $0x1  }
0x26: {  	s0 =	sshra.s32 s14, $0x2  }
0x27: {  	[tilespmem:s0+$0x10070] =	vst v0  }
0x28: {  	[tilespmem:s0+$0x10060] =	vst v0  }
0x29: {  	[tilespmem:s0+$0x10040] =	vst v0  }
0x2a: {  	[tilespmem:s0+$0x10050] =	vst v0  }
0x2b: {  	[spmem:s7] =	stream.linear.scatter [tilespmem:s22], [sflag:$0x6], $0x2800, $0x38;
	[tilespmem:$0x1F040] =	vst v63  }
0x2c: {  	_ =	swait.ge [sflag:s13], $0x2800  }
0x2d: {  	[sflag:s13] =	ssyncset.done $0x0  }
0x2e: {  	[sflag:s13] =	ssyncadd.s32 $0xFFFFD800  }
0x2f: {  	[spmem:s8] =	stream.linear.scatter [tilespmem:s22], [sflag:$0x6], $0x2800, $0x38;
	[tilespmem:$0x1F040] =	vst v63  }
0x30: {  	_ =	swait.ge [sflag:s13], $0x2800  }
0x31: {  	[sflag:s13] =	ssyncset.done $0x0  }
0x32: {  	[sflag:s13] =	ssyncadd.s32 $0xFFFFD800  }
0x33: {  	[spmem:s9] =	stream.linear.scatter [tilespmem:s22], [sflag:$0x6], $0x2800, $0x38;
	[tilespmem:$0x1F040] =	vst v63  }
0x34: {  	_ =	swait.ge [sflag:s13], $0x2800  }
0x35: {  	[sflag:s13] =	ssyncset.done $0x0  }
0x36: {  	[sflag:s13] =	ssyncadd.s32 $0xFFFFD800  }
0x37: {  	[spmem:s10] =	stream.linear.scatter [tilespmem:s22], [sflag:$0x6], $0x2800, $0x38;
	[tilespmem:$0x1F040] =	vst v63  }
0x38: {  	_ =	swait.ge [sflag:s13], $0x2800  }
0x39: {  	[sflag:s13] =	ssyncset.done $0x0  }
0x3a: {  	[sflag:s13] =	ssyncadd.s32 $0xFFFFD800  }
0x3b: {  	s14 =	simm.s32 $0x140;
	[bflag:$0x0] =	sbarrier.arrive $0xFFFF  }
0x3c: {  	[tilespmem:s23], [sflag:$0x5] =	stream.indirect.gather [hbm4b:s6+s15], $0x40, s14, s15, $0xb8;
	[tilespmem:$0x1F040] =	vst v63  }
0x3d: {  	_ =	swait.ge [sflag:s24], $0x1400  }
0x3e: {  	[sflag:s24] =	ssyncset.done $0x0  }
0x3f: {  	s18 =	simm.s32 $0x4E20;
	[sflag:s24] =	ssyncadd.s32 $0xFFFFEC00  }
0x40: {  	[spmem:s2] =	stream.indirect.scatter.add.f32 [tilespmem:s16], [sflag:$0x6], $0x40, s18, s15, $0xb8;
	[tilespmem:$0x1F040] =	vst v63  }
0x41: {  	_ =	swait.ge [sflag:s13], $0x1400  }
0x42: {  	[sflag:s13] =	ssyncset.done $0x0  }
0x43: {  	s14 =	simm.s32 $0x190;
	[sflag:s13] =	ssyncadd.s32 $0xFFFFEC00  }
0x44: {  	[tilespmem:s16], [sflag:$0x1] =	stream.indirect.gather [hbm4b:s6+s15], $0x40, s14, s15, $0xb8;
	[tilespmem:$0x1F040] =	vst v63  }
0x45: {  	_ =	swait.ge [sflag:s25], $0x1400  }
0x46: {  	[sflag:s25] =	ssyncset.done $0x0  }
0x47: {  	s18 =	simm.s32 $0x4E70;
	[sflag:s25] =	ssyncadd.s32 $0xFFFFEC00  }
0x48: {  	[spmem:s2] =	stream.indirect.scatter.add.f32 [tilespmem:s17], [sflag:$0x6], $0x40, s18, s15, $0xb8;
	[tilespmem:$0x1F040] =	vst v63  }
0x49: {  	_ =	swait.ge [sflag:s13], $0x1400  }
0x4a: {  	[sflag:s13] =	ssyncset.done $0x0  }
0x4b: {  	s14 =	simm.s32 $0x1E0;
	[sflag:s13] =	ssyncadd.s32 $0xFFFFEC00  }
0x4c: {  	[tilespmem:s17], [sflag:$0x2] =	stream.indirect.gather [hbm4b:s6+s15], $0x40, s14, s15, $0xb8;
	[tilespmem:$0x1F040] =	vst v63  }
0x4d: {  	_ =	swait.ge [sflag:s26], $0x1400  }
0x4e: {  	[sflag:s26] =	ssyncset.done $0x0  }
0x4f: {  	s18 =	simm.s32 $0x4EC0;
	[sflag:s26] =	ssyncadd.s32 $0xFFFFEC00  }
0x50: {  	[spmem:s2] =	stream.indirect.scatter.add.f32 [tilespmem:s19], [sflag:$0x6], $0x40, s18, s15, $0xb8;
	[tilespmem:$0x1F040] =	vst v63  }
0x51: {  	_ =	swait.ge [sflag:s13], $0x1400  }
0x52: {  	[sflag:s13] =	ssyncset.done $0x0  }
0x53: {  	s14 =	simm.s32 $0x230;
	[sflag:s13] =	ssyncadd.s32 $0xFFFFEC00  }
0x54: {  	[tilespmem:s19], [sflag:$0x3] =	stream.indirect.gather [hbm4b:s6+s15], $0x40, s14, s15, $0xb8;
	[tilespmem:$0x1F040] =	vst v63  }
0x55: {  	_ =	swait.ge [sflag:s28], $0x1400  }
0x56: {  	[sflag:s28] =	ssyncset.done $0x0  }
0x57: {  	s18 =	simm.s32 $0x4F10;
	[sflag:s28] =	ssyncadd.s32 $0xFFFFEC00  }
0x58: {  	[spmem:s2] =	stream.indirect.scatter.add.f32 [tilespmem:s21], [sflag:$0x6], $0x40, s18, s15, $0xb8;
	[tilespmem:$0x1F040] =	vst v63  }
0x59: {  	_ =	swait.ge [sflag:s13], $0x1400  }
0x5a: {  	[sflag:s13] =	ssyncset.done $0x0  }
0x5b: {  	s14 =	simm.s32 $0x280;
	[sflag:s13] =	ssyncadd.s32 $0xFFFFEC00  }
0x5c: {  	[tilespmem:s21], [sflag:$0x4] =	stream.indirect.gather [hbm4b:s6+s15], $0x40, s14, s15, $0xb8;
	[tilespmem:$0x1F040] =	vst v63  }
0x5d: {  	_ =	swait.ge [sflag:s29], $0x1400  }
0x5e: {  	[sflag:s29] =	ssyncset.done $0x0  }
0x5f: {  	s18 =	simm.s32 $0x4F60;
	[sflag:s29] =	ssyncadd.s32 $0xFFFFEC00  }
0x60: {  	[spmem:s2] =	stream.indirect.scatter.add.f32 [tilespmem:s23], [sflag:$0x6], $0x40, s18, s15, $0xb8;
	[tilespmem:$0x1F040] =	vst v63  }
0x61: {  	_ =	swait.ge [sflag:s13], $0x1400  }
0x62: {  	s31 =	simm.s32 $0xC80;
	s30 =	simm.s32 $0x190;
	[sflag:s13] =	ssyncset.done $0x0  }
.LBB2_4:
0x63: {  	s18 =	sadd.s32 $0x140, s30  }
0x64: {  	[sflag:s13] =	ssyncadd.s32 $0xFFFFEC00;
	s0 =	smov.u32 s31;
	s14 =	sadd.s32 $0x640, s31  }
0x65: {  	[tilespmem:s23], [sflag:$0x5] =	stream.indirect.gather [hbm4b:s6+s15], $0x40, s18, s15, $0xb8;
	[tilespmem:$0x1F040] =	vst v63  }
0x66: {  	p0 =	sne.s32 s31, $0x12C00;
	_ =	swait.ge [sflag:s24], $0x1400  }
0x67: {  	[sflag:s24] =	ssyncset.done $0x0  }
0x68: {  	s18 =	sadd.s32 $0x4E20, s30;
	[sflag:s24] =	ssyncadd.s32 $0xFFFFEC00  }
0x69: {  	[spmem:s2] =	stream.indirect.scatter.add.f32 [tilespmem:s16], [sflag:$0x6], $0x40, s18, s15, $0xb8;
	[tilespmem:$0x1F040] =	vst v63  }
0x6a: {  	_ =	swait.ge [sflag:s13], $0x1400  }
0x6b: {  	[sflag:s13] =	ssyncset.done $0x0  }
0x6c: {  	s18 =	sadd.s32 $0x190, s30;
	[sflag:s13] =	ssyncadd.s32 $0xFFFFEC00  }
0x6d: {  	[tilespmem:s16], [sflag:$0x1] =	stream.indirect.gather [hbm4b:s6+s15], $0x40, s18, s15, $0xb8;
	[tilespmem:$0x1F040] =	vst v63  }
0x6e: {  	_ =	swait.ge [sflag:s25], $0x1400  }
0x6f: {  	[sflag:s25] =	ssyncset.done $0x0  }
0x70: {  	s18 =	sadd.s32 $0x4E70, s30;
	[sflag:s25] =	ssyncadd.s32 $0xFFFFEC00  }
0x71: {  	[spmem:s2] =	stream.indirect.scatter.add.f32 [tilespmem:s17], [sflag:$0x6], $0x40, s18, s15, $0xb8;
	[tilespmem:$0x1F040] =	vst v63  }
0x72: {  	_ =	swait.ge [sflag:s13], $0x1400  }
0x73: {  	[sflag:s13] =	ssyncset.done $0x0  }
0x74: {  	s18 =	sadd.s32 $0x1E0, s30;
	[sflag:s13] =	ssyncadd.s32 $0xFFFFEC00  }
0x75: {  	[tilespmem:s17], [sflag:$0x2] =	stream.indirect.gather [hbm4b:s6+s15], $0x40, s18, s15, $0xb8;
	[tilespmem:$0x1F040] =	vst v63  }
0x76: {  	_ =	swait.ge [sflag:s26], $0x1400  }
0x77: {  	[sflag:s26] =	ssyncset.done $0x0  }
0x78: {  	s18 =	sadd.s32 $0x4EC0, s30;
	[sflag:s26] =	ssyncadd.s32 $0xFFFFEC00  }
0x79: {  	[spmem:s2] =	stream.indirect.scatter.add.f32 [tilespmem:s19], [sflag:$0x6], $0x40, s18, s15, $0xb8;
	[tilespmem:$0x1F040] =	vst v63  }
0x7a: {  	_ =	swait.ge [sflag:s13], $0x1400  }
0x7b: {  	[sflag:s13] =	ssyncset.done $0x0  }
0x7c: {  	s18 =	sadd.s32 $0x230, s30;
	[sflag:s13] =	ssyncadd.s32 $0xFFFFEC00  }
0x7d: {  	[tilespmem:s19], [sflag:$0x3] =	stream.indirect.gather [hbm4b:s6+s15], $0x40, s18, s15, $0xb8;
	[tilespmem:$0x1F040] =	vst v63  }
0x7e: {  	_ =	swait.ge [sflag:s28], $0x1400  }
0x7f: {  	[sflag:s28] =	ssyncset.done $0x0  }
0x80: {  	s18 =	sadd.s32 $0x4F10, s30;
	[sflag:s28] =	ssyncadd.s32 $0xFFFFEC00  }
0x81: {  	[spmem:s2] =	stream.indirect.scatter.add.f32 [tilespmem:s21], [sflag:$0x6], $0x40, s18, s15, $0xb8;
	[tilespmem:$0x1F040] =	vst v63  }
0x82: {  	_ =	swait.ge [sflag:s13], $0x1400  }
0x83: {  	[sflag:s13] =	ssyncset.done $0x0  }
0x84: {  	s18 =	sadd.s32 $0x280, s30;
	[sflag:s13] =	ssyncadd.s32 $0xFFFFEC00  }
0x85: {  	[tilespmem:s21], [sflag:$0x4] =	stream.indirect.gather [hbm4b:s6+s15], $0x40, s18, s15, $0xb8;
	[tilespmem:$0x1F040] =	vst v63  }
0x86: {  	_ =	swait.ge [sflag:s29], $0x1400  }
.Ltmp1:
0x87: {  	[sflag:s29] =	ssyncset.done $0x0;
	(pc) =	sbr.rel @p0 .LBB2_4-.Ltmp1, $4  }
0x88: {  	s18 =	sadd.s32 $0x4F60, s30;
	[sflag:s29] =	ssyncadd.s32 $0xFFFFEC00  }
0x89: {  	[spmem:s2] =	stream.indirect.scatter.add.f32 [tilespmem:s23], [sflag:$0x6], $0x40, s18, s15, $0xb8;
	[tilespmem:$0x1F040] =	vst v63  }
0x8a: {  	_ =	swait.ge [sflag:s13], $0x1400  }
0x8b: {  	s31 =	smov.u32 s14;
	s30 =	sshra.s32 s0, $0x2;
	[sflag:s13] =	ssyncset.done $0x0  }
0x8c: {  	s0 =	sadd.s32 $0x140, s30;
	[sflag:s13] =	ssyncadd.s32 $0xFFFFEC00  }
0x8d: {  	[tilespmem:s23], [sflag:$0x5] =	stream.indirect.gather [hbm4b:s6+s15], $0x40, s0, s15, $0xb8;
	[tilespmem:$0x1F040] =	vst v63  }
0x8e: {  	_ =	swait.ge [sflag:s24], $0x1400  }
0x8f: {  	[sflag:s24] =	ssyncset.done $0x0  }
0x90: {  	s31 =	sadd.s32 $0x4E20, s30;
	[sflag:s24] =	ssyncadd.s32 $0xFFFFEC00  }
0x91: {  	[spmem:s2] =	stream.indirect.scatter.add.f32 [tilespmem:s16], [sflag:$0x6], $0x40, s31, s15, $0xb8;
	[tilespmem:$0x1F040] =	vst v63  }
0x92: {  	_ =	swait.ge [sflag:s13], $0x1400  }
0x93: {  	[sflag:s13] =	ssyncset.done $0x0  }
0x94: {  	s14 =	sadd.s32 $0x190, s30;
	[sflag:s13] =	ssyncadd.s32 $0xFFFFEC00  }
0x95: {  	[tilespmem:s16], [sflag:$0x1] =	stream.indirect.gather [hbm4b:s6+s15], $0x40, s14, s15, $0xb8;
	[tilespmem:$0x1F040] =	vst v63  }
0x96: {  	_ =	swait.ge [sflag:s25], $0x1400  }
0x97: {  	[sflag:s25] =	ssyncset.done $0x0  }
0x98: {  	s18 =	sadd.s32 $0x4E70, s30;
	[sflag:s25] =	ssyncadd.s32 $0xFFFFEC00  }
0x99: {  	[spmem:s2] =	stream.indirect.scatter.add.f32 [tilespmem:s17], [sflag:$0x6], $0x40, s18, s15, $0xb8;
	[tilespmem:$0x1F040] =	vst v63  }
0x9a: {  	_ =	swait.ge [sflag:s13], $0x1400  }
0x9b: {  	[sflag:s13] =	ssyncset.done $0x0  }
0x9c: {  	s31 =	sadd.s32 $0x1E0, s30;
	[sflag:s13] =	ssyncadd.s32 $0xFFFFEC00  }
0x9d: {  	[tilespmem:s17], [sflag:$0x2] =	stream.indirect.gather [hbm4b:s6+s15], $0x40, s31, s15, $0xb8;
	[tilespmem:$0x1F040] =	vst v63  }
0x9e: {  	_ =	swait.ge [sflag:s26], $0x1400  }
0x9f: {  	[sflag:s26] =	ssyncset.done $0x0  }
0xa0: {  	s14 =	sadd.s32 $0x4EC0, s30;
	[sflag:s26] =	ssyncadd.s32 $0xFFFFEC00  }
0xa1: {  	[spmem:s2] =	stream.indirect.scatter.add.f32 [tilespmem:s19], [sflag:$0x6], $0x40, s14, s15, $0xb8;
	[tilespmem:$0x1F040] =	vst v63  }
0xa2: {  	_ =	swait.ge [sflag:s13], $0x1400  }
0xa3: {  	[sflag:s13] =	ssyncset.done $0x0  }
0xa4: {  	s18 =	sadd.s32 $0x230, s30;
	[sflag:s13] =	ssyncadd.s32 $0xFFFFEC00  }
0xa5: {  	[tilespmem:s19], [sflag:$0x3] =	stream.indirect.gather [hbm4b:s6+s15], $0x40, s18, s15, $0xb8;
	[tilespmem:$0x1F040] =	vst v63  }
0xa6: {  	_ =	swait.ge [sflag:s28], $0x1400  }
0xa7: {  	[sflag:s28] =	ssyncset.done $0x0  }
0xa8: {  	s31 =	sadd.s32 $0x4F10, s30;
	[sflag:s28] =	ssyncadd.s32 $0xFFFFEC00  }
0xa9: {  	[spmem:s2] =	stream.indirect.scatter.add.f32 [tilespmem:s21], [sflag:$0x6], $0x40, s31, s15, $0xb8;
	[tilespmem:$0x1F040] =	vst v63  }
0xaa: {  	_ =	swait.ge [sflag:s13], $0x1400  }
0xab: {  	[sflag:s13] =	ssyncset.done $0x0  }
0xac: {  	s14 =	sadd.s32 $0x280, s30;
	[sflag:s13] =	ssyncadd.s32 $0xFFFFEC00  }
0xad: {  	[tilespmem:s21], [sflag:$0x4] =	stream.indirect.gather [hbm4b:s6+s15], $0x40, s14, s15, $0xb8;
	[tilespmem:$0x1F040] =	vst v63  }
0xae: {  	_ =	swait.ge [sflag:s29], $0x1400  }
0xaf: {  	[sflag:s29] =	ssyncset.done $0x0  }
0xb0: {  	s18 =	sadd.s32 $0x4F60, s30;
	[sflag:s29] =	ssyncadd.s32 $0xFFFFEC00  }
0xb1: {  	[spmem:s2] =	stream.indirect.scatter.add.f32 [tilespmem:s23], [sflag:$0x6], $0x40, s18, s15, $0xb8;
	[tilespmem:$0x1F040] =	vst v63  }
0xb2: {  	_ =	swait.ge [sflag:s13], $0x1400  }
0xb3: {  	[sflag:s13] =	ssyncset.done $0x0  }
0xb4: {  	s30 =	simm.s32 $0x4DD0;
	[sflag:s13] =	ssyncadd.s32 $0xFFFFEC00  }
0xb5: {  	[tilespmem:s23], [sflag:$0x5] =	stream.indirect.gather [hbm4b:s6+s15], $0x40, s30, s15, $0xb8;
	[tilespmem:$0x1F040] =	vst v63  }
0xb6: {  	_ =	swait.ge [sflag:s24], $0x1400  }
0xb7: {  	[sflag:s24] =	ssyncset.done $0x0  }
0xb8: {  	s31 =	simm.s32 $0x9AB0;
	[sflag:s24] =	ssyncadd.s32 $0xFFFFEC00  }
0xb9: {  	[spmem:s2] =	stream.indirect.scatter.add.f32 [tilespmem:s16], [sflag:$0x6], $0x40, s31, s15, $0xb8;
	[tilespmem:$0x1F040] =	vst v63  }
0xba: {  	_ =	swait.ge [sflag:s13], $0x1400  }
0xbb: {  	[sflag:s13] =	ssyncset.done $0x0  }
0xbc: {  	[sflag:s13] =	ssyncadd.s32 $0xFFFFEC00  }
0xbd: {  	_ =	swait.ge [sflag:s25], $0x1400  }
0xbe: {  	[sflag:s25] =	ssyncset.done $0x0  }
0xbf: {  	s14 =	simm.s32 $0x9B00;
	[sflag:s25] =	ssyncadd.s32 $0xFFFFEC00  }
0xc0: {  	[spmem:s2] =	stream.indirect.scatter.add.f32 [tilespmem:s17], [sflag:$0x6], $0x40, s14, s15, $0xb8;
	[tilespmem:$0x1F040] =	vst v63  }
0xc1: {  	_ =	swait.ge [sflag:s13], $0x1400  }
0xc2: {  	[sflag:s13] =	ssyncset.done $0x0  }
0xc3: {  	[sflag:s13] =	ssyncadd.s32 $0xFFFFEC00  }
0xc4: {  	_ =	swait.ge [sflag:s26], $0x1400  }
0xc5: {  	[sflag:s26] =	ssyncset.done $0x0  }
0xc6: {  	s18 =	simm.s32 $0x9B50;
	[sflag:s26] =	ssyncadd.s32 $0xFFFFEC00  }
0xc7: {  	[spmem:s2] =	stream.indirect.scatter.add.f32 [tilespmem:s19], [sflag:$0x6], $0x40, s18, s15, $0xb8;
	[tilespmem:$0x1F040] =	vst v63  }
0xc8: {  	_ =	swait.ge [sflag:s13], $0x1400  }
0xc9: {  	[sflag:s13] =	ssyncset.done $0x0  }
0xca: {  	[sflag:s13] =	ssyncadd.s32 $0xFFFFEC00  }
0xcb: {  	_ =	swait.ge [sflag:s28], $0x1400  }
0xcc: {  	[sflag:s28] =	ssyncset.done $0x0  }
0xcd: {  	s30 =	simm.s32 $0x9BA0;
	[sflag:s28] =	ssyncadd.s32 $0xFFFFEC00  }
0xce: {  	[spmem:s2] =	stream.indirect.scatter.add.f32 [tilespmem:s21], [sflag:$0x6], $0x40, s30, s15, $0xb8;
	[tilespmem:$0x1F040] =	vst v63  }
0xcf: {  	_ =	swait.ge [sflag:s13], $0x1400  }
0xd0: {  	[sflag:s13] =	ssyncset.done $0x0  }
0xd1: {  	[sflag:s13] =	ssyncadd.s32 $0xFFFFEC00  }
0xd2: {  	_ =	swait.ge [sflag:s29], $0x1400  }
0xd3: {  	[sflag:s29] =	ssyncset.done $0x0  }
0xd4: {  	[sflag:s29] =	ssyncadd.s32 $0xFFFFEC00  }
0xd5: {  	[spmem:s2] =	stream.indirect.scatter.add.f32 [tilespmem:s23], [sflag:$0x6], $0x40, s20, s15, $0xb8;
	[tilespmem:$0x1F040] =	vst v63  }
0xd6: {  	s31 =	stileid.u32;
	_ =	swait.ge [sflag:s13], $0x1400  }
0xd7: {  	s1 =	sadd.s32 $0x1, s1;
	s0 =	sshll.u32 s31, $0x6;
	[sflag:s13] =	ssyncset.done $0x0  }
0xd8: {  	p0 =	sne.s32 s1, s12;
	s0 =	sor.u32 $0x1C06, s0;
	[sflag:s13] =	ssyncadd.s32 $0xFFFFEC00  }
.Ltmp2:
0xd9: {  	s14 =	sshrl.u32 s7, $0x3;
	[bflag:$0x0] =	sbarrier.arrive $0xFFFF;
	(pc) =	sbr.rel @p0 .LBB2_1-.Ltmp2, $4  }
0xda: {  	[hbm:s11], [sflag:s0] =	dma.local [spmem:s14], $0x1400  }
0xdb: {  	_ =	swait.ge [sflag:s13], $0x1400  }
0xdc: {  	[sflag:s13] =	ssyncset.done $0x0  }
0xdd: {  	[sflag:s13] =	ssyncadd.s32 $0xFFFFEC00  }
0xde: {  	_ =	sfence.sel $0x180000  }
0xdf: {  	[bflag:$0x0] =	sbarrier.arrive $0xFFFF  }
0xe0: {  	_ =	strace $0x9000004D  }
0xe1: {  	s0 =	stileid.u32;
	[bflag:$0x2] =	sbarrier.arrive $0xFFFF  }
0xe2: {  	p0 =	sne.s32 s0, $0x0;
	s0 =	rddreg [dreg:$0x3]  }
0xe3: {  	s0 =	sadd.s32 @!p0 $0x100000, s0  }
0xe4: {  	[sflag:s0] =	ssyncadd.tile.s32 @!p0 $0x1;
	_ =	shalt  }
.Lfunc_end2:
_tile_overlayer_lowered:
.L_overlay_start_2:
0xe5: {  	(tag) =	ssettag $0x2  }
0xe6: {  	s0 =	rddreg [dreg:$0x0];
	s2 =	stileid.u32  }
0xe7: {  	s1 =	rddreg [dreg:$0x1];
	p0 =	sne.s32 s2, $0x0  }
0xe8: {  	s3 =	rddreg [dreg:$0x2];
	[bflag:$0x3] =	sbarrier.arrive $0xFFFF;
	s2 =	simm.s32 @!p0 $0x1C06  }
0xe9: {  	[timem:s3], [sflag:s2] =	dma.local @!p0 [hbm:s0], s1  }
0xea: {  	s0 =	simm.s32 @!p0 $0x6  }
0xeb: {  	_ =	swait.ge @!p0 [sflag:s0], s1  }
0xec: {  	s1 =	ssub.s32 @!p0 $0x0, s1;
	[sflag:s0] =	ssyncset.done @!p0 $0x0  }
0xed: {  	[sflag:s0] =	ssyncadd.s32 @!p0 s1  }
0xee: {  	[bflag:$0x3] =	sbarrier.arrive $0xFFFF  }
0xef: {  	_ =	shalt  }

// kernel: kernel.9.cloned.1.call-start
scs
__scs_entry_jumppad:
0x0: {  	(pc) =	sbr.rel $0x88, $3  }
0x1: {  	(tag) =	ssettag $0x0;
	lr =	simm.s32 $0x1  }
0x2: {  	[smem:$0x3F94] =	sst lr;
	_ =	strace $0xD0000000  }
0x3: {  	_ = 	snop  }
0x4: {  	_ = 	snop  }
0x5: {  	_ = 	snop  }
0x6: {  	_ = 	snop  }
0x7: {  	_ = 	snop  }
__scs_overlays_trampoline_lowered:
0x8: {  	[smem:$0x3FA3] =	sst s0  }
0x9: {  	[smem:$0x3FA4] =	sst s1  }
0xa: {  	[smem:$0x3FA5] =	sst s2  }
0xb: {  	[smem:$0x3FA6] =	sst s3  }
0xc: {  	[smem:$0x3FA7] =	sst s4  }
0xd: {  	[smem:$0x3FA8] =	sst s5  }
0xe: {  	[smem:$0x3FA9] =	sst s6  }
0xf: {  	[smem:$0x3FAA] =	sst s7  }
0x10: {  	[smem:$0x3FAB] =	sst s8  }
0x11: {  	[smem:$0x3FAC] =	sst s9;
	s0 =	simm.s32 @!p0 $0x0  }
0x12: {  	s1 =	sld [smem:$0x3F92];
	s0 =	simm.s32 @p0 $0x1  }
0x13: {  	[smem:$0x3FAD] =	sst s0;
	s0 =	simm.s32 @!p1 $0x0  }
0x14: {  	s2 =	sld [smem:$0x3F91];
	s0 =	simm.s32 @p1 $0x1  }
0x15: {  	[smem:$0x3FAE] =	sst s0;
	s0 =	simm.s32 @!p2 $0x0  }
0x16: {  	s3 =	sld [smem:$0x3FDB];
	s0 =	simm.s32 @p2 $0x1  }
0x17: {  	s4 =	simm.s32 $0x1BF5;
	[smem:$0x3FB0] =	sst s0  }
0x18: {  	s0 =	sld [smem:$0x3F93];
	_ =	swait.ge [sflag:s4], $0x0  }
0x19: {  	s7 =	sld [smem:$0x3F94]  }
0x1a: {  	s8 =	sadd.s32 $0xFFFFE003, lr  }
0x1b: {  	s9 =	sadd.s32 $0xFFFFFEF7, lr;
	s5 =	simm.s32 $0xFFFFFFFF;
	p2 =	slt.u32 s8, $0xFFFFF086  }
0x1c: {  	p1 =	slt.u32 s9, $0xF7A;
	s5 =	simm.s32 @!p2 $0x0  }
0x1d: {  	s5 =	simm.s32 @p1 $0x1;
	p0 =	seq.s32 s7, s2  }
0x1e: {  	s7 =	smul.u32 @!p0 $0xF7A, s2;
	p2 =	seq.s32 @!p0 s5, $0x0  }
0x1f: {  	s9 =	smul.u32 $0xF7A, s1;
	s8 =	simm.s32 @!p0 $0x1BF5;
	p2 =	por !p2, p0  }
0x20: {  	[sflag:s8] =	ssyncset.s32 @!p0 $0xFFFFF086;
	s6 =	sadd.s32 @!p0 s3, s7;
	s7 =	simm.s32 @!p0 $0x108  }
0x21: {  	s3 =	sadd.s32 s3, s9;
	s6 =	sadd.s32 @!p0 $0x88, s6;
	s7 =	simm.s32 @p2 $0x1082  }
0x22: {  	[simem:s7], [sflag:s8] =	dma.local @!p0 [hbm:s6], $0xF7A  }
0x23: {  	s9 =	sor.u32 $0xD0000000, s2;
	s6 =	simm.s32 $0x108;
	_ =	swait.ge @!p0 [sflag:s8], $0x0  }
0x24: {  	s3 =	sadd.s32 $0x88, s3;
	s6 =	simm.s32 @!p1 $0x1082;
	[sflag:s4] =	ssyncset.s32 $0xFFFFF086  }
0x25: {  	[simem:s6], [sflag:s4] =	dma.local [hbm:s3], $0xF7A  }
0x26: {  	[smem:$0x3F94] =	sst s1;
	(tag) =	ssettag s2;
	_ =	strace s9  }
0x27: {  	s1 =	sld [smem:$0x3FA4]  }
0x28: {  	s2 =	sld [smem:$0x3FA5]  }
0x29: {  	s4 =	sld [smem:$0x3FA7]  }
0x2a: {  	p0 =	seq.s32 s5, $0x0;
	s5 =	sld [smem:$0x3FA8]  }
0x2b: {  	s6 =	sld [smem:$0x3FA9]  }
0x2c: {  	s7 =	sld [smem:$0x3FAA]  }
0x2d: {  	s3 =	simm.s32 $0x108;
	s8 =	sld [smem:$0x3FAB]  }
0x2e: {  	s3 =	simm.s32 @!p0 $0x1082;
	s9 =	sld [smem:$0x3FAC]  }
0x2f: {  	lr =	sadd.s32 s0, s3;
	s0 =	sld [smem:$0x3FA3]  }
0x30: {  	s3 =	sld [smem:$0x3FA6]  }
0x31: {  	[smem:$0x3FAF] =	sst s10  }
0x32: {  	s10 =	sld [smem:$0x3FAD];
	_ =	sdelay $0x3  }
0x33: {  	p0 =	seq.s32 s10, $0x1;
	s10 =	sld [smem:$0x3FAF];
	_ =	sdelay $0x3  }
0x34: {  	[smem:$0x3FAF] =	sst s10  }
0x35: {  	s10 =	sld [smem:$0x3FAE];
	_ =	sdelay $0x3  }
0x36: {  	p1 =	seq.s32 s10, $0x1;
	s10 =	sld [smem:$0x3FAF];
	_ =	sdelay $0x3  }
0x37: {  	[smem:$0x3FAF] =	sst s10  }
0x38: {  	s10 =	sld [smem:$0x3FB0]  }
0x39: {  	_ = 	snop;
	(pc) =	sbr.ind lr, $3  }
0x3a: {  	_ = 	snop  }
0x3b: {  	_ = 	snop  }
0x3c: {  	p2 =	seq.s32 s10, $0x1;
	s10 =	sld [smem:$0x3FAF]  }
0x3d: {  	_ =	shalt  }
0x3e: {  	_ =	shalt  }
0x3f: {  	_ =	shalt  }
0x40: {  	_ =	shalt  }
0x41: {  	_ =	shalt  }
0x42: {  	_ =	shalt  }
0x43: {  	_ =	shalt  }
0x44: {  	_ =	shalt  }
0x45: {  	_ =	shalt  }
0x46: {  	_ =	shalt  }
0x47: {  	_ =	shalt  }
0x48: {  	_ =	shalt  }
0x49: {  	_ =	shalt  }
0x4a: {  	_ =	shalt  }
0x4b: {  	_ =	shalt  }
0x4c: {  	_ =	shalt  }
0x4d: {  	_ =	shalt  }
0x4e: {  	_ =	shalt  }
0x4f: {  	_ =	shalt  }
0x50: {  	_ =	shalt  }
0x51: {  	_ =	shalt  }
0x52: {  	_ =	shalt  }
0x53: {  	_ =	shalt  }
0x54: {  	_ =	shalt  }
0x55: {  	_ =	shalt  }
0x56: {  	_ =	shalt  }
0x57: {  	_ =	shalt  }
0x58: {  	_ =	shalt  }
0x59: {  	_ =	shalt  }
0x5a: {  	_ =	shalt  }
0x5b: {  	_ =	shalt  }
0x5c: {  	_ =	shalt  }
0x5d: {  	_ =	shalt  }
0x5e: {  	_ =	shalt  }
0x5f: {  	_ =	shalt  }
0x60: {  	_ =	shalt  }
0x61: {  	_ =	shalt  }
0x62: {  	_ =	shalt  }
0x63: {  	_ =	shalt  }
0x64: {  	_ =	shalt  }
0x65: {  	_ =	shalt  }
0x66: {  	_ =	shalt  }
0x67: {  	_ =	shalt  }
0x68: {  	_ =	shalt  }
0x69: {  	_ =	shalt  }
0x6a: {  	_ =	shalt  }
0x6b: {  	_ =	shalt  }
0x6c: {  	_ =	shalt  }
0x6d: {  	_ =	shalt  }
0x6e: {  	_ =	shalt  }
0x6f: {  	_ =	shalt  }
0x70: {  	_ =	shalt  }
0x71: {  	_ =	shalt  }
0x72: {  	_ =	shalt  }
0x73: {  	_ =	shalt  }
0x74: {  	_ =	shalt  }
0x75: {  	_ =	shalt  }
0x76: {  	_ =	shalt  }
0x77: {  	_ =	shalt  }
0x78: {  	_ =	shalt  }
0x79: {  	_ =	shalt  }
0x7a: {  	_ =	shalt  }
0x7b: {  	_ =	shalt  }
0x7c: {  	_ =	shalt  }
0x7d: {  	_ =	shalt  }
0x7e: {  	_ =	shalt  }
0x7f: {  	_ =	shalt  }
0x80: {  	_ =	shalt  }
0x81: {  	_ =	shalt  }
0x82: {  	_ =	shalt  }
0x83: {  	_ =	shalt  }
0x84: {  	_ =	shalt  }
0x85: {  	_ =	shalt  }
0x86: {  	_ =	shalt  }
0x87: {  	_ =	shalt  }
.Lfunc_end0:
.L_simem_size_0:
called_computation_lowered:
.L_overlay_start_0:
0x88: {  	s2 =	sld [smem:$0x3FD9]  }
0x89: {  	s3 =	sld [smem:$0x3FFE];
	_ =	sdelay $0x1  }
0x8a: {  	s1 =	srdreg.scid  }
0x8b: {  	s0 =	sand.u32 $0x1, s1  }
0x8c: {  	s17 =	sshll.u32 s0, $0xA;
	s2 =	sadd.s32 s3, s2  }
0x8d: {  	s2 =	sadd.s32 s2, s17  }
0x8e: {  	[smem:$0x3FBB] =	sst s2  }
0x8f: {  	_ = 	snop  }
0x90: {  	s2 =	sld [smem:$0x3FD0];
	(tm) =	ssettm $0x1  }
0x91: {  	s18 =	sld [smem:$0x3FFB];
	_ =	sdelay $0x3  }
0x92: {  	_ =	strace s18  }
0x93: {  	s3 =	sld [smem:$0x3FFC];
	_ =	sdelay $0x3  }
0x94: {  	_ =	strace s3  }
0x95: {  	s3 =	sld [smem:$0x3FFD];
	_ =	sdelay $0x3  }
0x96: {  	_ =	strace s3  }
0x97: {  	_ =	strace $0x8FFFFFFF  }
0x98: {  	s19 =	sld [smem:$0x3FDB];
	_ =	sdelay $0x1  }
0x99: {  	s4 =	simm.s32 $_scs_section_size  }
0x9a: {  	s5 =	simm.s32 $_size__tile_overlayer_lowered;
	s6 =	simm.s32 $_tile_overlayer_lowered  }
0x9b: {  	s22 =	simm.s32 $0x1BFF;
	s21 =	sshll.u32 s6, $0x1;
	s3 =	sadd.s32 s4, s19  }
0x9c: {  	s7 =	simm.s32 $0x0;
	s20 =	sshll.u32 s5, $0x1;
	s5 =	sadd.s32 s21, s3  }
0x9d: {  	[timem:s7], [sflag:s22] =	dma.local [hbm:s5], s20  }
0x9e: {  	_ =	swait.ge [sflag:s22], s20  }
0x9f: {  	s4 =	ssub.s32 $0x0, s20;
	[sflag:s22] =	ssyncset.done $0x0  }
0xa0: {  	[sflag:s22] =	ssyncadd.s32 s4;
	_ =	sdelay $0x1  }
0xa1: {  	s23 =	simm.s32 $0x1B8B  }
0xa2: {  	_ =	swait.ge [sflag:s23], $0x1  }
0xa3: {  	[sflag:s23] =	ssyncset.done $0x0  }
0xa4: {  	s25 =	simm.s32 $0x1B8E;
	s24 =	sld [smem:$0x3FFE];
	[sflag:s23] =	ssyncadd.s32 $0xFFFFFFFF  }
0xa5: {  	s26 =	simm.s32 $execute0_lowered;
	[smem:$0x3FD2] =	sst s25  }
0xa6: {  	s5 =	sshll.u32 s26, $0x1;
	_ =	strace $0x80000046;
	[dreg:$0x1] =	wrdreg $0xFFFFFFFF  }
0xa7: {  	s28 =	simm.s32 $_size_execute0_lowered;
	s3 =	sadd.s32 s3, s5;
	[dreg:$0x0] =	wrdreg $0x0  }
0xa8: {  	s5 =	sshll.u32 s28, $0x1;
	[dreg:$0x2] =	wrdreg s3  }
0xa9: {  	[dreg:$0x3] =	wrdreg s5  }
0xaa: {  	[dreg:$0x4] =	wrdreg $0xC0  }
0xab: {  	_ =	task [dreg:s7], $0x5FFFF  }
0xac: {  	[dreg:$0x1] =	wrdreg $0xFFFFFFFF  }
0xad: {  	[dreg:$0x0] =	wrdreg $0x60  }
0xae: {  	[dreg:$0x2] =	wrdreg s24  }
0xaf: {  	[dreg:$0x3] =	wrdreg s2  }
0xb0: {  	[dreg:$0x4] =	wrdreg $0x128400  }
0xb1: {  	[dreg:$0x5] =	wrdreg $0x9  }
0xb2: {  	_ =	task.clear_ibuf [dreg:s7], $0x6FFFF;
	_ =	strace $0x90000046  }
0xb3: {  	s29 =	simm.s32 $0x9;
	_ =	strace $0x80000048  }
0xb4: {  	_ =	swait.ge [sflag:s29], $0x1  }
0xb5: {  	[sflag:s29] =	ssyncadd.s32 $0xFFFFFFFF  }
0xb6: {  	_ =	strace $0x90000048  }
0xb7: {  	_ =	sfence  }
0xb8: {  	s30 =	sld [smem:$0x0];
	_ =	sdelay $0x2  }
0xb9: {  	s31 =	sshll.u32 s1, $0xD;
	s1 =	sshrl.u32 s1, $0x2  }
0xba: {  	s3 =	sand.u32 $0x4000, s31;
	s1 =	sadd.s32 s1, s30  }
0xbb: {  	s0 =	sor.u32 s3, s0;
	s1 =	sshll.u32 s1, $0x11  }
0xbc: {  	s0 =	sor.u32 s1, s0  }
0xbd: {  	s0 =	sadd.s32 $0x8F2B, s0  }
0xbe: {  	[sflag:s0] =	ssyncadd.remote.s32 $0x1  }
0xbf: {  	_ =	sfence.sel $0xFFFF  }
0xc0: {  	[dreg:$0x0] =	wrdreg $0xFFFFFFFF;
	(pc) =	sbr.abs _section_cstart, $3  }
0xc1: {  	[dreg:$0x1] =	wrdreg $0xFFFFFFFF  }
0xc2: {  	_ =	task.clear_ibuf [dreg:s7], $0x2FFFF;
	_ =	strace $0x9FFFFFFF  }
0xc3: {  	(tm) =	ssettm $0x7FFFFFFF  }
tec
execute0_lowered:
.L_overlay_start_1:
0x0: {  	(tag) =	ssettag $0x1  }
0x1: {  	s0 =	rddreg [dreg:$0x0]  }
0x2: {  	s1 =	rddreg [dreg:$0x1]  }
0x3: {  	s2 =	rddreg [dreg:$0x2]  }
0x4: {  	s10 =	stileid.u32;
	s4 =	srdreg.scid;
	s3 =	simm.s32 $0x0  }
0x5: {  	s13 =	simm.s32 $0x6;
	s15 =	simm.s32 $0x50;
	s16 =	simm.s32 $0x9C40  }
0x6: {  	s17 =	simm.s32 $0xB040;
	s19 =	simm.s32 $0xC440;
	s21 =	simm.s32 $0xD840  }
0x7: {  	s22 =	simm.s32 $0x10040;
	s23 =	simm.s32 $0xEC40;
	s24 =	simm.s32 $0x1  }
0x8: {  	s25 =	simm.s32 $0x2;
	s26 =	simm.s32 $0x3;
	s5 =	smul.u32 $0x9C4, s10  }
0x9: {  	s28 =	simm.s32 $0x4;
	s29 =	simm.s32 $0x5;
	s7 =	smul.u32 $0xA000, s10  }
0xa: {  	s4 =	sand.u32 $0x1, s4;
	[smem:$0x7FF] =	sst s3;
	s10 =	smul.u32 $0x28000, s10  }
0xb: {  	s20 =	simm.s32 $0x9BF0;
	s6 =	smul.u32 $0xC8000, s4;
	_ =	strace $0x80000047  }
0xc: {  	s9 =	smul.u32 $0x4E200, s4;
	s4 =	ssub.s32 $0x2, s4;
	s8 =	sadd.s32 s5, s0  }
0xd: {  	s11 =	sshrl.u32 s4, $0x1;
	s30 =	sshrl.u32 s10, $0x2;
	s5 =	sadd.s32 s1, s5  }
0xe: {  	s1 =	simm.s32 $0x0;
	s6 =	sadd.s32 s7, s6;
	s9 =	sadd.s32 s9, s0  }
0xf: {  	s12 =	ssub.s32 s4, s11;
	s4 =	sadd.s32 $0x2200, s8;
	s31 =	sadd.s32 s30, s2  }
0x10: {  	s7 =	sadd.s32 s7, s2;
	s6 =	sshrl.u32 s6, $0x3;
	s8 =	sadd.s32 $0x2800, s31  }
0x11: {  	s10 =	sadd.s32 $0x7800, s31;
	s12 =	smax.u32 s12, $0x1;
	s0 =	sadd.s32 s6, s0  }
0x12: {  	v0 =	vimm.f32 $0.0e+00;
	s6 =	sadd.s32 $0x13AA00, s9;
	s9 =	sadd.s32 $0x5000, s31;
	s11 =	sadd.s32 $0xC000, s0  }
.LBB2_1:
0x13: {  	[tilespmem:s3], [sflag:$0x6] =	stream.linear.gather [hbm4b:s4+s3], $0x4E20, $0x38;
	[tilespmem:$0x1F040] =	vst v63  }
0x14: {  	_ =	swait.ge [sflag:s13], $0x4E20  }
0x15: {  	[sflag:s13] =	ssyncset.done $0x0  }
0x16: {  	s0 =	simm.s32 $0x4E20;
	[sflag:s13] =	ssyncadd.s32 $0xFFFFB1E0  }
0x17: {  	[tilespmem:s0], [sflag:$0x6] =	stream.linear.gather [hbm4b:s5+s3], $0x4E20, $0x38;
	[tilespmem:$0x1F040] =	vst v63  }
0x18: {  	_ =	swait.ge [sflag:s13], $0x4E20  }
0x19: {  	[sflag:s13] =	ssyncset.done $0x0  }
0x1a: {  	[sflag:s13] =	ssyncadd.s32 $0xFFFFB1E0  }
0x1b: {  	[tilespmem:s16], [sflag:$0x1] =	stream.indirect.gather [hbm4b:s6+s15], $0x40, s3, s15, $0xb8;
	[tilespmem:$0x1F040] =	vst v63  }
0x1c: {  	_ = 	snop  }
0x1d: {  	[tilespmem:s17], [sflag:$0x2] =	stream.indirect.gather [hbm4b:s6+s15], $0x40, s15, s15, $0xb8;
	[tilespmem:$0x1F040] =	vst v63  }
0x1e: {  	s18 =	simm.s32 $0xA0  }
0x1f: {  	[tilespmem:s19], [sflag:$0x3] =	stream.indirect.gather [hbm4b:s6+s15], $0x40, s18, s15, $0xb8;
	[tilespmem:$0x1F040] =	vst v63  }
0x20: {  	s31 =	simm.s32 $0xF0;
	s30 =	simm.s32 $0x100;
	s0 =	simm.s32 $0x0  }
0x21: {  	[tilespmem:s21], [sflag:$0x4] =	stream.indirect.gather [hbm4b:s6+s15], $0x40, s31, s15, $0xb8;
	[tilespmem:$0x1F040] =	vst v63  }
.LBB2_2:
0x22: {  	p0 =	sne.s32 s30, $0x9F00;
	[tilespmem:s0+$0x10070] =	vst v0;
	s14 =	smov.u32 s30;
	s30 =	sadd.s32 $0x100, s30  }
.Ltmp0:
0x23: {  	[tilespmem:s0+$0x10060] =	vst v0;
	(pc) =	sbr.rel @p0 .LBB2_2-.Ltmp0, $3  }
0x24: {  	[tilespmem:s0+$0x10040] =	vst v0  }
0x25: {  	[tilespmem:s0+$0x10050] =	vst v0;
	_ =	sdelay $0x1  }
0x26: {  	s0 =	sshra.s32 s14, $0x2  }
0x27: {  	[tilespmem:s0+$0x10070] =	vst v0  }
0x28: {  	[tilespmem:s0+$0x10060] =	vst v0  }
0x29: {  	[tilespmem:s0+$0x10040] =	vst v0  }
0x2a: {  	[tilespmem:s0+$0x10050] =	vst v0  }
0x2b: {  	[spmem:s7] =	stream.linear.scatter [tilespmem:s22], [sflag:$0x6], $0x2800, $0x38;
	[tilespmem:$0x1F040] =	vst v63  }
0x2c: {  	_ =	swait.ge [sflag:s13], $0x2800  }
0x2d: {  	[sflag:s13] =	ssyncset.done $0x0  }
0x2e: {  	[sflag:s13] =	ssyncadd.s32 $0xFFFFD800  }
0x2f: {  	[spmem:s8] =	stream.linear.scatter [tilespmem:s22], [sflag:$0x6], $0x2800, $0x38;
	[tilespmem:$0x1F040] =	vst v63  }
0x30: {  	_ =	swait.ge [sflag:s13], $0x2800  }
0x31: {  	[sflag:s13] =	ssyncset.done $0x0  }
0x32: {  	[sflag:s13] =	ssyncadd.s32 $0xFFFFD800  }
0x33: {  	[spmem:s9] =	stream.linear.scatter [tilespmem:s22], [sflag:$0x6], $0x2800, $0x38;
	[tilespmem:$0x1F040] =	vst v63  }
0x34: {  	_ =	swait.ge [sflag:s13], $0x2800  }
0x35: {  	[sflag:s13] =	ssyncset.done $0x0  }
0x36: {  	[sflag:s13] =	ssyncadd.s32 $0xFFFFD800  }
0x37: {  	[spmem:s10] =	stream.linear.scatter [tilespmem:s22], [sflag:$0x6], $0x2800, $0x38;
	[tilespmem:$0x1F040] =	vst v63  }
0x38: {  	_ =	swait.ge [sflag:s13], $0x2800  }
0x39: {  	[sflag:s13] =	ssyncset.done $0x0  }
0x3a: {  	[sflag:s13] =	ssyncadd.s32 $0xFFFFD800  }
0x3b: {  	s14 =	simm.s32 $0x140;
	[bflag:$0x0] =	sbarrier.arrive $0xFFFF  }
0x3c: {  	[tilespmem:s23], [sflag:$0x5] =	stream.indirect.gather [hbm4b:s6+s15], $0x40, s14, s15, $0xb8;
	[tilespmem:$0x1F040] =	vst v63  }
0x3d: {  	_ =	swait.ge [sflag:s24], $0x1400  }
0x3e: {  	[sflag:s24] =	ssyncset.done $0x0  }
0x3f: {  	s18 =	simm.s32 $0x4E20;
	[sflag:s24] =	ssyncadd.s32 $0xFFFFEC00  }
0x40: {  	[spmem:s2] =	stream.indirect.scatter.add.f32 [tilespmem:s16], [sflag:$0x6], $0x40, s18, s15, $0xb8;
	[tilespmem:$0x1F040] =	vst v63  }
0x41: {  	_ =	swait.ge [sflag:s13], $0x1400  }
0x42: {  	[sflag:s13] =	ssyncset.done $0x0  }
0x43: {  	s14 =	simm.s32 $0x190;
	[sflag:s13] =	ssyncadd.s32 $0xFFFFEC00  }
0x44: {  	[tilespmem:s16], [sflag:$0x1] =	stream.indirect.gather [hbm4b:s6+s15], $0x40, s14, s15, $0xb8;
	[tilespmem:$0x1F040] =	vst v63  }
0x45: {  	_ =	swait.ge [sflag:s25], $0x1400  }
0x46: {  	[sflag:s25] =	ssyncset.done $0x0  }
0x47: {  	s18 =	simm.s32 $0x4E70;
	[sflag:s25] =	ssyncadd.s32 $0xFFFFEC00  }
0x48: {  	[spmem:s2] =	stream.indirect.scatter.add.f32 [tilespmem:s17], [sflag:$0x6], $0x40, s18, s15, $0xb8;
	[tilespmem:$0x1F040] =	vst v63  }
0x49: {  	_ =	swait.ge [sflag:s13], $0x1400  }
0x4a: {  	[sflag:s13] =	ssyncset.done $0x0  }
0x4b: {  	s14 =	simm.s32 $0x1E0;
	[sflag:s13] =	ssyncadd.s32 $0xFFFFEC00  }
0x4c: {  	[tilespmem:s17], [sflag:$0x2] =	stream.indirect.gather [hbm4b:s6+s15], $0x40, s14, s15, $0xb8;
	[tilespmem:$0x1F040] =	vst v63  }
0x4d: {  	_ =	swait.ge [sflag:s26], $0x1400  }
0x4e: {  	[sflag:s26] =	ssyncset.done $0x0  }
0x4f: {  	s18 =	simm.s32 $0x4EC0;
	[sflag:s26] =	ssyncadd.s32 $0xFFFFEC00  }
0x50: {  	[spmem:s2] =	stream.indirect.scatter.add.f32 [tilespmem:s19], [sflag:$0x6], $0x40, s18, s15, $0xb8;
	[tilespmem:$0x1F040] =	vst v63  }
0x51: {  	_ =	swait.ge [sflag:s13], $0x1400  }
0x52: {  	[sflag:s13] =	ssyncset.done $0x0  }
0x53: {  	s14 =	simm.s32 $0x230;
	[sflag:s13] =	ssyncadd.s32 $0xFFFFEC00  }
0x54: {  	[tilespmem:s19], [sflag:$0x3] =	stream.indirect.gather [hbm4b:s6+s15], $0x40, s14, s15, $0xb8;
	[tilespmem:$0x1F040] =	vst v63  }
0x55: {  	_ =	swait.ge [sflag:s28], $0x1400  }
0x56: {  	[sflag:s28] =	ssyncset.done $0x0  }
0x57: {  	s18 =	simm.s32 $0x4F10;
	[sflag:s28] =	ssyncadd.s32 $0xFFFFEC00  }
0x58: {  	[spmem:s2] =	stream.indirect.scatter.add.f32 [tilespmem:s21], [sflag:$0x6], $0x40, s18, s15, $0xb8;
	[tilespmem:$0x1F040] =	vst v63  }
0x59: {  	_ =	swait.ge [sflag:s13], $0x1400  }
0x5a: {  	[sflag:s13] =	ssyncset.done $0x0  }
0x5b: {  	s14 =	simm.s32 $0x280;
	[sflag:s13] =	ssyncadd.s32 $0xFFFFEC00  }
0x5c: {  	[tilespmem:s21], [sflag:$0x4] =	stream.indirect.gather [hbm4b:s6+s15], $0x40, s14, s15, $0xb8;
	[tilespmem:$0x1F040] =	vst v63  }
0x5d: {  	_ =	swait.ge [sflag:s29], $0x1400  }
0x5e: {  	[sflag:s29] =	ssyncset.done $0x0  }
0x5f: {  	s18 =	simm.s32 $0x4F60;
	[sflag:s29] =	ssyncadd.s32 $0xFFFFEC00  }
0x60: {  	[spmem:s2] =	stream.indirect.scatter.add.f32 [tilespmem:s23], [sflag:$0x6], $0x40, s18, s15, $0xb8;
	[tilespmem:$0x1F040] =	vst v63  }
0x61: {  	_ =	swait.ge [sflag:s13], $0x1400  }
0x62: {  	s31 =	simm.s32 $0xC80;
	s30 =	simm.s32 $0x190;
	[sflag:s13] =	ssyncset.done $0x0  }
.LBB2_4:
0x63: {  	s18 =	sadd.s32 $0x140, s30  }
0x64: {  	[sflag:s13] =	ssyncadd.s32 $0xFFFFEC00;
	s0 =	smov.u32 s31;
	s14 =	sadd.s32 $0x640, s31  }
0x65: {  	[tilespmem:s23], [sflag:$0x5] =	stream.indirect.gather [hbm4b:s6+s15], $0x40, s18, s15, $0xb8;
	[tilespmem:$0x1F040] =	vst v63  }
0x66: {  	p0 =	sne.s32 s31, $0x12C00;
	_ =	swait.ge [sflag:s24], $0x1400  }
0x67: {  	[sflag:s24] =	ssyncset.done $0x0  }
0x68: {  	s18 =	sadd.s32 $0x4E20, s30;
	[sflag:s24] =	ssyncadd.s32 $0xFFFFEC00  }
0x69: {  	[spmem:s2] =	stream.indirect.scatter.add.f32 [tilespmem:s16], [sflag:$0x6], $0x40, s18, s15, $0xb8;
	[tilespmem:$0x1F040] =	vst v63  }
0x6a: {  	_ =	swait.ge [sflag:s13], $0x1400  }
0x6b: {  	[sflag:s13] =	ssyncset.done $0x0  }
0x6c: {  	s18 =	sadd.s32 $0x190, s30;
	[sflag:s13] =	ssyncadd.s32 $0xFFFFEC00  }
0x6d: {  	[tilespmem:s16], [sflag:$0x1] =	stream.indirect.gather [hbm4b:s6+s15], $0x40, s18, s15, $0xb8;
	[tilespmem:$0x1F040] =	vst v63  }
0x6e: {  	_ =	swait.ge [sflag:s25], $0x1400  }
0x6f: {  	[sflag:s25] =	ssyncset.done $0x0  }
0x70: {  	s18 =	sadd.s32 $0x4E70, s30;
	[sflag:s25] =	ssyncadd.s32 $0xFFFFEC00  }
0x71: {  	[spmem:s2] =	stream.indirect.scatter.add.f32 [tilespmem:s17], [sflag:$0x6], $0x40, s18, s15, $0xb8;
	[tilespmem:$0x1F040] =	vst v63  }
0x72: {  	_ =	swait.ge [sflag:s13], $0x1400  }
0x73: {  	[sflag:s13] =	ssyncset.done $0x0  }
0x74: {  	s18 =	sadd.s32 $0x1E0, s30;
	[sflag:s13] =	ssyncadd.s32 $0xFFFFEC00  }
0x75: {  	[tilespmem:s17], [sflag:$0x2] =	stream.indirect.gather [hbm4b:s6+s15], $0x40, s18, s15, $0xb8;
	[tilespmem:$0x1F040] =	vst v63  }
0x76: {  	_ =	swait.ge [sflag:s26], $0x1400  }
0x77: {  	[sflag:s26] =	ssyncset.done $0x0  }
0x78: {  	s18 =	sadd.s32 $0x4EC0, s30;
	[sflag:s26] =	ssyncadd.s32 $0xFFFFEC00  }
0x79: {  	[spmem:s2] =	stream.indirect.scatter.add.f32 [tilespmem:s19], [sflag:$0x6], $0x40, s18, s15, $0xb8;
	[tilespmem:$0x1F040] =	vst v63  }
0x7a: {  	_ =	swait.ge [sflag:s13], $0x1400  }
0x7b: {  	[sflag:s13] =	ssyncset.done $0x0  }
0x7c: {  	s18 =	sadd.s32 $0x230, s30;
	[sflag:s13] =	ssyncadd.s32 $0xFFFFEC00  }
0x7d: {  	[tilespmem:s19], [sflag:$0x3] =	stream.indirect.gather [hbm4b:s6+s15], $0x40, s18, s15, $0xb8;
	[tilespmem:$0x1F040] =	vst v63  }
0x7e: {  	_ =	swait.ge [sflag:s28], $0x1400  }
0x7f: {  	[sflag:s28] =	ssyncset.done $0x0  }
0x80: {  	s18 =	sadd.s32 $0x4F10, s30;
	[sflag:s28] =	ssyncadd.s32 $0xFFFFEC00  }
0x81: {  	[spmem:s2] =	stream.indirect.scatter.add.f32 [tilespmem:s21], [sflag:$0x6], $0x40, s18, s15, $0xb8;
	[tilespmem:$0x1F040] =	vst v63  }
0x82: {  	_ =	swait.ge [sflag:s13], $0x1400  }
0x83: {  	[sflag:s13] =	ssyncset.done $0x0  }
0x84: {  	s18 =	sadd.s32 $0x280, s30;
	[sflag:s13] =	ssyncadd.s32 $0xFFFFEC00  }
0x85: {  	[tilespmem:s21], [sflag:$0x4] =	stream.indirect.gather [hbm4b:s6+s15], $0x40, s18, s15, $0xb8;
	[tilespmem:$0x1F040] =	vst v63  }
0x86: {  	_ =	swait.ge [sflag:s29], $0x1400  }
.Ltmp1:
0x87: {  	[sflag:s29] =	ssyncset.done $0x0;
	(pc) =	sbr.rel @p0 .LBB2_4-.Ltmp1, $4  }
0x88: {  	s18 =	sadd.s32 $0x4F60, s30;
	[sflag:s29] =	ssyncadd.s32 $0xFFFFEC00  }
0x89: {  	[spmem:s2] =	stream.indirect.scatter.add.f32 [tilespmem:s23], [sflag:$0x6], $0x40, s18, s15, $0xb8;
	[tilespmem:$0x1F040] =	vst v63  }
0x8a: {  	_ =	swait.ge [sflag:s13], $0x1400  }
0x8b: {  	s31 =	smov.u32 s14;
	s30 =	sshra.s32 s0, $0x2;
	[sflag:s13] =	ssyncset.done $0x0  }
0x8c: {  	s0 =	sadd.s32 $0x140, s30;
	[sflag:s13] =	ssyncadd.s32 $0xFFFFEC00  }
0x8d: {  	[tilespmem:s23], [sflag:$0x5] =	stream.indirect.gather [hbm4b:s6+s15], $0x40, s0, s15, $0xb8;
	[tilespmem:$0x1F040] =	vst v63  }
0x8e: {  	_ =	swait.ge [sflag:s24], $0x1400  }
0x8f: {  	[sflag:s24] =	ssyncset.done $0x0  }
0x90: {  	s31 =	sadd.s32 $0x4E20, s30;
	[sflag:s24] =	ssyncadd.s32 $0xFFFFEC00  }
0x91: {  	[spmem:s2] =	stream.indirect.scatter.add.f32 [tilespmem:s16], [sflag:$0x6], $0x40, s31, s15, $0xb8;
	[tilespmem:$0x1F040] =	vst v63  }
0x92: {  	_ =	swait.ge [sflag:s13], $0x1400  }
0x93: {  	[sflag:s13] =	ssyncset.done $0x0  }
0x94: {  	s14 =	sadd.s32 $0x190, s30;
	[sflag:s13] =	ssyncadd.s32 $0xFFFFEC00  }
0x95: {  	[tilespmem:s16], [sflag:$0x1] =	stream.indirect.gather [hbm4b:s6+s15], $0x40, s14, s15, $0xb8;
	[tilespmem:$0x1F040] =	vst v63  }
0x96: {  	_ =	swait.ge [sflag:s25], $0x1400  }
0x97: {  	[sflag:s25] =	ssyncset.done $0x0  }
0x98: {  	s18 =	sadd.s32 $0x4E70, s30;
	[sflag:s25] =	ssyncadd.s32 $0xFFFFEC00  }
0x99: {  	[spmem:s2] =	stream.indirect.scatter.add.f32 [tilespmem:s17], [sflag:$0x6], $0x40, s18, s15, $0xb8;
	[tilespmem:$0x1F040] =	vst v63  }
0x9a: {  	_ =	swait.ge [sflag:s13], $0x1400  }
0x9b: {  	[sflag:s13] =	ssyncset.done $0x0  }
0x9c: {  	s31 =	sadd.s32 $0x1E0, s30;
	[sflag:s13] =	ssyncadd.s32 $0xFFFFEC00  }
0x9d: {  	[tilespmem:s17], [sflag:$0x2] =	stream.indirect.gather [hbm4b:s6+s15], $0x40, s31, s15, $0xb8;
	[tilespmem:$0x1F040] =	vst v63  }
0x9e: {  	_ =	swait.ge [sflag:s26], $0x1400  }
0x9f: {  	[sflag:s26] =	ssyncset.done $0x0  }
0xa0: {  	s14 =	sadd.s32 $0x4EC0, s30;
	[sflag:s26] =	ssyncadd.s32 $0xFFFFEC00  }
0xa1: {  	[spmem:s2] =	stream.indirect.scatter.add.f32 [tilespmem:s19], [sflag:$0x6], $0x40, s14, s15, $0xb8;
	[tilespmem:$0x1F040] =	vst v63  }
0xa2: {  	_ =	swait.ge [sflag:s13], $0x1400  }
0xa3: {  	[sflag:s13] =	ssyncset.done $0x0  }
0xa4: {  	s18 =	sadd.s32 $0x230, s30;
	[sflag:s13] =	ssyncadd.s32 $0xFFFFEC00  }
0xa5: {  	[tilespmem:s19], [sflag:$0x3] =	stream.indirect.gather [hbm4b:s6+s15], $0x40, s18, s15, $0xb8;
	[tilespmem:$0x1F040] =	vst v63  }
0xa6: {  	_ =	swait.ge [sflag:s28], $0x1400  }
0xa7: {  	[sflag:s28] =	ssyncset.done $0x0  }
0xa8: {  	s31 =	sadd.s32 $0x4F10, s30;
	[sflag:s28] =	ssyncadd.s32 $0xFFFFEC00  }
0xa9: {  	[spmem:s2] =	stream.indirect.scatter.add.f32 [tilespmem:s21], [sflag:$0x6], $0x40, s31, s15, $0xb8;
	[tilespmem:$0x1F040] =	vst v63  }
0xaa: {  	_ =	swait.ge [sflag:s13], $0x1400  }
0xab: {  	[sflag:s13] =	ssyncset.done $0x0  }
0xac: {  	s14 =	sadd.s32 $0x280, s30;
	[sflag:s13] =	ssyncadd.s32 $0xFFFFEC00  }
0xad: {  	[tilespmem:s21], [sflag:$0x4] =	stream.indirect.gather [hbm4b:s6+s15], $0x40, s14, s15, $0xb8;
	[tilespmem:$0x1F040] =	vst v63  }
0xae: {  	_ =	swait.ge [sflag:s29], $0x1400  }
0xaf: {  	[sflag:s29] =	ssyncset.done $0x0  }
0xb0: {  	s18 =	sadd.s32 $0x4F60, s30;
	[sflag:s29] =	ssyncadd.s32 $0xFFFFEC00  }
0xb1: {  	[spmem:s2] =	stream.indirect.scatter.add.f32 [tilespmem:s23], [sflag:$0x6], $0x40, s18, s15, $0xb8;
	[tilespmem:$0x1F040] =	vst v63  }
0xb2: {  	_ =	swait.ge [sflag:s13], $0x1400  }
0xb3: {  	[sflag:s13] =	ssyncset.done $0x0  }
0xb4: {  	s30 =	simm.s32 $0x4DD0;
	[sflag:s13] =	ssyncadd.s32 $0xFFFFEC00  }
0xb5: {  	[tilespmem:s23], [sflag:$0x5] =	stream.indirect.gather [hbm4b:s6+s15], $0x40, s30, s15, $0xb8;
	[tilespmem:$0x1F040] =	vst v63  }
0xb6: {  	_ =	swait.ge [sflag:s24], $0x1400  }
0xb7: {  	[sflag:s24] =	ssyncset.done $0x0  }
0xb8: {  	s31 =	simm.s32 $0x9AB0;
	[sflag:s24] =	ssyncadd.s32 $0xFFFFEC00  }
0xb9: {  	[spmem:s2] =	stream.indirect.scatter.add.f32 [tilespmem:s16], [sflag:$0x6], $0x40, s31, s15, $0xb8;
	[tilespmem:$0x1F040] =	vst v63  }
0xba: {  	_ =	swait.ge [sflag:s13], $0x1400  }
0xbb: {  	[sflag:s13] =	ssyncset.done $0x0  }
0xbc: {  	[sflag:s13] =	ssyncadd.s32 $0xFFFFEC00  }
0xbd: {  	_ =	swait.ge [sflag:s25], $0x1400  }
0xbe: {  	[sflag:s25] =	ssyncset.done $0x0  }
0xbf: {  	s14 =	simm.s32 $0x9B00;
	[sflag:s25] =	ssyncadd.s32 $0xFFFFEC00  }
0xc0: {  	[spmem:s2] =	stream.indirect.scatter.add.f32 [tilespmem:s17], [sflag:$0x6], $0x40, s14, s15, $0xb8;
	[tilespmem:$0x1F040] =	vst v63  }
0xc1: {  	_ =	swait.ge [sflag:s13], $0x1400  }
0xc2: {  	[sflag:s13] =	ssyncset.done $0x0  }
0xc3: {  	[sflag:s13] =	ssyncadd.s32 $0xFFFFEC00  }
0xc4: {  	_ =	swait.ge [sflag:s26], $0x1400  }
0xc5: {  	[sflag:s26] =	ssyncset.done $0x0  }
0xc6: {  	s18 =	simm.s32 $0x9B50;
	[sflag:s26] =	ssyncadd.s32 $0xFFFFEC00  }
0xc7: {  	[spmem:s2] =	stream.indirect.scatter.add.f32 [tilespmem:s19], [sflag:$0x6], $0x40, s18, s15, $0xb8;
	[tilespmem:$0x1F040] =	vst v63  }
0xc8: {  	_ =	swait.ge [sflag:s13], $0x1400  }
0xc9: {  	[sflag:s13] =	ssyncset.done $0x0  }
0xca: {  	[sflag:s13] =	ssyncadd.s32 $0xFFFFEC00  }
0xcb: {  	_ =	swait.ge [sflag:s28], $0x1400  }
0xcc: {  	[sflag:s28] =	ssyncset.done $0x0  }
0xcd: {  	s30 =	simm.s32 $0x9BA0;
	[sflag:s28] =	ssyncadd.s32 $0xFFFFEC00  }
0xce: {  	[spmem:s2] =	stream.indirect.scatter.add.f32 [tilespmem:s21], [sflag:$0x6], $0x40, s30, s15, $0xb8;
	[tilespmem:$0x1F040] =	vst v63  }
0xcf: {  	_ =	swait.ge [sflag:s13], $0x1400  }
0xd0: {  	[sflag:s13] =	ssyncset.done $0x0  }
0xd1: {  	[sflag:s13] =	ssyncadd.s32 $0xFFFFEC00  }
0xd2: {  	_ =	swait.ge [sflag:s29], $0x1400  }
0xd3: {  	[sflag:s29] =	ssyncset.done $0x0  }
0xd4: {  	[sflag:s29] =	ssyncadd.s32 $0xFFFFEC00  }
0xd5: {  	[spmem:s2] =	stream.indirect.scatter.add.f32 [tilespmem:s23], [sflag:$0x6], $0x40, s20, s15, $0xb8;
	[tilespmem:$0x1F040] =	vst v63  }
0xd6: {  	s31 =	stileid.u32;
	_ =	swait.ge [sflag:s13], $0x1400  }
0xd7: {  	s1 =	sadd.s32 $0x1, s1;
	s0 =	sshll.u32 s31, $0x6;
	[sflag:s13] =	ssyncset.done $0x0  }
0xd8: {  	p0 =	sne.s32 s1, s12;
	s0 =	sor.u32 $0x1C06, s0;
	[sflag:s13] =	ssyncadd.s32 $0xFFFFEC00  }
.Ltmp2:
0xd9: {  	s14 =	sshrl.u32 s7, $0x3;
	[bflag:$0x0] =	sbarrier.arrive $0xFFFF;
	(pc) =	sbr.rel @p0 .LBB2_1-.Ltmp2, $4  }
0xda: {  	[hbm:s11], [sflag:s0] =	dma.local [spmem:s14], $0x1400  }
0xdb: {  	_ =	swait.ge [sflag:s13], $0x1400  }
0xdc: {  	[sflag:s13] =	ssyncset.done $0x0  }
0xdd: {  	[sflag:s13] =	ssyncadd.s32 $0xFFFFEC00  }
0xde: {  	_ =	sfence.sel $0x180000  }
0xdf: {  	[bflag:$0x0] =	sbarrier.arrive $0xFFFF  }
0xe0: {  	_ =	strace $0x90000047  }
0xe1: {  	s0 =	stileid.u32;
	[bflag:$0x2] =	sbarrier.arrive $0xFFFF  }
0xe2: {  	p0 =	sne.s32 s0, $0x0;
	s0 =	rddreg [dreg:$0x3]  }
0xe3: {  	s0 =	sadd.s32 @!p0 $0x100000, s0  }
0xe4: {  	[sflag:s0] =	ssyncadd.tile.s32 @!p0 $0x1;
	_ =	shalt  }
.Lfunc_end2:
_tile_overlayer_lowered:
.L_overlay_start_2:
0xe5: {  	(tag) =	ssettag $0x2  }
0xe6: {  	s0 =	rddreg [dreg:$0x0];
	s2 =	stileid.u32  }
0xe7: {  	s1 =	rddreg [dreg:$0x1];
	p0 =	sne.s32 s2, $0x0  }
0xe8: {  	s3 =	rddreg [dreg:$0x2];
	[bflag:$0x3] =	sbarrier.arrive $0xFFFF;
	s2 =	simm.s32 @!p0 $0x1C06  }
0xe9: {  	[timem:s3], [sflag:s2] =	dma.local @!p0 [hbm:s0], s1  }
0xea: {  	s0 =	simm.s32 @!p0 $0x6  }
0xeb: {  	_ =	swait.ge @!p0 [sflag:s0], s1  }
0xec: {  	s1 =	ssub.s32 @!p0 $0x0, s1;
	[sflag:s0] =	ssyncset.done @!p0 $0x0  }
0xed: {  	[sflag:s0] =	ssyncadd.s32 @!p0 s1  }
0xee: {  	[bflag:$0x3] =	sbarrier.arrive $0xFFFF  }
0xef: {  	_ =	shalt  }

</sc_bundles>
